<compile_context>
chip_gen: v7x
topology: tpu7x:2x2x1
jax: 0.10.2.dev20260603
libtpu: 0.0.44.dev20260713+nightly
codegen_flags: <defaults>
</compile_context>

<pallas_src>
import functools

import jax
import jax.numpy as jnp
from jax import lax
from jax.experimental import pallas as pl
from jax.experimental.pallas import tpu as pltpu
from jax.experimental.pallas import tpu_sc as plsc

_N_NODES = 100000
_DIM = 128
_T = 17
_B = 4096
_NW = 32
_PER_W = _B // _NW
_NG = _PER_W // 16
_ROWS_G = 16 * _T
_CH = 68
_NCH = _ROWS_G // _CH


def _sc_body(
    x_hbm, idx_hbm, s_out, p_out,
    idx_v, rows_v, tt_v, tt2_v, sa_v, se_v, outs_v, outp_v, sem0, sem1,
):
    w = lax.axis_index("s") * 2 + lax.axis_index("c")
    pltpu.sync_copy(idx_hbm.at[w], idx_v)
    iota = lax.iota(jnp.int32, 16)
    iota17 = iota * 17
    sems = (sem0, sem1)

    def fire(g, buf, sem):
        for j in range(_NCH):
            pltpu.async_copy(
                x_hbm.at[idx_v.at[_NCH * g + j]],
                rows_v.at[buf].at[pl.ds(j * _CH, _CH)],
                sem,
            )

    def drain(g, buf, sem):
        for j in range(_NCH):
            pltpu.make_async_copy(
                x_hbm.at[idx_v.at[_NCH * g + j]],
                rows_v.at[buf].at[pl.ds(j * _CH, _CH)],
                sem,
            ).wait()

    fire(0, 0, sem0)

    def outer(ii, pos_carry):
        for b in range(2):
            g = 2 * ii + b
            rows = rows_v.at[b]

            @pl.when(g + 1 < _NG)
            def _():
                fire(g + 1, 1 - b, sems[1 - b])

            drain(g, b, sems[b])

            def one_elem(e, tt):
                base = e * _T
                xs = [rows[base, pl.ds(c * 16, 16)] for c in range(8)]
                acc0a = xs[0] * xs[0]
                acc0b = xs[1] * xs[1]
                for c in range(2, 8, 2):
                    acc0a = acc0a + xs[c] * xs[c]
                    acc0b = acc0b + xs[c + 1] * xs[c + 1]
                sa_v[pl.ds(e * 17, 16)] = acc0a + acc0b
                for t in range(1, _T):
                    acca = rows[base + t, pl.ds(0, 16)] * xs[0]
                    accb = rows[base + t, pl.ds(16, 16)] * xs[1]
                    for c in range(2, 8, 2):
                        acca = acca + rows[base + t, pl.ds(c * 16, 16)] * xs[c]
                        accb = accb + rows[base + t, pl.ds((c + 1) * 16, 16)] * xs[c + 1]
                    tt[pl.ds((t - 1) * 17, 16)] = acca + accb

            def gather_d(e, tt):
                d = plsc.load_gather(tt, [iota17])
                for l in range(1, 16):
                    d = d + plsc.load_gather(tt, [iota17 + l])
                se_v[pl.ds(e * 17, 16)] = jnp.exp(d)
                return d

            def elem_body(e, pos_acc):
                one_elem(e, tt_v)
                return pos_acc + gather_d(e, tt_v)

            pos_carry = lax.fori_loop(0, 16, elem_body, pos_carry)
            d0 = plsc.load_gather(sa_v, [iota17])
            sv = plsc.load_gather(se_v, [iota17])
            for l in range(1, 16):
                d0 = d0 + plsc.load_gather(sa_v, [iota17 + l])
                sv = sv + plsc.load_gather(se_v, [iota17 + l])
            outs_v[g, :] = sv + jnp.exp(d0)
        return pos_carry

    pos = lax.fori_loop(0, _NG // 2, outer, jnp.zeros((16,), jnp.float32))
    outp_v[:] = pos
    pltpu.sync_copy(outs_v, s_out.at[w])
    pltpu.sync_copy(outp_v, p_out.at[w])


@jax.jit
def _sc_call(x, idx3):
    mesh = plsc.VectorSubcoreMesh(
        core_axis_name="c", subcore_axis_name="s", num_cores=2, num_subcores=16
    )
    return pl.kernel(
        _sc_body,
        out_type=(
            jax.ShapeDtypeStruct((_NW, _NG, 16), jnp.float32),
            jax.ShapeDtypeStruct((_NW, 16), jnp.float32),
        ),
        mesh=mesh,
        scratch_types=[
            pltpu.VMEM((_NG * _NCH, _CH), jnp.int32),
            pltpu.VMEM((2, _ROWS_G, _DIM), jnp.float32),
            pltpu.VMEM((272,), jnp.float32),
            pltpu.VMEM((272,), jnp.float32),
            pltpu.VMEM((272,), jnp.float32),
            pltpu.VMEM((272,), jnp.float32),
            pltpu.VMEM((_NG, 16), jnp.float32),
            pltpu.VMEM((16,), jnp.float32),
            pltpu.SemaphoreType.DMA,
            pltpu.SemaphoreType.DMA,
        ],
        compiler_params=pltpu.CompilerParams(needs_layout_passes=False),
    )(x, idx3)


def _finish_body(s_ref, p_ref, o_ref):
    val = (16.0 * jnp.sum(jnp.log(s_ref[...])) - jnp.sum(p_ref[...])) / _B
    o_ref[...] = jnp.full((1, 1), val, jnp.float32)


@jax.jit
def _finish(s, p):
    out = pl.pallas_call(
        _finish_body,
        out_shape=jax.ShapeDtypeStruct((1, 1), jnp.float32),
    )(s.reshape(32, 128), p.reshape(4, 128))
    return out[0, 0]


def kernel(X, rt_batch):
    idx3 = rt_batch.reshape(_NW, _NG * _NCH, _CH)
    s, p = _sc_call(X, idx3)
    return _finish(s, p)

# --- scband reference (transcript-rebuilt; emitter-appended) ---
"""Pipeline reference for scband-node2-vec-60653528154240 (READ-ONLY COPY).

The authoritative reference and input builder live on the scoring server;
editing this copy changes nothing except your own understanding.
"""

import jax, jax.numpy as jnp
import numpy as np

N_NODES = 100000
DIM = 128
M = 16
TREE_DIM = M + 1
BATCH = 4096


def setup_inputs(seed: int = 0) -> dict:
    key = jax.random.key(seed)
    k1, k2 = jax.random.split(key)
    # kaiming_normal_ on [n_nodes, dim]: fan_in = dim, gain = sqrt(2) -> std = sqrt(2/dim)
    X = jax.random.normal(k1, (N_NODES, DIM), dtype=jnp.float32) * np.float32(np.sqrt(2.0 / DIM))
    rt_batch = jax.random.randint(k2, (BATCH, TREE_DIM), 0, N_NODES, dtype=jnp.int32)
    return {"X": X, "rt_batch": rt_batch}


def reference(X, rt_batch):
    # Vectorized but mathematically identical to the per-row torch loop:
    # for each rt_vec: X_start = X[rt_vec[0]]
    #   loss_i = m * log(sum(exp(X[rt_vec] @ X_start))) - sum(X[rt_vec[1:]] @ X_start)
    emb = jnp.take(X, rt_batch, axis=0)            # [B, T, d] gather
    x_start = emb[:, 0, :]                          # [B, d]
    dots = jnp.einsum('btd,bd->bt', emb, x_start)   # [B, T]
    pos_term = jnp.sum(dots[:, 1:TREE_DIM], axis=-1)           # sum(X[rt_vec[1:]] @ X_start)
    neg_term = M * jnp.log(jnp.sum(jnp.exp(dots), axis=-1))    # m * log(sum(exp(...)))
    loss_per_tree = neg_term - pos_term
    return jnp.sum(loss_per_tree) / BATCH

if __name__ == "__main__":
    import jax
    _d = setup_inputs()
    print(jax.jit(kernel)(*tuple(_d.values())))

</pallas_src>

<mosaic_0001>
#map = affine_map<(d0, d1) -> (0, 0)>
#map1 = affine_map<(d0, d1) -> (0, 0, 0)>
module attributes {stable_mosaic.version = 14 : i64} {
  func.func @_sc_body(%arg0: i32, %arg1: i32, %arg2: memref<100000x128xf32, #tpu.memory_space<hbm>>, %arg3: memref<32x32x68xi32, #tpu.memory_space<hbm>>, %arg4: memref<32x8x16xf32, #tpu.memory_space<hbm>>, %arg5: memref<32x16xf32, #tpu.memory_space<hbm>>, %arg6: memref<32x68xi32, #tpu.memory_space<vmem>>, %arg7: memref<2x272x128xf32, #tpu.memory_space<vmem>>, %arg8: memref<272xf32, #tpu.memory_space<vmem>>, %arg9: memref<272xf32, #tpu.memory_space<vmem>>, %arg10: memref<272xf32, #tpu.memory_space<vmem>>, %arg11: memref<272xf32, #tpu.memory_space<vmem>>, %arg12: memref<8x16xf32, #tpu.memory_space<vmem>>, %arg13: memref<16xf32, #tpu.memory_space<vmem>>, %arg14: memref<!tpu.dma_semaphore, #tpu.memory_space<semaphore_mem>>, %arg15: memref<!tpu.dma_semaphore, #tpu.memory_space<semaphore_mem>>) attributes {dimension_semantics = [#tpu.dimension_semantics<core_parallel>, #tpu.dimension_semantics<subcore_parallel>], iteration_bounds = array<i64: 2, 16>, scalar_prefetch = 0 : i64, scratch_operands = 10 : i64, tpu.core_type = #tpu.core_type<sc_vector_subcore>, window_params = [{transform_indices = #map}, {transform_indices = #map1}, {transform_indices = #map1}, {transform_indices = #map}]} {
    %mul3A = arith.constant 2 : i32
    %mul3A_0 = arith.muli %arg1, %mul3A : i32
    %add3A = arith.addi %mul3A_0, %arg0 : i32
    "tpu.region"() ({
      %run_scoped3A = tpu.sem_alloc : memref<!tpu.dma_semaphore, #tpu.memory_space<semaphore_mem>>
      %dma_start3A_70 = arith.constant 0 : i32
      %dma_start3A_71 = arith.constant 0 : i32
      %dma_start3A_72 = tpu.memref_slice %arg3[%add3A, %dma_start3A_70, %dma_start3A_71] : memref<32x32x68xi32, #tpu.memory_space<hbm>> -> memref<1x32x68xi32, #tpu.memory_space<hbm>>
      %dma_start3A_73 = tpu.memref_squeeze %dma_start3A_72 : memref<1x32x68xi32, #tpu.memory_space<hbm>> -> memref<32x68xi32, #tpu.memory_space<hbm>>
      %dma_start3A_74 = arith.constant 0 : i32
      %dma_start3A_75 = arith.constant 0 : i32
      %dma_start3A_76 = tpu.memref_slice %arg3[%add3A, %dma_start3A_74, %dma_start3A_75] : memref<32x32x68xi32, #tpu.memory_space<hbm>> -> memref<1x32x68xi32, #tpu.memory_space<hbm>>
      %dma_start3A_77 = tpu.memref_squeeze %dma_start3A_76 : memref<1x32x68xi32, #tpu.memory_space<hbm>> -> memref<32x68xi32, #tpu.memory_space<hbm>>
      tpu.enqueue_dma source(%dma_start3A_77 : memref<32x68xi32, #tpu.memory_space<hbm>>) target(%arg6 : memref<32x68xi32, #tpu.memory_space<vmem>>) target_semaphore(%run_scoped3A : memref<!tpu.dma_semaphore, #tpu.memory_space<semaphore_mem>>)
      %dma_wait3A = arith.constant 0 : i32
      %dma_wait3A_78 = arith.constant 0 : i32
      %dma_wait3A_79 = tpu.memref_slice %arg3[%add3A, %dma_wait3A, %dma_wait3A_78] : memref<32x32x68xi32, #tpu.memory_space<hbm>> -> memref<1x32x68xi32, #tpu.memory_space<hbm>>
      %dma_wait3A_80 = tpu.memref_squeeze %dma_wait3A_79 : memref<1x32x68xi32, #tpu.memory_space<hbm>> -> memref<32x68xi32, #tpu.memory_space<hbm>>
      %dma_wait3A_81 = arith.constant 0 : i32
      %dma_wait3A_82 = arith.constant 0 : i32
      %dma_wait3A_83 = tpu.memref_slice %arg3[%add3A, %dma_wait3A_81, %dma_wait3A_82] : memref<32x32x68xi32, #tpu.memory_space<hbm>> -> memref<1x32x68xi32, #tpu.memory_space<hbm>>
      %dma_wait3A_84 = tpu.memref_squeeze %dma_wait3A_83 : memref<1x32x68xi32, #tpu.memory_space<hbm>> -> memref<32x68xi32, #tpu.memory_space<hbm>>
      tpu.wait_dma2 semaphore(%run_scoped3A : memref<!tpu.dma_semaphore, #tpu.memory_space<semaphore_mem>>) src(%dma_wait3A_84 : memref<32x68xi32, #tpu.memory_space<hbm>>) dst(%arg6 : memref<32x68xi32, #tpu.memory_space<vmem>>)
      tpu.yield
    }) : () -> ()
    %iota3A = tpu.iota {dimensions = array<i32: 0>} : vector<16xi32>
    %mul3A_1 = arith.constant 17 : i32
    %mul3A_2 = vector.broadcast %mul3A_1 : i32 to vector<16xi32>
    %mul3A_3 = arith.muli %iota3A, %mul3A_2 : vector<16xi32>
    %dma_start3A = arith.constant 0 : i32
    %dma_start3A_4 = arith.constant 0 : i32
    %dma_start3A_5 = arith.constant 0 : i32
    %dma_start3A_6 = arith.constant 0 : i32
    %dma_start3A_7 = tpu.memref_slice %arg7[%dma_start3A_4, %dma_start3A_5, %dma_start3A_6] : memref<2x272x128xf32, #tpu.memory_space<vmem>> -> memref<1x272x128xf32, #tpu.memory_space<vmem>>
    %dma_start3A_8 = tpu.memref_squeeze %dma_start3A_7 : memref<1x272x128xf32, #tpu.memory_space<vmem>> -> memref<272x128xf32, #tpu.memory_space<vmem>>
    %dma_start3A_9 = arith.constant 0 : i32
    %dma_start3A_10 = arith.constant 0 : i32
    %dma_start3A_11 = tpu.memref_slice %dma_start3A_8[%dma_start3A_9, %dma_start3A_10] : memref<272x128xf32, #tpu.memory_space<vmem>> -> memref<68x128xf32, #tpu.memory_space<vmem>>
    %dma_start3A_12 = arith.constant 0 : i32
    %dma_start3A_13 = tpu.memref_slice %arg6[%dma_start3A, %dma_start3A_12] : memref<32x68xi32, #tpu.memory_space<vmem>> -> memref<1x68xi32, #tpu.memory_space<vmem>>
    %dma_start3A_14 = tpu.memref_squeeze %dma_start3A_13 : memref<1x68xi32, #tpu.memory_space<vmem>> -> memref<68xi32, #tpu.memory_space<vmem>>
    %dma_start3A_15 = arith.constant 0 : i32
    %dma_start3A_16 = arith.constant 0 : i32
    %dma_start3A_17 = tpu.memref_slice %arg2[%dma_start3A_15, %dma_start3A_16] : memref<100000x128xf32, #tpu.memory_space<hbm>> -> memref<100000x128xf32, #tpu.memory_space<hbm>>
    tpu.enqueue_indirect_dma source(%dma_start3A_17 : memref<100000x128xf32, #tpu.memory_space<hbm>>) target(%dma_start3A_11 : memref<68x128xf32, #tpu.memory_space<vmem>>) offsets(%dma_start3A_14 : memref<68xi32, #tpu.memory_space<vmem>>) semaphore(%arg14 : memref<!tpu.dma_semaphore, #tpu.memory_space<semaphore_mem>>)
    %dma_start3A_18 = arith.constant 1 : i32
    %dma_start3A_19 = arith.constant 0 : i32
    %dma_start3A_20 = arith.constant 0 : i32
    %dma_start3A_21 = arith.constant 0 : i32
    %dma_start3A_22 = tpu.memref_slice %arg7[%dma_start3A_19, %dma_start3A_20, %dma_start3A_21] : memref<2x272x128xf32, #tpu.memory_space<vmem>> -> memref<1x272x128xf32, #tpu.memory_space<vmem>>
    %dma_start3A_23 = tpu.memref_squeeze %dma_start3A_22 : memref<1x272x128xf32, #tpu.memory_space<vmem>> -> memref<272x128xf32, #tpu.memory_space<vmem>>
    %dma_start3A_24 = arith.constant 68 : i32
    %dma_start3A_25 = arith.constant 0 : i32
    %dma_start3A_26 = tpu.memref_slice %dma_start3A_23[%dma_start3A_24, %dma_start3A_25] : memref<272x128xf32, #tpu.memory_space<vmem>> -> memref<68x128xf32, #tpu.memory_space<vmem>>
    %dma_start3A_27 = arith.constant 0 : i32
    %dma_start3A_28 = tpu.memref_slice %arg6[%dma_start3A_18, %dma_start3A_27] : memref<32x68xi32, #tpu.memory_space<vmem>> -> memref<1x68xi32, #tpu.memory_space<vmem>>
    %dma_start3A_29 = tpu.memref_squeeze %dma_start3A_28 : memref<1x68xi32, #tpu.memory_space<vmem>> -> memref<68xi32, #tpu.memory_space<vmem>>
    %dma_start3A_30 = arith.constant 0 : i32
    %dma_start3A_31 = arith.constant 0 : i32
    %dma_start3A_32 = tpu.memref_slice %arg2[%dma_start3A_30, %dma_start3A_31] : memref<100000x128xf32, #tpu.memory_space<hbm>> -> memref<100000x128xf32, #tpu.memory_space<hbm>>
    tpu.enqueue_indirect_dma source(%dma_start3A_32 : memref<100000x128xf32, #tpu.memory_space<hbm>>) target(%dma_start3A_26 : memref<68x128xf32, #tpu.memory_space<vmem>>) offsets(%dma_start3A_29 : memref<68xi32, #tpu.memory_space<vmem>>) semaphore(%arg14 : memref<!tpu.dma_semaphore, #tpu.memory_space<semaphore_mem>>)
    %dma_start3A_33 = arith.constant 2 : i32
    %dma_start3A_34 = arith.constant 0 : i32
    %dma_start3A_35 = arith.constant 0 : i32
    %dma_start3A_36 = arith.constant 0 : i32
    %dma_start3A_37 = tpu.memref_slice %arg7[%dma_start3A_34, %dma_start3A_35, %dma_start3A_36] : memref<2x272x128xf32, #tpu.memory_space<vmem>> -> memref<1x272x128xf32, #tpu.memory_space<vmem>>
    %dma_start3A_38 = tpu.memref_squeeze %dma_start3A_37 : memref<1x272x128xf32, #tpu.memory_space<vmem>> -> memref<272x128xf32, #tpu.memory_space<vmem>>
    %dma_start3A_39 = arith.constant 136 : i32
    %dma_start3A_40 = arith.constant 0 : i32
    %dma_start3A_41 = tpu.memref_slice %dma_start3A_38[%dma_start3A_39, %dma_start3A_40] : memref<272x128xf32, #tpu.memory_space<vmem>> -> memref<68x128xf32, #tpu.memory_space<vmem>>
    %dma_start3A_42 = arith.constant 0 : i32
    %dma_start3A_43 = tpu.memref_slice %arg6[%dma_start3A_33, %dma_start3A_42] : memref<32x68xi32, #tpu.memory_space<vmem>> -> memref<1x68xi32, #tpu.memory_space<vmem>>
    %dma_start3A_44 = tpu.memref_squeeze %dma_start3A_43 : memref<1x68xi32, #tpu.memory_space<vmem>> -> memref<68xi32, #tpu.memory_space<vmem>>
    %dma_start3A_45 = arith.constant 0 : i32
    %dma_start3A_46 = arith.constant 0 : i32
    %dma_start3A_47 = tpu.memref_slice %arg2[%dma_start3A_45, %dma_start3A_46] : memref<100000x128xf32, #tpu.memory_space<hbm>> -> memref<100000x128xf32, #tpu.memory_space<hbm>>
    tpu.enqueue_indirect_dma source(%dma_start3A_47 : memref<100000x128xf32, #tpu.memory_space<hbm>>) target(%dma_start3A_41 : memref<68x128xf32, #tpu.memory_space<vmem>>) offsets(%dma_start3A_44 : memref<68xi32, #tpu.memory_space<vmem>>) semaphore(%arg14 : memref<!tpu.dma_semaphore, #tpu.memory_space<semaphore_mem>>)
    %dma_start3A_48 = arith.constant 3 : i32
    %dma_start3A_49 = arith.constant 0 : i32
    %dma_start3A_50 = arith.constant 0 : i32
    %dma_start3A_51 = arith.constant 0 : i32
    %dma_start3A_52 = tpu.memref_slice %arg7[%dma_start3A_49, %dma_start3A_50, %dma_start3A_51] : memref<2x272x128xf32, #tpu.memory_space<vmem>> -> memref<1x272x128xf32, #tpu.memory_space<vmem>>
    %dma_start3A_53 = tpu.memref_squeeze %dma_start3A_52 : memref<1x272x128xf32, #tpu.memory_space<vmem>> -> memref<272x128xf32, #tpu.memory_space<vmem>>
    %dma_start3A_54 = arith.constant 204 : i32
    %dma_start3A_55 = arith.constant 0 : i32
    %dma_start3A_56 = tpu.memref_slice %dma_start3A_53[%dma_start3A_54, %dma_start3A_55] : memref<272x128xf32, #tpu.memory_space<vmem>> -> memref<68x128xf32, #tpu.memory_space<vmem>>
    %dma_start3A_57 = arith.constant 0 : i32
    %dma_start3A_58 = tpu.memref_slice %arg6[%dma_start3A_48, %dma_start3A_57] : memref<32x68xi32, #tpu.memory_space<vmem>> -> memref<1x68xi32, #tpu.memory_space<vmem>>
    %dma_start3A_59 = tpu.memref_squeeze %dma_start3A_58 : memref<1x68xi32, #tpu.memory_space<vmem>> -> memref<68xi32, #tpu.memory_space<vmem>>
    %dma_start3A_60 = arith.constant 0 : i32
    %dma_start3A_61 = arith.constant 0 : i32
    %dma_start3A_62 = tpu.memref_slice %arg2[%dma_start3A_60, %dma_start3A_61] : memref<100000x128xf32, #tpu.memory_space<hbm>> -> memref<100000x128xf32, #tpu.memory_space<hbm>>
    tpu.enqueue_indirect_dma source(%dma_start3A_62 : memref<100000x128xf32, #tpu.memory_space<hbm>>) target(%dma_start3A_56 : memref<68x128xf32, #tpu.memory_space<vmem>>) offsets(%dma_start3A_59 : memref<68xi32, #tpu.memory_space<vmem>>) semaphore(%arg14 : memref<!tpu.dma_semaphore, #tpu.memory_space<semaphore_mem>>)
    %broadcast_in_dim3A = arith.constant 0.000000e+00 : f32
    %broadcast_in_dim3A_63 = vector.broadcast %broadcast_in_dim3A : f32 to vector<16xf32>
    %scan3A = arith.constant 0 : i32
    %scan3A_64 = arith.constant 4 : i32
    %scan3A_65 = arith.addi %scan3A, %scan3A_64 : i32
    %scan3A_66 = arith.constant 1 : i32
    %scan3A_67 = scf.for %scan3A_70 = %scan3A to %scan3A_65 step %scan3A_66 iter_args(%scan3A_71 = %broadcast_in_dim3A_63) -> (vector<16xf32>)  : i32 {
      %mul3A_72 = arith.constant 2 : i32
      %mul3A_73 = arith.muli %mul3A_72, %scan3A_70 : i32
      %add3A_74 = arith.constant 0 : i32
      %add3A_75 = arith.addi %mul3A_73, %add3A_74 : i32
      %add3A_76 = arith.constant 1 : i32
      %add3A_77 = arith.addi %add3A_75, %add3A_76 : i32
      %lt3A = arith.constant 8 : i32
      %lt3A_78 = arith.cmpi slt, %add3A_77, %lt3A : i32
      %convert_element_type3A = arith.extui %lt3A_78 : i1 to i32
      %cond3A = arith.constant 0 : i32
      %cond3A_79 = arith.cmpi ne, %convert_element_type3A, %cond3A : i32
      scf.if %cond3A_79 {
        %add3A_560 = arith.constant 1 : i32
        %add3A_561 = arith.addi %add3A_75, %add3A_560 : i32
        %mul3A_562 = arith.constant 4 : i32
        %mul3A_563 = arith.muli %mul3A_562, %add3A_561 : i32
        %add3A_564 = arith.constant 0 : i32
        %add3A_565 = arith.addi %mul3A_563, %add3A_564 : i32
        %dma_start3A_566 = arith.constant 1 : i32
        %dma_start3A_567 = arith.constant 0 : i32
        %dma_start3A_568 = arith.constant 0 : i32
        %dma_start3A_569 = tpu.memref_slice %arg7[%dma_start3A_566, %dma_start3A_567, %dma_start3A_568] : memref<2x272x128xf32, #tpu.memory_space<vmem>> -> memref<1x272x128xf32, #tpu.memory_space<vmem>>
        %dma_start3A_570 = tpu.memref_squeeze %dma_start3A_569 : memref<1x272x128xf32, #tpu.memory_space<vmem>> -> memref<272x128xf32, #tpu.memory_space<vmem>>
        %dma_start3A_571 = arith.constant 0 : i32
        %dma_start3A_572 = arith.constant 0 : i32
        %dma_start3A_573 = tpu.memref_slice %dma_start3A_570[%dma_start3A_571, %dma_start3A_572] : memref<272x128xf32, #tpu.memory_space<vmem>> -> memref<68x128xf32, #tpu.memory_space<vmem>>
        %dma_start3A_574 = arith.constant 0 : i32
        %dma_start3A_575 = tpu.memref_slice %arg6[%add3A_565, %dma_start3A_574] : memref<32x68xi32, #tpu.memory_space<vmem>> -> memref<1x68xi32, #tpu.memory_space<vmem>>
        %dma_start3A_576 = tpu.memref_squeeze %dma_start3A_575 : memref<1x68xi32, #tpu.memory_space<vmem>> -> memref<68xi32, #tpu.memory_space<vmem>>
        %dma_start3A_577 = arith.constant 0 : i32
        %dma_start3A_578 = arith.constant 0 : i32
        %dma_start3A_579 = tpu.memref_slice %arg2[%dma_start3A_577, %dma_start3A_578] : memref<100000x128xf32, #tpu.memory_space<hbm>> -> memref<100000x128xf32, #tpu.memory_space<hbm>>
        tpu.enqueue_indirect_dma source(%dma_start3A_579 : memref<100000x128xf32, #tpu.memory_space<hbm>>) target(%dma_start3A_573 : memref<68x128xf32, #tpu.memory_space<vmem>>) offsets(%dma_start3A_576 : memref<68xi32, #tpu.memory_space<vmem>>) semaphore(%arg15 : memref<!tpu.dma_semaphore, #tpu.memory_space<semaphore_mem>>)
        %mul3A_580 = arith.constant 4 : i32
        %mul3A_581 = arith.muli %mul3A_580, %add3A_561 : i32
        %add3A_582 = arith.constant 1 : i32
        %add3A_583 = arith.addi %mul3A_581, %add3A_582 : i32
        %dma_start3A_584 = arith.constant 1 : i32
        %dma_start3A_585 = arith.constant 0 : i32
        %dma_start3A_586 = arith.constant 0 : i32
        %dma_start3A_587 = tpu.memref_slice %arg7[%dma_start3A_584, %dma_start3A_585, %dma_start3A_586] : memref<2x272x128xf32, #tpu.memory_space<vmem>> -> memref<1x272x128xf32, #tpu.memory_space<vmem>>
        %dma_start3A_588 = tpu.memref_squeeze %dma_start3A_587 : memref<1x272x128xf32, #tpu.memory_space<vmem>> -> memref<272x128xf32, #tpu.memory_space<vmem>>
        %dma_start3A_589 = arith.constant 68 : i32
        %dma_start3A_590 = arith.constant 0 : i32
        %dma_start3A_591 = tpu.memref_slice %dma_start3A_588[%dma_start3A_589, %dma_start3A_590] : memref<272x128xf32, #tpu.memory_space<vmem>> -> memref<68x128xf32, #tpu.memory_space<vmem>>
        %dma_start3A_592 = arith.constant 0 : i32
        %dma_start3A_593 = tpu.memref_slice %arg6[%add3A_583, %dma_start3A_592] : memref<32x68xi32, #tpu.memory_space<vmem>> -> memref<1x68xi32, #tpu.memory_space<vmem>>
        %dma_start3A_594 = tpu.memref_squeeze %dma_start3A_593 : memref<1x68xi32, #tpu.memory_space<vmem>> -> memref<68xi32, #tpu.memory_space<vmem>>
        %dma_start3A_595 = arith.constant 0 : i32
        %dma_start3A_596 = arith.constant 0 : i32
        %dma_start3A_597 = tpu.memref_slice %arg2[%dma_start3A_595, %dma_start3A_596] : memref<100000x128xf32, #tpu.memory_space<hbm>> -> memref<100000x128xf32, #tpu.memory_space<hbm>>
        tpu.enqueue_indirect_dma source(%dma_start3A_597 : memref<100000x128xf32, #tpu.memory_space<hbm>>) target(%dma_start3A_591 : memref<68x128xf32, #tpu.memory_space<vmem>>) offsets(%dma_start3A_594 : memref<68xi32, #tpu.memory_space<vmem>>) semaphore(%arg15 : memref<!tpu.dma_semaphore, #tpu.memory_space<semaphore_mem>>)
        %mul3A_598 = arith.constant 4 : i32
        %mul3A_599 = arith.muli %mul3A_598, %add3A_561 : i32
        %add3A_600 = arith.constant 2 : i32
        %add3A_601 = arith.addi %mul3A_599, %add3A_600 : i32
        %dma_start3A_602 = arith.constant 1 : i32
        %dma_start3A_603 = arith.constant 0 : i32
        %dma_start3A_604 = arith.constant 0 : i32
        %dma_start3A_605 = tpu.memref_slice %arg7[%dma_start3A_602, %dma_start3A_603, %dma_start3A_604] : memref<2x272x128xf32, #tpu.memory_space<vmem>> -> memref<1x272x128xf32, #tpu.memory_space<vmem>>
        %dma_start3A_606 = tpu.memref_squeeze %dma_start3A_605 : memref<1x272x128xf32, #tpu.memory_space<vmem>> -> memref<272x128xf32, #tpu.memory_space<vmem>>
        %dma_start3A_607 = arith.constant 136 : i32
        %dma_start3A_608 = arith.constant 0 : i32
        %dma_start3A_609 = tpu.memref_slice %dma_start3A_606[%dma_start3A_607, %dma_start3A_608] : memref<272x128xf32, #tpu.memory_space<vmem>> -> memref<68x128xf32, #tpu.memory_space<vmem>>
        %dma_start3A_610 = arith.constant 0 : i32
        %dma_start3A_611 = tpu.memref_slice %arg6[%add3A_601, %dma_start3A_610] : memref<32x68xi32, #tpu.memory_space<vmem>> -> memref<1x68xi32, #tpu.memory_space<vmem>>
        %dma_start3A_612 = tpu.memref_squeeze %dma_start3A_611 : memref<1x68xi32, #tpu.memory_space<vmem>> -> memref<68xi32, #tpu.memory_space<vmem>>
        %dma_start3A_613 = arith.constant 0 : i32
        %dma_start3A_614 = arith.constant 0 : i32
        %dma_start3A_615 = tpu.memref_slice %arg2[%dma_start3A_613, %dma_start3A_614] : memref<100000x128xf32, #tpu.memory_space<hbm>> -> memref<100000x128xf32, #tpu.memory_space<hbm>>
        tpu.enqueue_indirect_dma source(%dma_start3A_615 : memref<100000x128xf32, #tpu.memory_space<hbm>>) target(%dma_start3A_609 : memref<68x128xf32, #tpu.memory_space<vmem>>) offsets(%dma_start3A_612 : memref<68xi32, #tpu.memory_space<vmem>>) semaphore(%arg15 : memref<!tpu.dma_semaphore, #tpu.memory_space<semaphore_mem>>)
        %mul3A_616 = arith.constant 4 : i32
        %mul3A_617 = arith.muli %mul3A_616, %add3A_561 : i32
        %add3A_618 = arith.constant 3 : i32
        %add3A_619 = arith.addi %mul3A_617, %add3A_618 : i32
        %dma_start3A_620 = arith.constant 1 : i32
        %dma_start3A_621 = arith.constant 0 : i32
        %dma_start3A_622 = arith.constant 0 : i32
        %dma_start3A_623 = tpu.memref_slice %arg7[%dma_start3A_620, %dma_start3A_621, %dma_start3A_622] : memref<2x272x128xf32, #tpu.memory_space<vmem>> -> memref<1x272x128xf32, #tpu.memory_space<vmem>>
        %dma_start3A_624 = tpu.memref_squeeze %dma_start3A_623 : memref<1x272x128xf32, #tpu.memory_space<vmem>> -> memref<272x128xf32, #tpu.memory_space<vmem>>
        %dma_start3A_625 = arith.constant 204 : i32
        %dma_start3A_626 = arith.constant 0 : i32
        %dma_start3A_627 = tpu.memref_slice %dma_start3A_624[%dma_start3A_625, %dma_start3A_626] : memref<272x128xf32, #tpu.memory_space<vmem>> -> memref<68x128xf32, #tpu.memory_space<vmem>>
        %dma_start3A_628 = arith.constant 0 : i32
        %dma_start3A_629 = tpu.memref_slice %arg6[%add3A_619, %dma_start3A_628] : memref<32x68xi32, #tpu.memory_space<vmem>> -> memref<1x68xi32, #tpu.memory_space<vmem>>
        %dma_start3A_630 = tpu.memref_squeeze %dma_start3A_629 : memref<1x68xi32, #tpu.memory_space<vmem>> -> memref<68xi32, #tpu.memory_space<vmem>>
        %dma_start3A_631 = arith.constant 0 : i32
        %dma_start3A_632 = arith.constant 0 : i32
        %dma_start3A_633 = tpu.memref_slice %arg2[%dma_start3A_631, %dma_start3A_632] : memref<100000x128xf32, #tpu.memory_space<hbm>> -> memref<100000x128xf32, #tpu.memory_space<hbm>>
        tpu.enqueue_indirect_dma source(%dma_start3A_633 : memref<100000x128xf32, #tpu.memory_space<hbm>>) target(%dma_start3A_627 : memref<68x128xf32, #tpu.memory_space<vmem>>) offsets(%dma_start3A_630 : memref<68xi32, #tpu.memory_space<vmem>>) semaphore(%arg15 : memref<!tpu.dma_semaphore, #tpu.memory_space<semaphore_mem>>)
      } else {
      }
      %mul3A_80 = arith.constant 4 : i32
      %mul3A_81 = arith.muli %mul3A_80, %add3A_75 : i32
      %add3A_82 = arith.constant 0 : i32
      %add3A_83 = arith.addi %mul3A_81, %add3A_82 : i32
      %dma_wait3A = arith.constant 0 : i32
      %dma_wait3A_84 = arith.constant 0 : i32
      %dma_wait3A_85 = arith.constant 0 : i32
      %dma_wait3A_86 = tpu.memref_slice %arg7[%dma_wait3A, %dma_wait3A_84, %dma_wait3A_85] : memref<2x272x128xf32, #tpu.memory_space<vmem>> -> memref<1x272x128xf32, #tpu.memory_space<vmem>>
      %dma_wait3A_87 = tpu.memref_squeeze %dma_wait3A_86 : memref<1x272x128xf32, #tpu.memory_space<vmem>> -> memref<272x128xf32, #tpu.memory_space<vmem>>
      %dma_wait3A_88 = arith.constant 0 : i32
      %dma_wait3A_89 = arith.constant 0 : i32
      %dma_wait3A_90 = tpu.memref_slice %dma_wait3A_87[%dma_wait3A_88, %dma_wait3A_89] : memref<272x128xf32, #tpu.memory_space<vmem>> -> memref<68x128xf32, #tpu.memory_space<vmem>>
      %dma_wait3A_91 = arith.constant 0 : i32
      %dma_wait3A_92 = tpu.memref_slice %arg6[%add3A_83, %dma_wait3A_91] : memref<32x68xi32, #tpu.memory_space<vmem>> -> memref<1x68xi32, #tpu.memory_space<vmem>>
      %dma_wait3A_93 = tpu.memref_squeeze %dma_wait3A_92 : memref<1x68xi32, #tpu.memory_space<vmem>> -> memref<68xi32, #tpu.memory_space<vmem>>
      %dma_wait3A_94 = arith.constant 0 : i32
      %dma_wait3A_95 = arith.constant 0 : i32
      %dma_wait3A_96 = tpu.memref_slice %arg2[%dma_wait3A_94, %dma_wait3A_95] : memref<100000x128xf32, #tpu.memory_space<hbm>> -> memref<100000x128xf32, #tpu.memory_space<hbm>>
      tpu.wait_indirect_dma semaphore(%arg14 : memref<!tpu.dma_semaphore, #tpu.memory_space<semaphore_mem>>) src(%dma_wait3A_96 : memref<100000x128xf32, #tpu.memory_space<hbm>>) dst(%dma_wait3A_90 : memref<68x128xf32, #tpu.memory_space<vmem>>)
      %mul3A_97 = arith.constant 4 : i32
      %mul3A_98 = arith.muli %mul3A_97, %add3A_75 : i32
      %add3A_99 = arith.constant 1 : i32
      %add3A_100 = arith.addi %mul3A_98, %add3A_99 : i32
      %dma_wait3A_101 = arith.constant 0 : i32
      %dma_wait3A_102 = arith.constant 0 : i32
      %dma_wait3A_103 = arith.constant 0 : i32
      %dma_wait3A_104 = tpu.memref_slice %arg7[%dma_wait3A_101, %dma_wait3A_102, %dma_wait3A_103] : memref<2x272x128xf32, #tpu.memory_space<vmem>> -> memref<1x272x128xf32, #tpu.memory_space<vmem>>
      %dma_wait3A_105 = tpu.memref_squeeze %dma_wait3A_104 : memref<1x272x128xf32, #tpu.memory_space<vmem>> -> memref<272x128xf32, #tpu.memory_space<vmem>>
      %dma_wait3A_106 = arith.constant 68 : i32
      %dma_wait3A_107 = arith.constant 0 : i32
      %dma_wait3A_108 = tpu.memref_slice %dma_wait3A_105[%dma_wait3A_106, %dma_wait3A_107] : memref<272x128xf32, #tpu.memory_space<vmem>> -> memref<68x128xf32, #tpu.memory_space<vmem>>
      %dma_wait3A_109 = arith.constant 0 : i32
      %dma_wait3A_110 = tpu.memref_slice %arg6[%add3A_100, %dma_wait3A_109] : memref<32x68xi32, #tpu.memory_space<vmem>> -> memref<1x68xi32, #tpu.memory_space<vmem>>
      %dma_wait3A_111 = tpu.memref_squeeze %dma_wait3A_110 : memref<1x68xi32, #tpu.memory_space<vmem>> -> memref<68xi32, #tpu.memory_space<vmem>>
      %dma_wait3A_112 = arith.constant 0 : i32
      %dma_wait3A_113 = arith.constant 0 : i32
      %dma_wait3A_114 = tpu.memref_slice %arg2[%dma_wait3A_112, %dma_wait3A_113] : memref<100000x128xf32, #tpu.memory_space<hbm>> -> memref<100000x128xf32, #tpu.memory_space<hbm>>
      tpu.wait_indirect_dma semaphore(%arg14 : memref<!tpu.dma_semaphore, #tpu.memory_space<semaphore_mem>>) src(%dma_wait3A_114 : memref<100000x128xf32, #tpu.memory_space<hbm>>) dst(%dma_wait3A_108 : memref<68x128xf32, #tpu.memory_space<vmem>>)
      %mul3A_115 = arith.constant 4 : i32
      %mul3A_116 = arith.muli %mul3A_115, %add3A_75 : i32
      %add3A_117 = arith.constant 2 : i32
      %add3A_118 = arith.addi %mul3A_116, %add3A_117 : i32
      %dma_wait3A_119 = arith.constant 0 : i32
      %dma_wait3A_120 = arith.constant 0 : i32
      %dma_wait3A_121 = arith.constant 0 : i32
      %dma_wait3A_122 = tpu.memref_slice %arg7[%dma_wait3A_119, %dma_wait3A_120, %dma_wait3A_121] : memref<2x272x128xf32, #tpu.memory_space<vmem>> -> memref<1x272x128xf32, #tpu.memory_space<vmem>>
      %dma_wait3A_123 = tpu.memref_squeeze %dma_wait3A_122 : memref<1x272x128xf32, #tpu.memory_space<vmem>> -> memref<272x128xf32, #tpu.memory_space<vmem>>
      %dma_wait3A_124 = arith.constant 136 : i32
      %dma_wait3A_125 = arith.constant 0 : i32
      %dma_wait3A_126 = tpu.memref_slice %dma_wait3A_123[%dma_wait3A_124, %dma_wait3A_125] : memref<272x128xf32, #tpu.memory_space<vmem>> -> memref<68x128xf32, #tpu.memory_space<vmem>>
      %dma_wait3A_127 = arith.constant 0 : i32
      %dma_wait3A_128 = tpu.memref_slice %arg6[%add3A_118, %dma_wait3A_127] : memref<32x68xi32, #tpu.memory_space<vmem>> -> memref<1x68xi32, #tpu.memory_space<vmem>>
      %dma_wait3A_129 = tpu.memref_squeeze %dma_wait3A_128 : memref<1x68xi32, #tpu.memory_space<vmem>> -> memref<68xi32, #tpu.memory_space<vmem>>
      %dma_wait3A_130 = arith.constant 0 : i32
      %dma_wait3A_131 = arith.constant 0 : i32
      %dma_wait3A_132 = tpu.memref_slice %arg2[%dma_wait3A_130, %dma_wait3A_131] : memref<100000x128xf32, #tpu.memory_space<hbm>> -> memref<100000x128xf32, #tpu.memory_space<hbm>>
      tpu.wait_indirect_dma semaphore(%arg14 : memref<!tpu.dma_semaphore, #tpu.memory_space<semaphore_mem>>) src(%dma_wait3A_132 : memref<100000x128xf32, #tpu.memory_space<hbm>>) dst(%dma_wait3A_126 : memref<68x128xf32, #tpu.memory_space<vmem>>)
      %mul3A_133 = arith.constant 4 : i32
      %mul3A_134 = arith.muli %mul3A_133, %add3A_75 : i32
      %add3A_135 = arith.constant 3 : i32
      %add3A_136 = arith.addi %mul3A_134, %add3A_135 : i32
      %dma_wait3A_137 = arith.constant 0 : i32
      %dma_wait3A_138 = arith.constant 0 : i32
      %dma_wait3A_139 = arith.constant 0 : i32
      %dma_wait3A_140 = tpu.memref_slice %arg7[%dma_wait3A_137, %dma_wait3A_138, %dma_wait3A_139] : memref<2x272x128xf32, #tpu.memory_space<vmem>> -> memref<1x272x128xf32, #tpu.memory_space<vmem>>
      %dma_wait3A_141 = tpu.memref_squeeze %dma_wait3A_140 : memref<1x272x128xf32, #tpu.memory_space<vmem>> -> memref<272x128xf32, #tpu.memory_space<vmem>>
      %dma_wait3A_142 = arith.constant 204 : i32
      %dma_wait3A_143 = arith.constant 0 : i32
      %dma_wait3A_144 = tpu.memref_slice %dma_wait3A_141[%dma_wait3A_142, %dma_wait3A_143] : memref<272x128xf32, #tpu.memory_space<vmem>> -> memref<68x128xf32, #tpu.memory_space<vmem>>
      %dma_wait3A_145 = arith.constant 0 : i32
      %dma_wait3A_146 = tpu.memref_slice %arg6[%add3A_136, %dma_wait3A_145] : memref<32x68xi32, #tpu.memory_space<vmem>> -> memref<1x68xi32, #tpu.memory_space<vmem>>
      %dma_wait3A_147 = tpu.memref_squeeze %dma_wait3A_146 : memref<1x68xi32, #tpu.memory_space<vmem>> -> memref<68xi32, #tpu.memory_space<vmem>>
      %dma_wait3A_148 = arith.constant 0 : i32
      %dma_wait3A_149 = arith.constant 0 : i32
      %dma_wait3A_150 = tpu.memref_slice %arg2[%dma_wait3A_148, %dma_wait3A_149] : memref<100000x128xf32, #tpu.memory_space<hbm>> -> memref<100000x128xf32, #tpu.memory_space<hbm>>
      tpu.wait_indirect_dma semaphore(%arg14 : memref<!tpu.dma_semaphore, #tpu.memory_space<semaphore_mem>>) src(%dma_wait3A_150 : memref<100000x128xf32, #tpu.memory_space<hbm>>) dst(%dma_wait3A_144 : memref<68x128xf32, #tpu.memory_space<vmem>>)
      %scan3A_151 = arith.constant 0 : i32
      %scan3A_152 = arith.constant 0 : i32
      %scan3A_153 = arith.constant 16 : i32
      %scan3A_154 = arith.addi %scan3A_152, %scan3A_153 : i32
      %scan3A_155 = arith.constant 1 : i32
      %scan3A_156 = scf.for %scan3A_560 = %scan3A_152 to %scan3A_154 step %scan3A_155 iter_args(%scan3A_561 = %scan3A_71) -> (vector<16xf32>)  : i32 {
        %mul3A_562 = arith.constant 17 : i32
        %mul3A_563 = arith.muli %scan3A_560, %mul3A_562 : i32
        %get3A = arith.constant 0 : i32
        %get3A_564 = arith.constant 0 : i32
        %get3A_565 = tpu.memref_slice %arg7[%scan3A_151, %get3A, %get3A_564] : memref<2x272x128xf32, #tpu.memory_space<vmem>> -> memref<1x272x128xf32, #tpu.memory_space<vmem>>
        %get3A_566 = tpu.memref_squeeze %get3A_565 : memref<1x272x128xf32, #tpu.memory_space<vmem>> -> memref<272x128xf32, #tpu.memory_space<vmem>>
        %get3A_567 = arith.index_cast %mul3A_563 : i32 to index
        %get3A_568 = arith.constant 0 : index
        %get3A_569 = tpu.vector_load %get3A_566[%get3A_567, %get3A_568] {strides = array<i32>} : memref<272x128xf32, #tpu.memory_space<vmem>>, vector<16xf32>,
        %get3A_570 = arith.constant 0 : i32
        %get3A_571 = arith.constant 0 : i32
        %get3A_572 = tpu.memref_slice %arg7[%scan3A_151, %get3A_570, %get3A_571] : memref<2x272x128xf32, #tpu.memory_space<vmem>> -> memref<1x272x128xf32, #tpu.memory_space<vmem>>
        %get3A_573 = tpu.memref_squeeze %get3A_572 : memref<1x272x128xf32, #tpu.memory_space<vmem>> -> memref<272x128xf32, #tpu.memory_space<vmem>>
        %get3A_574 = arith.index_cast %mul3A_563 : i32 to index
        %get3A_575 = arith.constant 16 : index
        %get3A_576 = tpu.vector_load %get3A_573[%get3A_574, %get3A_575] {strides = array<i32>} : memref<272x128xf32, #tpu.memory_space<vmem>>, vector<16xf32>,
        %get3A_577 = arith.constant 0 : i32
        %get3A_578 = arith.constant 0 : i32
        %get3A_579 = tpu.memref_slice %arg7[%scan3A_151, %get3A_577, %get3A_578] : memref<2x272x128xf32, #tpu.memory_space<vmem>> -> memref<1x272x128xf32, #tpu.memory_space<vmem>>
        %get3A_580 = tpu.memref_squeeze %get3A_579 : memref<1x272x128xf32, #tpu.memory_space<vmem>> -> memref<272x128xf32, #tpu.memory_space<vmem>>
        %get3A_581 = arith.index_cast %mul3A_563 : i32 to index
        %get3A_582 = arith.constant 32 : index
        %get3A_583 = tpu.vector_load %get3A_580[%get3A_581, %get3A_582] {strides = array<i32>} : memref<272x128xf32, #tpu.memory_space<vmem>>, vector<16xf32>,
        %get3A_584 = arith.constant 0 : i32
        %get3A_585 = arith.constant 0 : i32
        %get3A_586 = tpu.memref_slice %arg7[%scan3A_151, %get3A_584, %get3A_585] : memref<2x272x128xf32, #tpu.memory_space<vmem>> -> memref<1x272x128xf32, #tpu.memory_space<vmem>>
        %get3A_587 = tpu.memref_squeeze %get3A_586 : memref<1x272x128xf32, #tpu.memory_space<vmem>> -> memref<272x128xf32, #tpu.memory_space<vmem>>
        %get3A_588 = arith.index_cast %mul3A_563 : i32 to index
        %get3A_589 = arith.constant 48 : index
        %get3A_590 = tpu.vector_load %get3A_587[%get3A_588, %get3A_589] {strides = array<i32>} : memref<272x128xf32, #tpu.memory_space<vmem>>, vector<16xf32>,
        %get3A_591 = arith.constant 0 : i32
        %get3A_592 = arith.constant 0 : i32
        %get3A_593 = tpu.memref_slice %arg7[%scan3A_151, %get3A_591, %get3A_592] : memref<2x272x128xf32, #tpu.memory_space<vmem>> -> memref<1x272x128xf32, #tpu.memory_space<vmem>>
        %get3A_594 = tpu.memref_squeeze %get3A_593 : memref<1x272x128xf32, #tpu.memory_space<vmem>> -> memref<272x128xf32, #tpu.memory_space<vmem>>
        %get3A_595 = arith.index_cast %mul3A_563 : i32 to index
        %get3A_596 = arith.constant 64 : index
        %get3A_597 = tpu.vector_load %get3A_594[%get3A_595, %get3A_596] {strides = array<i32>} : memref<272x128xf32, #tpu.memory_space<vmem>>, vector<16xf32>,
        %get3A_598 = arith.constant 0 : i32
        %get3A_599 = arith.constant 0 : i32
        %get3A_600 = tpu.memref_slice %arg7[%scan3A_151, %get3A_598, %get3A_599] : memref<2x272x128xf32, #tpu.memory_space<vmem>> -> memref<1x272x128xf32, #tpu.memory_space<vmem>>
        %get3A_601 = tpu.memref_squeeze %get3A_600 : memref<1x272x128xf32, #tpu.memory_space<vmem>> -> memref<272x128xf32, #tpu.memory_space<vmem>>
        %get3A_602 = arith.index_cast %mul3A_563 : i32 to index
        %get3A_603 = arith.constant 80 : index
        %get3A_604 = tpu.vector_load %get3A_601[%get3A_602, %get3A_603] {strides = array<i32>} : memref<272x128xf32, #tpu.memory_space<vmem>>, vector<16xf32>,
        %get3A_605 = arith.constant 0 : i32
        %get3A_606 = arith.constant 0 : i32
        %get3A_607 = tpu.memref_slice %arg7[%scan3A_151, %get3A_605, %get3A_606] : memref<2x272x128xf32, #tpu.memory_space<vmem>> -> memref<1x272x128xf32, #tpu.memory_space<vmem>>
        %get3A_608 = tpu.memref_squeeze %get3A_607 : memref<1x272x128xf32, #tpu.memory_space<vmem>> -> memref<272x128xf32, #tpu.memory_space<vmem>>
        %get3A_609 = arith.index_cast %mul3A_563 : i32 to index
        %get3A_610 = arith.constant 96 : index
        %get3A_611 = tpu.vector_load %get3A_608[%get3A_609, %get3A_610] {strides = array<i32>} : memref<272x128xf32, #tpu.memory_space<vmem>>, vector<16xf32>,
        %get3A_612 = arith.constant 0 : i32
        %get3A_613 = arith.constant 0 : i32
        %get3A_614 = tpu.memref_slice %arg7[%scan3A_151, %get3A_612, %get3A_613] : memref<2x272x128xf32, #tpu.memory_space<vmem>> -> memref<1x272x128xf32, #tpu.memory_space<vmem>>
        %get3A_615 = tpu.memref_squeeze %get3A_614 : memref<1x272x128xf32, #tpu.memory_space<vmem>> -> memref<272x128xf32, #tpu.memory_space<vmem>>
        %get3A_616 = arith.index_cast %mul3A_563 : i32 to index
        %get3A_617 = arith.constant 112 : index
        %get3A_618 = tpu.vector_load %get3A_615[%get3A_616, %get3A_617] {strides = array<i32>} : memref<272x128xf32, #tpu.memory_space<vmem>>, vector<16xf32>,
        %mul3A_619 = arith.mulf %get3A_569, %get3A_569 : vector<16xf32>
        %mul3A_620 = arith.mulf %get3A_576, %get3A_576 : vector<16xf32>
        %mul3A_621 = arith.mulf %get3A_583, %get3A_583 : vector<16xf32>
        %add3A_622 = arith.addf %mul3A_619, %mul3A_621 : vector<16xf32>
        %mul3A_623 = arith.mulf %get3A_590, %get3A_590 : vector<16xf32>
        %add3A_624 = arith.addf %mul3A_620, %mul3A_623 : vector<16xf32>
        %mul3A_625 = arith.mulf %get3A_597, %get3A_597 : vector<16xf32>
        %add3A_626 = arith.addf %add3A_622, %mul3A_625 : vector<16xf32>
        %mul3A_627 = arith.mulf %get3A_604, %get3A_604 : vector<16xf32>
        %add3A_628 = arith.addf %add3A_624, %mul3A_627 : vector<16xf32>
        %mul3A_629 = arith.mulf %get3A_611, %get3A_611 : vector<16xf32>
        %add3A_630 = arith.addf %add3A_626, %mul3A_629 : vector<16xf32>
        %mul3A_631 = arith.mulf %get3A_618, %get3A_618 : vector<16xf32>
        %add3A_632 = arith.addf %add3A_628, %mul3A_631 : vector<16xf32>
        %add3A_633 = arith.addf %add3A_630, %add3A_632 : vector<16xf32>
        %mul3A_634 = arith.constant 17 : i32
        %mul3A_635 = arith.muli %scan3A_560, %mul3A_634 : i32
        %swap3A_636 = arith.index_cast %mul3A_635 : i32 to index
        %swap3A_637 = tpu.vector_load %arg10[%swap3A_636] {strides = array<i32>} : memref<272xf32, #tpu.memory_space<vmem>>, vector<16xf32>,
        tpu.vector_store %arg10[%swap3A_636], %add3A_633 {strides = array<i32>} : memref<272xf32, #tpu.memory_space<vmem>>, vector<16xf32>,
        %add3A_638 = arith.constant 1 : i32
        %add3A_639 = arith.addi %mul3A_563, %add3A_638 : i32
        %get3A_640 = arith.constant 0 : i32
        %get3A_641 = arith.constant 0 : i32
        %get3A_642 = tpu.memref_slice %arg7[%scan3A_151, %get3A_640, %get3A_641] : memref<2x272x128xf32, #tpu.memory_space<vmem>> -> memref<1x272x128xf32, #tpu.memory_space<vmem>>
        %get3A_643 = tpu.memref_squeeze %get3A_642 : memref<1x272x128xf32, #tpu.memory_space<vmem>> -> memref<272x128xf32, #tpu.memory_space<vmem>>
        %get3A_644 = arith.index_cast %add3A_639 : i32 to index
        %get3A_645 = arith.constant 0 : index
        %get3A_646 = tpu.vector_load %get3A_643[%get3A_644, %get3A_645] {strides = array<i32>} : memref<272x128xf32, #tpu.memory_space<vmem>>, vector<16xf32>,
        %mul3A_647 = arith.mulf %get3A_646, %get3A_569 : vector<16xf32>
        %add3A_648 = arith.constant 1 : i32
        %add3A_649 = arith.addi %mul3A_563, %add3A_648 : i32
        %get3A_650 = arith.constant 0 : i32
        %get3A_651 = arith.constant 0 : i32
        %get3A_652 = tpu.memref_slice %arg7[%scan3A_151, %get3A_650, %get3A_651] : memref<2x272x128xf32, #tpu.memory_space<vmem>> -> memref<1x272x128xf32, #tpu.memory_space<vmem>>
        %get3A_653 = tpu.memref_squeeze %get3A_652 : memref<1x272x128xf32, #tpu.memory_space<vmem>> -> memref<272x128xf32, #tpu.memory_space<vmem>>
        %get3A_654 = arith.index_cast %add3A_649 : i32 to index
        %get3A_655 = arith.constant 16 : index
        %get3A_656 = tpu.vector_load %get3A_653[%get3A_654, %get3A_655] {strides = array<i32>} : memref<272x128xf32, #tpu.memory_space<vmem>>, vector<16xf32>,
        %mul3A_657 = arith.mulf %get3A_656, %get3A_576 : vector<16xf32>
        %add3A_658 = arith.constant 1 : i32
        %add3A_659 = arith.addi %mul3A_563, %add3A_658 : i32
        %get3A_660 = arith.constant 0 : i32
        %get3A_661 = arith.constant 0 : i32
        %get3A_662 = tpu.memref_slice %arg7[%scan3A_151, %get3A_660, %get3A_661] : memref<2x272x128xf32, #tpu.memory_space<vmem>> -> memref<1x272x128xf32, #tpu.memory_space<vmem>>
        %get3A_663 = tpu.memref_squeeze %get3A_662 : memref<1x272x128xf32, #tpu.memory_space<vmem>> -> memref<272x128xf32, #tpu.memory_space<vmem>>
        %get3A_664 = arith.index_cast %add3A_659 : i32 to index
        %get3A_665 = arith.constant 32 : index
        %get3A_666 = tpu.vector_load %get3A_663[%get3A_664, %get3A_665] {strides = array<i32>} : memref<272x128xf32, #tpu.memory_space<vmem>>, vector<16xf32>,
        %mul3A_667 = arith.mulf %get3A_666, %get3A_583 : vector<16xf32>
        %add3A_668 = arith.addf %mul3A_647, %mul3A_667 : vector<16xf32>
        %add3A_669 = arith.constant 1 : i32
        %add3A_670 = arith.addi %mul3A_563, %add3A_669 : i32
        %get3A_671 = arith.constant 0 : i32
        %get3A_672 = arith.constant 0 : i32
        %get3A_673 = tpu.memref_slice %arg7[%scan3A_151, %get3A_671, %get3A_672] : memref<2x272x128xf32, #tpu.memory_space<vmem>> -> memref<1x272x128xf32, #tpu.memory_space<vmem>>
        %get3A_674 = tpu.memref_squeeze %get3A_673 : memref<1x272x128xf32, #tpu.memory_space<vmem>> -> memref<272x128xf32, #tpu.memory_space<vmem>>
        %get3A_675 = arith.index_cast %add3A_670 : i32 to index
        %get3A_676 = arith.constant 48 : index
        %get3A_677 = tpu.vector_load %get3A_674[%get3A_675, %get3A_676] {strides = array<i32>} : memref<272x128xf32, #tpu.memory_space<vmem>>, vector<16xf32>,
        %mul3A_678 = arith.mulf %get3A_677, %get3A_590 : vector<16xf32>
        %add3A_679 = arith.addf %mul3A_657, %mul3A_678 : vector<16xf32>
        %add3A_680 = arith.constant 1 : i32
        %add3A_681 = arith.addi %mul3A_563, %add3A_680 : i32
        %get3A_682 = arith.constant 0 : i32
        %get3A_683 = arith.constant 0 : i32
        %get3A_684 = tpu.memref_slice %arg7[%scan3A_151, %get3A_682, %get3A_683] : memref<2x272x128xf32, #tpu.memory_space<vmem>> -> memref<1x272x128xf32, #tpu.memory_space<vmem>>
        %get3A_685 = tpu.memref_squeeze %get3A_684 : memref<1x272x128xf32, #tpu.memory_space<vmem>> -> memref<272x128xf32, #tpu.memory_space<vmem>>
        %get3A_686 = arith.index_cast %add3A_681 : i32 to index
        %get3A_687 = arith.constant 64 : index
        %get3A_688 = tpu.vector_load %get3A_685[%get3A_686, %get3A_687] {strides = array<i32>} : memref<272x128xf32, #tpu.memory_space<vmem>>, vector<16xf32>,
        %mul3A_689 = arith.mulf %get3A_688, %get3A_597 : vector<16xf32>
        %add3A_690 = arith.addf %add3A_668, %mul3A_689 : vector<16xf32>
        %add3A_691 = arith.constant 1 : i32
        %add3A_692 = arith.addi %mul3A_563, %add3A_691 : i32
        %get3A_693 = arith.constant 0 : i32
        %get3A_694 = arith.constant 0 : i32
        %get3A_695 = tpu.memref_slice %arg7[%scan3A_151, %get3A_693, %get3A_694] : memref<2x272x128xf32, #tpu.memory_space<vmem>> -> memref<1x272x128xf32, #tpu.memory_space<vmem>>
        %get3A_696 = tpu.memref_squeeze %get3A_695 : memref<1x272x128xf32, #tpu.memory_space<vmem>> -> memref<272x128xf32, #tpu.memory_space<vmem>>
        %get3A_697 = arith.index_cast %add3A_692 : i32 to index
        %get3A_698 = arith.constant 80 : index
        %get3A_699 = tpu.vector_load %get3A_696[%get3A_697, %get3A_698] {strides = array<i32>} : memref<272x128xf32, #tpu.memory_space<vmem>>, vector<16xf32>,
        %mul3A_700 = arith.mulf %get3A_699, %get3A_604 : vector<16xf32>
        %add3A_701 = arith.addf %add3A_679, %mul3A_700 : vector<16xf32>
        %add3A_702 = arith.constant 1 : i32
        %add3A_703 = arith.addi %mul3A_563, %add3A_702 : i32
        %get3A_704 = arith.constant 0 : i32
        %get3A_705 = arith.constant 0 : i32
        %get3A_706 = tpu.memref_slice %arg7[%scan3A_151, %get3A_704, %get3A_705] : memref<2x272x128xf32, #tpu.memory_space<vmem>> -> memref<1x272x128xf32, #tpu.memory_space<vmem>>
        %get3A_707 = tpu.memref_squeeze %get3A_706 : memref<1x272x128xf32, #tpu.memory_space<vmem>> -> memref<272x128xf32, #tpu.memory_space<vmem>>
        %get3A_708 = arith.index_cast %add3A_703 : i32 to index
        %get3A_709 = arith.constant 96 : index
        %get3A_710 = tpu.vector_load %get3A_707[%get3A_708, %get3A_709] {strides = array<i32>} : memref<272x128xf32, #tpu.memory_space<vmem>>, vector<16xf32>,
        %mul3A_711 = arith.mulf %get3A_710, %get3A_611 : vector<16xf32>
        %add3A_712 = arith.addf %add3A_690, %mul3A_711 : vector<16xf32>
        %add3A_713 = arith.constant 1 : i32
        %add3A_714 = arith.addi %mul3A_563, %add3A_713 : i32
        %get3A_715 = arith.constant 0 : i32
        %get3A_716 = arith.constant 0 : i32
        %get3A_717 = tpu.memref_slice %arg7[%scan3A_151, %get3A_715, %get3A_716] : memref<2x272x128xf32, #tpu.memory_space<vmem>> -> memref<1x272x128xf32, #tpu.memory_space<vmem>>
        %get3A_718 = tpu.memref_squeeze %get3A_717 : memref<1x272x128xf32, #tpu.memory_space<vmem>> -> memref<272x128xf32, #tpu.memory_space<vmem>>
        %get3A_719 = arith.index_cast %add3A_714 : i32 to index
        %get3A_720 = arith.constant 112 : index
        %get3A_721 = tpu.vector_load %get3A_718[%get3A_719, %get3A_720] {strides = array<i32>} : memref<272x128xf32, #tpu.memory_space<vmem>>, vector<16xf32>,
        %mul3A_722 = arith.mulf %get3A_721, %get3A_618 : vector<16xf32>
        %add3A_723 = arith.addf %add3A_701, %mul3A_722 : vector<16xf32>
        %add3A_724 = arith.addf %add3A_712, %add3A_723 : vector<16xf32>
        %swap3A_725 = arith.constant 0 : index
        %swap3A_726 = tpu.vector_load %arg8[%swap3A_725] {strides = array<i32>} : memref<272xf32, #tpu.memory_space<vmem>>, vector<16xf32>,
        tpu.vector_store %arg8[%swap3A_725], %add3A_724 {strides = array<i32>} : memref<272xf32, #tpu.memory_space<vmem>>, vector<16xf32>,
        %add3A_727 = arith.constant 2 : i32
        %add3A_728 = arith.addi %mul3A_563, %add3A_727 : i32
        %get3A_729 = arith.constant 0 : i32
        %get3A_730 = arith.constant 0 : i32
        %get3A_731 = tpu.memref_slice %arg7[%scan3A_151, %get3A_729, %get3A_730] : memref<2x272x128xf32, #tpu.memory_space<vmem>> -> memref<1x272x128xf32, #tpu.memory_space<vmem>>
        %get3A_732 = tpu.memref_squeeze %get3A_731 : memref<1x272x128xf32, #tpu.memory_space<vmem>> -> memref<272x128xf32, #tpu.memory_space<vmem>>
        %get3A_733 = arith.index_cast %add3A_728 : i32 to index
        %get3A_734 = arith.constant 0 : index
        %get3A_735 = tpu.vector_load %get3A_732[%get3A_733, %get3A_734] {strides = array<i32>} : memref<272x128xf32, #tpu.memory_space<vmem>>, vector<16xf32>,
        %mul3A_736 = arith.mulf %get3A_735, %get3A_569 : vector<16xf32>
        %add3A_737 = arith.constant 2 : i32
        %add3A_738 = arith.addi %mul3A_563, %add3A_737 : i32
        %get3A_739 = arith.constant 0 : i32
        %get3A_740 = arith.constant 0 : i32
        %get3A_741 = tpu.memref_slice %arg7[%scan3A_151, %get3A_739, %get3A_740] : memref<2x272x128xf32, #tpu.memory_space<vmem>> -> memref<1x272x128xf32, #tpu.memory_space<vmem>>
        %get3A_742 = tpu.memref_squeeze %get3A_741 : memref<1x272x128xf32, #tpu.memory_space<vmem>> -> memref<272x128xf32, #tpu.memory_space<vmem>>
        %get3A_743 = arith.index_cast %add3A_738 : i32 to index
        %get3A_744 = arith.constant 16 : index
        %get3A_745 = tpu.vector_load %get3A_742[%get3A_743, %get3A_744] {strides = array<i32>} : memref<272x128xf32, #tpu.memory_space<vmem>>, vector<16xf32>,
        %mul3A_746 = arith.mulf %get3A_745, %get3A_576 : vector<16xf32>
        %add3A_747 = arith.constant 2 : i32
        %add3A_748 = arith.addi %mul3A_563, %add3A_747 : i32
        %get3A_749 = arith.constant 0 : i32
        %get3A_750 = arith.constant 0 : i32
        %get3A_751 = tpu.memref_slice %arg7[%scan3A_151, %get3A_749, %get3A_750] : memref<2x272x128xf32, #tpu.memory_space<vmem>> -> memref<1x272x128xf32, #tpu.memory_space<vmem>>
        %get3A_752 = tpu.memref_squeeze %get3A_751 : memref<1x272x128xf32, #tpu.memory_space<vmem>> -> memref<272x128xf32, #tpu.memory_space<vmem>>
        %get3A_753 = arith.index_cast %add3A_748 : i32 to index
        %get3A_754 = arith.constant 32 : index
        %get3A_755 = tpu.vector_load %get3A_752[%get3A_753, %get3A_754] {strides = array<i32>} : memref<272x128xf32, #tpu.memory_space<vmem>>, vector<16xf32>,
        %mul3A_756 = arith.mulf %get3A_755, %get3A_583 : vector<16xf32>
        %add3A_757 = arith.addf %mul3A_736, %mul3A_756 : vector<16xf32>
        %add3A_758 = arith.constant 2 : i32
        %add3A_759 = arith.addi %mul3A_563, %add3A_758 : i32
        %get3A_760 = arith.constant 0 : i32
        %get3A_761 = arith.constant 0 : i32
        %get3A_762 = tpu.memref_slice %arg7[%scan3A_151, %get3A_760, %get3A_761] : memref<2x272x128xf32, #tpu.memory_space<vmem>> -> memref<1x272x128xf32, #tpu.memory_space<vmem>>
        %get3A_763 = tpu.memref_squeeze %get3A_762 : memref<1x272x128xf32, #tpu.memory_space<vmem>> -> memref<272x128xf32, #tpu.memory_space<vmem>>
        %get3A_764 = arith.index_cast %add3A_759 : i32 to index
        %get3A_765 = arith.constant 48 : index
        %get3A_766 = tpu.vector_load %get3A_763[%get3A_764, %get3A_765] {strides = array<i32>} : memref<272x128xf32, #tpu.memory_space<vmem>>, vector<16xf32>,
        %mul3A_767 = arith.mulf %get3A_766, %get3A_590 : vector<16xf32>
        %add3A_768 = arith.addf %mul3A_746, %mul3A_767 : vector<16xf32>
        %add3A_769 = arith.constant 2 : i32
        %add3A_770 = arith.addi %mul3A_563, %add3A_769 : i32
        %get3A_771 = arith.constant 0 : i32
        %get3A_772 = arith.constant 0 : i32
        %get3A_773 = tpu.memref_slice %arg7[%scan3A_151, %get3A_771, %get3A_772] : memref<2x272x128xf32, #tpu.memory_space<vmem>> -> memref<1x272x128xf32, #tpu.memory_space<vmem>>
        %get3A_774 = tpu.memref_squeeze %get3A_773 : memref<1x272x128xf32, #tpu.memory_space<vmem>> -> memref<272x128xf32, #tpu.memory_space<vmem>>
        %get3A_775 = arith.index_cast %add3A_770 : i32 to index
        %get3A_776 = arith.constant 64 : index
        %get3A_777 = tpu.vector_load %get3A_774[%get3A_775, %get3A_776] {strides = array<i32>} : memref<272x128xf32, #tpu.memory_space<vmem>>, vector<16xf32>,
        %mul3A_778 = arith.mulf %get3A_777, %get3A_597 : vector<16xf32>
        %add3A_779 = arith.addf %add3A_757, %mul3A_778 : vector<16xf32>
        %add3A_780 = arith.constant 2 : i32
        %add3A_781 = arith.addi %mul3A_563, %add3A_780 : i32
        %get3A_782 = arith.constant 0 : i32
        %get3A_783 = arith.constant 0 : i32
        %get3A_784 = tpu.memref_slice %arg7[%scan3A_151, %get3A_782, %get3A_783] : memref<2x272x128xf32, #tpu.memory_space<vmem>> -> memref<1x272x128xf32, #tpu.memory_space<vmem>>
        %get3A_785 = tpu.memref_squeeze %get3A_784 : memref<1x272x128xf32, #tpu.memory_space<vmem>> -> memref<272x128xf32, #tpu.memory_space<vmem>>
        %get3A_786 = arith.index_cast %add3A_781 : i32 to index
        %get3A_787 = arith.constant 80 : index
        %get3A_788 = tpu.vector_load %get3A_785[%get3A_786, %get3A_787] {strides = array<i32>} : memref<272x128xf32, #tpu.memory_space<vmem>>, vector<16xf32>,
        %mul3A_789 = arith.mulf %get3A_788, %get3A_604 : vector<16xf32>
        %add3A_790 = arith.addf %add3A_768, %mul3A_789 : vector<16xf32>
        %add3A_791 = arith.constant 2 : i32
        %add3A_792 = arith.addi %mul3A_563, %add3A_791 : i32
        %get3A_793 = arith.constant 0 : i32
        %get3A_794 = arith.constant 0 : i32
        %get3A_795 = tpu.memref_slice %arg7[%scan3A_151, %get3A_793, %get3A_794] : memref<2x272x128xf32, #tpu.memory_space<vmem>> -> memref<1x272x128xf32, #tpu.memory_space<vmem>>
        %get3A_796 = tpu.memref_squeeze %get3A_795 : memref<1x272x128xf32, #tpu.memory_space<vmem>> -> memref<272x128xf32, #tpu.memory_space<vmem>>
        %get3A_797 = arith.index_cast %add3A_792 : i32 to index
        %get3A_798 = arith.constant 96 : index
        %get3A_799 = tpu.vector_load %get3A_796[%get3A_797, %get3A_798] {strides = array<i32>} : memref<272x128xf32, #tpu.memory_space<vmem>>, vector<16xf32>,
        %mul3A_800 = arith.mulf %get3A_799, %get3A_611 : vector<16xf32>
        %add3A_801 = arith.addf %add3A_779, %mul3A_800 : vector<16xf32>
        %add3A_802 = arith.constant 2 : i32
        %add3A_803 = arith.addi %mul3A_563, %add3A_802 : i32
        %get3A_804 = arith.constant 0 : i32
        %get3A_805 = arith.constant 0 : i32
        %get3A_806 = tpu.memref_slice %arg7[%scan3A_151, %get3A_804, %get3A_805] : memref<2x272x128xf32, #tpu.memory_space<vmem>> -> memref<1x272x128xf32, #tpu.memory_space<vmem>>
        %get3A_807 = tpu.memref_squeeze %get3A_806 : memref<1x272x128xf32, #tpu.memory_space<vmem>> -> memref<272x128xf32, #tpu.memory_space<vmem>>
        %get3A_808 = arith.index_cast %add3A_803 : i32 to index
        %get3A_809 = arith.constant 112 : index
        %get3A_810 = tpu.vector_load %get3A_807[%get3A_808, %get3A_809] {strides = array<i32>} : memref<272x128xf32, #tpu.memory_space<vmem>>, vector<16xf32>,
        %mul3A_811 = arith.mulf %get3A_810, %get3A_618 : vector<16xf32>
        %add3A_812 = arith.addf %add3A_790, %mul3A_811 : vector<16xf32>
        %add3A_813 = arith.addf %add3A_801, %add3A_812 : vector<16xf32>
        %swap3A_814 = arith.constant 17 : index
        %swap3A_815 = tpu.vector_load %arg8[%swap3A_814] {strides = array<i32>} : memref<272xf32, #tpu.memory_space<vmem>>, vector<16xf32>,
        tpu.vector_store %arg8[%swap3A_814], %add3A_813 {strides = array<i32>} : memref<272xf32, #tpu.memory_space<vmem>>, vector<16xf32>,
        %add3A_816 = arith.constant 3 : i32
        %add3A_817 = arith.addi %mul3A_563, %add3A_816 : i32
        %get3A_818 = arith.constant 0 : i32
        %get3A_819 = arith.constant 0 : i32
        %get3A_820 = tpu.memref_slice %arg7[%scan3A_151, %get3A_818, %get3A_819] : memref<2x272x128xf32, #tpu.memory_space<vmem>> -> memref<1x272x128xf32, #tpu.memory_space<vmem>>
        %get3A_821 = tpu.memref_squeeze %get3A_820 : memref<1x272x128xf32, #tpu.memory_space<vmem>> -> memref<272x128xf32, #tpu.memory_space<vmem>>
        %get3A_822 = arith.index_cast %add3A_817 : i32 to index
        %get3A_823 = arith.constant 0 : index
        %get3A_824 = tpu.vector_load %get3A_821[%get3A_822, %get3A_823] {strides = array<i32>} : memref<272x128xf32, #tpu.memory_space<vmem>>, vector<16xf32>,
        %mul3A_825 = arith.mulf %get3A_824, %get3A_569 : vector<16xf32>
        %add3A_826 = arith.constant 3 : i32
        %add3A_827 = arith.addi %mul3A_563, %add3A_826 : i32
        %get3A_828 = arith.constant 0 : i32
        %get3A_829 = arith.constant 0 : i32
        %get3A_830 = tpu.memref_slice %arg7[%scan3A_151, %get3A_828, %get3A_829] : memref<2x272x128xf32, #tpu.memory_space<vmem>> -> memref<1x272x128xf32, #tpu.memory_space<vmem>>
        %get3A_831 = tpu.memref_squeeze %get3A_830 : memref<1x272x128xf32, #tpu.memory_space<vmem>> -> memref<272x128xf32, #tpu.memory_space<vmem>>
        %get3A_832 = arith.index_cast %add3A_827 : i32 to index
        %get3A_833 = arith.constant 16 : index
        %get3A_834 = tpu.vector_load %get3A_831[%get3A_832, %get3A_833] {strides = array<i32>} : memref<272x128xf32, #tpu.memory_space<vmem>>, vector<16xf32>,
        %mul3A_835 = arith.mulf %get3A_834, %get3A_576 : vector<16xf32>
        %add3A_836 = arith.constant 3 : i32
        %add3A_837 = arith.addi %mul3A_563, %add3A_836 : i32
        %get3A_838 = arith.constant 0 : i32
        %get3A_839 = arith.constant 0 : i32
        %get3A_840 = tpu.memref_slice %arg7[%scan3A_151, %get3A_838, %get3A_839] : memref<2x272x128xf32, #tpu.memory_space<vmem>> -> memref<1x272x128xf32, #tpu.memory_space<vmem>>
        %get3A_841 = tpu.memref_squeeze %get3A_840 : memref<1x272x128xf32, #tpu.memory_space<vmem>> -> memref<272x128xf32, #tpu.memory_space<vmem>>
        %get3A_842 = arith.index_cast %add3A_837 : i32 to index
        %get3A_843 = arith.constant 32 : index
        %get3A_844 = tpu.vector_load %get3A_841[%get3A_842, %get3A_843] {strides = array<i32>} : memref<272x128xf32, #tpu.memory_space<vmem>>, vector<16xf32>,
        %mul3A_845 = arith.mulf %get3A_844, %get3A_583 : vector<16xf32>
        %add3A_846 = arith.addf %mul3A_825, %mul3A_845 : vector<16xf32>
        %add3A_847 = arith.constant 3 : i32
        %add3A_848 = arith.addi %mul3A_563, %add3A_847 : i32
        %get3A_849 = arith.constant 0 : i32
        %get3A_850 = arith.constant 0 : i32
        %get3A_851 = tpu.memref_slice %arg7[%scan3A_151, %get3A_849, %get3A_850] : memref<2x272x128xf32, #tpu.memory_space<vmem>> -> memref<1x272x128xf32, #tpu.memory_space<vmem>>
        %get3A_852 = tpu.memref_squeeze %get3A_851 : memref<1x272x128xf32, #tpu.memory_space<vmem>> -> memref<272x128xf32, #tpu.memory_space<vmem>>
        %get3A_853 = arith.index_cast %add3A_848 : i32 to index
        %get3A_854 = arith.constant 48 : index
        %get3A_855 = tpu.vector_load %get3A_852[%get3A_853, %get3A_854] {strides = array<i32>} : memref<272x128xf32, #tpu.memory_space<vmem>>, vector<16xf32>,
        %mul3A_856 = arith.mulf %get3A_855, %get3A_590 : vector<16xf32>
        %add3A_857 = arith.addf %mul3A_835, %mul3A_856 : vector<16xf32>
        %add3A_858 = arith.constant 3 : i32
        %add3A_859 = arith.addi %mul3A_563, %add3A_858 : i32
        %get3A_860 = arith.constant 0 : i32
        %get3A_861 = arith.constant 0 : i32
        %get3A_862 = tpu.memref_slice %arg7[%scan3A_151, %get3A_860, %get3A_861] : memref<2x272x128xf32, #tpu.memory_space<vmem>> -> memref<1x272x128xf32, #tpu.memory_space<vmem>>
        %get3A_863 = tpu.memref_squeeze %get3A_862 : memref<1x272x128xf32, #tpu.memory_space<vmem>> -> memref<272x128xf32, #tpu.memory_space<vmem>>
        %get3A_864 = arith.index_cast %add3A_859 : i32 to index
        %get3A_865 = arith.constant 64 : index
        %get3A_866 = tpu.vector_load %get3A_863[%get3A_864, %get3A_865] {strides = array<i32>} : memref<272x128xf32, #tpu.memory_space<vmem>>, vector<16xf32>,
        %mul3A_867 = arith.mulf %get3A_866, %get3A_597 : vector<16xf32>
        %add3A_868 = arith.addf %add3A_846, %mul3A_867 : vector<16xf32>
        %add3A_869 = arith.constant 3 : i32
        %add3A_870 = arith.addi %mul3A_563, %add3A_869 : i32
        %get3A_871 = arith.constant 0 : i32
        %get3A_872 = arith.constant 0 : i32
        %get3A_873 = tpu.memref_slice %arg7[%scan3A_151, %get3A_871, %get3A_872] : memref<2x272x128xf32, #tpu.memory_space<vmem>> -> memref<1x272x128xf32, #tpu.memory_space<vmem>>
        %get3A_874 = tpu.memref_squeeze %get3A_873 : memref<1x272x128xf32, #tpu.memory_space<vmem>> -> memref<272x128xf32, #tpu.memory_space<vmem>>
        %get3A_875 = arith.index_cast %add3A_870 : i32 to index
        %get3A_876 = arith.constant 80 : index
        %get3A_877 = tpu.vector_load %get3A_874[%get3A_875, %get3A_876] {strides = array<i32>} : memref<272x128xf32, #tpu.memory_space<vmem>>, vector<16xf32>,
        %mul3A_878 = arith.mulf %get3A_877, %get3A_604 : vector<16xf32>
        %add3A_879 = arith.addf %add3A_857, %mul3A_878 : vector<16xf32>
        %add3A_880 = arith.constant 3 : i32
        %add3A_881 = arith.addi %mul3A_563, %add3A_880 : i32
        %get3A_882 = arith.constant 0 : i32
        %get3A_883 = arith.constant 0 : i32
        %get3A_884 = tpu.memref_slice %arg7[%scan3A_151, %get3A_882, %get3A_883] : memref<2x272x128xf32, #tpu.memory_space<vmem>> -> memref<1x272x128xf32, #tpu.memory_space<vmem>>
        %get3A_885 = tpu.memref_squeeze %get3A_884 : memref<1x272x128xf32, #tpu.memory_space<vmem>> -> memref<272x128xf32, #tpu.memory_space<vmem>>
        %get3A_886 = arith.index_cast %add3A_881 : i32 to index
        %get3A_887 = arith.constant 96 : index
        %get3A_888 = tpu.vector_load %get3A_885[%get3A_886, %get3A_887] {strides = array<i32>} : memref<272x128xf32, #tpu.memory_space<vmem>>, vector<16xf32>,
        %mul3A_889 = arith.mulf %get3A_888, %get3A_611 : vector<16xf32>
        %add3A_890 = arith.addf %add3A_868, %mul3A_889 : vector<16xf32>
        %add3A_891 = arith.constant 3 : i32
        %add3A_892 = arith.addi %mul3A_563, %add3A_891 : i32
        %get3A_893 = arith.constant 0 : i32
        %get3A_894 = arith.constant 0 : i32
        %get3A_895 = tpu.memref_slice %arg7[%scan3A_151, %get3A_893, %get3A_894] : memref<2x272x128xf32, #tpu.memory_space<vmem>> -> memref<1x272x128xf32, #tpu.memory_space<vmem>>
        %get3A_896 = tpu.memref_squeeze %get3A_895 : memref<1x272x128xf32, #tpu.memory_space<vmem>> -> memref<272x128xf32, #tpu.memory_space<vmem>>
        %get3A_897 = arith.index_cast %add3A_892 : i32 to index
        %get3A_898 = arith.constant 112 : index
        %get3A_899 = tpu.vector_load %get3A_896[%get3A_897, %get3A_898] {strides = array<i32>} : memref<272x128xf32, #tpu.memory_space<vmem>>, vector<16xf32>,
        %mul3A_900 = arith.mulf %get3A_899, %get3A_618 : vector<16xf32>
        %add3A_901 = arith.addf %add3A_879, %mul3A_900 : vector<16xf32>
        %add3A_902 = arith.addf %add3A_890, %add3A_901 : vector<16xf32>
        %swap3A_903 = arith.constant 34 : index
        %swap3A_904 = tpu.vector_load %arg8[%swap3A_903] {strides = array<i32>} : memref<272xf32, #tpu.memory_space<vmem>>, vector<16xf32>,
        tpu.vector_store %arg8[%swap3A_903], %add3A_902 {strides = array<i32>} : memref<272xf32, #tpu.memory_space<vmem>>, vector<16xf32>,
        %add3A_905 = arith.constant 4 : i32
        %add3A_906 = arith.addi %mul3A_563, %add3A_905 : i32
        %get3A_907 = arith.constant 0 : i32
        %get3A_908 = arith.constant 0 : i32
        %get3A_909 = tpu.memref_slice %arg7[%scan3A_151, %get3A_907, %get3A_908] : memref<2x272x128xf32, #tpu.memory_space<vmem>> -> memref<1x272x128xf32, #tpu.memory_space<vmem>>
        %get3A_910 = tpu.memref_squeeze %get3A_909 : memref<1x272x128xf32, #tpu.memory_space<vmem>> -> memref<272x128xf32, #tpu.memory_space<vmem>>
        %get3A_911 = arith.index_cast %add3A_906 : i32 to index
        %get3A_912 = arith.constant 0 : index
        %get3A_913 = tpu.vector_load %get3A_910[%get3A_911, %get3A_912] {strides = array<i32>} : memref<272x128xf32, #tpu.memory_space<vmem>>, vector<16xf32>,
        %mul3A_914 = arith.mulf %get3A_913, %get3A_569 : vector<16xf32>
        %add3A_915 = arith.constant 4 : i32
        %add3A_916 = arith.addi %mul3A_563, %add3A_915 : i32
        %get3A_917 = arith.constant 0 : i32
        %get3A_918 = arith.constant 0 : i32
        %get3A_919 = tpu.memref_slice %arg7[%scan3A_151, %get3A_917, %get3A_918] : memref<2x272x128xf32, #tpu.memory_space<vmem>> -> memref<1x272x128xf32, #tpu.memory_space<vmem>>
        %get3A_920 = tpu.memref_squeeze %get3A_919 : memref<1x272x128xf32, #tpu.memory_space<vmem>> -> memref<272x128xf32, #tpu.memory_space<vmem>>
        %get3A_921 = arith.index_cast %add3A_916 : i32 to index
        %get3A_922 = arith.constant 16 : index
        %get3A_923 = tpu.vector_load %get3A_920[%get3A_921, %get3A_922] {strides = array<i32>} : memref<272x128xf32, #tpu.memory_space<vmem>>, vector<16xf32>,
        %mul3A_924 = arith.mulf %get3A_923, %get3A_576 : vector<16xf32>
        %add3A_925 = arith.constant 4 : i32
        %add3A_926 = arith.addi %mul3A_563, %add3A_925 : i32
        %get3A_927 = arith.constant 0 : i32
        %get3A_928 = arith.constant 0 : i32
        %get3A_929 = tpu.memref_slice %arg7[%scan3A_151, %get3A_927, %get3A_928] : memref<2x272x128xf32, #tpu.memory_space<vmem>> -> memref<1x272x128xf32, #tpu.memory_space<vmem>>
        %get3A_930 = tpu.memref_squeeze %get3A_929 : memref<1x272x128xf32, #tpu.memory_space<vmem>> -> memref<272x128xf32, #tpu.memory_space<vmem>>
        %get3A_931 = arith.index_cast %add3A_926 : i32 to index
        %get3A_932 = arith.constant 32 : index
        %get3A_933 = tpu.vector_load %get3A_930[%get3A_931, %get3A_932] {strides = array<i32>} : memref<272x128xf32, #tpu.memory_space<vmem>>, vector<16xf32>,
        %mul3A_934 = arith.mulf %get3A_933, %get3A_583 : vector<16xf32>
        %add3A_935 = arith.addf %mul3A_914, %mul3A_934 : vector<16xf32>
        %add3A_936 = arith.constant 4 : i32
        %add3A_937 = arith.addi %mul3A_563, %add3A_936 : i32
        %get3A_938 = arith.constant 0 : i32
        %get3A_939 = arith.constant 0 : i32
        %get3A_940 = tpu.memref_slice %arg7[%scan3A_151, %get3A_938, %get3A_939] : memref<2x272x128xf32, #tpu.memory_space<vmem>> -> memref<1x272x128xf32, #tpu.memory_space<vmem>>
        %get3A_941 = tpu.memref_squeeze %get3A_940 : memref<1x272x128xf32, #tpu.memory_space<vmem>> -> memref<272x128xf32, #tpu.memory_space<vmem>>
        %get3A_942 = arith.index_cast %add3A_937 : i32 to index
        %get3A_943 = arith.constant 48 : index
        %get3A_944 = tpu.vector_load %get3A_941[%get3A_942, %get3A_943] {strides = array<i32>} : memref<272x128xf32, #tpu.memory_space<vmem>>, vector<16xf32>,
        %mul3A_945 = arith.mulf %get3A_944, %get3A_590 : vector<16xf32>
        %add3A_946 = arith.addf %mul3A_924, %mul3A_945 : vector<16xf32>
        %add3A_947 = arith.constant 4 : i32
        %add3A_948 = arith.addi %mul3A_563, %add3A_947 : i32
        %get3A_949 = arith.constant 0 : i32
        %get3A_950 = arith.constant 0 : i32
        %get3A_951 = tpu.memref_slice %arg7[%scan3A_151, %get3A_949, %get3A_950] : memref<2x272x128xf32, #tpu.memory_space<vmem>> -> memref<1x272x128xf32, #tpu.memory_space<vmem>>
        %get3A_952 = tpu.memref_squeeze %get3A_951 : memref<1x272x128xf32, #tpu.memory_space<vmem>> -> memref<272x128xf32, #tpu.memory_space<vmem>>
        %get3A_953 = arith.index_cast %add3A_948 : i32 to index
        %get3A_954 = arith.constant 64 : index
        %get3A_955 = tpu.vector_load %get3A_952[%get3A_953, %get3A_954] {strides = array<i32>} : memref<272x128xf32, #tpu.memory_space<vmem>>, vector<16xf32>,
        %mul3A_956 = arith.mulf %get3A_955, %get3A_597 : vector<16xf32>
        %add3A_957 = arith.addf %add3A_935, %mul3A_956 : vector<16xf32>
        %add3A_958 = arith.constant 4 : i32
        %add3A_959 = arith.addi %mul3A_563, %add3A_958 : i32
        %get3A_960 = arith.constant 0 : i32
        %get3A_961 = arith.constant 0 : i32
        %get3A_962 = tpu.memref_slice %arg7[%scan3A_151, %get3A_960, %get3A_961] : memref<2x272x128xf32, #tpu.memory_space<vmem>> -> memref<1x272x128xf32, #tpu.memory_space<vmem>>
        %get3A_963 = tpu.memref_squeeze %get3A_962 : memref<1x272x128xf32, #tpu.memory_space<vmem>> -> memref<272x128xf32, #tpu.memory_space<vmem>>
        %get3A_964 = arith.index_cast %add3A_959 : i32 to index
        %get3A_965 = arith.constant 80 : index
        %get3A_966 = tpu.vector_load %get3A_963[%get3A_964, %get3A_965] {strides = array<i32>} : memref<272x128xf32, #tpu.memory_space<vmem>>, vector<16xf32>,
        %mul3A_967 = arith.mulf %get3A_966, %get3A_604 : vector<16xf32>
        %add3A_968 = arith.addf %add3A_946, %mul3A_967 : vector<16xf32>
        %add3A_969 = arith.constant 4 : i32
        %add3A_970 = arith.addi %mul3A_563, %add3A_969 : i32
        %get3A_971 = arith.constant 0 : i32
        %get3A_972 = arith.constant 0 : i32
        %get3A_973 = tpu.memref_slice %arg7[%scan3A_151, %get3A_971, %get3A_972] : memref<2x272x128xf32, #tpu.memory_space<vmem>> -> memref<1x272x128xf32, #tpu.memory_space<vmem>>
        %get3A_974 = tpu.memref_squeeze %get3A_973 : memref<1x272x128xf32, #tpu.memory_space<vmem>> -> memref<272x128xf32, #tpu.memory_space<vmem>>
        %get3A_975 = arith.index_cast %add3A_970 : i32 to index
        %get3A_976 = arith.constant 96 : index
        %get3A_977 = tpu.vector_load %get3A_974[%get3A_975, %get3A_976] {strides = array<i32>} : memref<272x128xf32, #tpu.memory_space<vmem>>, vector<16xf32>,
        %mul3A_978 = arith.mulf %get3A_977, %get3A_611 : vector<16xf32>
        %add3A_979 = arith.addf %add3A_957, %mul3A_978 : vector<16xf32>
        %add3A_980 = arith.constant 4 : i32
        %add3A_981 = arith.addi %mul3A_563, %add3A_980 : i32
        %get3A_982 = arith.constant 0 : i32
        %get3A_983 = arith.constant 0 : i32
        %get3A_984 = tpu.memref_slice %arg7[%scan3A_151, %get3A_982, %get3A_983] : memref<2x272x128xf32, #tpu.memory_space<vmem>> -> memref<1x272x128xf32, #tpu.memory_space<vmem>>
        %get3A_985 = tpu.memref_squeeze %get3A_984 : memref<1x272x128xf32, #tpu.memory_space<vmem>> -> memref<272x128xf32, #tpu.memory_space<vmem>>
        %get3A_986 = arith.index_cast %add3A_981 : i32 to index
        %get3A_987 = arith.constant 112 : index
        %get3A_988 = tpu.vector_load %get3A_985[%get3A_986, %get3A_987] {strides = array<i32>} : memref<272x128xf32, #tpu.memory_space<vmem>>, vector<16xf32>,
        %mul3A_989 = arith.mulf %get3A_988, %get3A_618 : vector<16xf32>
        %add3A_990 = arith.addf %add3A_968, %mul3A_989 : vector<16xf32>
        %add3A_991 = arith.addf %add3A_979, %add3A_990 : vector<16xf32>
        %swap3A_992 = arith.constant 51 : index
        %swap3A_993 = tpu.vector_load %arg8[%swap3A_992] {strides = array<i32>} : memref<272xf32, #tpu.memory_space<vmem>>, vector<16xf32>,
        tpu.vector_store %arg8[%swap3A_992], %add3A_991 {strides = array<i32>} : memref<272xf32, #tpu.memory_space<vmem>>, vector<16xf32>,
        %add3A_994 = arith.constant 5 : i32
        %add3A_995 = arith.addi %mul3A_563, %add3A_994 : i32
        %get3A_996 = arith.constant 0 : i32
        %get3A_997 = arith.constant 0 : i32
        %get3A_998 = tpu.memref_slice %arg7[%scan3A_151, %get3A_996, %get3A_997] : memref<2x272x128xf32, #tpu.memory_space<vmem>> -> memref<1x272x128xf32, #tpu.memory_space<vmem>>
        %get3A_999 = tpu.memref_squeeze %get3A_998 : memref<1x272x128xf32, #tpu.memory_space<vmem>> -> memref<272x128xf32, #tpu.memory_space<vmem>>
        %get3A_1000 = arith.index_cast %add3A_995 : i32 to index
        %get3A_1001 = arith.constant 0 : index
        %get3A_1002 = tpu.vector_load %get3A_999[%get3A_1000, %get3A_1001] {strides = array<i32>} : memref<272x128xf32, #tpu.memory_space<vmem>>, vector<16xf32>,
        %mul3A_1003 = arith.mulf %get3A_1002, %get3A_569 : vector<16xf32>
        %add3A_1004 = arith.constant 5 : i32
        %add3A_1005 = arith.addi %mul3A_563, %add3A_1004 : i32
        %get3A_1006 = arith.constant 0 : i32
        %get3A_1007 = arith.constant 0 : i32
        %get3A_1008 = tpu.memref_slice %arg7[%scan3A_151, %get3A_1006, %get3A_1007] : memref<2x272x128xf32, #tpu.memory_space<vmem>> -> memref<1x272x128xf32, #tpu.memory_space<vmem>>
        %get3A_1009 = tpu.memref_squeeze %get3A_1008 : memref<1x272x128xf32, #tpu.memory_space<vmem>> -> memref<272x128xf32, #tpu.memory_space<vmem>>
        %get3A_1010 = arith.index_cast %add3A_1005 : i32 to index
        %get3A_1011 = arith.constant 16 : index
        %get3A_1012 = tpu.vector_load %get3A_1009[%get3A_1010, %get3A_1011] {strides = array<i32>} : memref<272x128xf32, #tpu.memory_space<vmem>>, vector<16xf32>,
        %mul3A_1013 = arith.mulf %get3A_1012, %get3A_576 : vector<16xf32>
        %add3A_1014 = arith.constant 5 : i32
        %add3A_1015 = arith.addi %mul3A_563, %add3A_1014 : i32
        %get3A_1016 = arith.constant 0 : i32
        %get3A_1017 = arith.constant 0 : i32
        %get3A_1018 = tpu.memref_slice %arg7[%scan3A_151, %get3A_1016, %get3A_1017] : memref<2x272x128xf32, #tpu.memory_space<vmem>> -> memref<1x272x128xf32, #tpu.memory_space<vmem>>
        %get3A_1019 = tpu.memref_squeeze %get3A_1018 : memref<1x272x128xf32, #tpu.memory_space<vmem>> -> memref<272x128xf32, #tpu.memory_space<vmem>>
        %get3A_1020 = arith.index_cast %add3A_1015 : i32 to index
        %get3A_1021 = arith.constant 32 : index
        %get3A_1022 = tpu.vector_load %get3A_1019[%get3A_1020, %get3A_1021] {strides = array<i32>} : memref<272x128xf32, #tpu.memory_space<vmem>>, vector<16xf32>,
        %mul3A_1023 = arith.mulf %get3A_1022, %get3A_583 : vector<16xf32>
        %add3A_1024 = arith.addf %mul3A_1003, %mul3A_1023 : vector<16xf32>
        %add3A_1025 = arith.constant 5 : i32
        %add3A_1026 = arith.addi %mul3A_563, %add3A_1025 : i32
        %get3A_1027 = arith.constant 0 : i32
        %get3A_1028 = arith.constant 0 : i32
        %get3A_1029 = tpu.memref_slice %arg7[%scan3A_151, %get3A_1027, %get3A_1028] : memref<2x272x128xf32, #tpu.memory_space<vmem>> -> memref<1x272x128xf32, #tpu.memory_space<vmem>>
        %get3A_1030 = tpu.memref_squeeze %get3A_1029 : memref<1x272x128xf32, #tpu.memory_space<vmem>> -> memref<272x128xf32, #tpu.memory_space<vmem>>
        %get3A_1031 = arith.index_cast %add3A_1026 : i32 to index
        %get3A_1032 = arith.constant 48 : index
        %get3A_1033 = tpu.vector_load %get3A_1030[%get3A_1031, %get3A_1032] {strides = array<i32>} : memref<272x128xf32, #tpu.memory_space<vmem>>, vector<16xf32>,
        %mul3A_1034 = arith.mulf %get3A_1033, %get3A_590 : vector<16xf32>
        %add3A_1035 = arith.addf %mul3A_1013, %mul3A_1034 : vector<16xf32>
        %add3A_1036 = arith.constant 5 : i32
        %add3A_1037 = arith.addi %mul3A_563, %add3A_1036 : i32
        %get3A_1038 = arith.constant 0 : i32
        %get3A_1039 = arith.constant 0 : i32
        %get3A_1040 = tpu.memref_slice %arg7[%scan3A_151, %get3A_1038, %get3A_1039] : memref<2x272x128xf32, #tpu.memory_space<vmem>> -> memref<1x272x128xf32, #tpu.memory_space<vmem>>
        %get3A_1041 = tpu.memref_squeeze %get3A_1040 : memref<1x272x128xf32, #tpu.memory_space<vmem>> -> memref<272x128xf32, #tpu.memory_space<vmem>>
        %get3A_1042 = arith.index_cast %add3A_1037 : i32 to index
        %get3A_1043 = arith.constant 64 : index
        %get3A_1044 = tpu.vector_load %get3A_1041[%get3A_1042, %get3A_1043] {strides = array<i32>} : memref<272x128xf32, #tpu.memory_space<vmem>>, vector<16xf32>,
        %mul3A_1045 = arith.mulf %get3A_1044, %get3A_597 : vector<16xf32>
        %add3A_1046 = arith.addf %add3A_1024, %mul3A_1045 : vector<16xf32>
        %add3A_1047 = arith.constant 5 : i32
        %add3A_1048 = arith.addi %mul3A_563, %add3A_1047 : i32
        %get3A_1049 = arith.constant 0 : i32
        %get3A_1050 = arith.constant 0 : i32
        %get3A_1051 = tpu.memref_slice %arg7[%scan3A_151, %get3A_1049, %get3A_1050] : memref<2x272x128xf32, #tpu.memory_space<vmem>> -> memref<1x272x128xf32, #tpu.memory_space<vmem>>
        %get3A_1052 = tpu.memref_squeeze %get3A_1051 : memref<1x272x128xf32, #tpu.memory_space<vmem>> -> memref<272x128xf32, #tpu.memory_space<vmem>>
        %get3A_1053 = arith.index_cast %add3A_1048 : i32 to index
        %get3A_1054 = arith.constant 80 : index
        %get3A_1055 = tpu.vector_load %get3A_1052[%get3A_1053, %get3A_1054] {strides = array<i32>} : memref<272x128xf32, #tpu.memory_space<vmem>>, vector<16xf32>,
        %mul3A_1056 = arith.mulf %get3A_1055, %get3A_604 : vector<16xf32>
        %add3A_1057 = arith.addf %add3A_1035, %mul3A_1056 : vector<16xf32>
        %add3A_1058 = arith.constant 5 : i32
        %add3A_1059 = arith.addi %mul3A_563, %add3A_1058 : i32
        %get3A_1060 = arith.constant 0 : i32
        %get3A_1061 = arith.constant 0 : i32
        %get3A_1062 = tpu.memref_slice %arg7[%scan3A_151, %get3A_1060, %get3A_1061] : memref<2x272x128xf32, #tpu.memory_space<vmem>> -> memref<1x272x128xf32, #tpu.memory_space<vmem>>
        %get3A_1063 = tpu.memref_squeeze %get3A_1062 : memref<1x272x128xf32, #tpu.memory_space<vmem>> -> memref<272x128xf32, #tpu.memory_space<vmem>>
        %get3A_1064 = arith.index_cast %add3A_1059 : i32 to index
        %get3A_1065 = arith.constant 96 : index
        %get3A_1066 = tpu.vector_load %get3A_1063[%get3A_1064, %get3A_1065] {strides = array<i32>} : memref<272x128xf32, #tpu.memory_space<vmem>>, vector<16xf32>,
        %mul3A_1067 = arith.mulf %get3A_1066, %get3A_611 : vector<16xf32>
        %add3A_1068 = arith.addf %add3A_1046, %mul3A_1067 : vector<16xf32>
        %add3A_1069 = arith.constant 5 : i32
        %add3A_1070 = arith.addi %mul3A_563, %add3A_1069 : i32
        %get3A_1071 = arith.constant 0 : i32
        %get3A_1072 = arith.constant 0 : i32
        %get3A_1073 = tpu.memref_slice %arg7[%scan3A_151, %get3A_1071, %get3A_1072] : memref<2x272x128xf32, #tpu.memory_space<vmem>> -> memref<1x272x128xf32, #tpu.memory_space<vmem>>
        %get3A_1074 = tpu.memref_squeeze %get3A_1073 : memref<1x272x128xf32, #tpu.memory_space<vmem>> -> memref<272x128xf32, #tpu.memory_space<vmem>>
        %get3A_1075 = arith.index_cast %add3A_1070 : i32 to index
        %get3A_1076 = arith.constant 112 : index
        %get3A_1077 = tpu.vector_load %get3A_1074[%get3A_1075, %get3A_1076] {strides = array<i32>} : memref<272x128xf32, #tpu.memory_space<vmem>>, vector<16xf32>,
        %mul3A_1078 = arith.mulf %get3A_1077, %get3A_618 : vector<16xf32>
        %add3A_1079 = arith.addf %add3A_1057, %mul3A_1078 : vector<16xf32>
        %add3A_1080 = arith.addf %add3A_1068, %add3A_1079 : vector<16xf32>
        %swap3A_1081 = arith.constant 68 : index
        %swap3A_1082 = tpu.vector_load %arg8[%swap3A_1081] {strides = array<i32>} : memref<272xf32, #tpu.memory_space<vmem>>, vector<16xf32>,
        tpu.vector_store %arg8[%swap3A_1081], %add3A_1080 {strides = array<i32>} : memref<272xf32, #tpu.memory_space<vmem>>, vector<16xf32>,
        %add3A_1083 = arith.constant 6 : i32
        %add3A_1084 = arith.addi %mul3A_563, %add3A_1083 : i32
        %get3A_1085 = arith.constant 0 : i32
        %get3A_1086 = arith.constant 0 : i32
        %get3A_1087 = tpu.memref_slice %arg7[%scan3A_151, %get3A_1085, %get3A_1086] : memref<2x272x128xf32, #tpu.memory_space<vmem>> -> memref<1x272x128xf32, #tpu.memory_space<vmem>>
        %get3A_1088 = tpu.memref_squeeze %get3A_1087 : memref<1x272x128xf32, #tpu.memory_space<vmem>> -> memref<272x128xf32, #tpu.memory_space<vmem>>
        %get3A_1089 = arith.index_cast %add3A_1084 : i32 to index
        %get3A_1090 = arith.constant 0 : index
        %get3A_1091 = tpu.vector_load %get3A_1088[%get3A_1089, %get3A_1090] {strides = array<i32>} : memref<272x128xf32, #tpu.memory_space<vmem>>, vector<16xf32>,
        %mul3A_1092 = arith.mulf %get3A_1091, %get3A_569 : vector<16xf32>
        %add3A_1093 = arith.constant 6 : i32
        %add3A_1094 = arith.addi %mul3A_563, %add3A_1093 : i32
        %get3A_1095 = arith.constant 0 : i32
        %get3A_1096 = arith.constant 0 : i32
        %get3A_1097 = tpu.memref_slice %arg7[%scan3A_151, %get3A_1095, %get3A_1096] : memref<2x272x128xf32, #tpu.memory_space<vmem>> -> memref<1x272x128xf32, #tpu.memory_space<vmem>>
        %get3A_1098 = tpu.memref_squeeze %get3A_1097 : memref<1x272x128xf32, #tpu.memory_space<vmem>> -> memref<272x128xf32, #tpu.memory_space<vmem>>
        %get3A_1099 = arith.index_cast %add3A_1094 : i32 to index
        %get3A_1100 = arith.constant 16 : index
        %get3A_1101 = tpu.vector_load %get3A_1098[%get3A_1099, %get3A_1100] {strides = array<i32>} : memref<272x128xf32, #tpu.memory_space<vmem>>, vector<16xf32>,
        %mul3A_1102 = arith.mulf %get3A_1101, %get3A_576 : vector<16xf32>
        %add3A_1103 = arith.constant 6 : i32
        %add3A_1104 = arith.addi %mul3A_563, %add3A_1103 : i32
        %get3A_1105 = arith.constant 0 : i32
        %get3A_1106 = arith.constant 0 : i32
        %get3A_1107 = tpu.memref_slice %arg7[%scan3A_151, %get3A_1105, %get3A_1106] : memref<2x272x128xf32, #tpu.memory_space<vmem>> -> memref<1x272x128xf32, #tpu.memory_space<vmem>>
        %get3A_1108 = tpu.memref_squeeze %get3A_1107 : memref<1x272x128xf32, #tpu.memory_space<vmem>> -> memref<272x128xf32, #tpu.memory_space<vmem>>
        %get3A_1109 = arith.index_cast %add3A_1104 : i32 to index
        %get3A_1110 = arith.constant 32 : index
        %get3A_1111 = tpu.vector_load %get3A_1108[%get3A_1109, %get3A_1110] {strides = array<i32>} : memref<272x128xf32, #tpu.memory_space<vmem>>, vector<16xf32>,
        %mul3A_1112 = arith.mulf %get3A_1111, %get3A_583 : vector<16xf32>
        %add3A_1113 = arith.addf %mul3A_1092, %mul3A_1112 : vector<16xf32>
        %add3A_1114 = arith.constant 6 : i32
        %add3A_1115 = arith.addi %mul3A_563, %add3A_1114 : i32
        %get3A_1116 = arith.constant 0 : i32
        %get3A_1117 = arith.constant 0 : i32
        %get3A_1118 = tpu.memref_slice %arg7[%scan3A_151, %get3A_1116, %get3A_1117] : memref<2x272x128xf32, #tpu.memory_space<vmem>> -> memref<1x272x128xf32, #tpu.memory_space<vmem>>
        %get3A_1119 = tpu.memref_squeeze %get3A_1118 : memref<1x272x128xf32, #tpu.memory_space<vmem>> -> memref<272x128xf32, #tpu.memory_space<vmem>>
        %get3A_1120 = arith.index_cast %add3A_1115 : i32 to index
        %get3A_1121 = arith.constant 48 : index
        %get3A_1122 = tpu.vector_load %get3A_1119[%get3A_1120, %get3A_1121] {strides = array<i32>} : memref<272x128xf32, #tpu.memory_space<vmem>>, vector<16xf32>,
        %mul3A_1123 = arith.mulf %get3A_1122, %get3A_590 : vector<16xf32>
        %add3A_1124 = arith.addf %mul3A_1102, %mul3A_1123 : vector<16xf32>
        %add3A_1125 = arith.constant 6 : i32
        %add3A_1126 = arith.addi %mul3A_563, %add3A_1125 : i32
        %get3A_1127 = arith.constant 0 : i32
        %get3A_1128 = arith.constant 0 : i32
        %get3A_1129 = tpu.memref_slice %arg7[%scan3A_151, %get3A_1127, %get3A_1128] : memref<2x272x128xf32, #tpu.memory_space<vmem>> -> memref<1x272x128xf32, #tpu.memory_space<vmem>>
        %get3A_1130 = tpu.memref_squeeze %get3A_1129 : memref<1x272x128xf32, #tpu.memory_space<vmem>> -> memref<272x128xf32, #tpu.memory_space<vmem>>
        %get3A_1131 = arith.index_cast %add3A_1126 : i32 to index
        %get3A_1132 = arith.constant 64 : index
        %get3A_1133 = tpu.vector_load %get3A_1130[%get3A_1131, %get3A_1132] {strides = array<i32>} : memref<272x128xf32, #tpu.memory_space<vmem>>, vector<16xf32>,
        %mul3A_1134 = arith.mulf %get3A_1133, %get3A_597 : vector<16xf32>
        %add3A_1135 = arith.addf %add3A_1113, %mul3A_1134 : vector<16xf32>
        %add3A_1136 = arith.constant 6 : i32
        %add3A_1137 = arith.addi %mul3A_563, %add3A_1136 : i32
        %get3A_1138 = arith.constant 0 : i32
        %get3A_1139 = arith.constant 0 : i32
        %get3A_1140 = tpu.memref_slice %arg7[%scan3A_151, %get3A_1138, %get3A_1139] : memref<2x272x128xf32, #tpu.memory_space<vmem>> -> memref<1x272x128xf32, #tpu.memory_space<vmem>>
        %get3A_1141 = tpu.memref_squeeze %get3A_1140 : memref<1x272x128xf32, #tpu.memory_space<vmem>> -> memref<272x128xf32, #tpu.memory_space<vmem>>
        %get3A_1142 = arith.index_cast %add3A_1137 : i32 to index
        %get3A_1143 = arith.constant 80 : index
        %get3A_1144 = tpu.vector_load %get3A_1141[%get3A_1142, %get3A_1143] {strides = array<i32>} : memref<272x128xf32, #tpu.memory_space<vmem>>, vector<16xf32>,
        %mul3A_1145 = arith.mulf %get3A_1144, %get3A_604 : vector<16xf32>
        %add3A_1146 = arith.addf %add3A_1124, %mul3A_1145 : vector<16xf32>
        %add3A_1147 = arith.constant 6 : i32
        %add3A_1148 = arith.addi %mul3A_563, %add3A_1147 : i32
        %get3A_1149 = arith.constant 0 : i32
        %get3A_1150 = arith.constant 0 : i32
        %get3A_1151 = tpu.memref_slice %arg7[%scan3A_151, %get3A_1149, %get3A_1150] : memref<2x272x128xf32, #tpu.memory_space<vmem>> -> memref<1x272x128xf32, #tpu.memory_space<vmem>>
        %get3A_1152 = tpu.memref_squeeze %get3A_1151 : memref<1x272x128xf32, #tpu.memory_space<vmem>> -> memref<272x128xf32, #tpu.memory_space<vmem>>
        %get3A_1153 = arith.index_cast %add3A_1148 : i32 to index
        %get3A_1154 = arith.constant 96 : index
        %get3A_1155 = tpu.vector_load %get3A_1152[%get3A_1153, %get3A_1154] {strides = array<i32>} : memref<272x128xf32, #tpu.memory_space<vmem>>, vector<16xf32>,
        %mul3A_1156 = arith.mulf %get3A_1155, %get3A_611 : vector<16xf32>
        %add3A_1157 = arith.addf %add3A_1135, %mul3A_1156 : vector<16xf32>
        %add3A_1158 = arith.constant 6 : i32
        %add3A_1159 = arith.addi %mul3A_563, %add3A_1158 : i32
        %get3A_1160 = arith.constant 0 : i32
        %get3A_1161 = arith.constant 0 : i32
        %get3A_1162 = tpu.memref_slice %arg7[%scan3A_151, %get3A_1160, %get3A_1161] : memref<2x272x128xf32, #tpu.memory_space<vmem>> -> memref<1x272x128xf32, #tpu.memory_space<vmem>>
        %get3A_1163 = tpu.memref_squeeze %get3A_1162 : memref<1x272x128xf32, #tpu.memory_space<vmem>> -> memref<272x128xf32, #tpu.memory_space<vmem>>
        %get3A_1164 = arith.index_cast %add3A_1159 : i32 to index
        %get3A_1165 = arith.constant 112 : index
        %get3A_1166 = tpu.vector_load %get3A_1163[%get3A_1164, %get3A_1165] {strides = array<i32>} : memref<272x128xf32, #tpu.memory_space<vmem>>, vector<16xf32>,
        %mul3A_1167 = arith.mulf %get3A_1166, %get3A_618 : vector<16xf32>
        %add3A_1168 = arith.addf %add3A_1146, %mul3A_1167 : vector<16xf32>
        %add3A_1169 = arith.addf %add3A_1157, %add3A_1168 : vector<16xf32>
        %swap3A_1170 = arith.constant 85 : index
        %swap3A_1171 = tpu.vector_load %arg8[%swap3A_1170] {strides = array<i32>} : memref<272xf32, #tpu.memory_space<vmem>>, vector<16xf32>,
        tpu.vector_store %arg8[%swap3A_1170], %add3A_1169 {strides = array<i32>} : memref<272xf32, #tpu.memory_space<vmem>>, vector<16xf32>,
        %add3A_1172 = arith.constant 7 : i32
        %add3A_1173 = arith.addi %mul3A_563, %add3A_1172 : i32
        %get3A_1174 = arith.constant 0 : i32
        %get3A_1175 = arith.constant 0 : i32
        %get3A_1176 = tpu.memref_slice %arg7[%scan3A_151, %get3A_1174, %get3A_1175] : memref<2x272x128xf32, #tpu.memory_space<vmem>> -> memref<1x272x128xf32, #tpu.memory_space<vmem>>
        %get3A_1177 = tpu.memref_squeeze %get3A_1176 : memref<1x272x128xf32, #tpu.memory_space<vmem>> -> memref<272x128xf32, #tpu.memory_space<vmem>>
        %get3A_1178 = arith.index_cast %add3A_1173 : i32 to index
        %get3A_1179 = arith.constant 0 : index
        %get3A_1180 = tpu.vector_load %get3A_1177[%get3A_1178, %get3A_1179] {strides = array<i32>} : memref<272x128xf32, #tpu.memory_space<vmem>>, vector<16xf32>,
        %mul3A_1181 = arith.mulf %get3A_1180, %get3A_569 : vector<16xf32>
        %add3A_1182 = arith.constant 7 : i32
        %add3A_1183 = arith.addi %mul3A_563, %add3A_1182 : i32
        %get3A_1184 = arith.constant 0 : i32
        %get3A_1185 = arith.constant 0 : i32
        %get3A_1186 = tpu.memref_slice %arg7[%scan3A_151, %get3A_1184, %get3A_1185] : memref<2x272x128xf32, #tpu.memory_space<vmem>> -> memref<1x272x128xf32, #tpu.memory_space<vmem>>
        %get3A_1187 = tpu.memref_squeeze %get3A_1186 : memref<1x272x128xf32, #tpu.memory_space<vmem>> -> memref<272x128xf32, #tpu.memory_space<vmem>>
        %get3A_1188 = arith.index_cast %add3A_1183 : i32 to index
        %get3A_1189 = arith.constant 16 : index
        %get3A_1190 = tpu.vector_load %get3A_1187[%get3A_1188, %get3A_1189] {strides = array<i32>} : memref<272x128xf32, #tpu.memory_space<vmem>>, vector<16xf32>,
        %mul3A_1191 = arith.mulf %get3A_1190, %get3A_576 : vector<16xf32>
        %add3A_1192 = arith.constant 7 : i32
        %add3A_1193 = arith.addi %mul3A_563, %add3A_1192 : i32
        %get3A_1194 = arith.constant 0 : i32
        %get3A_1195 = arith.constant 0 : i32
        %get3A_1196 = tpu.memref_slice %arg7[%scan3A_151, %get3A_1194, %get3A_1195] : memref<2x272x128xf32, #tpu.memory_space<vmem>> -> memref<1x272x128xf32, #tpu.memory_space<vmem>>
        %get3A_1197 = tpu.memref_squeeze %get3A_1196 : memref<1x272x128xf32, #tpu.memory_space<vmem>> -> memref<272x128xf32, #tpu.memory_space<vmem>>
        %get3A_1198 = arith.index_cast %add3A_1193 : i32 to index
        %get3A_1199 = arith.constant 32 : index
        %get3A_1200 = tpu.vector_load %get3A_1197[%get3A_1198, %get3A_1199] {strides = array<i32>} : memref<272x128xf32, #tpu.memory_space<vmem>>, vector<16xf32>,
        %mul3A_1201 = arith.mulf %get3A_1200, %get3A_583 : vector<16xf32>
        %add3A_1202 = arith.addf %mul3A_1181, %mul3A_1201 : vector<16xf32>
        %add3A_1203 = arith.constant 7 : i32
        %add3A_1204 = arith.addi %mul3A_563, %add3A_1203 : i32
        %get3A_1205 = arith.constant 0 : i32
        %get3A_1206 = arith.constant 0 : i32
        %get3A_1207 = tpu.memref_slice %arg7[%scan3A_151, %get3A_1205, %get3A_1206] : memref<2x272x128xf32, #tpu.memory_space<vmem>> -> memref<1x272x128xf32, #tpu.memory_space<vmem>>
        %get3A_1208 = tpu.memref_squeeze %get3A_1207 : memref<1x272x128xf32, #tpu.memory_space<vmem>> -> memref<272x128xf32, #tpu.memory_space<vmem>>
        %get3A_1209 = arith.index_cast %add3A_1204 : i32 to index
        %get3A_1210 = arith.constant 48 : index
        %get3A_1211 = tpu.vector_load %get3A_1208[%get3A_1209, %get3A_1210] {strides = array<i32>} : memref<272x128xf32, #tpu.memory_space<vmem>>, vector<16xf32>,
        %mul3A_1212 = arith.mulf %get3A_1211, %get3A_590 : vector<16xf32>
        %add3A_1213 = arith.addf %mul3A_1191, %mul3A_1212 : vector<16xf32>
        %add3A_1214 = arith.constant 7 : i32
        %add3A_1215 = arith.addi %mul3A_563, %add3A_1214 : i32
        %get3A_1216 = arith.constant 0 : i32
        %get3A_1217 = arith.constant 0 : i32
        %get3A_1218 = tpu.memref_slice %arg7[%scan3A_151, %get3A_1216, %get3A_1217] : memref<2x272x128xf32, #tpu.memory_space<vmem>> -> memref<1x272x128xf32, #tpu.memory_space<vmem>>
        %get3A_1219 = tpu.memref_squeeze %get3A_1218 : memref<1x272x128xf32, #tpu.memory_space<vmem>> -> memref<272x128xf32, #tpu.memory_space<vmem>>
        %get3A_1220 = arith.index_cast %add3A_1215 : i32 to index
        %get3A_1221 = arith.constant 64 : index
        %get3A_1222 = tpu.vector_load %get3A_1219[%get3A_1220, %get3A_1221] {strides = array<i32>} : memref<272x128xf32, #tpu.memory_space<vmem>>, vector<16xf32>,
        %mul3A_1223 = arith.mulf %get3A_1222, %get3A_597 : vector<16xf32>
        %add3A_1224 = arith.addf %add3A_1202, %mul3A_1223 : vector<16xf32>
        %add3A_1225 = arith.constant 7 : i32
        %add3A_1226 = arith.addi %mul3A_563, %add3A_1225 : i32
        %get3A_1227 = arith.constant 0 : i32
        %get3A_1228 = arith.constant 0 : i32
        %get3A_1229 = tpu.memref_slice %arg7[%scan3A_151, %get3A_1227, %get3A_1228] : memref<2x272x128xf32, #tpu.memory_space<vmem>> -> memref<1x272x128xf32, #tpu.memory_space<vmem>>
        %get3A_1230 = tpu.memref_squeeze %get3A_1229 : memref<1x272x128xf32, #tpu.memory_space<vmem>> -> memref<272x128xf32, #tpu.memory_space<vmem>>
        %get3A_1231 = arith.index_cast %add3A_1226 : i32 to index
        %get3A_1232 = arith.constant 80 : index
        %get3A_1233 = tpu.vector_load %get3A_1230[%get3A_1231, %get3A_1232] {strides = array<i32>} : memref<272x128xf32, #tpu.memory_space<vmem>>, vector<16xf32>,
        %mul3A_1234 = arith.mulf %get3A_1233, %get3A_604 : vector<16xf32>
        %add3A_1235 = arith.addf %add3A_1213, %mul3A_1234 : vector<16xf32>
        %add3A_1236 = arith.constant 7 : i32
        %add3A_1237 = arith.addi %mul3A_563, %add3A_1236 : i32
        %get3A_1238 = arith.constant 0 : i32
        %get3A_1239 = arith.constant 0 : i32
        %get3A_1240 = tpu.memref_slice %arg7[%scan3A_151, %get3A_1238, %get3A_1239] : memref<2x272x128xf32, #tpu.memory_space<vmem>> -> memref<1x272x128xf32, #tpu.memory_space<vmem>>
        %get3A_1241 = tpu.memref_squeeze %get3A_1240 : memref<1x272x128xf32, #tpu.memory_space<vmem>> -> memref<272x128xf32, #tpu.memory_space<vmem>>
        %get3A_1242 = arith.index_cast %add3A_1237 : i32 to index
        %get3A_1243 = arith.constant 96 : index
        %get3A_1244 = tpu.vector_load %get3A_1241[%get3A_1242, %get3A_1243] {strides = array<i32>} : memref<272x128xf32, #tpu.memory_space<vmem>>, vector<16xf32>,
        %mul3A_1245 = arith.mulf %get3A_1244, %get3A_611 : vector<16xf32>
        %add3A_1246 = arith.addf %add3A_1224, %mul3A_1245 : vector<16xf32>
        %add3A_1247 = arith.constant 7 : i32
        %add3A_1248 = arith.addi %mul3A_563, %add3A_1247 : i32
        %get3A_1249 = arith.constant 0 : i32
        %get3A_1250 = arith.constant 0 : i32
        %get3A_1251 = tpu.memref_slice %arg7[%scan3A_151, %get3A_1249, %get3A_1250] : memref<2x272x128xf32, #tpu.memory_space<vmem>> -> memref<1x272x128xf32, #tpu.memory_space<vmem>>
        %get3A_1252 = tpu.memref_squeeze %get3A_1251 : memref<1x272x128xf32, #tpu.memory_space<vmem>> -> memref<272x128xf32, #tpu.memory_space<vmem>>
        %get3A_1253 = arith.index_cast %add3A_1248 : i32 to index
        %get3A_1254 = arith.constant 112 : index
        %get3A_1255 = tpu.vector_load %get3A_1252[%get3A_1253, %get3A_1254] {strides = array<i32>} : memref<272x128xf32, #tpu.memory_space<vmem>>, vector<16xf32>,
        %mul3A_1256 = arith.mulf %get3A_1255, %get3A_618 : vector<16xf32>
        %add3A_1257 = arith.addf %add3A_1235, %mul3A_1256 : vector<16xf32>
        %add3A_1258 = arith.addf %add3A_1246, %add3A_1257 : vector<16xf32>
        %swap3A_1259 = arith.constant 102 : index
        %swap3A_1260 = tpu.vector_load %arg8[%swap3A_1259] {strides = array<i32>} : memref<272xf32, #tpu.memory_space<vmem>>, vector<16xf32>,
        tpu.vector_store %arg8[%swap3A_1259], %add3A_1258 {strides = array<i32>} : memref<272xf32, #tpu.memory_space<vmem>>, vector<16xf32>,
        %add3A_1261 = arith.constant 8 : i32
        %add3A_1262 = arith.addi %mul3A_563, %add3A_1261 : i32
        %get3A_1263 = arith.constant 0 : i32
        %get3A_1264 = arith.constant 0 : i32
        %get3A_1265 = tpu.memref_slice %arg7[%scan3A_151, %get3A_1263, %get3A_1264] : memref<2x272x128xf32, #tpu.memory_space<vmem>> -> memref<1x272x128xf32, #tpu.memory_space<vmem>>
        %get3A_1266 = tpu.memref_squeeze %get3A_1265 : memref<1x272x128xf32, #tpu.memory_space<vmem>> -> memref<272x128xf32, #tpu.memory_space<vmem>>
        %get3A_1267 = arith.index_cast %add3A_1262 : i32 to index
        %get3A_1268 = arith.constant 0 : index
        %get3A_1269 = tpu.vector_load %get3A_1266[%get3A_1267, %get3A_1268] {strides = array<i32>} : memref<272x128xf32, #tpu.memory_space<vmem>>, vector<16xf32>,
        %mul3A_1270 = arith.mulf %get3A_1269, %get3A_569 : vector<16xf32>
        %add3A_1271 = arith.constant 8 : i32
        %add3A_1272 = arith.addi %mul3A_563, %add3A_1271 : i32
        %get3A_1273 = arith.constant 0 : i32
        %get3A_1274 = arith.constant 0 : i32
        %get3A_1275 = tpu.memref_slice %arg7[%scan3A_151, %get3A_1273, %get3A_1274] : memref<2x272x128xf32, #tpu.memory_space<vmem>> -> memref<1x272x128xf32, #tpu.memory_space<vmem>>
        %get3A_1276 = tpu.memref_squeeze %get3A_1275 : memref<1x272x128xf32, #tpu.memory_space<vmem>> -> memref<272x128xf32, #tpu.memory_space<vmem>>
        %get3A_1277 = arith.index_cast %add3A_1272 : i32 to index
        %get3A_1278 = arith.constant 16 : index
        %get3A_1279 = tpu.vector_load %get3A_1276[%get3A_1277, %get3A_1278] {strides = array<i32>} : memref<272x128xf32, #tpu.memory_space<vmem>>, vector<16xf32>,
        %mul3A_1280 = arith.mulf %get3A_1279, %get3A_576 : vector<16xf32>
        %add3A_1281 = arith.constant 8 : i32
        %add3A_1282 = arith.addi %mul3A_563, %add3A_1281 : i32
        %get3A_1283 = arith.constant 0 : i32
        %get3A_1284 = arith.constant 0 : i32
        %get3A_1285 = tpu.memref_slice %arg7[%scan3A_151, %get3A_1283, %get3A_1284] : memref<2x272x128xf32, #tpu.memory_space<vmem>> -> memref<1x272x128xf32, #tpu.memory_space<vmem>>
        %get3A_1286 = tpu.memref_squeeze %get3A_1285 : memref<1x272x128xf32, #tpu.memory_space<vmem>> -> memref<272x128xf32, #tpu.memory_space<vmem>>
        %get3A_1287 = arith.index_cast %add3A_1282 : i32 to index
        %get3A_1288 = arith.constant 32 : index
        %get3A_1289 = tpu.vector_load %get3A_1286[%get3A_1287, %get3A_1288] {strides = array<i32>} : memref<272x128xf32, #tpu.memory_space<vmem>>, vector<16xf32>,
        %mul3A_1290 = arith.mulf %get3A_1289, %get3A_583 : vector<16xf32>
        %add3A_1291 = arith.addf %mul3A_1270, %mul3A_1290 : vector<16xf32>
        %add3A_1292 = arith.constant 8 : i32
        %add3A_1293 = arith.addi %mul3A_563, %add3A_1292 : i32
        %get3A_1294 = arith.constant 0 : i32
        %get3A_1295 = arith.constant 0 : i32
        %get3A_1296 = tpu.memref_slice %arg7[%scan3A_151, %get3A_1294, %get3A_1295] : memref<2x272x128xf32, #tpu.memory_space<vmem>> -> memref<1x272x128xf32, #tpu.memory_space<vmem>>
        %get3A_1297 = tpu.memref_squeeze %get3A_1296 : memref<1x272x128xf32, #tpu.memory_space<vmem>> -> memref<272x128xf32, #tpu.memory_space<vmem>>
        %get3A_1298 = arith.index_cast %add3A_1293 : i32 to index
        %get3A_1299 = arith.constant 48 : index
        %get3A_1300 = tpu.vector_load %get3A_1297[%get3A_1298, %get3A_1299] {strides = array<i32>} : memref<272x128xf32, #tpu.memory_space<vmem>>, vector<16xf32>,
        %mul3A_1301 = arith.mulf %get3A_1300, %get3A_590 : vector<16xf32>
        %add3A_1302 = arith.addf %mul3A_1280, %mul3A_1301 : vector<16xf32>
        %add3A_1303 = arith.constant 8 : i32
        %add3A_1304 = arith.addi %mul3A_563, %add3A_1303 : i32
        %get3A_1305 = arith.constant 0 : i32
        %get3A_1306 = arith.constant 0 : i32
        %get3A_1307 = tpu.memref_slice %arg7[%scan3A_151, %get3A_1305, %get3A_1306] : memref<2x272x128xf32, #tpu.memory_space<vmem>> -> memref<1x272x128xf32, #tpu.memory_space<vmem>>
        %get3A_1308 = tpu.memref_squeeze %get3A_1307 : memref<1x272x128xf32, #tpu.memory_space<vmem>> -> memref<272x128xf32, #tpu.memory_space<vmem>>
        %get3A_1309 = arith.index_cast %add3A_1304 : i32 to index
        %get3A_1310 = arith.constant 64 : index
        %get3A_1311 = tpu.vector_load %get3A_1308[%get3A_1309, %get3A_1310] {strides = array<i32>} : memref<272x128xf32, #tpu.memory_space<vmem>>, vector<16xf32>,
        %mul3A_1312 = arith.mulf %get3A_1311, %get3A_597 : vector<16xf32>
        %add3A_1313 = arith.addf %add3A_1291, %mul3A_1312 : vector<16xf32>
        %add3A_1314 = arith.constant 8 : i32
        %add3A_1315 = arith.addi %mul3A_563, %add3A_1314 : i32
        %get3A_1316 = arith.constant 0 : i32
        %get3A_1317 = arith.constant 0 : i32
        %get3A_1318 = tpu.memref_slice %arg7[%scan3A_151, %get3A_1316, %get3A_1317] : memref<2x272x128xf32, #tpu.memory_space<vmem>> -> memref<1x272x128xf32, #tpu.memory_space<vmem>>
        %get3A_1319 = tpu.memref_squeeze %get3A_1318 : memref<1x272x128xf32, #tpu.memory_space<vmem>> -> memref<272x128xf32, #tpu.memory_space<vmem>>
        %get3A_1320 = arith.index_cast %add3A_1315 : i32 to index
        %get3A_1321 = arith.constant 80 : index
        %get3A_1322 = tpu.vector_load %get3A_1319[%get3A_1320, %get3A_1321] {strides = array<i32>} : memref<272x128xf32, #tpu.memory_space<vmem>>, vector<16xf32>,
        %mul3A_1323 = arith.mulf %get3A_1322, %get3A_604 : vector<16xf32>
        %add3A_1324 = arith.addf %add3A_1302, %mul3A_1323 : vector<16xf32>
        %add3A_1325 = arith.constant 8 : i32
        %add3A_1326 = arith.addi %mul3A_563, %add3A_1325 : i32
        %get3A_1327 = arith.constant 0 : i32
        %get3A_1328 = arith.constant 0 : i32
        %get3A_1329 = tpu.memref_slice %arg7[%scan3A_151, %get3A_1327, %get3A_1328] : memref<2x272x128xf32, #tpu.memory_space<vmem>> -> memref<1x272x128xf32, #tpu.memory_space<vmem>>
        %get3A_1330 = tpu.memref_squeeze %get3A_1329 : memref<1x272x128xf32, #tpu.memory_space<vmem>> -> memref<272x128xf32, #tpu.memory_space<vmem>>
        %get3A_1331 = arith.index_cast %add3A_1326 : i32 to index
        %get3A_1332 = arith.constant 96 : index
        %get3A_1333 = tpu.vector_load %get3A_1330[%get3A_1331, %get3A_1332] {strides = array<i32>} : memref<272x128xf32, #tpu.memory_space<vmem>>, vector<16xf32>,
        %mul3A_1334 = arith.mulf %get3A_1333, %get3A_611 : vector<16xf32>
        %add3A_1335 = arith.addf %add3A_1313, %mul3A_1334 : vector<16xf32>
        %add3A_1336 = arith.constant 8 : i32
        %add3A_1337 = arith.addi %mul3A_563, %add3A_1336 : i32
        %get3A_1338 = arith.constant 0 : i32
        %get3A_1339 = arith.constant 0 : i32
        %get3A_1340 = tpu.memref_slice %arg7[%scan3A_151, %get3A_1338, %get3A_1339] : memref<2x272x128xf32, #tpu.memory_space<vmem>> -> memref<1x272x128xf32, #tpu.memory_space<vmem>>
        %get3A_1341 = tpu.memref_squeeze %get3A_1340 : memref<1x272x128xf32, #tpu.memory_space<vmem>> -> memref<272x128xf32, #tpu.memory_space<vmem>>
        %get3A_1342 = arith.index_cast %add3A_1337 : i32 to index
        %get3A_1343 = arith.constant 112 : index
        %get3A_1344 = tpu.vector_load %get3A_1341[%get3A_1342, %get3A_1343] {strides = array<i32>} : memref<272x128xf32, #tpu.memory_space<vmem>>, vector<16xf32>,
        %mul3A_1345 = arith.mulf %get3A_1344, %get3A_618 : vector<16xf32>
        %add3A_1346 = arith.addf %add3A_1324, %mul3A_1345 : vector<16xf32>
        %add3A_1347 = arith.addf %add3A_1335, %add3A_1346 : vector<16xf32>
        %swap3A_1348 = arith.constant 119 : index
        %swap3A_1349 = tpu.vector_load %arg8[%swap3A_1348] {strides = array<i32>} : memref<272xf32, #tpu.memory_space<vmem>>, vector<16xf32>,
        tpu.vector_store %arg8[%swap3A_1348], %add3A_1347 {strides = array<i32>} : memref<272xf32, #tpu.memory_space<vmem>>, vector<16xf32>,
        %add3A_1350 = arith.constant 9 : i32
        %add3A_1351 = arith.addi %mul3A_563, %add3A_1350 : i32
        %get3A_1352 = arith.constant 0 : i32
        %get3A_1353 = arith.constant 0 : i32
        %get3A_1354 = tpu.memref_slice %arg7[%scan3A_151, %get3A_1352, %get3A_1353] : memref<2x272x128xf32, #tpu.memory_space<vmem>> -> memref<1x272x128xf32, #tpu.memory_space<vmem>>
        %get3A_1355 = tpu.memref_squeeze %get3A_1354 : memref<1x272x128xf32, #tpu.memory_space<vmem>> -> memref<272x128xf32, #tpu.memory_space<vmem>>
        %get3A_1356 = arith.index_cast %add3A_1351 : i32 to index
        %get3A_1357 = arith.constant 0 : index
        %get3A_1358 = tpu.vector_load %get3A_1355[%get3A_1356, %get3A_1357] {strides = array<i32>} : memref<272x128xf32, #tpu.memory_space<vmem>>, vector<16xf32>,
        %mul3A_1359 = arith.mulf %get3A_1358, %get3A_569 : vector<16xf32>
        %add3A_1360 = arith.constant 9 : i32
        %add3A_1361 = arith.addi %mul3A_563, %add3A_1360 : i32
        %get3A_1362 = arith.constant 0 : i32
        %get3A_1363 = arith.constant 0 : i32
        %get3A_1364 = tpu.memref_slice %arg7[%scan3A_151, %get3A_1362, %get3A_1363] : memref<2x272x128xf32, #tpu.memory_space<vmem>> -> memref<1x272x128xf32, #tpu.memory_space<vmem>>
        %get3A_1365 = tpu.memref_squeeze %get3A_1364 : memref<1x272x128xf32, #tpu.memory_space<vmem>> -> memref<272x128xf32, #tpu.memory_space<vmem>>
        %get3A_1366 = arith.index_cast %add3A_1361 : i32 to index
        %get3A_1367 = arith.constant 16 : index
        %get3A_1368 = tpu.vector_load %get3A_1365[%get3A_1366, %get3A_1367] {strides = array<i32>} : memref<272x128xf32, #tpu.memory_space<vmem>>, vector<16xf32>,
        %mul3A_1369 = arith.mulf %get3A_1368, %get3A_576 : vector<16xf32>
        %add3A_1370 = arith.constant 9 : i32
        %add3A_1371 = arith.addi %mul3A_563, %add3A_1370 : i32
        %get3A_1372 = arith.constant 0 : i32
        %get3A_1373 = arith.constant 0 : i32
        %get3A_1374 = tpu.memref_slice %arg7[%scan3A_151, %get3A_1372, %get3A_1373] : memref<2x272x128xf32, #tpu.memory_space<vmem>> -> memref<1x272x128xf32, #tpu.memory_space<vmem>>
        %get3A_1375 = tpu.memref_squeeze %get3A_1374 : memref<1x272x128xf32, #tpu.memory_space<vmem>> -> memref<272x128xf32, #tpu.memory_space<vmem>>
        %get3A_1376 = arith.index_cast %add3A_1371 : i32 to index
        %get3A_1377 = arith.constant 32 : index
        %get3A_1378 = tpu.vector_load %get3A_1375[%get3A_1376, %get3A_1377] {strides = array<i32>} : memref<272x128xf32, #tpu.memory_space<vmem>>, vector<16xf32>,
        %mul3A_1379 = arith.mulf %get3A_1378, %get3A_583 : vector<16xf32>
        %add3A_1380 = arith.addf %mul3A_1359, %mul3A_1379 : vector<16xf32>
        %add3A_1381 = arith.constant 9 : i32
        %add3A_1382 = arith.addi %mul3A_563, %add3A_1381 : i32
        %get3A_1383 = arith.constant 0 : i32
        %get3A_1384 = arith.constant 0 : i32
        %get3A_1385 = tpu.memref_slice %arg7[%scan3A_151, %get3A_1383, %get3A_1384] : memref<2x272x128xf32, #tpu.memory_space<vmem>> -> memref<1x272x128xf32, #tpu.memory_space<vmem>>
        %get3A_1386 = tpu.memref_squeeze %get3A_1385 : memref<1x272x128xf32, #tpu.memory_space<vmem>> -> memref<272x128xf32, #tpu.memory_space<vmem>>
        %get3A_1387 = arith.index_cast %add3A_1382 : i32 to index
        %get3A_1388 = arith.constant 48 : index
        %get3A_1389 = tpu.vector_load %get3A_1386[%get3A_1387, %get3A_1388] {strides = array<i32>} : memref<272x128xf32, #tpu.memory_space<vmem>>, vector<16xf32>,
        %mul3A_1390 = arith.mulf %get3A_1389, %get3A_590 : vector<16xf32>
        %add3A_1391 = arith.addf %mul3A_1369, %mul3A_1390 : vector<16xf32>
        %add3A_1392 = arith.constant 9 : i32
        %add3A_1393 = arith.addi %mul3A_563, %add3A_1392 : i32
        %get3A_1394 = arith.constant 0 : i32
        %get3A_1395 = arith.constant 0 : i32
        %get3A_1396 = tpu.memref_slice %arg7[%scan3A_151, %get3A_1394, %get3A_1395] : memref<2x272x128xf32, #tpu.memory_space<vmem>> -> memref<1x272x128xf32, #tpu.memory_space<vmem>>
        %get3A_1397 = tpu.memref_squeeze %get3A_1396 : memref<1x272x128xf32, #tpu.memory_space<vmem>> -> memref<272x128xf32, #tpu.memory_space<vmem>>
        %get3A_1398 = arith.index_cast %add3A_1393 : i32 to index
        %get3A_1399 = arith.constant 64 : index
        %get3A_1400 = tpu.vector_load %get3A_1397[%get3A_1398, %get3A_1399] {strides = array<i32>} : memref<272x128xf32, #tpu.memory_space<vmem>>, vector<16xf32>,
        %mul3A_1401 = arith.mulf %get3A_1400, %get3A_597 : vector<16xf32>
        %add3A_1402 = arith.addf %add3A_1380, %mul3A_1401 : vector<16xf32>
        %add3A_1403 = arith.constant 9 : i32
        %add3A_1404 = arith.addi %mul3A_563, %add3A_1403 : i32
        %get3A_1405 = arith.constant 0 : i32
        %get3A_1406 = arith.constant 0 : i32
        %get3A_1407 = tpu.memref_slice %arg7[%scan3A_151, %get3A_1405, %get3A_1406] : memref<2x272x128xf32, #tpu.memory_space<vmem>> -> memref<1x272x128xf32, #tpu.memory_space<vmem>>
        %get3A_1408 = tpu.memref_squeeze %get3A_1407 : memref<1x272x128xf32, #tpu.memory_space<vmem>> -> memref<272x128xf32, #tpu.memory_space<vmem>>
        %get3A_1409 = arith.index_cast %add3A_1404 : i32 to index
        %get3A_1410 = arith.constant 80 : index
        %get3A_1411 = tpu.vector_load %get3A_1408[%get3A_1409, %get3A_1410] {strides = array<i32>} : memref<272x128xf32, #tpu.memory_space<vmem>>, vector<16xf32>,
        %mul3A_1412 = arith.mulf %get3A_1411, %get3A_604 : vector<16xf32>
        %add3A_1413 = arith.addf %add3A_1391, %mul3A_1412 : vector<16xf32>
        %add3A_1414 = arith.constant 9 : i32
        %add3A_1415 = arith.addi %mul3A_563, %add3A_1414 : i32
        %get3A_1416 = arith.constant 0 : i32
        %get3A_1417 = arith.constant 0 : i32
        %get3A_1418 = tpu.memref_slice %arg7[%scan3A_151, %get3A_1416, %get3A_1417] : memref<2x272x128xf32, #tpu.memory_space<vmem>> -> memref<1x272x128xf32, #tpu.memory_space<vmem>>
        %get3A_1419 = tpu.memref_squeeze %get3A_1418 : memref<1x272x128xf32, #tpu.memory_space<vmem>> -> memref<272x128xf32, #tpu.memory_space<vmem>>
        %get3A_1420 = arith.index_cast %add3A_1415 : i32 to index
        %get3A_1421 = arith.constant 96 : index
        %get3A_1422 = tpu.vector_load %get3A_1419[%get3A_1420, %get3A_1421] {strides = array<i32>} : memref<272x128xf32, #tpu.memory_space<vmem>>, vector<16xf32>,
        %mul3A_1423 = arith.mulf %get3A_1422, %get3A_611 : vector<16xf32>
        %add3A_1424 = arith.addf %add3A_1402, %mul3A_1423 : vector<16xf32>
        %add3A_1425 = arith.constant 9 : i32
        %add3A_1426 = arith.addi %mul3A_563, %add3A_1425 : i32
        %get3A_1427 = arith.constant 0 : i32
        %get3A_1428 = arith.constant 0 : i32
        %get3A_1429 = tpu.memref_slice %arg7[%scan3A_151, %get3A_1427, %get3A_1428] : memref<2x272x128xf32, #tpu.memory_space<vmem>> -> memref<1x272x128xf32, #tpu.memory_space<vmem>>
        %get3A_1430 = tpu.memref_squeeze %get3A_1429 : memref<1x272x128xf32, #tpu.memory_space<vmem>> -> memref<272x128xf32, #tpu.memory_space<vmem>>
        %get3A_1431 = arith.index_cast %add3A_1426 : i32 to index
        %get3A_1432 = arith.constant 112 : index
        %get3A_1433 = tpu.vector_load %get3A_1430[%get3A_1431, %get3A_1432] {strides = array<i32>} : memref<272x128xf32, #tpu.memory_space<vmem>>, vector<16xf32>,
        %mul3A_1434 = arith.mulf %get3A_1433, %get3A_618 : vector<16xf32>
        %add3A_1435 = arith.addf %add3A_1413, %mul3A_1434 : vector<16xf32>
        %add3A_1436 = arith.addf %add3A_1424, %add3A_1435 : vector<16xf32>
        %swap3A_1437 = arith.constant 136 : index
        %swap3A_1438 = tpu.vector_load %arg8[%swap3A_1437] {strides = array<i32>} : memref<272xf32, #tpu.memory_space<vmem>>, vector<16xf32>,
        tpu.vector_store %arg8[%swap3A_1437], %add3A_1436 {strides = array<i32>} : memref<272xf32, #tpu.memory_space<vmem>>, vector<16xf32>,
        %add3A_1439 = arith.constant 10 : i32
        %add3A_1440 = arith.addi %mul3A_563, %add3A_1439 : i32
        %get3A_1441 = arith.constant 0 : i32
        %get3A_1442 = arith.constant 0 : i32
        %get3A_1443 = tpu.memref_slice %arg7[%scan3A_151, %get3A_1441, %get3A_1442] : memref<2x272x128xf32, #tpu.memory_space<vmem>> -> memref<1x272x128xf32, #tpu.memory_space<vmem>>
        %get3A_1444 = tpu.memref_squeeze %get3A_1443 : memref<1x272x128xf32, #tpu.memory_space<vmem>> -> memref<272x128xf32, #tpu.memory_space<vmem>>
        %get3A_1445 = arith.index_cast %add3A_1440 : i32 to index
        %get3A_1446 = arith.constant 0 : index
        %get3A_1447 = tpu.vector_load %get3A_1444[%get3A_1445, %get3A_1446] {strides = array<i32>} : memref<272x128xf32, #tpu.memory_space<vmem>>, vector<16xf32>,
        %mul3A_1448 = arith.mulf %get3A_1447, %get3A_569 : vector<16xf32>
        %add3A_1449 = arith.constant 10 : i32
        %add3A_1450 = arith.addi %mul3A_563, %add3A_1449 : i32
        %get3A_1451 = arith.constant 0 : i32
        %get3A_1452 = arith.constant 0 : i32
        %get3A_1453 = tpu.memref_slice %arg7[%scan3A_151, %get3A_1451, %get3A_1452] : memref<2x272x128xf32, #tpu.memory_space<vmem>> -> memref<1x272x128xf32, #tpu.memory_space<vmem>>
        %get3A_1454 = tpu.memref_squeeze %get3A_1453 : memref<1x272x128xf32, #tpu.memory_space<vmem>> -> memref<272x128xf32, #tpu.memory_space<vmem>>
        %get3A_1455 = arith.index_cast %add3A_1450 : i32 to index
        %get3A_1456 = arith.constant 16 : index
        %get3A_1457 = tpu.vector_load %get3A_1454[%get3A_1455, %get3A_1456] {strides = array<i32>} : memref<272x128xf32, #tpu.memory_space<vmem>>, vector<16xf32>,
        %mul3A_1458 = arith.mulf %get3A_1457, %get3A_576 : vector<16xf32>
        %add3A_1459 = arith.constant 10 : i32
        %add3A_1460 = arith.addi %mul3A_563, %add3A_1459 : i32
        %get3A_1461 = arith.constant 0 : i32
        %get3A_1462 = arith.constant 0 : i32
        %get3A_1463 = tpu.memref_slice %arg7[%scan3A_151, %get3A_1461, %get3A_1462] : memref<2x272x128xf32, #tpu.memory_space<vmem>> -> memref<1x272x128xf32, #tpu.memory_space<vmem>>
        %get3A_1464 = tpu.memref_squeeze %get3A_1463 : memref<1x272x128xf32, #tpu.memory_space<vmem>> -> memref<272x128xf32, #tpu.memory_space<vmem>>
        %get3A_1465 = arith.index_cast %add3A_1460 : i32 to index
        %get3A_1466 = arith.constant 32 : index
        %get3A_1467 = tpu.vector_load %get3A_1464[%get3A_1465, %get3A_1466] {strides = array<i32>} : memref<272x128xf32, #tpu.memory_space<vmem>>, vector<16xf32>,
        %mul3A_1468 = arith.mulf %get3A_1467, %get3A_583 : vector<16xf32>
        %add3A_1469 = arith.addf %mul3A_1448, %mul3A_1468 : vector<16xf32>
        %add3A_1470 = arith.constant 10 : i32
        %add3A_1471 = arith.addi %mul3A_563, %add3A_1470 : i32
        %get3A_1472 = arith.constant 0 : i32
        %get3A_1473 = arith.constant 0 : i32
        %get3A_1474 = tpu.memref_slice %arg7[%scan3A_151, %get3A_1472, %get3A_1473] : memref<2x272x128xf32, #tpu.memory_space<vmem>> -> memref<1x272x128xf32, #tpu.memory_space<vmem>>
        %get3A_1475 = tpu.memref_squeeze %get3A_1474 : memref<1x272x128xf32, #tpu.memory_space<vmem>> -> memref<272x128xf32, #tpu.memory_space<vmem>>
        %get3A_1476 = arith.index_cast %add3A_1471 : i32 to index
        %get3A_1477 = arith.constant 48 : index
        %get3A_1478 = tpu.vector_load %get3A_1475[%get3A_1476, %get3A_1477] {strides = array<i32>} : memref<272x128xf32, #tpu.memory_space<vmem>>, vector<16xf32>,
        %mul3A_1479 = arith.mulf %get3A_1478, %get3A_590 : vector<16xf32>
        %add3A_1480 = arith.addf %mul3A_1458, %mul3A_1479 : vector<16xf32>
        %add3A_1481 = arith.constant 10 : i32
        %add3A_1482 = arith.addi %mul3A_563, %add3A_1481 : i32
        %get3A_1483 = arith.constant 0 : i32
        %get3A_1484 = arith.constant 0 : i32
        %get3A_1485 = tpu.memref_slice %arg7[%scan3A_151, %get3A_1483, %get3A_1484] : memref<2x272x128xf32, #tpu.memory_space<vmem>> -> memref<1x272x128xf32, #tpu.memory_space<vmem>>
        %get3A_1486 = tpu.memref_squeeze %get3A_1485 : memref<1x272x128xf32, #tpu.memory_space<vmem>> -> memref<272x128xf32, #tpu.memory_space<vmem>>
        %get3A_1487 = arith.index_cast %add3A_1482 : i32 to index
        %get3A_1488 = arith.constant 64 : index
        %get3A_1489 = tpu.vector_load %get3A_1486[%get3A_1487, %get3A_1488] {strides = array<i32>} : memref<272x128xf32, #tpu.memory_space<vmem>>, vector<16xf32>,
        %mul3A_1490 = arith.mulf %get3A_1489, %get3A_597 : vector<16xf32>
        %add3A_1491 = arith.addf %add3A_1469, %mul3A_1490 : vector<16xf32>
        %add3A_1492 = arith.constant 10 : i32
        %add3A_1493 = arith.addi %mul3A_563, %add3A_1492 : i32
        %get3A_1494 = arith.constant 0 : i32
        %get3A_1495 = arith.constant 0 : i32
        %get3A_1496 = tpu.memref_slice %arg7[%scan3A_151, %get3A_1494, %get3A_1495] : memref<2x272x128xf32, #tpu.memory_space<vmem>> -> memref<1x272x128xf32, #tpu.memory_space<vmem>>
        %get3A_1497 = tpu.memref_squeeze %get3A_1496 : memref<1x272x128xf32, #tpu.memory_space<vmem>> -> memref<272x128xf32, #tpu.memory_space<vmem>>
        %get3A_1498 = arith.index_cast %add3A_1493 : i32 to index
        %get3A_1499 = arith.constant 80 : index
        %get3A_1500 = tpu.vector_load %get3A_1497[%get3A_1498, %get3A_1499] {strides = array<i32>} : memref<272x128xf32, #tpu.memory_space<vmem>>, vector<16xf32>,
        %mul3A_1501 = arith.mulf %get3A_1500, %get3A_604 : vector<16xf32>
        %add3A_1502 = arith.addf %add3A_1480, %mul3A_1501 : vector<16xf32>
        %add3A_1503 = arith.constant 10 : i32
        %add3A_1504 = arith.addi %mul3A_563, %add3A_1503 : i32
        %get3A_1505 = arith.constant 0 : i32
        %get3A_1506 = arith.constant 0 : i32
        %get3A_1507 = tpu.memref_slice %arg7[%scan3A_151, %get3A_1505, %get3A_1506] : memref<2x272x128xf32, #tpu.memory_space<vmem>> -> memref<1x272x128xf32, #tpu.memory_space<vmem>>
        %get3A_1508 = tpu.memref_squeeze %get3A_1507 : memref<1x272x128xf32, #tpu.memory_space<vmem>> -> memref<272x128xf32, #tpu.memory_space<vmem>>
        %get3A_1509 = arith.index_cast %add3A_1504 : i32 to index
        %get3A_1510 = arith.constant 96 : index
        %get3A_1511 = tpu.vector_load %get3A_1508[%get3A_1509, %get3A_1510] {strides = array<i32>} : memref<272x128xf32, #tpu.memory_space<vmem>>, vector<16xf32>,
        %mul3A_1512 = arith.mulf %get3A_1511, %get3A_611 : vector<16xf32>
        %add3A_1513 = arith.addf %add3A_1491, %mul3A_1512 : vector<16xf32>
        %add3A_1514 = arith.constant 10 : i32
        %add3A_1515 = arith.addi %mul3A_563, %add3A_1514 : i32
        %get3A_1516 = arith.constant 0 : i32
        %get3A_1517 = arith.constant 0 : i32
        %get3A_1518 = tpu.memref_slice %arg7[%scan3A_151, %get3A_1516, %get3A_1517] : memref<2x272x128xf32, #tpu.memory_space<vmem>> -> memref<1x272x128xf32, #tpu.memory_space<vmem>>
        %get3A_1519 = tpu.memref_squeeze %get3A_1518 : memref<1x272x128xf32, #tpu.memory_space<vmem>> -> memref<272x128xf32, #tpu.memory_space<vmem>>
        %get3A_1520 = arith.index_cast %add3A_1515 : i32 to index
        %get3A_1521 = arith.constant 112 : index
        %get3A_1522 = tpu.vector_load %get3A_1519[%get3A_1520, %get3A_1521] {strides = array<i32>} : memref<272x128xf32, #tpu.memory_space<vmem>>, vector<16xf32>,
        %mul3A_1523 = arith.mulf %get3A_1522, %get3A_618 : vector<16xf32>
        %add3A_1524 = arith.addf %add3A_1502, %mul3A_1523 : vector<16xf32>
        %add3A_1525 = arith.addf %add3A_1513, %add3A_1524 : vector<16xf32>
        %swap3A_1526 = arith.constant 153 : index
        %swap3A_1527 = tpu.vector_load %arg8[%swap3A_1526] {strides = array<i32>} : memref<272xf32, #tpu.memory_space<vmem>>, vector<16xf32>,
        tpu.vector_store %arg8[%swap3A_1526], %add3A_1525 {strides = array<i32>} : memref<272xf32, #tpu.memory_space<vmem>>, vector<16xf32>,
        %add3A_1528 = arith.constant 11 : i32
        %add3A_1529 = arith.addi %mul3A_563, %add3A_1528 : i32
        %get3A_1530 = arith.constant 0 : i32
        %get3A_1531 = arith.constant 0 : i32
        %get3A_1532 = tpu.memref_slice %arg7[%scan3A_151, %get3A_1530, %get3A_1531] : memref<2x272x128xf32, #tpu.memory_space<vmem>> -> memref<1x272x128xf32, #tpu.memory_space<vmem>>
        %get3A_1533 = tpu.memref_squeeze %get3A_1532 : memref<1x272x128xf32, #tpu.memory_space<vmem>> -> memref<272x128xf32, #tpu.memory_space<vmem>>
        %get3A_1534 = arith.index_cast %add3A_1529 : i32 to index
        %get3A_1535 = arith.constant 0 : index
        %get3A_1536 = tpu.vector_load %get3A_1533[%get3A_1534, %get3A_1535] {strides = array<i32>} : memref<272x128xf32, #tpu.memory_space<vmem>>, vector<16xf32>,
        %mul3A_1537 = arith.mulf %get3A_1536, %get3A_569 : vector<16xf32>
        %add3A_1538 = arith.constant 11 : i32
        %add3A_1539 = arith.addi %mul3A_563, %add3A_1538 : i32
        %get3A_1540 = arith.constant 0 : i32
        %get3A_1541 = arith.constant 0 : i32
        %get3A_1542 = tpu.memref_slice %arg7[%scan3A_151, %get3A_1540, %get3A_1541] : memref<2x272x128xf32, #tpu.memory_space<vmem>> -> memref<1x272x128xf32, #tpu.memory_space<vmem>>
        %get3A_1543 = tpu.memref_squeeze %get3A_1542 : memref<1x272x128xf32, #tpu.memory_space<vmem>> -> memref<272x128xf32, #tpu.memory_space<vmem>>
        %get3A_1544 = arith.index_cast %add3A_1539 : i32 to index
        %get3A_1545 = arith.constant 16 : index
        %get3A_1546 = tpu.vector_load %get3A_1543[%get3A_1544, %get3A_1545] {strides = array<i32>} : memref<272x128xf32, #tpu.memory_space<vmem>>, vector<16xf32>,
        %mul3A_1547 = arith.mulf %get3A_1546, %get3A_576 : vector<16xf32>
        %add3A_1548 = arith.constant 11 : i32
        %add3A_1549 = arith.addi %mul3A_563, %add3A_1548 : i32
        %get3A_1550 = arith.constant 0 : i32
        %get3A_1551 = arith.constant 0 : i32
        %get3A_1552 = tpu.memref_slice %arg7[%scan3A_151, %get3A_1550, %get3A_1551] : memref<2x272x128xf32, #tpu.memory_space<vmem>> -> memref<1x272x128xf32, #tpu.memory_space<vmem>>
        %get3A_1553 = tpu.memref_squeeze %get3A_1552 : memref<1x272x128xf32, #tpu.memory_space<vmem>> -> memref<272x128xf32, #tpu.memory_space<vmem>>
        %get3A_1554 = arith.index_cast %add3A_1549 : i32 to index
        %get3A_1555 = arith.constant 32 : index
        %get3A_1556 = tpu.vector_load %get3A_1553[%get3A_1554, %get3A_1555] {strides = array<i32>} : memref<272x128xf32, #tpu.memory_space<vmem>>, vector<16xf32>,
        %mul3A_1557 = arith.mulf %get3A_1556, %get3A_583 : vector<16xf32>
        %add3A_1558 = arith.addf %mul3A_1537, %mul3A_1557 : vector<16xf32>
        %add3A_1559 = arith.constant 11 : i32
        %add3A_1560 = arith.addi %mul3A_563, %add3A_1559 : i32
        %get3A_1561 = arith.constant 0 : i32
        %get3A_1562 = arith.constant 0 : i32
        %get3A_1563 = tpu.memref_slice %arg7[%scan3A_151, %get3A_1561, %get3A_1562] : memref<2x272x128xf32, #tpu.memory_space<vmem>> -> memref<1x272x128xf32, #tpu.memory_space<vmem>>
        %get3A_1564 = tpu.memref_squeeze %get3A_1563 : memref<1x272x128xf32, #tpu.memory_space<vmem>> -> memref<272x128xf32, #tpu.memory_space<vmem>>
        %get3A_1565 = arith.index_cast %add3A_1560 : i32 to index
        %get3A_1566 = arith.constant 48 : index
        %get3A_1567 = tpu.vector_load %get3A_1564[%get3A_1565, %get3A_1566] {strides = array<i32>} : memref<272x128xf32, #tpu.memory_space<vmem>>, vector<16xf32>,
        %mul3A_1568 = arith.mulf %get3A_1567, %get3A_590 : vector<16xf32>
        %add3A_1569 = arith.addf %mul3A_1547, %mul3A_1568 : vector<16xf32>
        %add3A_1570 = arith.constant 11 : i32
        %add3A_1571 = arith.addi %mul3A_563, %add3A_1570 : i32
        %get3A_1572 = arith.constant 0 : i32
        %get3A_1573 = arith.constant 0 : i32
        %get3A_1574 = tpu.memref_slice %arg7[%scan3A_151, %get3A_1572, %get3A_1573] : memref<2x272x128xf32, #tpu.memory_space<vmem>> -> memref<1x272x128xf32, #tpu.memory_space<vmem>>
        %get3A_1575 = tpu.memref_squeeze %get3A_1574 : memref<1x272x128xf32, #tpu.memory_space<vmem>> -> memref<272x128xf32, #tpu.memory_space<vmem>>
        %get3A_1576 = arith.index_cast %add3A_1571 : i32 to index
        %get3A_1577 = arith.constant 64 : index
        %get3A_1578 = tpu.vector_load %get3A_1575[%get3A_1576, %get3A_1577] {strides = array<i32>} : memref<272x128xf32, #tpu.memory_space<vmem>>, vector<16xf32>,
        %mul3A_1579 = arith.mulf %get3A_1578, %get3A_597 : vector<16xf32>
        %add3A_1580 = arith.addf %add3A_1558, %mul3A_1579 : vector<16xf32>
        %add3A_1581 = arith.constant 11 : i32
        %add3A_1582 = arith.addi %mul3A_563, %add3A_1581 : i32
        %get3A_1583 = arith.constant 0 : i32
        %get3A_1584 = arith.constant 0 : i32
        %get3A_1585 = tpu.memref_slice %arg7[%scan3A_151, %get3A_1583, %get3A_1584] : memref<2x272x128xf32, #tpu.memory_space<vmem>> -> memref<1x272x128xf32, #tpu.memory_space<vmem>>
        %get3A_1586 = tpu.memref_squeeze %get3A_1585 : memref<1x272x128xf32, #tpu.memory_space<vmem>> -> memref<272x128xf32, #tpu.memory_space<vmem>>
        %get3A_1587 = arith.index_cast %add3A_1582 : i32 to index
        %get3A_1588 = arith.constant 80 : index
        %get3A_1589 = tpu.vector_load %get3A_1586[%get3A_1587, %get3A_1588] {strides = array<i32>} : memref<272x128xf32, #tpu.memory_space<vmem>>, vector<16xf32>,
        %mul3A_1590 = arith.mulf %get3A_1589, %get3A_604 : vector<16xf32>
        %add3A_1591 = arith.addf %add3A_1569, %mul3A_1590 : vector<16xf32>
        %add3A_1592 = arith.constant 11 : i32
        %add3A_1593 = arith.addi %mul3A_563, %add3A_1592 : i32
        %get3A_1594 = arith.constant 0 : i32
        %get3A_1595 = arith.constant 0 : i32
        %get3A_1596 = tpu.memref_slice %arg7[%scan3A_151, %get3A_1594, %get3A_1595] : memref<2x272x128xf32, #tpu.memory_space<vmem>> -> memref<1x272x128xf32, #tpu.memory_space<vmem>>
        %get3A_1597 = tpu.memref_squeeze %get3A_1596 : memref<1x272x128xf32, #tpu.memory_space<vmem>> -> memref<272x128xf32, #tpu.memory_space<vmem>>
        %get3A_1598 = arith.index_cast %add3A_1593 : i32 to index
        %get3A_1599 = arith.constant 96 : index
        %get3A_1600 = tpu.vector_load %get3A_1597[%get3A_1598, %get3A_1599] {strides = array<i32>} : memref<272x128xf32, #tpu.memory_space<vmem>>, vector<16xf32>,
        %mul3A_1601 = arith.mulf %get3A_1600, %get3A_611 : vector<16xf32>
        %add3A_1602 = arith.addf %add3A_1580, %mul3A_1601 : vector<16xf32>
        %add3A_1603 = arith.constant 11 : i32
        %add3A_1604 = arith.addi %mul3A_563, %add3A_1603 : i32
        %get3A_1605 = arith.constant 0 : i32
        %get3A_1606 = arith.constant 0 : i32
        %get3A_1607 = tpu.memref_slice %arg7[%scan3A_151, %get3A_1605, %get3A_1606] : memref<2x272x128xf32, #tpu.memory_space<vmem>> -> memref<1x272x128xf32, #tpu.memory_space<vmem>>
        %get3A_1608 = tpu.memref_squeeze %get3A_1607 : memref<1x272x128xf32, #tpu.memory_space<vmem>> -> memref<272x128xf32, #tpu.memory_space<vmem>>
        %get3A_1609 = arith.index_cast %add3A_1604 : i32 to index
        %get3A_1610 = arith.constant 112 : index
        %get3A_1611 = tpu.vector_load %get3A_1608[%get3A_1609, %get3A_1610] {strides = array<i32>} : memref<272x128xf32, #tpu.memory_space<vmem>>, vector<16xf32>,
        %mul3A_1612 = arith.mulf %get3A_1611, %get3A_618 : vector<16xf32>
        %add3A_1613 = arith.addf %add3A_1591, %mul3A_1612 : vector<16xf32>
        %add3A_1614 = arith.addf %add3A_1602, %add3A_1613 : vector<16xf32>
        %swap3A_1615 = arith.constant 170 : index
        %swap3A_1616 = tpu.vector_load %arg8[%swap3A_1615] {strides = array<i32>} : memref<272xf32, #tpu.memory_space<vmem>>, vector<16xf32>,
        tpu.vector_store %arg8[%swap3A_1615], %add3A_1614 {strides = array<i32>} : memref<272xf32, #tpu.memory_space<vmem>>, vector<16xf32>,
        %add3A_1617 = arith.constant 12 : i32
        %add3A_1618 = arith.addi %mul3A_563, %add3A_1617 : i32
        %get3A_1619 = arith.constant 0 : i32
        %get3A_1620 = arith.constant 0 : i32
        %get3A_1621 = tpu.memref_slice %arg7[%scan3A_151, %get3A_1619, %get3A_1620] : memref<2x272x128xf32, #tpu.memory_space<vmem>> -> memref<1x272x128xf32, #tpu.memory_space<vmem>>
        %get3A_1622 = tpu.memref_squeeze %get3A_1621 : memref<1x272x128xf32, #tpu.memory_space<vmem>> -> memref<272x128xf32, #tpu.memory_space<vmem>>
        %get3A_1623 = arith.index_cast %add3A_1618 : i32 to index
        %get3A_1624 = arith.constant 0 : index
        %get3A_1625 = tpu.vector_load %get3A_1622[%get3A_1623, %get3A_1624] {strides = array<i32>} : memref<272x128xf32, #tpu.memory_space<vmem>>, vector<16xf32>,
        %mul3A_1626 = arith.mulf %get3A_1625, %get3A_569 : vector<16xf32>
        %add3A_1627 = arith.constant 12 : i32
        %add3A_1628 = arith.addi %mul3A_563, %add3A_1627 : i32
        %get3A_1629 = arith.constant 0 : i32
        %get3A_1630 = arith.constant 0 : i32
        %get3A_1631 = tpu.memref_slice %arg7[%scan3A_151, %get3A_1629, %get3A_1630] : memref<2x272x128xf32, #tpu.memory_space<vmem>> -> memref<1x272x128xf32, #tpu.memory_space<vmem>>
        %get3A_1632 = tpu.memref_squeeze %get3A_1631 : memref<1x272x128xf32, #tpu.memory_space<vmem>> -> memref<272x128xf32, #tpu.memory_space<vmem>>
        %get3A_1633 = arith.index_cast %add3A_1628 : i32 to index
        %get3A_1634 = arith.constant 16 : index
        %get3A_1635 = tpu.vector_load %get3A_1632[%get3A_1633, %get3A_1634] {strides = array<i32>} : memref<272x128xf32, #tpu.memory_space<vmem>>, vector<16xf32>,
        %mul3A_1636 = arith.mulf %get3A_1635, %get3A_576 : vector<16xf32>
        %add3A_1637 = arith.constant 12 : i32
        %add3A_1638 = arith.addi %mul3A_563, %add3A_1637 : i32
        %get3A_1639 = arith.constant 0 : i32
        %get3A_1640 = arith.constant 0 : i32
        %get3A_1641 = tpu.memref_slice %arg7[%scan3A_151, %get3A_1639, %get3A_1640] : memref<2x272x128xf32, #tpu.memory_space<vmem>> -> memref<1x272x128xf32, #tpu.memory_space<vmem>>
        %get3A_1642 = tpu.memref_squeeze %get3A_1641 : memref<1x272x128xf32, #tpu.memory_space<vmem>> -> memref<272x128xf32, #tpu.memory_space<vmem>>
        %get3A_1643 = arith.index_cast %add3A_1638 : i32 to index
        %get3A_1644 = arith.constant 32 : index
        %get3A_1645 = tpu.vector_load %get3A_1642[%get3A_1643, %get3A_1644] {strides = array<i32>} : memref<272x128xf32, #tpu.memory_space<vmem>>, vector<16xf32>,
        %mul3A_1646 = arith.mulf %get3A_1645, %get3A_583 : vector<16xf32>
        %add3A_1647 = arith.addf %mul3A_1626, %mul3A_1646 : vector<16xf32>
        %add3A_1648 = arith.constant 12 : i32
        %add3A_1649 = arith.addi %mul3A_563, %add3A_1648 : i32
        %get3A_1650 = arith.constant 0 : i32
        %get3A_1651 = arith.constant 0 : i32
        %get3A_1652 = tpu.memref_slice %arg7[%scan3A_151, %get3A_1650, %get3A_1651] : memref<2x272x128xf32, #tpu.memory_space<vmem>> -> memref<1x272x128xf32, #tpu.memory_space<vmem>>
        %get3A_1653 = tpu.memref_squeeze %get3A_1652 : memref<1x272x128xf32, #tpu.memory_space<vmem>> -> memref<272x128xf32, #tpu.memory_space<vmem>>
        %get3A_1654 = arith.index_cast %add3A_1649 : i32 to index
        %get3A_1655 = arith.constant 48 : index
        %get3A_1656 = tpu.vector_load %get3A_1653[%get3A_1654, %get3A_1655] {strides = array<i32>} : memref<272x128xf32, #tpu.memory_space<vmem>>, vector<16xf32>,
        %mul3A_1657 = arith.mulf %get3A_1656, %get3A_590 : vector<16xf32>
        %add3A_1658 = arith.addf %mul3A_1636, %mul3A_1657 : vector<16xf32>
        %add3A_1659 = arith.constant 12 : i32
        %add3A_1660 = arith.addi %mul3A_563, %add3A_1659 : i32
        %get3A_1661 = arith.constant 0 : i32
        %get3A_1662 = arith.constant 0 : i32
        %get3A_1663 = tpu.memref_slice %arg7[%scan3A_151, %get3A_1661, %get3A_1662] : memref<2x272x128xf32, #tpu.memory_space<vmem>> -> memref<1x272x128xf32, #tpu.memory_space<vmem>>
        %get3A_1664 = tpu.memref_squeeze %get3A_1663 : memref<1x272x128xf32, #tpu.memory_space<vmem>> -> memref<272x128xf32, #tpu.memory_space<vmem>>
        %get3A_1665 = arith.index_cast %add3A_1660 : i32 to index
        %get3A_1666 = arith.constant 64 : index
        %get3A_1667 = tpu.vector_load %get3A_1664[%get3A_1665, %get3A_1666] {strides = array<i32>} : memref<272x128xf32, #tpu.memory_space<vmem>>, vector<16xf32>,
        %mul3A_1668 = arith.mulf %get3A_1667, %get3A_597 : vector<16xf32>
        %add3A_1669 = arith.addf %add3A_1647, %mul3A_1668 : vector<16xf32>
        %add3A_1670 = arith.constant 12 : i32
        %add3A_1671 = arith.addi %mul3A_563, %add3A_1670 : i32
        %get3A_1672 = arith.constant 0 : i32
        %get3A_1673 = arith.constant 0 : i32
        %get3A_1674 = tpu.memref_slice %arg7[%scan3A_151, %get3A_1672, %get3A_1673] : memref<2x272x128xf32, #tpu.memory_space<vmem>> -> memref<1x272x128xf32, #tpu.memory_space<vmem>>
        %get3A_1675 = tpu.memref_squeeze %get3A_1674 : memref<1x272x128xf32, #tpu.memory_space<vmem>> -> memref<272x128xf32, #tpu.memory_space<vmem>>
        %get3A_1676 = arith.index_cast %add3A_1671 : i32 to index
        %get3A_1677 = arith.constant 80 : index
        %get3A_1678 = tpu.vector_load %get3A_1675[%get3A_1676, %get3A_1677] {strides = array<i32>} : memref<272x128xf32, #tpu.memory_space<vmem>>, vector<16xf32>,
        %mul3A_1679 = arith.mulf %get3A_1678, %get3A_604 : vector<16xf32>
        %add3A_1680 = arith.addf %add3A_1658, %mul3A_1679 : vector<16xf32>
        %add3A_1681 = arith.constant 12 : i32
        %add3A_1682 = arith.addi %mul3A_563, %add3A_1681 : i32
        %get3A_1683 = arith.constant 0 : i32
        %get3A_1684 = arith.constant 0 : i32
        %get3A_1685 = tpu.memref_slice %arg7[%scan3A_151, %get3A_1683, %get3A_1684] : memref<2x272x128xf32, #tpu.memory_space<vmem>> -> memref<1x272x128xf32, #tpu.memory_space<vmem>>
        %get3A_1686 = tpu.memref_squeeze %get3A_1685 : memref<1x272x128xf32, #tpu.memory_space<vmem>> -> memref<272x128xf32, #tpu.memory_space<vmem>>
        %get3A_1687 = arith.index_cast %add3A_1682 : i32 to index
        %get3A_1688 = arith.constant 96 : index
        %get3A_1689 = tpu.vector_load %get3A_1686[%get3A_1687, %get3A_1688] {strides = array<i32>} : memref<272x128xf32, #tpu.memory_space<vmem>>, vector<16xf32>,
        %mul3A_1690 = arith.mulf %get3A_1689, %get3A_611 : vector<16xf32>
        %add3A_1691 = arith.addf %add3A_1669, %mul3A_1690 : vector<16xf32>
        %add3A_1692 = arith.constant 12 : i32
        %add3A_1693 = arith.addi %mul3A_563, %add3A_1692 : i32
        %get3A_1694 = arith.constant 0 : i32
        %get3A_1695 = arith.constant 0 : i32
        %get3A_1696 = tpu.memref_slice %arg7[%scan3A_151, %get3A_1694, %get3A_1695] : memref<2x272x128xf32, #tpu.memory_space<vmem>> -> memref<1x272x128xf32, #tpu.memory_space<vmem>>
        %get3A_1697 = tpu.memref_squeeze %get3A_1696 : memref<1x272x128xf32, #tpu.memory_space<vmem>> -> memref<272x128xf32, #tpu.memory_space<vmem>>
        %get3A_1698 = arith.index_cast %add3A_1693 : i32 to index
        %get3A_1699 = arith.constant 112 : index
        %get3A_1700 = tpu.vector_load %get3A_1697[%get3A_1698, %get3A_1699] {strides = array<i32>} : memref<272x128xf32, #tpu.memory_space<vmem>>, vector<16xf32>,
        %mul3A_1701 = arith.mulf %get3A_1700, %get3A_618 : vector<16xf32>
        %add3A_1702 = arith.addf %add3A_1680, %mul3A_1701 : vector<16xf32>
        %add3A_1703 = arith.addf %add3A_1691, %add3A_1702 : vector<16xf32>
        %swap3A_1704 = arith.constant 187 : index
        %swap3A_1705 = tpu.vector_load %arg8[%swap3A_1704] {strides = array<i32>} : memref<272xf32, #tpu.memory_space<vmem>>, vector<16xf32>,
        tpu.vector_store %arg8[%swap3A_1704], %add3A_1703 {strides = array<i32>} : memref<272xf32, #tpu.memory_space<vmem>>, vector<16xf32>,
        %add3A_1706 = arith.constant 13 : i32
        %add3A_1707 = arith.addi %mul3A_563, %add3A_1706 : i32
        %get3A_1708 = arith.constant 0 : i32
        %get3A_1709 = arith.constant 0 : i32
        %get3A_1710 = tpu.memref_slice %arg7[%scan3A_151, %get3A_1708, %get3A_1709] : memref<2x272x128xf32, #tpu.memory_space<vmem>> -> memref<1x272x128xf32, #tpu.memory_space<vmem>>
        %get3A_1711 = tpu.memref_squeeze %get3A_1710 : memref<1x272x128xf32, #tpu.memory_space<vmem>> -> memref<272x128xf32, #tpu.memory_space<vmem>>
        %get3A_1712 = arith.index_cast %add3A_1707 : i32 to index
        %get3A_1713 = arith.constant 0 : index
        %get3A_1714 = tpu.vector_load %get3A_1711[%get3A_1712, %get3A_1713] {strides = array<i32>} : memref<272x128xf32, #tpu.memory_space<vmem>>, vector<16xf32>,
        %mul3A_1715 = arith.mulf %get3A_1714, %get3A_569 : vector<16xf32>
        %add3A_1716 = arith.constant 13 : i32
        %add3A_1717 = arith.addi %mul3A_563, %add3A_1716 : i32
        %get3A_1718 = arith.constant 0 : i32
        %get3A_1719 = arith.constant 0 : i32
        %get3A_1720 = tpu.memref_slice %arg7[%scan3A_151, %get3A_1718, %get3A_1719] : memref<2x272x128xf32, #tpu.memory_space<vmem>> -> memref<1x272x128xf32, #tpu.memory_space<vmem>>
        %get3A_1721 = tpu.memref_squeeze %get3A_1720 : memref<1x272x128xf32, #tpu.memory_space<vmem>> -> memref<272x128xf32, #tpu.memory_space<vmem>>
        %get3A_1722 = arith.index_cast %add3A_1717 : i32 to index
        %get3A_1723 = arith.constant 16 : index
        %get3A_1724 = tpu.vector_load %get3A_1721[%get3A_1722, %get3A_1723] {strides = array<i32>} : memref<272x128xf32, #tpu.memory_space<vmem>>, vector<16xf32>,
        %mul3A_1725 = arith.mulf %get3A_1724, %get3A_576 : vector<16xf32>
        %add3A_1726 = arith.constant 13 : i32
        %add3A_1727 = arith.addi %mul3A_563, %add3A_1726 : i32
        %get3A_1728 = arith.constant 0 : i32
        %get3A_1729 = arith.constant 0 : i32
        %get3A_1730 = tpu.memref_slice %arg7[%scan3A_151, %get3A_1728, %get3A_1729] : memref<2x272x128xf32, #tpu.memory_space<vmem>> -> memref<1x272x128xf32, #tpu.memory_space<vmem>>
        %get3A_1731 = tpu.memref_squeeze %get3A_1730 : memref<1x272x128xf32, #tpu.memory_space<vmem>> -> memref<272x128xf32, #tpu.memory_space<vmem>>
        %get3A_1732 = arith.index_cast %add3A_1727 : i32 to index
        %get3A_1733 = arith.constant 32 : index
        %get3A_1734 = tpu.vector_load %get3A_1731[%get3A_1732, %get3A_1733] {strides = array<i32>} : memref<272x128xf32, #tpu.memory_space<vmem>>, vector<16xf32>,
        %mul3A_1735 = arith.mulf %get3A_1734, %get3A_583 : vector<16xf32>
        %add3A_1736 = arith.addf %mul3A_1715, %mul3A_1735 : vector<16xf32>
        %add3A_1737 = arith.constant 13 : i32
        %add3A_1738 = arith.addi %mul3A_563, %add3A_1737 : i32
        %get3A_1739 = arith.constant 0 : i32
        %get3A_1740 = arith.constant 0 : i32
        %get3A_1741 = tpu.memref_slice %arg7[%scan3A_151, %get3A_1739, %get3A_1740] : memref<2x272x128xf32, #tpu.memory_space<vmem>> -> memref<1x272x128xf32, #tpu.memory_space<vmem>>
        %get3A_1742 = tpu.memref_squeeze %get3A_1741 : memref<1x272x128xf32, #tpu.memory_space<vmem>> -> memref<272x128xf32, #tpu.memory_space<vmem>>
        %get3A_1743 = arith.index_cast %add3A_1738 : i32 to index
        %get3A_1744 = arith.constant 48 : index
        %get3A_1745 = tpu.vector_load %get3A_1742[%get3A_1743, %get3A_1744] {strides = array<i32>} : memref<272x128xf32, #tpu.memory_space<vmem>>, vector<16xf32>,
        %mul3A_1746 = arith.mulf %get3A_1745, %get3A_590 : vector<16xf32>
        %add3A_1747 = arith.addf %mul3A_1725, %mul3A_1746 : vector<16xf32>
        %add3A_1748 = arith.constant 13 : i32
        %add3A_1749 = arith.addi %mul3A_563, %add3A_1748 : i32
        %get3A_1750 = arith.constant 0 : i32
        %get3A_1751 = arith.constant 0 : i32
        %get3A_1752 = tpu.memref_slice %arg7[%scan3A_151, %get3A_1750, %get3A_1751] : memref<2x272x128xf32, #tpu.memory_space<vmem>> -> memref<1x272x128xf32, #tpu.memory_space<vmem>>
        %get3A_1753 = tpu.memref_squeeze %get3A_1752 : memref<1x272x128xf32, #tpu.memory_space<vmem>> -> memref<272x128xf32, #tpu.memory_space<vmem>>
        %get3A_1754 = arith.index_cast %add3A_1749 : i32 to index
        %get3A_1755 = arith.constant 64 : index
        %get3A_1756 = tpu.vector_load %get3A_1753[%get3A_1754, %get3A_1755] {strides = array<i32>} : memref<272x128xf32, #tpu.memory_space<vmem>>, vector<16xf32>,
        %mul3A_1757 = arith.mulf %get3A_1756, %get3A_597 : vector<16xf32>
        %add3A_1758 = arith.addf %add3A_1736, %mul3A_1757 : vector<16xf32>
        %add3A_1759 = arith.constant 13 : i32
        %add3A_1760 = arith.addi %mul3A_563, %add3A_1759 : i32
        %get3A_1761 = arith.constant 0 : i32
        %get3A_1762 = arith.constant 0 : i32
        %get3A_1763 = tpu.memref_slice %arg7[%scan3A_151, %get3A_1761, %get3A_1762] : memref<2x272x128xf32, #tpu.memory_space<vmem>> -> memref<1x272x128xf32, #tpu.memory_space<vmem>>
        %get3A_1764 = tpu.memref_squeeze %get3A_1763 : memref<1x272x128xf32, #tpu.memory_space<vmem>> -> memref<272x128xf32, #tpu.memory_space<vmem>>
        %get3A_1765 = arith.index_cast %add3A_1760 : i32 to index
        %get3A_1766 = arith.constant 80 : index
        %get3A_1767 = tpu.vector_load %get3A_1764[%get3A_1765, %get3A_1766] {strides = array<i32>} : memref<272x128xf32, #tpu.memory_space<vmem>>, vector<16xf32>,
        %mul3A_1768 = arith.mulf %get3A_1767, %get3A_604 : vector<16xf32>
        %add3A_1769 = arith.addf %add3A_1747, %mul3A_1768 : vector<16xf32>
        %add3A_1770 = arith.constant 13 : i32
        %add3A_1771 = arith.addi %mul3A_563, %add3A_1770 : i32
        %get3A_1772 = arith.constant 0 : i32
        %get3A_1773 = arith.constant 0 : i32
        %get3A_1774 = tpu.memref_slice %arg7[%scan3A_151, %get3A_1772, %get3A_1773] : memref<2x272x128xf32, #tpu.memory_space<vmem>> -> memref<1x272x128xf32, #tpu.memory_space<vmem>>
        %get3A_1775 = tpu.memref_squeeze %get3A_1774 : memref<1x272x128xf32, #tpu.memory_space<vmem>> -> memref<272x128xf32, #tpu.memory_space<vmem>>
        %get3A_1776 = arith.index_cast %add3A_1771 : i32 to index
        %get3A_1777 = arith.constant 96 : index
        %get3A_1778 = tpu.vector_load %get3A_1775[%get3A_1776, %get3A_1777] {strides = array<i32>} : memref<272x128xf32, #tpu.memory_space<vmem>>, vector<16xf32>,
        %mul3A_1779 = arith.mulf %get3A_1778, %get3A_611 : vector<16xf32>
        %add3A_1780 = arith.addf %add3A_1758, %mul3A_1779 : vector<16xf32>
        %add3A_1781 = arith.constant 13 : i32
        %add3A_1782 = arith.addi %mul3A_563, %add3A_1781 : i32
        %get3A_1783 = arith.constant 0 : i32
        %get3A_1784 = arith.constant 0 : i32
        %get3A_1785 = tpu.memref_slice %arg7[%scan3A_151, %get3A_1783, %get3A_1784] : memref<2x272x128xf32, #tpu.memory_space<vmem>> -> memref<1x272x128xf32, #tpu.memory_space<vmem>>
        %get3A_1786 = tpu.memref_squeeze %get3A_1785 : memref<1x272x128xf32, #tpu.memory_space<vmem>> -> memref<272x128xf32, #tpu.memory_space<vmem>>
        %get3A_1787 = arith.index_cast %add3A_1782 : i32 to index
        %get3A_1788 = arith.constant 112 : index
        %get3A_1789 = tpu.vector_load %get3A_1786[%get3A_1787, %get3A_1788] {strides = array<i32>} : memref<272x128xf32, #tpu.memory_space<vmem>>, vector<16xf32>,
        %mul3A_1790 = arith.mulf %get3A_1789, %get3A_618 : vector<16xf32>
        %add3A_1791 = arith.addf %add3A_1769, %mul3A_1790 : vector<16xf32>
        %add3A_1792 = arith.addf %add3A_1780, %add3A_1791 : vector<16xf32>
        %swap3A_1793 = arith.constant 204 : index
        %swap3A_1794 = tpu.vector_load %arg8[%swap3A_1793] {strides = array<i32>} : memref<272xf32, #tpu.memory_space<vmem>>, vector<16xf32>,
        tpu.vector_store %arg8[%swap3A_1793], %add3A_1792 {strides = array<i32>} : memref<272xf32, #tpu.memory_space<vmem>>, vector<16xf32>,
        %add3A_1795 = arith.constant 14 : i32
        %add3A_1796 = arith.addi %mul3A_563, %add3A_1795 : i32
        %get3A_1797 = arith.constant 0 : i32
        %get3A_1798 = arith.constant 0 : i32
        %get3A_1799 = tpu.memref_slice %arg7[%scan3A_151, %get3A_1797, %get3A_1798] : memref<2x272x128xf32, #tpu.memory_space<vmem>> -> memref<1x272x128xf32, #tpu.memory_space<vmem>>
        %get3A_1800 = tpu.memref_squeeze %get3A_1799 : memref<1x272x128xf32, #tpu.memory_space<vmem>> -> memref<272x128xf32, #tpu.memory_space<vmem>>
        %get3A_1801 = arith.index_cast %add3A_1796 : i32 to index
        %get3A_1802 = arith.constant 0 : index
        %get3A_1803 = tpu.vector_load %get3A_1800[%get3A_1801, %get3A_1802] {strides = array<i32>} : memref<272x128xf32, #tpu.memory_space<vmem>>, vector<16xf32>,
        %mul3A_1804 = arith.mulf %get3A_1803, %get3A_569 : vector<16xf32>
        %add3A_1805 = arith.constant 14 : i32
        %add3A_1806 = arith.addi %mul3A_563, %add3A_1805 : i32
        %get3A_1807 = arith.constant 0 : i32
        %get3A_1808 = arith.constant 0 : i32
        %get3A_1809 = tpu.memref_slice %arg7[%scan3A_151, %get3A_1807, %get3A_1808] : memref<2x272x128xf32, #tpu.memory_space<vmem>> -> memref<1x272x128xf32, #tpu.memory_space<vmem>>
        %get3A_1810 = tpu.memref_squeeze %get3A_1809 : memref<1x272x128xf32, #tpu.memory_space<vmem>> -> memref<272x128xf32, #tpu.memory_space<vmem>>
        %get3A_1811 = arith.index_cast %add3A_1806 : i32 to index
        %get3A_1812 = arith.constant 16 : index
        %get3A_1813 = tpu.vector_load %get3A_1810[%get3A_1811, %get3A_1812] {strides = array<i32>} : memref<272x128xf32, #tpu.memory_space<vmem>>, vector<16xf32>,
        %mul3A_1814 = arith.mulf %get3A_1813, %get3A_576 : vector<16xf32>
        %add3A_1815 = arith.constant 14 : i32
        %add3A_1816 = arith.addi %mul3A_563, %add3A_1815 : i32
        %get3A_1817 = arith.constant 0 : i32
        %get3A_1818 = arith.constant 0 : i32
        %get3A_1819 = tpu.memref_slice %arg7[%scan3A_151, %get3A_1817, %get3A_1818] : memref<2x272x128xf32, #tpu.memory_space<vmem>> -> memref<1x272x128xf32, #tpu.memory_space<vmem>>
        %get3A_1820 = tpu.memref_squeeze %get3A_1819 : memref<1x272x128xf32, #tpu.memory_space<vmem>> -> memref<272x128xf32, #tpu.memory_space<vmem>>
        %get3A_1821 = arith.index_cast %add3A_1816 : i32 to index
        %get3A_1822 = arith.constant 32 : index
        %get3A_1823 = tpu.vector_load %get3A_1820[%get3A_1821, %get3A_1822] {strides = array<i32>} : memref<272x128xf32, #tpu.memory_space<vmem>>, vector<16xf32>,
        %mul3A_1824 = arith.mulf %get3A_1823, %get3A_583 : vector<16xf32>
        %add3A_1825 = arith.addf %mul3A_1804, %mul3A_1824 : vector<16xf32>
        %add3A_1826 = arith.constant 14 : i32
        %add3A_1827 = arith.addi %mul3A_563, %add3A_1826 : i32
        %get3A_1828 = arith.constant 0 : i32
        %get3A_1829 = arith.constant 0 : i32
        %get3A_1830 = tpu.memref_slice %arg7[%scan3A_151, %get3A_1828, %get3A_1829] : memref<2x272x128xf32, #tpu.memory_space<vmem>> -> memref<1x272x128xf32, #tpu.memory_space<vmem>>
        %get3A_1831 = tpu.memref_squeeze %get3A_1830 : memref<1x272x128xf32, #tpu.memory_space<vmem>> -> memref<272x128xf32, #tpu.memory_space<vmem>>
        %get3A_1832 = arith.index_cast %add3A_1827 : i32 to index
        %get3A_1833 = arith.constant 48 : index
        %get3A_1834 = tpu.vector_load %get3A_1831[%get3A_1832, %get3A_1833] {strides = array<i32>} : memref<272x128xf32, #tpu.memory_space<vmem>>, vector<16xf32>,
        %mul3A_1835 = arith.mulf %get3A_1834, %get3A_590 : vector<16xf32>
        %add3A_1836 = arith.addf %mul3A_1814, %mul3A_1835 : vector<16xf32>
        %add3A_1837 = arith.constant 14 : i32
        %add3A_1838 = arith.addi %mul3A_563, %add3A_1837 : i32
        %get3A_1839 = arith.constant 0 : i32
        %get3A_1840 = arith.constant 0 : i32
        %get3A_1841 = tpu.memref_slice %arg7[%scan3A_151, %get3A_1839, %get3A_1840] : memref<2x272x128xf32, #tpu.memory_space<vmem>> -> memref<1x272x128xf32, #tpu.memory_space<vmem>>
        %get3A_1842 = tpu.memref_squeeze %get3A_1841 : memref<1x272x128xf32, #tpu.memory_space<vmem>> -> memref<272x128xf32, #tpu.memory_space<vmem>>
        %get3A_1843 = arith.index_cast %add3A_1838 : i32 to index
        %get3A_1844 = arith.constant 64 : index
        %get3A_1845 = tpu.vector_load %get3A_1842[%get3A_1843, %get3A_1844] {strides = array<i32>} : memref<272x128xf32, #tpu.memory_space<vmem>>, vector<16xf32>,
        %mul3A_1846 = arith.mulf %get3A_1845, %get3A_597 : vector<16xf32>
        %add3A_1847 = arith.addf %add3A_1825, %mul3A_1846 : vector<16xf32>
        %add3A_1848 = arith.constant 14 : i32
        %add3A_1849 = arith.addi %mul3A_563, %add3A_1848 : i32
        %get3A_1850 = arith.constant 0 : i32
        %get3A_1851 = arith.constant 0 : i32
        %get3A_1852 = tpu.memref_slice %arg7[%scan3A_151, %get3A_1850, %get3A_1851] : memref<2x272x128xf32, #tpu.memory_space<vmem>> -> memref<1x272x128xf32, #tpu.memory_space<vmem>>
        %get3A_1853 = tpu.memref_squeeze %get3A_1852 : memref<1x272x128xf32, #tpu.memory_space<vmem>> -> memref<272x128xf32, #tpu.memory_space<vmem>>
        %get3A_1854 = arith.index_cast %add3A_1849 : i32 to index
        %get3A_1855 = arith.constant 80 : index
        %get3A_1856 = tpu.vector_load %get3A_1853[%get3A_1854, %get3A_1855] {strides = array<i32>} : memref<272x128xf32, #tpu.memory_space<vmem>>, vector<16xf32>,
        %mul3A_1857 = arith.mulf %get3A_1856, %get3A_604 : vector<16xf32>
        %add3A_1858 = arith.addf %add3A_1836, %mul3A_1857 : vector<16xf32>
        %add3A_1859 = arith.constant 14 : i32
        %add3A_1860 = arith.addi %mul3A_563, %add3A_1859 : i32
        %get3A_1861 = arith.constant 0 : i32
        %get3A_1862 = arith.constant 0 : i32
        %get3A_1863 = tpu.memref_slice %arg7[%scan3A_151, %get3A_1861, %get3A_1862] : memref<2x272x128xf32, #tpu.memory_space<vmem>> -> memref<1x272x128xf32, #tpu.memory_space<vmem>>
        %get3A_1864 = tpu.memref_squeeze %get3A_1863 : memref<1x272x128xf32, #tpu.memory_space<vmem>> -> memref<272x128xf32, #tpu.memory_space<vmem>>
        %get3A_1865 = arith.index_cast %add3A_1860 : i32 to index
        %get3A_1866 = arith.constant 96 : index
        %get3A_1867 = tpu.vector_load %get3A_1864[%get3A_1865, %get3A_1866] {strides = array<i32>} : memref<272x128xf32, #tpu.memory_space<vmem>>, vector<16xf32>,
        %mul3A_1868 = arith.mulf %get3A_1867, %get3A_611 : vector<16xf32>
        %add3A_1869 = arith.addf %add3A_1847, %mul3A_1868 : vector<16xf32>
        %add3A_1870 = arith.constant 14 : i32
        %add3A_1871 = arith.addi %mul3A_563, %add3A_1870 : i32
        %get3A_1872 = arith.constant 0 : i32
        %get3A_1873 = arith.constant 0 : i32
        %get3A_1874 = tpu.memref_slice %arg7[%scan3A_151, %get3A_1872, %get3A_1873] : memref<2x272x128xf32, #tpu.memory_space<vmem>> -> memref<1x272x128xf32, #tpu.memory_space<vmem>>
        %get3A_1875 = tpu.memref_squeeze %get3A_1874 : memref<1x272x128xf32, #tpu.memory_space<vmem>> -> memref<272x128xf32, #tpu.memory_space<vmem>>
        %get3A_1876 = arith.index_cast %add3A_1871 : i32 to index
        %get3A_1877 = arith.constant 112 : index
        %get3A_1878 = tpu.vector_load %get3A_1875[%get3A_1876, %get3A_1877] {strides = array<i32>} : memref<272x128xf32, #tpu.memory_space<vmem>>, vector<16xf32>,
        %mul3A_1879 = arith.mulf %get3A_1878, %get3A_618 : vector<16xf32>
        %add3A_1880 = arith.addf %add3A_1858, %mul3A_1879 : vector<16xf32>
        %add3A_1881 = arith.addf %add3A_1869, %add3A_1880 : vector<16xf32>
        %swap3A_1882 = arith.constant 221 : index
        %swap3A_1883 = tpu.vector_load %arg8[%swap3A_1882] {strides = array<i32>} : memref<272xf32, #tpu.memory_space<vmem>>, vector<16xf32>,
        tpu.vector_store %arg8[%swap3A_1882], %add3A_1881 {strides = array<i32>} : memref<272xf32, #tpu.memory_space<vmem>>, vector<16xf32>,
        %add3A_1884 = arith.constant 15 : i32
        %add3A_1885 = arith.addi %mul3A_563, %add3A_1884 : i32
        %get3A_1886 = arith.constant 0 : i32
        %get3A_1887 = arith.constant 0 : i32
        %get3A_1888 = tpu.memref_slice %arg7[%scan3A_151, %get3A_1886, %get3A_1887] : memref<2x272x128xf32, #tpu.memory_space<vmem>> -> memref<1x272x128xf32, #tpu.memory_space<vmem>>
        %get3A_1889 = tpu.memref_squeeze %get3A_1888 : memref<1x272x128xf32, #tpu.memory_space<vmem>> -> memref<272x128xf32, #tpu.memory_space<vmem>>
        %get3A_1890 = arith.index_cast %add3A_1885 : i32 to index
        %get3A_1891 = arith.constant 0 : index
        %get3A_1892 = tpu.vector_load %get3A_1889[%get3A_1890, %get3A_1891] {strides = array<i32>} : memref<272x128xf32, #tpu.memory_space<vmem>>, vector<16xf32>,
        %mul3A_1893 = arith.mulf %get3A_1892, %get3A_569 : vector<16xf32>
        %add3A_1894 = arith.constant 15 : i32
        %add3A_1895 = arith.addi %mul3A_563, %add3A_1894 : i32
        %get3A_1896 = arith.constant 0 : i32
        %get3A_1897 = arith.constant 0 : i32
        %get3A_1898 = tpu.memref_slice %arg7[%scan3A_151, %get3A_1896, %get3A_1897] : memref<2x272x128xf32, #tpu.memory_space<vmem>> -> memref<1x272x128xf32, #tpu.memory_space<vmem>>
        %get3A_1899 = tpu.memref_squeeze %get3A_1898 : memref<1x272x128xf32, #tpu.memory_space<vmem>> -> memref<272x128xf32, #tpu.memory_space<vmem>>
        %get3A_1900 = arith.index_cast %add3A_1895 : i32 to index
        %get3A_1901 = arith.constant 16 : index
        %get3A_1902 = tpu.vector_load %get3A_1899[%get3A_1900, %get3A_1901] {strides = array<i32>} : memref<272x128xf32, #tpu.memory_space<vmem>>, vector<16xf32>,
        %mul3A_1903 = arith.mulf %get3A_1902, %get3A_576 : vector<16xf32>
        %add3A_1904 = arith.constant 15 : i32
        %add3A_1905 = arith.addi %mul3A_563, %add3A_1904 : i32
        %get3A_1906 = arith.constant 0 : i32
        %get3A_1907 = arith.constant 0 : i32
        %get3A_1908 = tpu.memref_slice %arg7[%scan3A_151, %get3A_1906, %get3A_1907] : memref<2x272x128xf32, #tpu.memory_space<vmem>> -> memref<1x272x128xf32, #tpu.memory_space<vmem>>
        %get3A_1909 = tpu.memref_squeeze %get3A_1908 : memref<1x272x128xf32, #tpu.memory_space<vmem>> -> memref<272x128xf32, #tpu.memory_space<vmem>>
        %get3A_1910 = arith.index_cast %add3A_1905 : i32 to index
        %get3A_1911 = arith.constant 32 : index
        %get3A_1912 = tpu.vector_load %get3A_1909[%get3A_1910, %get3A_1911] {strides = array<i32>} : memref<272x128xf32, #tpu.memory_space<vmem>>, vector<16xf32>,
        %mul3A_1913 = arith.mulf %get3A_1912, %get3A_583 : vector<16xf32>
        %add3A_1914 = arith.addf %mul3A_1893, %mul3A_1913 : vector<16xf32>
        %add3A_1915 = arith.constant 15 : i32
        %add3A_1916 = arith.addi %mul3A_563, %add3A_1915 : i32
        %get3A_1917 = arith.constant 0 : i32
        %get3A_1918 = arith.constant 0 : i32
        %get3A_1919 = tpu.memref_slice %arg7[%scan3A_151, %get3A_1917, %get3A_1918] : memref<2x272x128xf32, #tpu.memory_space<vmem>> -> memref<1x272x128xf32, #tpu.memory_space<vmem>>
        %get3A_1920 = tpu.memref_squeeze %get3A_1919 : memref<1x272x128xf32, #tpu.memory_space<vmem>> -> memref<272x128xf32, #tpu.memory_space<vmem>>
        %get3A_1921 = arith.index_cast %add3A_1916 : i32 to index
        %get3A_1922 = arith.constant 48 : index
        %get3A_1923 = tpu.vector_load %get3A_1920[%get3A_1921, %get3A_1922] {strides = array<i32>} : memref<272x128xf32, #tpu.memory_space<vmem>>, vector<16xf32>,
        %mul3A_1924 = arith.mulf %get3A_1923, %get3A_590 : vector<16xf32>
        %add3A_1925 = arith.addf %mul3A_1903, %mul3A_1924 : vector<16xf32>
        %add3A_1926 = arith.constant 15 : i32
        %add3A_1927 = arith.addi %mul3A_563, %add3A_1926 : i32
        %get3A_1928 = arith.constant 0 : i32
        %get3A_1929 = arith.constant 0 : i32
        %get3A_1930 = tpu.memref_slice %arg7[%scan3A_151, %get3A_1928, %get3A_1929] : memref<2x272x128xf32, #tpu.memory_space<vmem>> -> memref<1x272x128xf32, #tpu.memory_space<vmem>>
        %get3A_1931 = tpu.memref_squeeze %get3A_1930 : memref<1x272x128xf32, #tpu.memory_space<vmem>> -> memref<272x128xf32, #tpu.memory_space<vmem>>
        %get3A_1932 = arith.index_cast %add3A_1927 : i32 to index
        %get3A_1933 = arith.constant 64 : index
        %get3A_1934 = tpu.vector_load %get3A_1931[%get3A_1932, %get3A_1933] {strides = array<i32>} : memref<272x128xf32, #tpu.memory_space<vmem>>, vector<16xf32>,
        %mul3A_1935 = arith.mulf %get3A_1934, %get3A_597 : vector<16xf32>
        %add3A_1936 = arith.addf %add3A_1914, %mul3A_1935 : vector<16xf32>
        %add3A_1937 = arith.constant 15 : i32
        %add3A_1938 = arith.addi %mul3A_563, %add3A_1937 : i32
        %get3A_1939 = arith.constant 0 : i32
        %get3A_1940 = arith.constant 0 : i32
        %get3A_1941 = tpu.memref_slice %arg7[%scan3A_151, %get3A_1939, %get3A_1940] : memref<2x272x128xf32, #tpu.memory_space<vmem>> -> memref<1x272x128xf32, #tpu.memory_space<vmem>>
        %get3A_1942 = tpu.memref_squeeze %get3A_1941 : memref<1x272x128xf32, #tpu.memory_space<vmem>> -> memref<272x128xf32, #tpu.memory_space<vmem>>
        %get3A_1943 = arith.index_cast %add3A_1938 : i32 to index
        %get3A_1944 = arith.constant 80 : index
        %get3A_1945 = tpu.vector_load %get3A_1942[%get3A_1943, %get3A_1944] {strides = array<i32>} : memref<272x128xf32, #tpu.memory_space<vmem>>, vector<16xf32>,
        %mul3A_1946 = arith.mulf %get3A_1945, %get3A_604 : vector<16xf32>
        %add3A_1947 = arith.addf %add3A_1925, %mul3A_1946 : vector<16xf32>
        %add3A_1948 = arith.constant 15 : i32
        %add3A_1949 = arith.addi %mul3A_563, %add3A_1948 : i32
        %get3A_1950 = arith.constant 0 : i32
        %get3A_1951 = arith.constant 0 : i32
        %get3A_1952 = tpu.memref_slice %arg7[%scan3A_151, %get3A_1950, %get3A_1951] : memref<2x272x128xf32, #tpu.memory_space<vmem>> -> memref<1x272x128xf32, #tpu.memory_space<vmem>>
        %get3A_1953 = tpu.memref_squeeze %get3A_1952 : memref<1x272x128xf32, #tpu.memory_space<vmem>> -> memref<272x128xf32, #tpu.memory_space<vmem>>
        %get3A_1954 = arith.index_cast %add3A_1949 : i32 to index
        %get3A_1955 = arith.constant 96 : index
        %get3A_1956 = tpu.vector_load %get3A_1953[%get3A_1954, %get3A_1955] {strides = array<i32>} : memref<272x128xf32, #tpu.memory_space<vmem>>, vector<16xf32>,
        %mul3A_1957 = arith.mulf %get3A_1956, %get3A_611 : vector<16xf32>
        %add3A_1958 = arith.addf %add3A_1936, %mul3A_1957 : vector<16xf32>
        %add3A_1959 = arith.constant 15 : i32
        %add3A_1960 = arith.addi %mul3A_563, %add3A_1959 : i32
        %get3A_1961 = arith.constant 0 : i32
        %get3A_1962 = arith.constant 0 : i32
        %get3A_1963 = tpu.memref_slice %arg7[%scan3A_151, %get3A_1961, %get3A_1962] : memref<2x272x128xf32, #tpu.memory_space<vmem>> -> memref<1x272x128xf32, #tpu.memory_space<vmem>>
        %get3A_1964 = tpu.memref_squeeze %get3A_1963 : memref<1x272x128xf32, #tpu.memory_space<vmem>> -> memref<272x128xf32, #tpu.memory_space<vmem>>
        %get3A_1965 = arith.index_cast %add3A_1960 : i32 to index
        %get3A_1966 = arith.constant 112 : index
        %get3A_1967 = tpu.vector_load %get3A_1964[%get3A_1965, %get3A_1966] {strides = array<i32>} : memref<272x128xf32, #tpu.memory_space<vmem>>, vector<16xf32>,
        %mul3A_1968 = arith.mulf %get3A_1967, %get3A_618 : vector<16xf32>
        %add3A_1969 = arith.addf %add3A_1947, %mul3A_1968 : vector<16xf32>
        %add3A_1970 = arith.addf %add3A_1958, %add3A_1969 : vector<16xf32>
        %swap3A_1971 = arith.constant 238 : index
        %swap3A_1972 = tpu.vector_load %arg8[%swap3A_1971] {strides = array<i32>} : memref<272xf32, #tpu.memory_space<vmem>>, vector<16xf32>,
        tpu.vector_store %arg8[%swap3A_1971], %add3A_1970 {strides = array<i32>} : memref<272xf32, #tpu.memory_space<vmem>>, vector<16xf32>,
        %add3A_1973 = arith.constant 16 : i32
        %add3A_1974 = arith.addi %mul3A_563, %add3A_1973 : i32
        %get3A_1975 = arith.constant 0 : i32
        %get3A_1976 = arith.constant 0 : i32
        %get3A_1977 = tpu.memref_slice %arg7[%scan3A_151, %get3A_1975, %get3A_1976] : memref<2x272x128xf32, #tpu.memory_space<vmem>> -> memref<1x272x128xf32, #tpu.memory_space<vmem>>
        %get3A_1978 = tpu.memref_squeeze %get3A_1977 : memref<1x272x128xf32, #tpu.memory_space<vmem>> -> memref<272x128xf32, #tpu.memory_space<vmem>>
        %get3A_1979 = arith.index_cast %add3A_1974 : i32 to index
        %get3A_1980 = arith.constant 0 : index
        %get3A_1981 = tpu.vector_load %get3A_1978[%get3A_1979, %get3A_1980] {strides = array<i32>} : memref<272x128xf32, #tpu.memory_space<vmem>>, vector<16xf32>,
        %mul3A_1982 = arith.mulf %get3A_1981, %get3A_569 : vector<16xf32>
        %add3A_1983 = arith.constant 16 : i32
        %add3A_1984 = arith.addi %mul3A_563, %add3A_1983 : i32
        %get3A_1985 = arith.constant 0 : i32
        %get3A_1986 = arith.constant 0 : i32
        %get3A_1987 = tpu.memref_slice %arg7[%scan3A_151, %get3A_1985, %get3A_1986] : memref<2x272x128xf32, #tpu.memory_space<vmem>> -> memref<1x272x128xf32, #tpu.memory_space<vmem>>
        %get3A_1988 = tpu.memref_squeeze %get3A_1987 : memref<1x272x128xf32, #tpu.memory_space<vmem>> -> memref<272x128xf32, #tpu.memory_space<vmem>>
        %get3A_1989 = arith.index_cast %add3A_1984 : i32 to index
        %get3A_1990 = arith.constant 16 : index
        %get3A_1991 = tpu.vector_load %get3A_1988[%get3A_1989, %get3A_1990] {strides = array<i32>} : memref<272x128xf32, #tpu.memory_space<vmem>>, vector<16xf32>,
        %mul3A_1992 = arith.mulf %get3A_1991, %get3A_576 : vector<16xf32>
        %add3A_1993 = arith.constant 16 : i32
        %add3A_1994 = arith.addi %mul3A_563, %add3A_1993 : i32
        %get3A_1995 = arith.constant 0 : i32
        %get3A_1996 = arith.constant 0 : i32
        %get3A_1997 = tpu.memref_slice %arg7[%scan3A_151, %get3A_1995, %get3A_1996] : memref<2x272x128xf32, #tpu.memory_space<vmem>> -> memref<1x272x128xf32, #tpu.memory_space<vmem>>
        %get3A_1998 = tpu.memref_squeeze %get3A_1997 : memref<1x272x128xf32, #tpu.memory_space<vmem>> -> memref<272x128xf32, #tpu.memory_space<vmem>>
        %get3A_1999 = arith.index_cast %add3A_1994 : i32 to index
        %get3A_2000 = arith.constant 32 : index
        %get3A_2001 = tpu.vector_load %get3A_1998[%get3A_1999, %get3A_2000] {strides = array<i32>} : memref<272x128xf32, #tpu.memory_space<vmem>>, vector<16xf32>,
        %mul3A_2002 = arith.mulf %get3A_2001, %get3A_583 : vector<16xf32>
        %add3A_2003 = arith.addf %mul3A_1982, %mul3A_2002 : vector<16xf32>
        %add3A_2004 = arith.constant 16 : i32
        %add3A_2005 = arith.addi %mul3A_563, %add3A_2004 : i32
        %get3A_2006 = arith.constant 0 : i32
        %get3A_2007 = arith.constant 0 : i32
        %get3A_2008 = tpu.memref_slice %arg7[%scan3A_151, %get3A_2006, %get3A_2007] : memref<2x272x128xf32, #tpu.memory_space<vmem>> -> memref<1x272x128xf32, #tpu.memory_space<vmem>>
        %get3A_2009 = tpu.memref_squeeze %get3A_2008 : memref<1x272x128xf32, #tpu.memory_space<vmem>> -> memref<272x128xf32, #tpu.memory_space<vmem>>
        %get3A_2010 = arith.index_cast %add3A_2005 : i32 to index
        %get3A_2011 = arith.constant 48 : index
        %get3A_2012 = tpu.vector_load %get3A_2009[%get3A_2010, %get3A_2011] {strides = array<i32>} : memref<272x128xf32, #tpu.memory_space<vmem>>, vector<16xf32>,
        %mul3A_2013 = arith.mulf %get3A_2012, %get3A_590 : vector<16xf32>
        %add3A_2014 = arith.addf %mul3A_1992, %mul3A_2013 : vector<16xf32>
        %add3A_2015 = arith.constant 16 : i32
        %add3A_2016 = arith.addi %mul3A_563, %add3A_2015 : i32
        %get3A_2017 = arith.constant 0 : i32
        %get3A_2018 = arith.constant 0 : i32
        %get3A_2019 = tpu.memref_slice %arg7[%scan3A_151, %get3A_2017, %get3A_2018] : memref<2x272x128xf32, #tpu.memory_space<vmem>> -> memref<1x272x128xf32, #tpu.memory_space<vmem>>
        %get3A_2020 = tpu.memref_squeeze %get3A_2019 : memref<1x272x128xf32, #tpu.memory_space<vmem>> -> memref<272x128xf32, #tpu.memory_space<vmem>>
        %get3A_2021 = arith.index_cast %add3A_2016 : i32 to index
        %get3A_2022 = arith.constant 64 : index
        %get3A_2023 = tpu.vector_load %get3A_2020[%get3A_2021, %get3A_2022] {strides = array<i32>} : memref<272x128xf32, #tpu.memory_space<vmem>>, vector<16xf32>,
        %mul3A_2024 = arith.mulf %get3A_2023, %get3A_597 : vector<16xf32>
        %add3A_2025 = arith.addf %add3A_2003, %mul3A_2024 : vector<16xf32>
        %add3A_2026 = arith.constant 16 : i32
        %add3A_2027 = arith.addi %mul3A_563, %add3A_2026 : i32
        %get3A_2028 = arith.constant 0 : i32
        %get3A_2029 = arith.constant 0 : i32
        %get3A_2030 = tpu.memref_slice %arg7[%scan3A_151, %get3A_2028, %get3A_2029] : memref<2x272x128xf32, #tpu.memory_space<vmem>> -> memref<1x272x128xf32, #tpu.memory_space<vmem>>
        %get3A_2031 = tpu.memref_squeeze %get3A_2030 : memref<1x272x128xf32, #tpu.memory_space<vmem>> -> memref<272x128xf32, #tpu.memory_space<vmem>>
        %get3A_2032 = arith.index_cast %add3A_2027 : i32 to index
        %get3A_2033 = arith.constant 80 : index
        %get3A_2034 = tpu.vector_load %get3A_2031[%get3A_2032, %get3A_2033] {strides = array<i32>} : memref<272x128xf32, #tpu.memory_space<vmem>>, vector<16xf32>,
        %mul3A_2035 = arith.mulf %get3A_2034, %get3A_604 : vector<16xf32>
        %add3A_2036 = arith.addf %add3A_2014, %mul3A_2035 : vector<16xf32>
        %add3A_2037 = arith.constant 16 : i32
        %add3A_2038 = arith.addi %mul3A_563, %add3A_2037 : i32
        %get3A_2039 = arith.constant 0 : i32
        %get3A_2040 = arith.constant 0 : i32
        %get3A_2041 = tpu.memref_slice %arg7[%scan3A_151, %get3A_2039, %get3A_2040] : memref<2x272x128xf32, #tpu.memory_space<vmem>> -> memref<1x272x128xf32, #tpu.memory_space<vmem>>
        %get3A_2042 = tpu.memref_squeeze %get3A_2041 : memref<1x272x128xf32, #tpu.memory_space<vmem>> -> memref<272x128xf32, #tpu.memory_space<vmem>>
        %get3A_2043 = arith.index_cast %add3A_2038 : i32 to index
        %get3A_2044 = arith.constant 96 : index
        %get3A_2045 = tpu.vector_load %get3A_2042[%get3A_2043, %get3A_2044] {strides = array<i32>} : memref<272x128xf32, #tpu.memory_space<vmem>>, vector<16xf32>,
        %mul3A_2046 = arith.mulf %get3A_2045, %get3A_611 : vector<16xf32>
        %add3A_2047 = arith.addf %add3A_2025, %mul3A_2046 : vector<16xf32>
        %add3A_2048 = arith.constant 16 : i32
        %add3A_2049 = arith.addi %mul3A_563, %add3A_2048 : i32
        %get3A_2050 = arith.constant 0 : i32
        %get3A_2051 = arith.constant 0 : i32
        %get3A_2052 = tpu.memref_slice %arg7[%scan3A_151, %get3A_2050, %get3A_2051] : memref<2x272x128xf32, #tpu.memory_space<vmem>> -> memref<1x272x128xf32, #tpu.memory_space<vmem>>
        %get3A_2053 = tpu.memref_squeeze %get3A_2052 : memref<1x272x128xf32, #tpu.memory_space<vmem>> -> memref<272x128xf32, #tpu.memory_space<vmem>>
        %get3A_2054 = arith.index_cast %add3A_2049 : i32 to index
        %get3A_2055 = arith.constant 112 : index
        %get3A_2056 = tpu.vector_load %get3A_2053[%get3A_2054, %get3A_2055] {strides = array<i32>} : memref<272x128xf32, #tpu.memory_space<vmem>>, vector<16xf32>,
        %mul3A_2057 = arith.mulf %get3A_2056, %get3A_618 : vector<16xf32>
        %add3A_2058 = arith.addf %add3A_2036, %mul3A_2057 : vector<16xf32>
        %add3A_2059 = arith.addf %add3A_2047, %add3A_2058 : vector<16xf32>
        %swap3A_2060 = arith.constant 255 : index
        %swap3A_2061 = tpu.vector_load %arg8[%swap3A_2060] {strides = array<i32>} : memref<272xf32, #tpu.memory_space<vmem>>, vector<16xf32>,
        tpu.vector_store %arg8[%swap3A_2060], %add3A_2059 {strides = array<i32>} : memref<272xf32, #tpu.memory_space<vmem>>, vector<16xf32>,
        %gather3A_2062 = tpu.vector_load_idx %arg8[%mul3A_3] : memref<272xf32, #tpu.memory_space<vmem>>[vector<16xi32>], vector<16xf32>,
        %add3A_2063 = arith.constant 1 : i32
        %add3A_2064 = vector.broadcast %add3A_2063 : i32 to vector<16xi32>
        %add3A_2065 = arith.addi %mul3A_3, %add3A_2064 : vector<16xi32>
        %gather3A_2066 = tpu.vector_load_idx %arg8[%add3A_2065] : memref<272xf32, #tpu.memory_space<vmem>>[vector<16xi32>], vector<16xf32>,
        %add3A_2067 = arith.addf %gather3A_2062, %gather3A_2066 : vector<16xf32>
        %add3A_2068 = arith.constant 2 : i32
        %add3A_2069 = vector.broadcast %add3A_2068 : i32 to vector<16xi32>
        %add3A_2070 = arith.addi %mul3A_3, %add3A_2069 : vector<16xi32>
        %gather3A_2071 = tpu.vector_load_idx %arg8[%add3A_2070] : memref<272xf32, #tpu.memory_space<vmem>>[vector<16xi32>], vector<16xf32>,
        %add3A_2072 = arith.addf %add3A_2067, %gather3A_2071 : vector<16xf32>
        %add3A_2073 = arith.constant 3 : i32
        %add3A_2074 = vector.broadcast %add3A_2073 : i32 to vector<16xi32>
        %add3A_2075 = arith.addi %mul3A_3, %add3A_2074 : vector<16xi32>
        %gather3A_2076 = tpu.vector_load_idx %arg8[%add3A_2075] : memref<272xf32, #tpu.memory_space<vmem>>[vector<16xi32>], vector<16xf32>,
        %add3A_2077 = arith.addf %add3A_2072, %gather3A_2076 : vector<16xf32>
        %add3A_2078 = arith.constant 4 : i32
        %add3A_2079 = vector.broadcast %add3A_2078 : i32 to vector<16xi32>
        %add3A_2080 = arith.addi %mul3A_3, %add3A_2079 : vector<16xi32>
        %gather3A_2081 = tpu.vector_load_idx %arg8[%add3A_2080] : memref<272xf32, #tpu.memory_space<vmem>>[vector<16xi32>], vector<16xf32>,
        %add3A_2082 = arith.addf %add3A_2077, %gather3A_2081 : vector<16xf32>
        %add3A_2083 = arith.constant 5 : i32
        %add3A_2084 = vector.broadcast %add3A_2083 : i32 to vector<16xi32>
        %add3A_2085 = arith.addi %mul3A_3, %add3A_2084 : vector<16xi32>
        %gather3A_2086 = tpu.vector_load_idx %arg8[%add3A_2085] : memref<272xf32, #tpu.memory_space<vmem>>[vector<16xi32>], vector<16xf32>,
        %add3A_2087 = arith.addf %add3A_2082, %gather3A_2086 : vector<16xf32>
        %add3A_2088 = arith.constant 6 : i32
        %add3A_2089 = vector.broadcast %add3A_2088 : i32 to vector<16xi32>
        %add3A_2090 = arith.addi %mul3A_3, %add3A_2089 : vector<16xi32>
        %gather3A_2091 = tpu.vector_load_idx %arg8[%add3A_2090] : memref<272xf32, #tpu.memory_space<vmem>>[vector<16xi32>], vector<16xf32>,
        %add3A_2092 = arith.addf %add3A_2087, %gather3A_2091 : vector<16xf32>
        %add3A_2093 = arith.constant 7 : i32
        %add3A_2094 = vector.broadcast %add3A_2093 : i32 to vector<16xi32>
        %add3A_2095 = arith.addi %mul3A_3, %add3A_2094 : vector<16xi32>
        %gather3A_2096 = tpu.vector_load_idx %arg8[%add3A_2095] : memref<272xf32, #tpu.memory_space<vmem>>[vector<16xi32>], vector<16xf32>,
        %add3A_2097 = arith.addf %add3A_2092, %gather3A_2096 : vector<16xf32>
        %add3A_2098 = arith.constant 8 : i32
        %add3A_2099 = vector.broadcast %add3A_2098 : i32 to vector<16xi32>
        %add3A_2100 = arith.addi %mul3A_3, %add3A_2099 : vector<16xi32>
        %gather3A_2101 = tpu.vector_load_idx %arg8[%add3A_2100] : memref<272xf32, #tpu.memory_space<vmem>>[vector<16xi32>], vector<16xf32>,
        %add3A_2102 = arith.addf %add3A_2097, %gather3A_2101 : vector<16xf32>
        %add3A_2103 = arith.constant 9 : i32
        %add3A_2104 = vector.broadcast %add3A_2103 : i32 to vector<16xi32>
        %add3A_2105 = arith.addi %mul3A_3, %add3A_2104 : vector<16xi32>
        %gather3A_2106 = tpu.vector_load_idx %arg8[%add3A_2105] : memref<272xf32, #tpu.memory_space<vmem>>[vector<16xi32>], vector<16xf32>,
        %add3A_2107 = arith.addf %add3A_2102, %gather3A_2106 : vector<16xf32>
        %add3A_2108 = arith.constant 10 : i32
        %add3A_2109 = vector.broadcast %add3A_2108 : i32 to vector<16xi32>
        %add3A_2110 = arith.addi %mul3A_3, %add3A_2109 : vector<16xi32>
        %gather3A_2111 = tpu.vector_load_idx %arg8[%add3A_2110] : memref<272xf32, #tpu.memory_space<vmem>>[vector<16xi32>], vector<16xf32>,
        %add3A_2112 = arith.addf %add3A_2107, %gather3A_2111 : vector<16xf32>
        %add3A_2113 = arith.constant 11 : i32
        %add3A_2114 = vector.broadcast %add3A_2113 : i32 to vector<16xi32>
        %add3A_2115 = arith.addi %mul3A_3, %add3A_2114 : vector<16xi32>
        %gather3A_2116 = tpu.vector_load_idx %arg8[%add3A_2115] : memref<272xf32, #tpu.memory_space<vmem>>[vector<16xi32>], vector<16xf32>,
        %add3A_2117 = arith.addf %add3A_2112, %gather3A_2116 : vector<16xf32>
        %add3A_2118 = arith.constant 12 : i32
        %add3A_2119 = vector.broadcast %add3A_2118 : i32 to vector<16xi32>
        %add3A_2120 = arith.addi %mul3A_3, %add3A_2119 : vector<16xi32>
        %gather3A_2121 = tpu.vector_load_idx %arg8[%add3A_2120] : memref<272xf32, #tpu.memory_space<vmem>>[vector<16xi32>], vector<16xf32>,
        %add3A_2122 = arith.addf %add3A_2117, %gather3A_2121 : vector<16xf32>
        %add3A_2123 = arith.constant 13 : i32
        %add3A_2124 = vector.broadcast %add3A_2123 : i32 to vector<16xi32>
        %add3A_2125 = arith.addi %mul3A_3, %add3A_2124 : vector<16xi32>
        %gather3A_2126 = tpu.vector_load_idx %arg8[%add3A_2125] : memref<272xf32, #tpu.memory_space<vmem>>[vector<16xi32>], vector<16xf32>,
        %add3A_2127 = arith.addf %add3A_2122, %gather3A_2126 : vector<16xf32>
        %add3A_2128 = arith.constant 14 : i32
        %add3A_2129 = vector.broadcast %add3A_2128 : i32 to vector<16xi32>
        %add3A_2130 = arith.addi %mul3A_3, %add3A_2129 : vector<16xi32>
        %gather3A_2131 = tpu.vector_load_idx %arg8[%add3A_2130] : memref<272xf32, #tpu.memory_space<vmem>>[vector<16xi32>], vector<16xf32>,
        %add3A_2132 = arith.addf %add3A_2127, %gather3A_2131 : vector<16xf32>
        %add3A_2133 = arith.constant 15 : i32
        %add3A_2134 = vector.broadcast %add3A_2133 : i32 to vector<16xi32>
        %add3A_2135 = arith.addi %mul3A_3, %add3A_2134 : vector<16xi32>
        %gather3A_2136 = tpu.vector_load_idx %arg8[%add3A_2135] : memref<272xf32, #tpu.memory_space<vmem>>[vector<16xi32>], vector<16xf32>,
        %add3A_2137 = arith.addf %add3A_2132, %gather3A_2136 : vector<16xf32>
        %exp3A_2138 = math.exp %add3A_2137 : vector<16xf32>
        %mul3A_2139 = arith.constant 17 : i32
        %mul3A_2140 = arith.muli %scan3A_560, %mul3A_2139 : i32
        %swap3A_2141 = arith.index_cast %mul3A_2140 : i32 to index
        %swap3A_2142 = tpu.vector_load %arg11[%swap3A_2141] {strides = array<i32>} : memref<272xf32, #tpu.memory_space<vmem>>, vector<16xf32>,
        tpu.vector_store %arg11[%swap3A_2141], %exp3A_2138 {strides = array<i32>} : memref<272xf32, #tpu.memory_space<vmem>>, vector<16xf32>,
        %add3A_2143 = arith.addf %scan3A_561, %add3A_2137 : vector<16xf32>
        scf.yield %add3A_2143 : vector<16xf32>
      }
      %scan3A_157 = arith.constant 16 : i32
      %gather3A = tpu.vector_load_idx %arg10[%mul3A_3] : memref<272xf32, #tpu.memory_space<vmem>>[vector<16xi32>], vector<16xf32>,
      %gather3A_158 = tpu.vector_load_idx %arg11[%mul3A_3] : memref<272xf32, #tpu.memory_space<vmem>>[vector<16xi32>], vector<16xf32>,
      %add3A_159 = arith.constant 1 : i32
      %add3A_160 = vector.broadcast %add3A_159 : i32 to vector<16xi32>
      %add3A_161 = arith.addi %mul3A_3, %add3A_160 : vector<16xi32>
      %gather3A_162 = tpu.vector_load_idx %arg10[%add3A_161] : memref<272xf32, #tpu.memory_space<vmem>>[vector<16xi32>], vector<16xf32>,
      %add3A_163 = arith.addf %gather3A, %gather3A_162 : vector<16xf32>
      %add3A_164 = arith.constant 1 : i32
      %add3A_165 = vector.broadcast %add3A_164 : i32 to vector<16xi32>
      %add3A_166 = arith.addi %mul3A_3, %add3A_165 : vector<16xi32>
      %gather3A_167 = tpu.vector_load_idx %arg11[%add3A_166] : memref<272xf32, #tpu.memory_space<vmem>>[vector<16xi32>], vector<16xf32>,
      %add3A_168 = arith.addf %gather3A_158, %gather3A_167 : vector<16xf32>
      %add3A_169 = arith.constant 2 : i32
      %add3A_170 = vector.broadcast %add3A_169 : i32 to vector<16xi32>
      %add3A_171 = arith.addi %mul3A_3, %add3A_170 : vector<16xi32>
      %gather3A_172 = tpu.vector_load_idx %arg10[%add3A_171] : memref<272xf32, #tpu.memory_space<vmem>>[vector<16xi32>], vector<16xf32>,
      %add3A_173 = arith.addf %add3A_163, %gather3A_172 : vector<16xf32>
      %add3A_174 = arith.constant 2 : i32
      %add3A_175 = vector.broadcast %add3A_174 : i32 to vector<16xi32>
      %add3A_176 = arith.addi %mul3A_3, %add3A_175 : vector<16xi32>
      %gather3A_177 = tpu.vector_load_idx %arg11[%add3A_176] : memref<272xf32, #tpu.memory_space<vmem>>[vector<16xi32>], vector<16xf32>,
      %add3A_178 = arith.addf %add3A_168, %gather3A_177 : vector<16xf32>
      %add3A_179 = arith.constant 3 : i32
      %add3A_180 = vector.broadcast %add3A_179 : i32 to vector<16xi32>
      %add3A_181 = arith.addi %mul3A_3, %add3A_180 : vector<16xi32>
      %gather3A_182 = tpu.vector_load_idx %arg10[%add3A_181] : memref<272xf32, #tpu.memory_space<vmem>>[vector<16xi32>], vector<16xf32>,
      %add3A_183 = arith.addf %add3A_173, %gather3A_182 : vector<16xf32>
      %add3A_184 = arith.constant 3 : i32
      %add3A_185 = vector.broadcast %add3A_184 : i32 to vector<16xi32>
      %add3A_186 = arith.addi %mul3A_3, %add3A_185 : vector<16xi32>
      %gather3A_187 = tpu.vector_load_idx %arg11[%add3A_186] : memref<272xf32, #tpu.memory_space<vmem>>[vector<16xi32>], vector<16xf32>,
      %add3A_188 = arith.addf %add3A_178, %gather3A_187 : vector<16xf32>
      %add3A_189 = arith.constant 4 : i32
      %add3A_190 = vector.broadcast %add3A_189 : i32 to vector<16xi32>
      %add3A_191 = arith.addi %mul3A_3, %add3A_190 : vector<16xi32>
      %gather3A_192 = tpu.vector_load_idx %arg10[%add3A_191] : memref<272xf32, #tpu.memory_space<vmem>>[vector<16xi32>], vector<16xf32>,
      %add3A_193 = arith.addf %add3A_183, %gather3A_192 : vector<16xf32>
      %add3A_194 = arith.constant 4 : i32
      %add3A_195 = vector.broadcast %add3A_194 : i32 to vector<16xi32>
      %add3A_196 = arith.addi %mul3A_3, %add3A_195 : vector<16xi32>
      %gather3A_197 = tpu.vector_load_idx %arg11[%add3A_196] : memref<272xf32, #tpu.memory_space<vmem>>[vector<16xi32>], vector<16xf32>,
      %add3A_198 = arith.addf %add3A_188, %gather3A_197 : vector<16xf32>
      %add3A_199 = arith.constant 5 : i32
      %add3A_200 = vector.broadcast %add3A_199 : i32 to vector<16xi32>
      %add3A_201 = arith.addi %mul3A_3, %add3A_200 : vector<16xi32>
      %gather3A_202 = tpu.vector_load_idx %arg10[%add3A_201] : memref<272xf32, #tpu.memory_space<vmem>>[vector<16xi32>], vector<16xf32>,
      %add3A_203 = arith.addf %add3A_193, %gather3A_202 : vector<16xf32>
      %add3A_204 = arith.constant 5 : i32
      %add3A_205 = vector.broadcast %add3A_204 : i32 to vector<16xi32>
      %add3A_206 = arith.addi %mul3A_3, %add3A_205 : vector<16xi32>
      %gather3A_207 = tpu.vector_load_idx %arg11[%add3A_206] : memref<272xf32, #tpu.memory_space<vmem>>[vector<16xi32>], vector<16xf32>,
      %add3A_208 = arith.addf %add3A_198, %gather3A_207 : vector<16xf32>
      %add3A_209 = arith.constant 6 : i32
      %add3A_210 = vector.broadcast %add3A_209 : i32 to vector<16xi32>
      %add3A_211 = arith.addi %mul3A_3, %add3A_210 : vector<16xi32>
      %gather3A_212 = tpu.vector_load_idx %arg10[%add3A_211] : memref<272xf32, #tpu.memory_space<vmem>>[vector<16xi32>], vector<16xf32>,
      %add3A_213 = arith.addf %add3A_203, %gather3A_212 : vector<16xf32>
      %add3A_214 = arith.constant 6 : i32
      %add3A_215 = vector.broadcast %add3A_214 : i32 to vector<16xi32>
      %add3A_216 = arith.addi %mul3A_3, %add3A_215 : vector<16xi32>
      %gather3A_217 = tpu.vector_load_idx %arg11[%add3A_216] : memref<272xf32, #tpu.memory_space<vmem>>[vector<16xi32>], vector<16xf32>,
      %add3A_218 = arith.addf %add3A_208, %gather3A_217 : vector<16xf32>
      %add3A_219 = arith.constant 7 : i32
      %add3A_220 = vector.broadcast %add3A_219 : i32 to vector<16xi32>
      %add3A_221 = arith.addi %mul3A_3, %add3A_220 : vector<16xi32>
      %gather3A_222 = tpu.vector_load_idx %arg10[%add3A_221] : memref<272xf32, #tpu.memory_space<vmem>>[vector<16xi32>], vector<16xf32>,
      %add3A_223 = arith.addf %add3A_213, %gather3A_222 : vector<16xf32>
      %add3A_224 = arith.constant 7 : i32
      %add3A_225 = vector.broadcast %add3A_224 : i32 to vector<16xi32>
      %add3A_226 = arith.addi %mul3A_3, %add3A_225 : vector<16xi32>
      %gather3A_227 = tpu.vector_load_idx %arg11[%add3A_226] : memref<272xf32, #tpu.memory_space<vmem>>[vector<16xi32>], vector<16xf32>,
      %add3A_228 = arith.addf %add3A_218, %gather3A_227 : vector<16xf32>
      %add3A_229 = arith.constant 8 : i32
      %add3A_230 = vector.broadcast %add3A_229 : i32 to vector<16xi32>
      %add3A_231 = arith.addi %mul3A_3, %add3A_230 : vector<16xi32>
      %gather3A_232 = tpu.vector_load_idx %arg10[%add3A_231] : memref<272xf32, #tpu.memory_space<vmem>>[vector<16xi32>], vector<16xf32>,
      %add3A_233 = arith.addf %add3A_223, %gather3A_232 : vector<16xf32>
      %add3A_234 = arith.constant 8 : i32
      %add3A_235 = vector.broadcast %add3A_234 : i32 to vector<16xi32>
      %add3A_236 = arith.addi %mul3A_3, %add3A_235 : vector<16xi32>
      %gather3A_237 = tpu.vector_load_idx %arg11[%add3A_236] : memref<272xf32, #tpu.memory_space<vmem>>[vector<16xi32>], vector<16xf32>,
      %add3A_238 = arith.addf %add3A_228, %gather3A_237 : vector<16xf32>
      %add3A_239 = arith.constant 9 : i32
      %add3A_240 = vector.broadcast %add3A_239 : i32 to vector<16xi32>
      %add3A_241 = arith.addi %mul3A_3, %add3A_240 : vector<16xi32>
      %gather3A_242 = tpu.vector_load_idx %arg10[%add3A_241] : memref<272xf32, #tpu.memory_space<vmem>>[vector<16xi32>], vector<16xf32>,
      %add3A_243 = arith.addf %add3A_233, %gather3A_242 : vector<16xf32>
      %add3A_244 = arith.constant 9 : i32
      %add3A_245 = vector.broadcast %add3A_244 : i32 to vector<16xi32>
      %add3A_246 = arith.addi %mul3A_3, %add3A_245 : vector<16xi32>
      %gather3A_247 = tpu.vector_load_idx %arg11[%add3A_246] : memref<272xf32, #tpu.memory_space<vmem>>[vector<16xi32>], vector<16xf32>,
      %add3A_248 = arith.addf %add3A_238, %gather3A_247 : vector<16xf32>
      %add3A_249 = arith.constant 10 : i32
      %add3A_250 = vector.broadcast %add3A_249 : i32 to vector<16xi32>
      %add3A_251 = arith.addi %mul3A_3, %add3A_250 : vector<16xi32>
      %gather3A_252 = tpu.vector_load_idx %arg10[%add3A_251] : memref<272xf32, #tpu.memory_space<vmem>>[vector<16xi32>], vector<16xf32>,
      %add3A_253 = arith.addf %add3A_243, %gather3A_252 : vector<16xf32>
      %add3A_254 = arith.constant 10 : i32
      %add3A_255 = vector.broadcast %add3A_254 : i32 to vector<16xi32>
      %add3A_256 = arith.addi %mul3A_3, %add3A_255 : vector<16xi32>
      %gather3A_257 = tpu.vector_load_idx %arg11[%add3A_256] : memref<272xf32, #tpu.memory_space<vmem>>[vector<16xi32>], vector<16xf32>,
      %add3A_258 = arith.addf %add3A_248, %gather3A_257 : vector<16xf32>
      %add3A_259 = arith.constant 11 : i32
      %add3A_260 = vector.broadcast %add3A_259 : i32 to vector<16xi32>
      %add3A_261 = arith.addi %mul3A_3, %add3A_260 : vector<16xi32>
      %gather3A_262 = tpu.vector_load_idx %arg10[%add3A_261] : memref<272xf32, #tpu.memory_space<vmem>>[vector<16xi32>], vector<16xf32>,
      %add3A_263 = arith.addf %add3A_253, %gather3A_262 : vector<16xf32>
      %add3A_264 = arith.constant 11 : i32
      %add3A_265 = vector.broadcast %add3A_264 : i32 to vector<16xi32>
      %add3A_266 = arith.addi %mul3A_3, %add3A_265 : vector<16xi32>
      %gather3A_267 = tpu.vector_load_idx %arg11[%add3A_266] : memref<272xf32, #tpu.memory_space<vmem>>[vector<16xi32>], vector<16xf32>,
      %add3A_268 = arith.addf %add3A_258, %gather3A_267 : vector<16xf32>
      %add3A_269 = arith.constant 12 : i32
      %add3A_270 = vector.broadcast %add3A_269 : i32 to vector<16xi32>
      %add3A_271 = arith.addi %mul3A_3, %add3A_270 : vector<16xi32>
      %gather3A_272 = tpu.vector_load_idx %arg10[%add3A_271] : memref<272xf32, #tpu.memory_space<vmem>>[vector<16xi32>], vector<16xf32>,
      %add3A_273 = arith.addf %add3A_263, %gather3A_272 : vector<16xf32>
      %add3A_274 = arith.constant 12 : i32
      %add3A_275 = vector.broadcast %add3A_274 : i32 to vector<16xi32>
      %add3A_276 = arith.addi %mul3A_3, %add3A_275 : vector<16xi32>
      %gather3A_277 = tpu.vector_load_idx %arg11[%add3A_276] : memref<272xf32, #tpu.memory_space<vmem>>[vector<16xi32>], vector<16xf32>,
      %add3A_278 = arith.addf %add3A_268, %gather3A_277 : vector<16xf32>
      %add3A_279 = arith.constant 13 : i32
      %add3A_280 = vector.broadcast %add3A_279 : i32 to vector<16xi32>
      %add3A_281 = arith.addi %mul3A_3, %add3A_280 : vector<16xi32>
      %gather3A_282 = tpu.vector_load_idx %arg10[%add3A_281] : memref<272xf32, #tpu.memory_space<vmem>>[vector<16xi32>], vector<16xf32>,
      %add3A_283 = arith.addf %add3A_273, %gather3A_282 : vector<16xf32>
      %add3A_284 = arith.constant 13 : i32
      %add3A_285 = vector.broadcast %add3A_284 : i32 to vector<16xi32>
      %add3A_286 = arith.addi %mul3A_3, %add3A_285 : vector<16xi32>
      %gather3A_287 = tpu.vector_load_idx %arg11[%add3A_286] : memref<272xf32, #tpu.memory_space<vmem>>[vector<16xi32>], vector<16xf32>,
      %add3A_288 = arith.addf %add3A_278, %gather3A_287 : vector<16xf32>
      %add3A_289 = arith.constant 14 : i32
      %add3A_290 = vector.broadcast %add3A_289 : i32 to vector<16xi32>
      %add3A_291 = arith.addi %mul3A_3, %add3A_290 : vector<16xi32>
      %gather3A_292 = tpu.vector_load_idx %arg10[%add3A_291] : memref<272xf32, #tpu.memory_space<vmem>>[vector<16xi32>], vector<16xf32>,
      %add3A_293 = arith.addf %add3A_283, %gather3A_292 : vector<16xf32>
      %add3A_294 = arith.constant 14 : i32
      %add3A_295 = vector.broadcast %add3A_294 : i32 to vector<16xi32>
      %add3A_296 = arith.addi %mul3A_3, %add3A_295 : vector<16xi32>
      %gather3A_297 = tpu.vector_load_idx %arg11[%add3A_296] : memref<272xf32, #tpu.memory_space<vmem>>[vector<16xi32>], vector<16xf32>,
      %add3A_298 = arith.addf %add3A_288, %gather3A_297 : vector<16xf32>
      %add3A_299 = arith.constant 15 : i32
      %add3A_300 = vector.broadcast %add3A_299 : i32 to vector<16xi32>
      %add3A_301 = arith.addi %mul3A_3, %add3A_300 : vector<16xi32>
      %gather3A_302 = tpu.vector_load_idx %arg10[%add3A_301] : memref<272xf32, #tpu.memory_space<vmem>>[vector<16xi32>], vector<16xf32>,
      %add3A_303 = arith.addf %add3A_293, %gather3A_302 : vector<16xf32>
      %add3A_304 = arith.constant 15 : i32
      %add3A_305 = vector.broadcast %add3A_304 : i32 to vector<16xi32>
      %add3A_306 = arith.addi %mul3A_3, %add3A_305 : vector<16xi32>
      %gather3A_307 = tpu.vector_load_idx %arg11[%add3A_306] : memref<272xf32, #tpu.memory_space<vmem>>[vector<16xi32>], vector<16xf32>,
      %add3A_308 = arith.addf %add3A_298, %gather3A_307 : vector<16xf32>
      %exp3A = math.exp %add3A_303 : vector<16xf32>
      %add3A_309 = arith.addf %add3A_308, %exp3A : vector<16xf32>
      %swap3A_310 = arith.index_cast %add3A_75 : i32 to index
      %swap3A_311 = arith.constant 0 : index
      %swap3A_312 = tpu.vector_load %arg12[%swap3A_310, %swap3A_311] {strides = array<i32>} : memref<8x16xf32, #tpu.memory_space<vmem>>, vector<16xf32>,
      tpu.vector_store %arg12[%swap3A_310, %swap3A_311], %add3A_309 {strides = array<i32>} : memref<8x16xf32, #tpu.memory_space<vmem>>, vector<16xf32>,
      %mul3A_313 = arith.constant 2 : i32
      %mul3A_314 = arith.muli %mul3A_313, %scan3A_70 : i32
      %add3A_315 = arith.constant 1 : i32
      %add3A_316 = arith.addi %mul3A_314, %add3A_315 : i32
      %add3A_317 = arith.constant 1 : i32
      %add3A_318 = arith.addi %add3A_316, %add3A_317 : i32
      %lt3A_319 = arith.constant 8 : i32
      %lt3A_320 = arith.cmpi slt, %add3A_318, %lt3A_319 : i32
      %convert_element_type3A_321 = arith.extui %lt3A_320 : i1 to i32
      %cond3A_322 = arith.constant 0 : i32
      %cond3A_323 = arith.cmpi ne, %convert_element_type3A_321, %cond3A_322 : i32
      scf.if %cond3A_323 {
        %add3A_560 = arith.constant 1 : i32
        %add3A_561 = arith.addi %add3A_316, %add3A_560 : i32
        %mul3A_562 = arith.constant 4 : i32
        %mul3A_563 = arith.muli %mul3A_562, %add3A_561 : i32
        %add3A_564 = arith.constant 0 : i32
        %add3A_565 = arith.addi %mul3A_563, %add3A_564 : i32
        %dma_start3A_566 = arith.constant 0 : i32
        %dma_start3A_567 = arith.constant 0 : i32
        %dma_start3A_568 = arith.constant 0 : i32
        %dma_start3A_569 = tpu.memref_slice %arg7[%dma_start3A_566, %dma_start3A_567, %dma_start3A_568] : memref<2x272x128xf32, #tpu.memory_space<vmem>> -> memref<1x272x128xf32, #tpu.memory_space<vmem>>
        %dma_start3A_570 = tpu.memref_squeeze %dma_start3A_569 : memref<1x272x128xf32, #tpu.memory_space<vmem>> -> memref<272x128xf32, #tpu.memory_space<vmem>>
        %dma_start3A_571 = arith.constant 0 : i32
        %dma_start3A_572 = arith.constant 0 : i32
        %dma_start3A_573 = tpu.memref_slice %dma_start3A_570[%dma_start3A_571, %dma_start3A_572] : memref<272x128xf32, #tpu.memory_space<vmem>> -> memref<68x128xf32, #tpu.memory_space<vmem>>
        %dma_start3A_574 = arith.constant 0 : i32
        %dma_start3A_575 = tpu.memref_slice %arg6[%add3A_565, %dma_start3A_574] : memref<32x68xi32, #tpu.memory_space<vmem>> -> memref<1x68xi32, #tpu.memory_space<vmem>>
        %dma_start3A_576 = tpu.memref_squeeze %dma_start3A_575 : memref<1x68xi32, #tpu.memory_space<vmem>> -> memref<68xi32, #tpu.memory_space<vmem>>
        %dma_start3A_577 = arith.constant 0 : i32
        %dma_start3A_578 = arith.constant 0 : i32
        %dma_start3A_579 = tpu.memref_slice %arg2[%dma_start3A_577, %dma_start3A_578] : memref<100000x128xf32, #tpu.memory_space<hbm>> -> memref<100000x128xf32, #tpu.memory_space<hbm>>
        tpu.enqueue_indirect_dma source(%dma_start3A_579 : memref<100000x128xf32, #tpu.memory_space<hbm>>) target(%dma_start3A_573 : memref<68x128xf32, #tpu.memory_space<vmem>>) offsets(%dma_start3A_576 : memref<68xi32, #tpu.memory_space<vmem>>) semaphore(%arg14 : memref<!tpu.dma_semaphore, #tpu.memory_space<semaphore_mem>>)
        %mul3A_580 = arith.constant 4 : i32
        %mul3A_581 = arith.muli %mul3A_580, %add3A_561 : i32
        %add3A_582 = arith.constant 1 : i32
        %add3A_583 = arith.addi %mul3A_581, %add3A_582 : i32
        %dma_start3A_584 = arith.constant 0 : i32
        %dma_start3A_585 = arith.constant 0 : i32
        %dma_start3A_586 = arith.constant 0 : i32
        %dma_start3A_587 = tpu.memref_slice %arg7[%dma_start3A_584, %dma_start3A_585, %dma_start3A_586] : memref<2x272x128xf32, #tpu.memory_space<vmem>> -> memref<1x272x128xf32, #tpu.memory_space<vmem>>
        %dma_start3A_588 = tpu.memref_squeeze %dma_start3A_587 : memref<1x272x128xf32, #tpu.memory_space<vmem>> -> memref<272x128xf32, #tpu.memory_space<vmem>>
        %dma_start3A_589 = arith.constant 68 : i32
        %dma_start3A_590 = arith.constant 0 : i32
        %dma_start3A_591 = tpu.memref_slice %dma_start3A_588[%dma_start3A_589, %dma_start3A_590] : memref<272x128xf32, #tpu.memory_space<vmem>> -> memref<68x128xf32, #tpu.memory_space<vmem>>
        %dma_start3A_592 = arith.constant 0 : i32
        %dma_start3A_593 = tpu.memref_slice %arg6[%add3A_583, %dma_start3A_592] : memref<32x68xi32, #tpu.memory_space<vmem>> -> memref<1x68xi32, #tpu.memory_space<vmem>>
        %dma_start3A_594 = tpu.memref_squeeze %dma_start3A_593 : memref<1x68xi32, #tpu.memory_space<vmem>> -> memref<68xi32, #tpu.memory_space<vmem>>
        %dma_start3A_595 = arith.constant 0 : i32
        %dma_start3A_596 = arith.constant 0 : i32
        %dma_start3A_597 = tpu.memref_slice %arg2[%dma_start3A_595, %dma_start3A_596] : memref<100000x128xf32, #tpu.memory_space<hbm>> -> memref<100000x128xf32, #tpu.memory_space<hbm>>
        tpu.enqueue_indirect_dma source(%dma_start3A_597 : memref<100000x128xf32, #tpu.memory_space<hbm>>) target(%dma_start3A_591 : memref<68x128xf32, #tpu.memory_space<vmem>>) offsets(%dma_start3A_594 : memref<68xi32, #tpu.memory_space<vmem>>) semaphore(%arg14 : memref<!tpu.dma_semaphore, #tpu.memory_space<semaphore_mem>>)
        %mul3A_598 = arith.constant 4 : i32
        %mul3A_599 = arith.muli %mul3A_598, %add3A_561 : i32
        %add3A_600 = arith.constant 2 : i32
        %add3A_601 = arith.addi %mul3A_599, %add3A_600 : i32
        %dma_start3A_602 = arith.constant 0 : i32
        %dma_start3A_603 = arith.constant 0 : i32
        %dma_start3A_604 = arith.constant 0 : i32
        %dma_start3A_605 = tpu.memref_slice %arg7[%dma_start3A_602, %dma_start3A_603, %dma_start3A_604] : memref<2x272x128xf32, #tpu.memory_space<vmem>> -> memref<1x272x128xf32, #tpu.memory_space<vmem>>
        %dma_start3A_606 = tpu.memref_squeeze %dma_start3A_605 : memref<1x272x128xf32, #tpu.memory_space<vmem>> -> memref<272x128xf32, #tpu.memory_space<vmem>>
        %dma_start3A_607 = arith.constant 136 : i32
        %dma_start3A_608 = arith.constant 0 : i32
        %dma_start3A_609 = tpu.memref_slice %dma_start3A_606[%dma_start3A_607, %dma_start3A_608] : memref<272x128xf32, #tpu.memory_space<vmem>> -> memref<68x128xf32, #tpu.memory_space<vmem>>
        %dma_start3A_610 = arith.constant 0 : i32
        %dma_start3A_611 = tpu.memref_slice %arg6[%add3A_601, %dma_start3A_610] : memref<32x68xi32, #tpu.memory_space<vmem>> -> memref<1x68xi32, #tpu.memory_space<vmem>>
        %dma_start3A_612 = tpu.memref_squeeze %dma_start3A_611 : memref<1x68xi32, #tpu.memory_space<vmem>> -> memref<68xi32, #tpu.memory_space<vmem>>
        %dma_start3A_613 = arith.constant 0 : i32
        %dma_start3A_614 = arith.constant 0 : i32
        %dma_start3A_615 = tpu.memref_slice %arg2[%dma_start3A_613, %dma_start3A_614] : memref<100000x128xf32, #tpu.memory_space<hbm>> -> memref<100000x128xf32, #tpu.memory_space<hbm>>
        tpu.enqueue_indirect_dma source(%dma_start3A_615 : memref<100000x128xf32, #tpu.memory_space<hbm>>) target(%dma_start3A_609 : memref<68x128xf32, #tpu.memory_space<vmem>>) offsets(%dma_start3A_612 : memref<68xi32, #tpu.memory_space<vmem>>) semaphore(%arg14 : memref<!tpu.dma_semaphore, #tpu.memory_space<semaphore_mem>>)
        %mul3A_616 = arith.constant 4 : i32
        %mul3A_617 = arith.muli %mul3A_616, %add3A_561 : i32
        %add3A_618 = arith.constant 3 : i32
        %add3A_619 = arith.addi %mul3A_617, %add3A_618 : i32
        %dma_start3A_620 = arith.constant 0 : i32
        %dma_start3A_621 = arith.constant 0 : i32
        %dma_start3A_622 = arith.constant 0 : i32
        %dma_start3A_623 = tpu.memref_slice %arg7[%dma_start3A_620, %dma_start3A_621, %dma_start3A_622] : memref<2x272x128xf32, #tpu.memory_space<vmem>> -> memref<1x272x128xf32, #tpu.memory_space<vmem>>
        %dma_start3A_624 = tpu.memref_squeeze %dma_start3A_623 : memref<1x272x128xf32, #tpu.memory_space<vmem>> -> memref<272x128xf32, #tpu.memory_space<vmem>>
        %dma_start3A_625 = arith.constant 204 : i32
        %dma_start3A_626 = arith.constant 0 : i32
        %dma_start3A_627 = tpu.memref_slice %dma_start3A_624[%dma_start3A_625, %dma_start3A_626] : memref<272x128xf32, #tpu.memory_space<vmem>> -> memref<68x128xf32, #tpu.memory_space<vmem>>
        %dma_start3A_628 = arith.constant 0 : i32
        %dma_start3A_629 = tpu.memref_slice %arg6[%add3A_619, %dma_start3A_628] : memref<32x68xi32, #tpu.memory_space<vmem>> -> memref<1x68xi32, #tpu.memory_space<vmem>>
        %dma_start3A_630 = tpu.memref_squeeze %dma_start3A_629 : memref<1x68xi32, #tpu.memory_space<vmem>> -> memref<68xi32, #tpu.memory_space<vmem>>
        %dma_start3A_631 = arith.constant 0 : i32
        %dma_start3A_632 = arith.constant 0 : i32
        %dma_start3A_633 = tpu.memref_slice %arg2[%dma_start3A_631, %dma_start3A_632] : memref<100000x128xf32, #tpu.memory_space<hbm>> -> memref<100000x128xf32, #tpu.memory_space<hbm>>
        tpu.enqueue_indirect_dma source(%dma_start3A_633 : memref<100000x128xf32, #tpu.memory_space<hbm>>) target(%dma_start3A_627 : memref<68x128xf32, #tpu.memory_space<vmem>>) offsets(%dma_start3A_630 : memref<68xi32, #tpu.memory_space<vmem>>) semaphore(%arg14 : memref<!tpu.dma_semaphore, #tpu.memory_space<semaphore_mem>>)
      } else {
      }
      %mul3A_324 = arith.constant 4 : i32
      %mul3A_325 = arith.muli %mul3A_324, %add3A_316 : i32
      %add3A_326 = arith.constant 0 : i32
      %add3A_327 = arith.addi %mul3A_325, %add3A_326 : i32
      %dma_wait3A_328 = arith.constant 1 : i32
      %dma_wait3A_329 = arith.constant 0 : i32
      %dma_wait3A_330 = arith.constant 0 : i32
      %dma_wait3A_331 = tpu.memref_slice %arg7[%dma_wait3A_328, %dma_wait3A_329, %dma_wait3A_330] : memref<2x272x128xf32, #tpu.memory_space<vmem>> -> memref<1x272x128xf32, #tpu.memory_space<vmem>>
      %dma_wait3A_332 = tpu.memref_squeeze %dma_wait3A_331 : memref<1x272x128xf32, #tpu.memory_space<vmem>> -> memref<272x128xf32, #tpu.memory_space<vmem>>
      %dma_wait3A_333 = arith.constant 0 : i32
      %dma_wait3A_334 = arith.constant 0 : i32
      %dma_wait3A_335 = tpu.memref_slice %dma_wait3A_332[%dma_wait3A_333, %dma_wait3A_334] : memref<272x128xf32, #tpu.memory_space<vmem>> -> memref<68x128xf32, #tpu.memory_space<vmem>>
      %dma_wait3A_336 = arith.constant 0 : i32
      %dma_wait3A_337 = tpu.memref_slice %arg6[%add3A_327, %dma_wait3A_336] : memref<32x68xi32, #tpu.memory_space<vmem>> -> memref<1x68xi32, #tpu.memory_space<vmem>>
      %dma_wait3A_338 = tpu.memref_squeeze %dma_wait3A_337 : memref<1x68xi32, #tpu.memory_space<vmem>> -> memref<68xi32, #tpu.memory_space<vmem>>
      %dma_wait3A_339 = arith.constant 0 : i32
      %dma_wait3A_340 = arith.constant 0 : i32
      %dma_wait3A_341 = tpu.memref_slice %arg2[%dma_wait3A_339, %dma_wait3A_340] : memref<100000x128xf32, #tpu.memory_space<hbm>> -> memref<100000x128xf32, #tpu.memory_space<hbm>>
      tpu.wait_indirect_dma semaphore(%arg15 : memref<!tpu.dma_semaphore, #tpu.memory_space<semaphore_mem>>) src(%dma_wait3A_341 : memref<100000x128xf32, #tpu.memory_space<hbm>>) dst(%dma_wait3A_335 : memref<68x128xf32, #tpu.memory_space<vmem>>)
      %mul3A_342 = arith.constant 4 : i32
      %mul3A_343 = arith.muli %mul3A_342, %add3A_316 : i32
      %add3A_344 = arith.constant 1 : i32
      %add3A_345 = arith.addi %mul3A_343, %add3A_344 : i32
      %dma_wait3A_346 = arith.constant 1 : i32
      %dma_wait3A_347 = arith.constant 0 : i32
      %dma_wait3A_348 = arith.constant 0 : i32
      %dma_wait3A_349 = tpu.memref_slice %arg7[%dma_wait3A_346, %dma_wait3A_347, %dma_wait3A_348] : memref<2x272x128xf32, #tpu.memory_space<vmem>> -> memref<1x272x128xf32, #tpu.memory_space<vmem>>
      %dma_wait3A_350 = tpu.memref_squeeze %dma_wait3A_349 : memref<1x272x128xf32, #tpu.memory_space<vmem>> -> memref<272x128xf32, #tpu.memory_space<vmem>>
      %dma_wait3A_351 = arith.constant 68 : i32
      %dma_wait3A_352 = arith.constant 0 : i32
      %dma_wait3A_353 = tpu.memref_slice %dma_wait3A_350[%dma_wait3A_351, %dma_wait3A_352] : memref<272x128xf32, #tpu.memory_space<vmem>> -> memref<68x128xf32, #tpu.memory_space<vmem>>
      %dma_wait3A_354 = arith.constant 0 : i32
      %dma_wait3A_355 = tpu.memref_slice %arg6[%add3A_345, %dma_wait3A_354] : memref<32x68xi32, #tpu.memory_space<vmem>> -> memref<1x68xi32, #tpu.memory_space<vmem>>
      %dma_wait3A_356 = tpu.memref_squeeze %dma_wait3A_355 : memref<1x68xi32, #tpu.memory_space<vmem>> -> memref<68xi32, #tpu.memory_space<vmem>>
      %dma_wait3A_357 = arith.constant 0 : i32
      %dma_wait3A_358 = arith.constant 0 : i32
      %dma_wait3A_359 = tpu.memref_slice %arg2[%dma_wait3A_357, %dma_wait3A_358] : memref<100000x128xf32, #tpu.memory_space<hbm>> -> memref<100000x128xf32, #tpu.memory_space<hbm>>
      tpu.wait_indirect_dma semaphore(%arg15 : memref<!tpu.dma_semaphore, #tpu.memory_space<semaphore_mem>>) src(%dma_wait3A_359 : memref<100000x128xf32, #tpu.memory_space<hbm>>) dst(%dma_wait3A_353 : memref<68x128xf32, #tpu.memory_space<vmem>>)
      %mul3A_360 = arith.constant 4 : i32
      %mul3A_361 = arith.muli %mul3A_360, %add3A_316 : i32
      %add3A_362 = arith.constant 2 : i32
      %add3A_363 = arith.addi %mul3A_361, %add3A_362 : i32
      %dma_wait3A_364 = arith.constant 1 : i32
      %dma_wait3A_365 = arith.constant 0 : i32
      %dma_wait3A_366 = arith.constant 0 : i32
      %dma_wait3A_367 = tpu.memref_slice %arg7[%dma_wait3A_364, %dma_wait3A_365, %dma_wait3A_366] : memref<2x272x128xf32, #tpu.memory_space<vmem>> -> memref<1x272x128xf32, #tpu.memory_space<vmem>>
      %dma_wait3A_368 = tpu.memref_squeeze %dma_wait3A_367 : memref<1x272x128xf32, #tpu.memory_space<vmem>> -> memref<272x128xf32, #tpu.memory_space<vmem>>
      %dma_wait3A_369 = arith.constant 136 : i32
      %dma_wait3A_370 = arith.constant 0 : i32
      %dma_wait3A_371 = tpu.memref_slice %dma_wait3A_368[%dma_wait3A_369, %dma_wait3A_370] : memref<272x128xf32, #tpu.memory_space<vmem>> -> memref<68x128xf32, #tpu.memory_space<vmem>>
      %dma_wait3A_372 = arith.constant 0 : i32
      %dma_wait3A_373 = tpu.memref_slice %arg6[%add3A_363, %dma_wait3A_372] : memref<32x68xi32, #tpu.memory_space<vmem>> -> memref<1x68xi32, #tpu.memory_space<vmem>>
      %dma_wait3A_374 = tpu.memref_squeeze %dma_wait3A_373 : memref<1x68xi32, #tpu.memory_space<vmem>> -> memref<68xi32, #tpu.memory_space<vmem>>
      %dma_wait3A_375 = arith.constant 0 : i32
      %dma_wait3A_376 = arith.constant 0 : i32
      %dma_wait3A_377 = tpu.memref_slice %arg2[%dma_wait3A_375, %dma_wait3A_376] : memref<100000x128xf32, #tpu.memory_space<hbm>> -> memref<100000x128xf32, #tpu.memory_space<hbm>>
      tpu.wait_indirect_dma semaphore(%arg15 : memref<!tpu.dma_semaphore, #tpu.memory_space<semaphore_mem>>) src(%dma_wait3A_377 : memref<100000x128xf32, #tpu.memory_space<hbm>>) dst(%dma_wait3A_371 : memref<68x128xf32, #tpu.memory_space<vmem>>)
      %mul3A_378 = arith.constant 4 : i32
      %mul3A_379 = arith.muli %mul3A_378, %add3A_316 : i32
      %add3A_380 = arith.constant 3 : i32
      %add3A_381 = arith.addi %mul3A_379, %add3A_380 : i32
      %dma_wait3A_382 = arith.constant 1 : i32
      %dma_wait3A_383 = arith.constant 0 : i32
      %dma_wait3A_384 = arith.constant 0 : i32
      %dma_wait3A_385 = tpu.memref_slice %arg7[%dma_wait3A_382, %dma_wait3A_383, %dma_wait3A_384] : memref<2x272x128xf32, #tpu.memory_space<vmem>> -> memref<1x272x128xf32, #tpu.memory_space<vmem>>
      %dma_wait3A_386 = tpu.memref_squeeze %dma_wait3A_385 : memref<1x272x128xf32, #tpu.memory_space<vmem>> -> memref<272x128xf32, #tpu.memory_space<vmem>>
      %dma_wait3A_387 = arith.constant 204 : i32
      %dma_wait3A_388 = arith.constant 0 : i32
      %dma_wait3A_389 = tpu.memref_slice %dma_wait3A_386[%dma_wait3A_387, %dma_wait3A_388] : memref<272x128xf32, #tpu.memory_space<vmem>> -> memref<68x128xf32, #tpu.memory_space<vmem>>
      %dma_wait3A_390 = arith.constant 0 : i32
      %dma_wait3A_391 = tpu.memref_slice %arg6[%add3A_381, %dma_wait3A_390] : memref<32x68xi32, #tpu.memory_space<vmem>> -> memref<1x68xi32, #tpu.memory_space<vmem>>
      %dma_wait3A_392 = tpu.memref_squeeze %dma_wait3A_391 : memref<1x68xi32, #tpu.memory_space<vmem>> -> memref<68xi32, #tpu.memory_space<vmem>>
      %dma_wait3A_393 = arith.constant 0 : i32
      %dma_wait3A_394 = arith.constant 0 : i32
      %dma_wait3A_395 = tpu.memref_slice %arg2[%dma_wait3A_393, %dma_wait3A_394] : memref<100000x128xf32, #tpu.memory_space<hbm>> -> memref<100000x128xf32, #tpu.memory_space<hbm>>
      tpu.wait_indirect_dma semaphore(%arg15 : memref<!tpu.dma_semaphore, #tpu.memory_space<semaphore_mem>>) src(%dma_wait3A_395 : memref<100000x128xf32, #tpu.memory_space<hbm>>) dst(%dma_wait3A_389 : memref<68x128xf32, #tpu.memory_space<vmem>>)
      %scan3A_396 = arith.constant 1 : i32
      %scan3A_397 = arith.constant 0 : i32
      %scan3A_398 = arith.constant 16 : i32
      %scan3A_399 = arith.addi %scan3A_397, %scan3A_398 : i32
      %scan3A_400 = arith.constant 1 : i32
      %scan3A_401 = scf.for %scan3A_560 = %scan3A_397 to %scan3A_399 step %scan3A_400 iter_args(%scan3A_561 = %scan3A_156) -> (vector<16xf32>)  : i32 {
        %mul3A_562 = arith.constant 17 : i32
        %mul3A_563 = arith.muli %scan3A_560, %mul3A_562 : i32
        %get3A = arith.constant 0 : i32
        %get3A_564 = arith.constant 0 : i32
        %get3A_565 = tpu.memref_slice %arg7[%scan3A_396, %get3A, %get3A_564] : memref<2x272x128xf32, #tpu.memory_space<vmem>> -> memref<1x272x128xf32, #tpu.memory_space<vmem>>
        %get3A_566 = tpu.memref_squeeze %get3A_565 : memref<1x272x128xf32, #tpu.memory_space<vmem>> -> memref<272x128xf32, #tpu.memory_space<vmem>>
        %get3A_567 = arith.index_cast %mul3A_563 : i32 to index
        %get3A_568 = arith.constant 0 : index
        %get3A_569 = tpu.vector_load %get3A_566[%get3A_567, %get3A_568] {strides = array<i32>} : memref<272x128xf32, #tpu.memory_space<vmem>>, vector<16xf32>,
        %get3A_570 = arith.constant 0 : i32
        %get3A_571 = arith.constant 0 : i32
        %get3A_572 = tpu.memref_slice %arg7[%scan3A_396, %get3A_570, %get3A_571] : memref<2x272x128xf32, #tpu.memory_space<vmem>> -> memref<1x272x128xf32, #tpu.memory_space<vmem>>
        %get3A_573 = tpu.memref_squeeze %get3A_572 : memref<1x272x128xf32, #tpu.memory_space<vmem>> -> memref<272x128xf32, #tpu.memory_space<vmem>>
        %get3A_574 = arith.index_cast %mul3A_563 : i32 to index
        %get3A_575 = arith.constant 16 : index
        %get3A_576 = tpu.vector_load %get3A_573[%get3A_574, %get3A_575] {strides = array<i32>} : memref<272x128xf32, #tpu.memory_space<vmem>>, vector<16xf32>,
        %get3A_577 = arith.constant 0 : i32
        %get3A_578 = arith.constant 0 : i32
        %get3A_579 = tpu.memref_slice %arg7[%scan3A_396, %get3A_577, %get3A_578] : memref<2x272x128xf32, #tpu.memory_space<vmem>> -> memref<1x272x128xf32, #tpu.memory_space<vmem>>
        %get3A_580 = tpu.memref_squeeze %get3A_579 : memref<1x272x128xf32, #tpu.memory_space<vmem>> -> memref<272x128xf32, #tpu.memory_space<vmem>>
        %get3A_581 = arith.index_cast %mul3A_563 : i32 to index
        %get3A_582 = arith.constant 32 : index
        %get3A_583 = tpu.vector_load %get3A_580[%get3A_581, %get3A_582] {strides = array<i32>} : memref<272x128xf32, #tpu.memory_space<vmem>>, vector<16xf32>,
        %get3A_584 = arith.constant 0 : i32
        %get3A_585 = arith.constant 0 : i32
        %get3A_586 = tpu.memref_slice %arg7[%scan3A_396, %get3A_584, %get3A_585] : memref<2x272x128xf32, #tpu.memory_space<vmem>> -> memref<1x272x128xf32, #tpu.memory_space<vmem>>
        %get3A_587 = tpu.memref_squeeze %get3A_586 : memref<1x272x128xf32, #tpu.memory_space<vmem>> -> memref<272x128xf32, #tpu.memory_space<vmem>>
        %get3A_588 = arith.index_cast %mul3A_563 : i32 to index
        %get3A_589 = arith.constant 48 : index
        %get3A_590 = tpu.vector_load %get3A_587[%get3A_588, %get3A_589] {strides = array<i32>} : memref<272x128xf32, #tpu.memory_space<vmem>>, vector<16xf32>,
        %get3A_591 = arith.constant 0 : i32
        %get3A_592 = arith.constant 0 : i32
        %get3A_593 = tpu.memref_slice %arg7[%scan3A_396, %get3A_591, %get3A_592] : memref<2x272x128xf32, #tpu.memory_space<vmem>> -> memref<1x272x128xf32, #tpu.memory_space<vmem>>
        %get3A_594 = tpu.memref_squeeze %get3A_593 : memref<1x272x128xf32, #tpu.memory_space<vmem>> -> memref<272x128xf32, #tpu.memory_space<vmem>>
        %get3A_595 = arith.index_cast %mul3A_563 : i32 to index
        %get3A_596 = arith.constant 64 : index
        %get3A_597 = tpu.vector_load %get3A_594[%get3A_595, %get3A_596] {strides = array<i32>} : memref<272x128xf32, #tpu.memory_space<vmem>>, vector<16xf32>,
        %get3A_598 = arith.constant 0 : i32
        %get3A_599 = arith.constant 0 : i32
        %get3A_600 = tpu.memref_slice %arg7[%scan3A_396, %get3A_598, %get3A_599] : memref<2x272x128xf32, #tpu.memory_space<vmem>> -> memref<1x272x128xf32, #tpu.memory_space<vmem>>
        %get3A_601 = tpu.memref_squeeze %get3A_600 : memref<1x272x128xf32, #tpu.memory_space<vmem>> -> memref<272x128xf32, #tpu.memory_space<vmem>>
        %get3A_602 = arith.index_cast %mul3A_563 : i32 to index
        %get3A_603 = arith.constant 80 : index
        %get3A_604 = tpu.vector_load %get3A_601[%get3A_602, %get3A_603] {strides = array<i32>} : memref<272x128xf32, #tpu.memory_space<vmem>>, vector<16xf32>,
        %get3A_605 = arith.constant 0 : i32
        %get3A_606 = arith.constant 0 : i32
        %get3A_607 = tpu.memref_slice %arg7[%scan3A_396, %get3A_605, %get3A_606] : memref<2x272x128xf32, #tpu.memory_space<vmem>> -> memref<1x272x128xf32, #tpu.memory_space<vmem>>
        %get3A_608 = tpu.memref_squeeze %get3A_607 : memref<1x272x128xf32, #tpu.memory_space<vmem>> -> memref<272x128xf32, #tpu.memory_space<vmem>>
        %get3A_609 = arith.index_cast %mul3A_563 : i32 to index
        %get3A_610 = arith.constant 96 : index
        %get3A_611 = tpu.vector_load %get3A_608[%get3A_609, %get3A_610] {strides = array<i32>} : memref<272x128xf32, #tpu.memory_space<vmem>>, vector<16xf32>,
        %get3A_612 = arith.constant 0 : i32
        %get3A_613 = arith.constant 0 : i32
        %get3A_614 = tpu.memref_slice %arg7[%scan3A_396, %get3A_612, %get3A_613] : memref<2x272x128xf32, #tpu.memory_space<vmem>> -> memref<1x272x128xf32, #tpu.memory_space<vmem>>
        %get3A_615 = tpu.memref_squeeze %get3A_614 : memref<1x272x128xf32, #tpu.memory_space<vmem>> -> memref<272x128xf32, #tpu.memory_space<vmem>>
        %get3A_616 = arith.index_cast %mul3A_563 : i32 to index
        %get3A_617 = arith.constant 112 : index
        %get3A_618 = tpu.vector_load %get3A_615[%get3A_616, %get3A_617] {strides = array<i32>} : memref<272x128xf32, #tpu.memory_space<vmem>>, vector<16xf32>,
        %mul3A_619 = arith.mulf %get3A_569, %get3A_569 : vector<16xf32>
        %mul3A_620 = arith.mulf %get3A_576, %get3A_576 : vector<16xf32>
        %mul3A_621 = arith.mulf %get3A_583, %get3A_583 : vector<16xf32>
        %add3A_622 = arith.addf %mul3A_619, %mul3A_621 : vector<16xf32>
        %mul3A_623 = arith.mulf %get3A_590, %get3A_590 : vector<16xf32>
        %add3A_624 = arith.addf %mul3A_620, %mul3A_623 : vector<16xf32>
        %mul3A_625 = arith.mulf %get3A_597, %get3A_597 : vector<16xf32>
        %add3A_626 = arith.addf %add3A_622, %mul3A_625 : vector<16xf32>
        %mul3A_627 = arith.mulf %get3A_604, %get3A_604 : vector<16xf32>
        %add3A_628 = arith.addf %add3A_624, %mul3A_627 : vector<16xf32>
        %mul3A_629 = arith.mulf %get3A_611, %get3A_611 : vector<16xf32>
        %add3A_630 = arith.addf %add3A_626, %mul3A_629 : vector<16xf32>
        %mul3A_631 = arith.mulf %get3A_618, %get3A_618 : vector<16xf32>
        %add3A_632 = arith.addf %add3A_628, %mul3A_631 : vector<16xf32>
        %add3A_633 = arith.addf %add3A_630, %add3A_632 : vector<16xf32>
        %mul3A_634 = arith.constant 17 : i32
        %mul3A_635 = arith.muli %scan3A_560, %mul3A_634 : i32
        %swap3A_636 = arith.index_cast %mul3A_635 : i32 to index
        %swap3A_637 = tpu.vector_load %arg10[%swap3A_636] {strides = array<i32>} : memref<272xf32, #tpu.memory_space<vmem>>, vector<16xf32>,
        tpu.vector_store %arg10[%swap3A_636], %add3A_633 {strides = array<i32>} : memref<272xf32, #tpu.memory_space<vmem>>, vector<16xf32>,
        %add3A_638 = arith.constant 1 : i32
        %add3A_639 = arith.addi %mul3A_563, %add3A_638 : i32
        %get3A_640 = arith.constant 0 : i32
        %get3A_641 = arith.constant 0 : i32
        %get3A_642 = tpu.memref_slice %arg7[%scan3A_396, %get3A_640, %get3A_641] : memref<2x272x128xf32, #tpu.memory_space<vmem>> -> memref<1x272x128xf32, #tpu.memory_space<vmem>>
        %get3A_643 = tpu.memref_squeeze %get3A_642 : memref<1x272x128xf32, #tpu.memory_space<vmem>> -> memref<272x128xf32, #tpu.memory_space<vmem>>
        %get3A_644 = arith.index_cast %add3A_639 : i32 to index
        %get3A_645 = arith.constant 0 : index
        %get3A_646 = tpu.vector_load %get3A_643[%get3A_644, %get3A_645] {strides = array<i32>} : memref<272x128xf32, #tpu.memory_space<vmem>>, vector<16xf32>,
        %mul3A_647 = arith.mulf %get3A_646, %get3A_569 : vector<16xf32>
        %add3A_648 = arith.constant 1 : i32
        %add3A_649 = arith.addi %mul3A_563, %add3A_648 : i32
        %get3A_650 = arith.constant 0 : i32
        %get3A_651 = arith.constant 0 : i32
        %get3A_652 = tpu.memref_slice %arg7[%scan3A_396, %get3A_650, %get3A_651] : memref<2x272x128xf32, #tpu.memory_space<vmem>> -> memref<1x272x128xf32, #tpu.memory_space<vmem>>
        %get3A_653 = tpu.memref_squeeze %get3A_652 : memref<1x272x128xf32, #tpu.memory_space<vmem>> -> memref<272x128xf32, #tpu.memory_space<vmem>>
        %get3A_654 = arith.index_cast %add3A_649 : i32 to index
        %get3A_655 = arith.constant 16 : index
        %get3A_656 = tpu.vector_load %get3A_653[%get3A_654, %get3A_655] {strides = array<i32>} : memref<272x128xf32, #tpu.memory_space<vmem>>, vector<16xf32>,
        %mul3A_657 = arith.mulf %get3A_656, %get3A_576 : vector<16xf32>
        %add3A_658 = arith.constant 1 : i32
        %add3A_659 = arith.addi %mul3A_563, %add3A_658 : i32
        %get3A_660 = arith.constant 0 : i32
        %get3A_661 = arith.constant 0 : i32
        %get3A_662 = tpu.memref_slice %arg7[%scan3A_396, %get3A_660, %get3A_661] : memref<2x272x128xf32, #tpu.memory_space<vmem>> -> memref<1x272x128xf32, #tpu.memory_space<vmem>>
        %get3A_663 = tpu.memref_squeeze %get3A_662 : memref<1x272x128xf32, #tpu.memory_space<vmem>> -> memref<272x128xf32, #tpu.memory_space<vmem>>
        %get3A_664 = arith.index_cast %add3A_659 : i32 to index
        %get3A_665 = arith.constant 32 : index
        %get3A_666 = tpu.vector_load %get3A_663[%get3A_664, %get3A_665] {strides = array<i32>} : memref<272x128xf32, #tpu.memory_space<vmem>>, vector<16xf32>,
        %mul3A_667 = arith.mulf %get3A_666, %get3A_583 : vector<16xf32>
        %add3A_668 = arith.addf %mul3A_647, %mul3A_667 : vector<16xf32>
        %add3A_669 = arith.constant 1 : i32
        %add3A_670 = arith.addi %mul3A_563, %add3A_669 : i32
        %get3A_671 = arith.constant 0 : i32
        %get3A_672 = arith.constant 0 : i32
        %get3A_673 = tpu.memref_slice %arg7[%scan3A_396, %get3A_671, %get3A_672] : memref<2x272x128xf32, #tpu.memory_space<vmem>> -> memref<1x272x128xf32, #tpu.memory_space<vmem>>
        %get3A_674 = tpu.memref_squeeze %get3A_673 : memref<1x272x128xf32, #tpu.memory_space<vmem>> -> memref<272x128xf32, #tpu.memory_space<vmem>>
        %get3A_675 = arith.index_cast %add3A_670 : i32 to index
        %get3A_676 = arith.constant 48 : index
        %get3A_677 = tpu.vector_load %get3A_674[%get3A_675, %get3A_676] {strides = array<i32>} : memref<272x128xf32, #tpu.memory_space<vmem>>, vector<16xf32>,
        %mul3A_678 = arith.mulf %get3A_677, %get3A_590 : vector<16xf32>
        %add3A_679 = arith.addf %mul3A_657, %mul3A_678 : vector<16xf32>
        %add3A_680 = arith.constant 1 : i32
        %add3A_681 = arith.addi %mul3A_563, %add3A_680 : i32
        %get3A_682 = arith.constant 0 : i32
        %get3A_683 = arith.constant 0 : i32
        %get3A_684 = tpu.memref_slice %arg7[%scan3A_396, %get3A_682, %get3A_683] : memref<2x272x128xf32, #tpu.memory_space<vmem>> -> memref<1x272x128xf32, #tpu.memory_space<vmem>>
        %get3A_685 = tpu.memref_squeeze %get3A_684 : memref<1x272x128xf32, #tpu.memory_space<vmem>> -> memref<272x128xf32, #tpu.memory_space<vmem>>
        %get3A_686 = arith.index_cast %add3A_681 : i32 to index
        %get3A_687 = arith.constant 64 : index
        %get3A_688 = tpu.vector_load %get3A_685[%get3A_686, %get3A_687] {strides = array<i32>} : memref<272x128xf32, #tpu.memory_space<vmem>>, vector<16xf32>,
        %mul3A_689 = arith.mulf %get3A_688, %get3A_597 : vector<16xf32>
        %add3A_690 = arith.addf %add3A_668, %mul3A_689 : vector<16xf32>
        %add3A_691 = arith.constant 1 : i32
        %add3A_692 = arith.addi %mul3A_563, %add3A_691 : i32
        %get3A_693 = arith.constant 0 : i32
        %get3A_694 = arith.constant 0 : i32
        %get3A_695 = tpu.memref_slice %arg7[%scan3A_396, %get3A_693, %get3A_694] : memref<2x272x128xf32, #tpu.memory_space<vmem>> -> memref<1x272x128xf32, #tpu.memory_space<vmem>>
        %get3A_696 = tpu.memref_squeeze %get3A_695 : memref<1x272x128xf32, #tpu.memory_space<vmem>> -> memref<272x128xf32, #tpu.memory_space<vmem>>
        %get3A_697 = arith.index_cast %add3A_692 : i32 to index
        %get3A_698 = arith.constant 80 : index
        %get3A_699 = tpu.vector_load %get3A_696[%get3A_697, %get3A_698] {strides = array<i32>} : memref<272x128xf32, #tpu.memory_space<vmem>>, vector<16xf32>,
        %mul3A_700 = arith.mulf %get3A_699, %get3A_604 : vector<16xf32>
        %add3A_701 = arith.addf %add3A_679, %mul3A_700 : vector<16xf32>
        %add3A_702 = arith.constant 1 : i32
        %add3A_703 = arith.addi %mul3A_563, %add3A_702 : i32
        %get3A_704 = arith.constant 0 : i32
        %get3A_705 = arith.constant 0 : i32
        %get3A_706 = tpu.memref_slice %arg7[%scan3A_396, %get3A_704, %get3A_705] : memref<2x272x128xf32, #tpu.memory_space<vmem>> -> memref<1x272x128xf32, #tpu.memory_space<vmem>>
        %get3A_707 = tpu.memref_squeeze %get3A_706 : memref<1x272x128xf32, #tpu.memory_space<vmem>> -> memref<272x128xf32, #tpu.memory_space<vmem>>
        %get3A_708 = arith.index_cast %add3A_703 : i32 to index
        %get3A_709 = arith.constant 96 : index
        %get3A_710 = tpu.vector_load %get3A_707[%get3A_708, %get3A_709] {strides = array<i32>} : memref<272x128xf32, #tpu.memory_space<vmem>>, vector<16xf32>,
        %mul3A_711 = arith.mulf %get3A_710, %get3A_611 : vector<16xf32>
        %add3A_712 = arith.addf %add3A_690, %mul3A_711 : vector<16xf32>
        %add3A_713 = arith.constant 1 : i32
        %add3A_714 = arith.addi %mul3A_563, %add3A_713 : i32
        %get3A_715 = arith.constant 0 : i32
        %get3A_716 = arith.constant 0 : i32
        %get3A_717 = tpu.memref_slice %arg7[%scan3A_396, %get3A_715, %get3A_716] : memref<2x272x128xf32, #tpu.memory_space<vmem>> -> memref<1x272x128xf32, #tpu.memory_space<vmem>>
        %get3A_718 = tpu.memref_squeeze %get3A_717 : memref<1x272x128xf32, #tpu.memory_space<vmem>> -> memref<272x128xf32, #tpu.memory_space<vmem>>
        %get3A_719 = arith.index_cast %add3A_714 : i32 to index
        %get3A_720 = arith.constant 112 : index
        %get3A_721 = tpu.vector_load %get3A_718[%get3A_719, %get3A_720] {strides = array<i32>} : memref<272x128xf32, #tpu.memory_space<vmem>>, vector<16xf32>,
        %mul3A_722 = arith.mulf %get3A_721, %get3A_618 : vector<16xf32>
        %add3A_723 = arith.addf %add3A_701, %mul3A_722 : vector<16xf32>
        %add3A_724 = arith.addf %add3A_712, %add3A_723 : vector<16xf32>
        %swap3A_725 = arith.constant 0 : index
        %swap3A_726 = tpu.vector_load %arg8[%swap3A_725] {strides = array<i32>} : memref<272xf32, #tpu.memory_space<vmem>>, vector<16xf32>,
        tpu.vector_store %arg8[%swap3A_725], %add3A_724 {strides = array<i32>} : memref<272xf32, #tpu.memory_space<vmem>>, vector<16xf32>,
        %add3A_727 = arith.constant 2 : i32
        %add3A_728 = arith.addi %mul3A_563, %add3A_727 : i32
        %get3A_729 = arith.constant 0 : i32
        %get3A_730 = arith.constant 0 : i32
        %get3A_731 = tpu.memref_slice %arg7[%scan3A_396, %get3A_729, %get3A_730] : memref<2x272x128xf32, #tpu.memory_space<vmem>> -> memref<1x272x128xf32, #tpu.memory_space<vmem>>
        %get3A_732 = tpu.memref_squeeze %get3A_731 : memref<1x272x128xf32, #tpu.memory_space<vmem>> -> memref<272x128xf32, #tpu.memory_space<vmem>>
        %get3A_733 = arith.index_cast %add3A_728 : i32 to index
        %get3A_734 = arith.constant 0 : index
        %get3A_735 = tpu.vector_load %get3A_732[%get3A_733, %get3A_734] {strides = array<i32>} : memref<272x128xf32, #tpu.memory_space<vmem>>, vector<16xf32>,
        %mul3A_736 = arith.mulf %get3A_735, %get3A_569 : vector<16xf32>
        %add3A_737 = arith.constant 2 : i32
        %add3A_738 = arith.addi %mul3A_563, %add3A_737 : i32
        %get3A_739 = arith.constant 0 : i32
        %get3A_740 = arith.constant 0 : i32
        %get3A_741 = tpu.memref_slice %arg7[%scan3A_396, %get3A_739, %get3A_740] : memref<2x272x128xf32, #tpu.memory_space<vmem>> -> memref<1x272x128xf32, #tpu.memory_space<vmem>>
        %get3A_742 = tpu.memref_squeeze %get3A_741 : memref<1x272x128xf32, #tpu.memory_space<vmem>> -> memref<272x128xf32, #tpu.memory_space<vmem>>
        %get3A_743 = arith.index_cast %add3A_738 : i32 to index
        %get3A_744 = arith.constant 16 : index
        %get3A_745 = tpu.vector_load %get3A_742[%get3A_743, %get3A_744] {strides = array<i32>} : memref<272x128xf32, #tpu.memory_space<vmem>>, vector<16xf32>,
        %mul3A_746 = arith.mulf %get3A_745, %get3A_576 : vector<16xf32>
        %add3A_747 = arith.constant 2 : i32
        %add3A_748 = arith.addi %mul3A_563, %add3A_747 : i32
        %get3A_749 = arith.constant 0 : i32
        %get3A_750 = arith.constant 0 : i32
        %get3A_751 = tpu.memref_slice %arg7[%scan3A_396, %get3A_749, %get3A_750] : memref<2x272x128xf32, #tpu.memory_space<vmem>> -> memref<1x272x128xf32, #tpu.memory_space<vmem>>
        %get3A_752 = tpu.memref_squeeze %get3A_751 : memref<1x272x128xf32, #tpu.memory_space<vmem>> -> memref<272x128xf32, #tpu.memory_space<vmem>>
        %get3A_753 = arith.index_cast %add3A_748 : i32 to index
        %get3A_754 = arith.constant 32 : index
        %get3A_755 = tpu.vector_load %get3A_752[%get3A_753, %get3A_754] {strides = array<i32>} : memref<272x128xf32, #tpu.memory_space<vmem>>, vector<16xf32>,
        %mul3A_756 = arith.mulf %get3A_755, %get3A_583 : vector<16xf32>
        %add3A_757 = arith.addf %mul3A_736, %mul3A_756 : vector<16xf32>
        %add3A_758 = arith.constant 2 : i32
        %add3A_759 = arith.addi %mul3A_563, %add3A_758 : i32
        %get3A_760 = arith.constant 0 : i32
        %get3A_761 = arith.constant 0 : i32
        %get3A_762 = tpu.memref_slice %arg7[%scan3A_396, %get3A_760, %get3A_761] : memref<2x272x128xf32, #tpu.memory_space<vmem>> -> memref<1x272x128xf32, #tpu.memory_space<vmem>>
        %get3A_763 = tpu.memref_squeeze %get3A_762 : memref<1x272x128xf32, #tpu.memory_space<vmem>> -> memref<272x128xf32, #tpu.memory_space<vmem>>
        %get3A_764 = arith.index_cast %add3A_759 : i32 to index
        %get3A_765 = arith.constant 48 : index
        %get3A_766 = tpu.vector_load %get3A_763[%get3A_764, %get3A_765] {strides = array<i32>} : memref<272x128xf32, #tpu.memory_space<vmem>>, vector<16xf32>,
        %mul3A_767 = arith.mulf %get3A_766, %get3A_590 : vector<16xf32>
        %add3A_768 = arith.addf %mul3A_746, %mul3A_767 : vector<16xf32>
        %add3A_769 = arith.constant 2 : i32
        %add3A_770 = arith.addi %mul3A_563, %add3A_769 : i32
        %get3A_771 = arith.constant 0 : i32
        %get3A_772 = arith.constant 0 : i32
        %get3A_773 = tpu.memref_slice %arg7[%scan3A_396, %get3A_771, %get3A_772] : memref<2x272x128xf32, #tpu.memory_space<vmem>> -> memref<1x272x128xf32, #tpu.memory_space<vmem>>
        %get3A_774 = tpu.memref_squeeze %get3A_773 : memref<1x272x128xf32, #tpu.memory_space<vmem>> -> memref<272x128xf32, #tpu.memory_space<vmem>>
        %get3A_775 = arith.index_cast %add3A_770 : i32 to index
        %get3A_776 = arith.constant 64 : index
        %get3A_777 = tpu.vector_load %get3A_774[%get3A_775, %get3A_776] {strides = array<i32>} : memref<272x128xf32, #tpu.memory_space<vmem>>, vector<16xf32>,
        %mul3A_778 = arith.mulf %get3A_777, %get3A_597 : vector<16xf32>
        %add3A_779 = arith.addf %add3A_757, %mul3A_778 : vector<16xf32>
        %add3A_780 = arith.constant 2 : i32
        %add3A_781 = arith.addi %mul3A_563, %add3A_780 : i32
        %get3A_782 = arith.constant 0 : i32
        %get3A_783 = arith.constant 0 : i32
        %get3A_784 = tpu.memref_slice %arg7[%scan3A_396, %get3A_782, %get3A_783] : memref<2x272x128xf32, #tpu.memory_space<vmem>> -> memref<1x272x128xf32, #tpu.memory_space<vmem>>
        %get3A_785 = tpu.memref_squeeze %get3A_784 : memref<1x272x128xf32, #tpu.memory_space<vmem>> -> memref<272x128xf32, #tpu.memory_space<vmem>>
        %get3A_786 = arith.index_cast %add3A_781 : i32 to index
        %get3A_787 = arith.constant 80 : index
        %get3A_788 = tpu.vector_load %get3A_785[%get3A_786, %get3A_787] {strides = array<i32>} : memref<272x128xf32, #tpu.memory_space<vmem>>, vector<16xf32>,
        %mul3A_789 = arith.mulf %get3A_788, %get3A_604 : vector<16xf32>
        %add3A_790 = arith.addf %add3A_768, %mul3A_789 : vector<16xf32>
        %add3A_791 = arith.constant 2 : i32
        %add3A_792 = arith.addi %mul3A_563, %add3A_791 : i32
        %get3A_793 = arith.constant 0 : i32
        %get3A_794 = arith.constant 0 : i32
        %get3A_795 = tpu.memref_slice %arg7[%scan3A_396, %get3A_793, %get3A_794] : memref<2x272x128xf32, #tpu.memory_space<vmem>> -> memref<1x272x128xf32, #tpu.memory_space<vmem>>
        %get3A_796 = tpu.memref_squeeze %get3A_795 : memref<1x272x128xf32, #tpu.memory_space<vmem>> -> memref<272x128xf32, #tpu.memory_space<vmem>>
        %get3A_797 = arith.index_cast %add3A_792 : i32 to index
        %get3A_798 = arith.constant 96 : index
        %get3A_799 = tpu.vector_load %get3A_796[%get3A_797, %get3A_798] {strides = array<i32>} : memref<272x128xf32, #tpu.memory_space<vmem>>, vector<16xf32>,
        %mul3A_800 = arith.mulf %get3A_799, %get3A_611 : vector<16xf32>
        %add3A_801 = arith.addf %add3A_779, %mul3A_800 : vector<16xf32>
        %add3A_802 = arith.constant 2 : i32
        %add3A_803 = arith.addi %mul3A_563, %add3A_802 : i32
        %get3A_804 = arith.constant 0 : i32
        %get3A_805 = arith.constant 0 : i32
        %get3A_806 = tpu.memref_slice %arg7[%scan3A_396, %get3A_804, %get3A_805] : memref<2x272x128xf32, #tpu.memory_space<vmem>> -> memref<1x272x128xf32, #tpu.memory_space<vmem>>
        %get3A_807 = tpu.memref_squeeze %get3A_806 : memref<1x272x128xf32, #tpu.memory_space<vmem>> -> memref<272x128xf32, #tpu.memory_space<vmem>>
        %get3A_808 = arith.index_cast %add3A_803 : i32 to index
        %get3A_809 = arith.constant 112 : index
        %get3A_810 = tpu.vector_load %get3A_807[%get3A_808, %get3A_809] {strides = array<i32>} : memref<272x128xf32, #tpu.memory_space<vmem>>, vector<16xf32>,
        %mul3A_811 = arith.mulf %get3A_810, %get3A_618 : vector<16xf32>
        %add3A_812 = arith.addf %add3A_790, %mul3A_811 : vector<16xf32>
        %add3A_813 = arith.addf %add3A_801, %add3A_812 : vector<16xf32>
        %swap3A_814 = arith.constant 17 : index
        %swap3A_815 = tpu.vector_load %arg8[%swap3A_814] {strides = array<i32>} : memref<272xf32, #tpu.memory_space<vmem>>, vector<16xf32>,
        tpu.vector_store %arg8[%swap3A_814], %add3A_813 {strides = array<i32>} : memref<272xf32, #tpu.memory_space<vmem>>, vector<16xf32>,
        %add3A_816 = arith.constant 3 : i32
        %add3A_817 = arith.addi %mul3A_563, %add3A_816 : i32
        %get3A_818 = arith.constant 0 : i32
        %get3A_819 = arith.constant 0 : i32
        %get3A_820 = tpu.memref_slice %arg7[%scan3A_396, %get3A_818, %get3A_819] : memref<2x272x128xf32, #tpu.memory_space<vmem>> -> memref<1x272x128xf32, #tpu.memory_space<vmem>>
        %get3A_821 = tpu.memref_squeeze %get3A_820 : memref<1x272x128xf32, #tpu.memory_space<vmem>> -> memref<272x128xf32, #tpu.memory_space<vmem>>
        %get3A_822 = arith.index_cast %add3A_817 : i32 to index
        %get3A_823 = arith.constant 0 : index
        %get3A_824 = tpu.vector_load %get3A_821[%get3A_822, %get3A_823] {strides = array<i32>} : memref<272x128xf32, #tpu.memory_space<vmem>>, vector<16xf32>,
        %mul3A_825 = arith.mulf %get3A_824, %get3A_569 : vector<16xf32>
        %add3A_826 = arith.constant 3 : i32
        %add3A_827 = arith.addi %mul3A_563, %add3A_826 : i32
        %get3A_828 = arith.constant 0 : i32
        %get3A_829 = arith.constant 0 : i32
        %get3A_830 = tpu.memref_slice %arg7[%scan3A_396, %get3A_828, %get3A_829] : memref<2x272x128xf32, #tpu.memory_space<vmem>> -> memref<1x272x128xf32, #tpu.memory_space<vmem>>
        %get3A_831 = tpu.memref_squeeze %get3A_830 : memref<1x272x128xf32, #tpu.memory_space<vmem>> -> memref<272x128xf32, #tpu.memory_space<vmem>>
        %get3A_832 = arith.index_cast %add3A_827 : i32 to index
        %get3A_833 = arith.constant 16 : index
        %get3A_834 = tpu.vector_load %get3A_831[%get3A_832, %get3A_833] {strides = array<i32>} : memref<272x128xf32, #tpu.memory_space<vmem>>, vector<16xf32>,
        %mul3A_835 = arith.mulf %get3A_834, %get3A_576 : vector<16xf32>
        %add3A_836 = arith.constant 3 : i32
        %add3A_837 = arith.addi %mul3A_563, %add3A_836 : i32
        %get3A_838 = arith.constant 0 : i32
        %get3A_839 = arith.constant 0 : i32
        %get3A_840 = tpu.memref_slice %arg7[%scan3A_396, %get3A_838, %get3A_839] : memref<2x272x128xf32, #tpu.memory_space<vmem>> -> memref<1x272x128xf32, #tpu.memory_space<vmem>>
        %get3A_841 = tpu.memref_squeeze %get3A_840 : memref<1x272x128xf32, #tpu.memory_space<vmem>> -> memref<272x128xf32, #tpu.memory_space<vmem>>
        %get3A_842 = arith.index_cast %add3A_837 : i32 to index
        %get3A_843 = arith.constant 32 : index
        %get3A_844 = tpu.vector_load %get3A_841[%get3A_842, %get3A_843] {strides = array<i32>} : memref<272x128xf32, #tpu.memory_space<vmem>>, vector<16xf32>,
        %mul3A_845 = arith.mulf %get3A_844, %get3A_583 : vector<16xf32>
        %add3A_846 = arith.addf %mul3A_825, %mul3A_845 : vector<16xf32>
        %add3A_847 = arith.constant 3 : i32
        %add3A_848 = arith.addi %mul3A_563, %add3A_847 : i32
        %get3A_849 = arith.constant 0 : i32
        %get3A_850 = arith.constant 0 : i32
        %get3A_851 = tpu.memref_slice %arg7[%scan3A_396, %get3A_849, %get3A_850] : memref<2x272x128xf32, #tpu.memory_space<vmem>> -> memref<1x272x128xf32, #tpu.memory_space<vmem>>
        %get3A_852 = tpu.memref_squeeze %get3A_851 : memref<1x272x128xf32, #tpu.memory_space<vmem>> -> memref<272x128xf32, #tpu.memory_space<vmem>>
        %get3A_853 = arith.index_cast %add3A_848 : i32 to index
        %get3A_854 = arith.constant 48 : index
        %get3A_855 = tpu.vector_load %get3A_852[%get3A_853, %get3A_854] {strides = array<i32>} : memref<272x128xf32, #tpu.memory_space<vmem>>, vector<16xf32>,
        %mul3A_856 = arith.mulf %get3A_855, %get3A_590 : vector<16xf32>
        %add3A_857 = arith.addf %mul3A_835, %mul3A_856 : vector<16xf32>
        %add3A_858 = arith.constant 3 : i32
        %add3A_859 = arith.addi %mul3A_563, %add3A_858 : i32
        %get3A_860 = arith.constant 0 : i32
        %get3A_861 = arith.constant 0 : i32
        %get3A_862 = tpu.memref_slice %arg7[%scan3A_396, %get3A_860, %get3A_861] : memref<2x272x128xf32, #tpu.memory_space<vmem>> -> memref<1x272x128xf32, #tpu.memory_space<vmem>>
        %get3A_863 = tpu.memref_squeeze %get3A_862 : memref<1x272x128xf32, #tpu.memory_space<vmem>> -> memref<272x128xf32, #tpu.memory_space<vmem>>
        %get3A_864 = arith.index_cast %add3A_859 : i32 to index
        %get3A_865 = arith.constant 64 : index
        %get3A_866 = tpu.vector_load %get3A_863[%get3A_864, %get3A_865] {strides = array<i32>} : memref<272x128xf32, #tpu.memory_space<vmem>>, vector<16xf32>,
        %mul3A_867 = arith.mulf %get3A_866, %get3A_597 : vector<16xf32>
        %add3A_868 = arith.addf %add3A_846, %mul3A_867 : vector<16xf32>
        %add3A_869 = arith.constant 3 : i32
        %add3A_870 = arith.addi %mul3A_563, %add3A_869 : i32
        %get3A_871 = arith.constant 0 : i32
        %get3A_872 = arith.constant 0 : i32
        %get3A_873 = tpu.memref_slice %arg7[%scan3A_396, %get3A_871, %get3A_872] : memref<2x272x128xf32, #tpu.memory_space<vmem>> -> memref<1x272x128xf32, #tpu.memory_space<vmem>>
        %get3A_874 = tpu.memref_squeeze %get3A_873 : memref<1x272x128xf32, #tpu.memory_space<vmem>> -> memref<272x128xf32, #tpu.memory_space<vmem>>
        %get3A_875 = arith.index_cast %add3A_870 : i32 to index
        %get3A_876 = arith.constant 80 : index
        %get3A_877 = tpu.vector_load %get3A_874[%get3A_875, %get3A_876] {strides = array<i32>} : memref<272x128xf32, #tpu.memory_space<vmem>>, vector<16xf32>,
        %mul3A_878 = arith.mulf %get3A_877, %get3A_604 : vector<16xf32>
        %add3A_879 = arith.addf %add3A_857, %mul3A_878 : vector<16xf32>
        %add3A_880 = arith.constant 3 : i32
        %add3A_881 = arith.addi %mul3A_563, %add3A_880 : i32
        %get3A_882 = arith.constant 0 : i32
        %get3A_883 = arith.constant 0 : i32
        %get3A_884 = tpu.memref_slice %arg7[%scan3A_396, %get3A_882, %get3A_883] : memref<2x272x128xf32, #tpu.memory_space<vmem>> -> memref<1x272x128xf32, #tpu.memory_space<vmem>>
        %get3A_885 = tpu.memref_squeeze %get3A_884 : memref<1x272x128xf32, #tpu.memory_space<vmem>> -> memref<272x128xf32, #tpu.memory_space<vmem>>
        %get3A_886 = arith.index_cast %add3A_881 : i32 to index
        %get3A_887 = arith.constant 96 : index
        %get3A_888 = tpu.vector_load %get3A_885[%get3A_886, %get3A_887] {strides = array<i32>} : memref<272x128xf32, #tpu.memory_space<vmem>>, vector<16xf32>,
        %mul3A_889 = arith.mulf %get3A_888, %get3A_611 : vector<16xf32>
        %add3A_890 = arith.addf %add3A_868, %mul3A_889 : vector<16xf32>
        %add3A_891 = arith.constant 3 : i32
        %add3A_892 = arith.addi %mul3A_563, %add3A_891 : i32
        %get3A_893 = arith.constant 0 : i32
        %get3A_894 = arith.constant 0 : i32
        %get3A_895 = tpu.memref_slice %arg7[%scan3A_396, %get3A_893, %get3A_894] : memref<2x272x128xf32, #tpu.memory_space<vmem>> -> memref<1x272x128xf32, #tpu.memory_space<vmem>>
        %get3A_896 = tpu.memref_squeeze %get3A_895 : memref<1x272x128xf32, #tpu.memory_space<vmem>> -> memref<272x128xf32, #tpu.memory_space<vmem>>
        %get3A_897 = arith.index_cast %add3A_892 : i32 to index
        %get3A_898 = arith.constant 112 : index
        %get3A_899 = tpu.vector_load %get3A_896[%get3A_897, %get3A_898] {strides = array<i32>} : memref<272x128xf32, #tpu.memory_space<vmem>>, vector<16xf32>,
        %mul3A_900 = arith.mulf %get3A_899, %get3A_618 : vector<16xf32>
        %add3A_901 = arith.addf %add3A_879, %mul3A_900 : vector<16xf32>
        %add3A_902 = arith.addf %add3A_890, %add3A_901 : vector<16xf32>
        %swap3A_903 = arith.constant 34 : index
        %swap3A_904 = tpu.vector_load %arg8[%swap3A_903] {strides = array<i32>} : memref<272xf32, #tpu.memory_space<vmem>>, vector<16xf32>,
        tpu.vector_store %arg8[%swap3A_903], %add3A_902 {strides = array<i32>} : memref<272xf32, #tpu.memory_space<vmem>>, vector<16xf32>,
        %add3A_905 = arith.constant 4 : i32
        %add3A_906 = arith.addi %mul3A_563, %add3A_905 : i32
        %get3A_907 = arith.constant 0 : i32
        %get3A_908 = arith.constant 0 : i32
        %get3A_909 = tpu.memref_slice %arg7[%scan3A_396, %get3A_907, %get3A_908] : memref<2x272x128xf32, #tpu.memory_space<vmem>> -> memref<1x272x128xf32, #tpu.memory_space<vmem>>
        %get3A_910 = tpu.memref_squeeze %get3A_909 : memref<1x272x128xf32, #tpu.memory_space<vmem>> -> memref<272x128xf32, #tpu.memory_space<vmem>>
        %get3A_911 = arith.index_cast %add3A_906 : i32 to index
        %get3A_912 = arith.constant 0 : index
        %get3A_913 = tpu.vector_load %get3A_910[%get3A_911, %get3A_912] {strides = array<i32>} : memref<272x128xf32, #tpu.memory_space<vmem>>, vector<16xf32>,
        %mul3A_914 = arith.mulf %get3A_913, %get3A_569 : vector<16xf32>
        %add3A_915 = arith.constant 4 : i32
        %add3A_916 = arith.addi %mul3A_563, %add3A_915 : i32
        %get3A_917 = arith.constant 0 : i32
        %get3A_918 = arith.constant 0 : i32
        %get3A_919 = tpu.memref_slice %arg7[%scan3A_396, %get3A_917, %get3A_918] : memref<2x272x128xf32, #tpu.memory_space<vmem>> -> memref<1x272x128xf32, #tpu.memory_space<vmem>>
        %get3A_920 = tpu.memref_squeeze %get3A_919 : memref<1x272x128xf32, #tpu.memory_space<vmem>> -> memref<272x128xf32, #tpu.memory_space<vmem>>
        %get3A_921 = arith.index_cast %add3A_916 : i32 to index
        %get3A_922 = arith.constant 16 : index
        %get3A_923 = tpu.vector_load %get3A_920[%get3A_921, %get3A_922] {strides = array<i32>} : memref<272x128xf32, #tpu.memory_space<vmem>>, vector<16xf32>,
        %mul3A_924 = arith.mulf %get3A_923, %get3A_576 : vector<16xf32>
        %add3A_925 = arith.constant 4 : i32
        %add3A_926 = arith.addi %mul3A_563, %add3A_925 : i32
        %get3A_927 = arith.constant 0 : i32
        %get3A_928 = arith.constant 0 : i32
        %get3A_929 = tpu.memref_slice %arg7[%scan3A_396, %get3A_927, %get3A_928] : memref<2x272x128xf32, #tpu.memory_space<vmem>> -> memref<1x272x128xf32, #tpu.memory_space<vmem>>
        %get3A_930 = tpu.memref_squeeze %get3A_929 : memref<1x272x128xf32, #tpu.memory_space<vmem>> -> memref<272x128xf32, #tpu.memory_space<vmem>>
        %get3A_931 = arith.index_cast %add3A_926 : i32 to index
        %get3A_932 = arith.constant 32 : index
        %get3A_933 = tpu.vector_load %get3A_930[%get3A_931, %get3A_932] {strides = array<i32>} : memref<272x128xf32, #tpu.memory_space<vmem>>, vector<16xf32>,
        %mul3A_934 = arith.mulf %get3A_933, %get3A_583 : vector<16xf32>
        %add3A_935 = arith.addf %mul3A_914, %mul3A_934 : vector<16xf32>
        %add3A_936 = arith.constant 4 : i32
        %add3A_937 = arith.addi %mul3A_563, %add3A_936 : i32
        %get3A_938 = arith.constant 0 : i32
        %get3A_939 = arith.constant 0 : i32
        %get3A_940 = tpu.memref_slice %arg7[%scan3A_396, %get3A_938, %get3A_939] : memref<2x272x128xf32, #tpu.memory_space<vmem>> -> memref<1x272x128xf32, #tpu.memory_space<vmem>>
        %get3A_941 = tpu.memref_squeeze %get3A_940 : memref<1x272x128xf32, #tpu.memory_space<vmem>> -> memref<272x128xf32, #tpu.memory_space<vmem>>
        %get3A_942 = arith.index_cast %add3A_937 : i32 to index
        %get3A_943 = arith.constant 48 : index
        %get3A_944 = tpu.vector_load %get3A_941[%get3A_942, %get3A_943] {strides = array<i32>} : memref<272x128xf32, #tpu.memory_space<vmem>>, vector<16xf32>,
        %mul3A_945 = arith.mulf %get3A_944, %get3A_590 : vector<16xf32>
        %add3A_946 = arith.addf %mul3A_924, %mul3A_945 : vector<16xf32>
        %add3A_947 = arith.constant 4 : i32
        %add3A_948 = arith.addi %mul3A_563, %add3A_947 : i32
        %get3A_949 = arith.constant 0 : i32
        %get3A_950 = arith.constant 0 : i32
        %get3A_951 = tpu.memref_slice %arg7[%scan3A_396, %get3A_949, %get3A_950] : memref<2x272x128xf32, #tpu.memory_space<vmem>> -> memref<1x272x128xf32, #tpu.memory_space<vmem>>
        %get3A_952 = tpu.memref_squeeze %get3A_951 : memref<1x272x128xf32, #tpu.memory_space<vmem>> -> memref<272x128xf32, #tpu.memory_space<vmem>>
        %get3A_953 = arith.index_cast %add3A_948 : i32 to index
        %get3A_954 = arith.constant 64 : index
        %get3A_955 = tpu.vector_load %get3A_952[%get3A_953, %get3A_954] {strides = array<i32>} : memref<272x128xf32, #tpu.memory_space<vmem>>, vector<16xf32>,
        %mul3A_956 = arith.mulf %get3A_955, %get3A_597 : vector<16xf32>
        %add3A_957 = arith.addf %add3A_935, %mul3A_956 : vector<16xf32>
        %add3A_958 = arith.constant 4 : i32
        %add3A_959 = arith.addi %mul3A_563, %add3A_958 : i32
        %get3A_960 = arith.constant 0 : i32
        %get3A_961 = arith.constant 0 : i32
        %get3A_962 = tpu.memref_slice %arg7[%scan3A_396, %get3A_960, %get3A_961] : memref<2x272x128xf32, #tpu.memory_space<vmem>> -> memref<1x272x128xf32, #tpu.memory_space<vmem>>
        %get3A_963 = tpu.memref_squeeze %get3A_962 : memref<1x272x128xf32, #tpu.memory_space<vmem>> -> memref<272x128xf32, #tpu.memory_space<vmem>>
        %get3A_964 = arith.index_cast %add3A_959 : i32 to index
        %get3A_965 = arith.constant 80 : index
        %get3A_966 = tpu.vector_load %get3A_963[%get3A_964, %get3A_965] {strides = array<i32>} : memref<272x128xf32, #tpu.memory_space<vmem>>, vector<16xf32>,
        %mul3A_967 = arith.mulf %get3A_966, %get3A_604 : vector<16xf32>
        %add3A_968 = arith.addf %add3A_946, %mul3A_967 : vector<16xf32>
        %add3A_969 = arith.constant 4 : i32
        %add3A_970 = arith.addi %mul3A_563, %add3A_969 : i32
        %get3A_971 = arith.constant 0 : i32
        %get3A_972 = arith.constant 0 : i32
        %get3A_973 = tpu.memref_slice %arg7[%scan3A_396, %get3A_971, %get3A_972] : memref<2x272x128xf32, #tpu.memory_space<vmem>> -> memref<1x272x128xf32, #tpu.memory_space<vmem>>
        %get3A_974 = tpu.memref_squeeze %get3A_973 : memref<1x272x128xf32, #tpu.memory_space<vmem>> -> memref<272x128xf32, #tpu.memory_space<vmem>>
        %get3A_975 = arith.index_cast %add3A_970 : i32 to index
        %get3A_976 = arith.constant 96 : index
        %get3A_977 = tpu.vector_load %get3A_974[%get3A_975, %get3A_976] {strides = array<i32>} : memref<272x128xf32, #tpu.memory_space<vmem>>, vector<16xf32>,
        %mul3A_978 = arith.mulf %get3A_977, %get3A_611 : vector<16xf32>
        %add3A_979 = arith.addf %add3A_957, %mul3A_978 : vector<16xf32>
        %add3A_980 = arith.constant 4 : i32
        %add3A_981 = arith.addi %mul3A_563, %add3A_980 : i32
        %get3A_982 = arith.constant 0 : i32
        %get3A_983 = arith.constant 0 : i32
        %get3A_984 = tpu.memref_slice %arg7[%scan3A_396, %get3A_982, %get3A_983] : memref<2x272x128xf32, #tpu.memory_space<vmem>> -> memref<1x272x128xf32, #tpu.memory_space<vmem>>
        %get3A_985 = tpu.memref_squeeze %get3A_984 : memref<1x272x128xf32, #tpu.memory_space<vmem>> -> memref<272x128xf32, #tpu.memory_space<vmem>>
        %get3A_986 = arith.index_cast %add3A_981 : i32 to index
        %get3A_987 = arith.constant 112 : index
        %get3A_988 = tpu.vector_load %get3A_985[%get3A_986, %get3A_987] {strides = array<i32>} : memref<272x128xf32, #tpu.memory_space<vmem>>, vector<16xf32>,
        %mul3A_989 = arith.mulf %get3A_988, %get3A_618 : vector<16xf32>
        %add3A_990 = arith.addf %add3A_968, %mul3A_989 : vector<16xf32>
        %add3A_991 = arith.addf %add3A_979, %add3A_990 : vector<16xf32>
        %swap3A_992 = arith.constant 51 : index
        %swap3A_993 = tpu.vector_load %arg8[%swap3A_992] {strides = array<i32>} : memref<272xf32, #tpu.memory_space<vmem>>, vector<16xf32>,
        tpu.vector_store %arg8[%swap3A_992], %add3A_991 {strides = array<i32>} : memref<272xf32, #tpu.memory_space<vmem>>, vector<16xf32>,
        %add3A_994 = arith.constant 5 : i32
        %add3A_995 = arith.addi %mul3A_563, %add3A_994 : i32
        %get3A_996 = arith.constant 0 : i32
        %get3A_997 = arith.constant 0 : i32
        %get3A_998 = tpu.memref_slice %arg7[%scan3A_396, %get3A_996, %get3A_997] : memref<2x272x128xf32, #tpu.memory_space<vmem>> -> memref<1x272x128xf32, #tpu.memory_space<vmem>>
        %get3A_999 = tpu.memref_squeeze %get3A_998 : memref<1x272x128xf32, #tpu.memory_space<vmem>> -> memref<272x128xf32, #tpu.memory_space<vmem>>
        %get3A_1000 = arith.index_cast %add3A_995 : i32 to index
        %get3A_1001 = arith.constant 0 : index
        %get3A_1002 = tpu.vector_load %get3A_999[%get3A_1000, %get3A_1001] {strides = array<i32>} : memref<272x128xf32, #tpu.memory_space<vmem>>, vector<16xf32>,
        %mul3A_1003 = arith.mulf %get3A_1002, %get3A_569 : vector<16xf32>
        %add3A_1004 = arith.constant 5 : i32
        %add3A_1005 = arith.addi %mul3A_563, %add3A_1004 : i32
        %get3A_1006 = arith.constant 0 : i32
        %get3A_1007 = arith.constant 0 : i32
        %get3A_1008 = tpu.memref_slice %arg7[%scan3A_396, %get3A_1006, %get3A_1007] : memref<2x272x128xf32, #tpu.memory_space<vmem>> -> memref<1x272x128xf32, #tpu.memory_space<vmem>>
        %get3A_1009 = tpu.memref_squeeze %get3A_1008 : memref<1x272x128xf32, #tpu.memory_space<vmem>> -> memref<272x128xf32, #tpu.memory_space<vmem>>
        %get3A_1010 = arith.index_cast %add3A_1005 : i32 to index
        %get3A_1011 = arith.constant 16 : index
        %get3A_1012 = tpu.vector_load %get3A_1009[%get3A_1010, %get3A_1011] {strides = array<i32>} : memref<272x128xf32, #tpu.memory_space<vmem>>, vector<16xf32>,
        %mul3A_1013 = arith.mulf %get3A_1012, %get3A_576 : vector<16xf32>
        %add3A_1014 = arith.constant 5 : i32
        %add3A_1015 = arith.addi %mul3A_563, %add3A_1014 : i32
        %get3A_1016 = arith.constant 0 : i32
        %get3A_1017 = arith.constant 0 : i32
        %get3A_1018 = tpu.memref_slice %arg7[%scan3A_396, %get3A_1016, %get3A_1017] : memref<2x272x128xf32, #tpu.memory_space<vmem>> -> memref<1x272x128xf32, #tpu.memory_space<vmem>>
        %get3A_1019 = tpu.memref_squeeze %get3A_1018 : memref<1x272x128xf32, #tpu.memory_space<vmem>> -> memref<272x128xf32, #tpu.memory_space<vmem>>
        %get3A_1020 = arith.index_cast %add3A_1015 : i32 to index
        %get3A_1021 = arith.constant 32 : index
        %get3A_1022 = tpu.vector_load %get3A_1019[%get3A_1020, %get3A_1021] {strides = array<i32>} : memref<272x128xf32, #tpu.memory_space<vmem>>, vector<16xf32>,
        %mul3A_1023 = arith.mulf %get3A_1022, %get3A_583 : vector<16xf32>
        %add3A_1024 = arith.addf %mul3A_1003, %mul3A_1023 : vector<16xf32>
        %add3A_1025 = arith.constant 5 : i32
        %add3A_1026 = arith.addi %mul3A_563, %add3A_1025 : i32
        %get3A_1027 = arith.constant 0 : i32
        %get3A_1028 = arith.constant 0 : i32
        %get3A_1029 = tpu.memref_slice %arg7[%scan3A_396, %get3A_1027, %get3A_1028] : memref<2x272x128xf32, #tpu.memory_space<vmem>> -> memref<1x272x128xf32, #tpu.memory_space<vmem>>
        %get3A_1030 = tpu.memref_squeeze %get3A_1029 : memref<1x272x128xf32, #tpu.memory_space<vmem>> -> memref<272x128xf32, #tpu.memory_space<vmem>>
        %get3A_1031 = arith.index_cast %add3A_1026 : i32 to index
        %get3A_1032 = arith.constant 48 : index
        %get3A_1033 = tpu.vector_load %get3A_1030[%get3A_1031, %get3A_1032] {strides = array<i32>} : memref<272x128xf32, #tpu.memory_space<vmem>>, vector<16xf32>,
        %mul3A_1034 = arith.mulf %get3A_1033, %get3A_590 : vector<16xf32>
        %add3A_1035 = arith.addf %mul3A_1013, %mul3A_1034 : vector<16xf32>
        %add3A_1036 = arith.constant 5 : i32
        %add3A_1037 = arith.addi %mul3A_563, %add3A_1036 : i32
        %get3A_1038 = arith.constant 0 : i32
        %get3A_1039 = arith.constant 0 : i32
        %get3A_1040 = tpu.memref_slice %arg7[%scan3A_396, %get3A_1038, %get3A_1039] : memref<2x272x128xf32, #tpu.memory_space<vmem>> -> memref<1x272x128xf32, #tpu.memory_space<vmem>>
        %get3A_1041 = tpu.memref_squeeze %get3A_1040 : memref<1x272x128xf32, #tpu.memory_space<vmem>> -> memref<272x128xf32, #tpu.memory_space<vmem>>
        %get3A_1042 = arith.index_cast %add3A_1037 : i32 to index
        %get3A_1043 = arith.constant 64 : index
        %get3A_1044 = tpu.vector_load %get3A_1041[%get3A_1042, %get3A_1043] {strides = array<i32>} : memref<272x128xf32, #tpu.memory_space<vmem>>, vector<16xf32>,
        %mul3A_1045 = arith.mulf %get3A_1044, %get3A_597 : vector<16xf32>
        %add3A_1046 = arith.addf %add3A_1024, %mul3A_1045 : vector<16xf32>
        %add3A_1047 = arith.constant 5 : i32
        %add3A_1048 = arith.addi %mul3A_563, %add3A_1047 : i32
        %get3A_1049 = arith.constant 0 : i32
        %get3A_1050 = arith.constant 0 : i32
        %get3A_1051 = tpu.memref_slice %arg7[%scan3A_396, %get3A_1049, %get3A_1050] : memref<2x272x128xf32, #tpu.memory_space<vmem>> -> memref<1x272x128xf32, #tpu.memory_space<vmem>>
        %get3A_1052 = tpu.memref_squeeze %get3A_1051 : memref<1x272x128xf32, #tpu.memory_space<vmem>> -> memref<272x128xf32, #tpu.memory_space<vmem>>
        %get3A_1053 = arith.index_cast %add3A_1048 : i32 to index
        %get3A_1054 = arith.constant 80 : index
        %get3A_1055 = tpu.vector_load %get3A_1052[%get3A_1053, %get3A_1054] {strides = array<i32>} : memref<272x128xf32, #tpu.memory_space<vmem>>, vector<16xf32>,
        %mul3A_1056 = arith.mulf %get3A_1055, %get3A_604 : vector<16xf32>
        %add3A_1057 = arith.addf %add3A_1035, %mul3A_1056 : vector<16xf32>
        %add3A_1058 = arith.constant 5 : i32
        %add3A_1059 = arith.addi %mul3A_563, %add3A_1058 : i32
        %get3A_1060 = arith.constant 0 : i32
        %get3A_1061 = arith.constant 0 : i32
        %get3A_1062 = tpu.memref_slice %arg7[%scan3A_396, %get3A_1060, %get3A_1061] : memref<2x272x128xf32, #tpu.memory_space<vmem>> -> memref<1x272x128xf32, #tpu.memory_space<vmem>>
        %get3A_1063 = tpu.memref_squeeze %get3A_1062 : memref<1x272x128xf32, #tpu.memory_space<vmem>> -> memref<272x128xf32, #tpu.memory_space<vmem>>
        %get3A_1064 = arith.index_cast %add3A_1059 : i32 to index
        %get3A_1065 = arith.constant 96 : index
        %get3A_1066 = tpu.vector_load %get3A_1063[%get3A_1064, %get3A_1065] {strides = array<i32>} : memref<272x128xf32, #tpu.memory_space<vmem>>, vector<16xf32>,
        %mul3A_1067 = arith.mulf %get3A_1066, %get3A_611 : vector<16xf32>
        %add3A_1068 = arith.addf %add3A_1046, %mul3A_1067 : vector<16xf32>
        %add3A_1069 = arith.constant 5 : i32
        %add3A_1070 = arith.addi %mul3A_563, %add3A_1069 : i32
        %get3A_1071 = arith.constant 0 : i32
        %get3A_1072 = arith.constant 0 : i32
        %get3A_1073 = tpu.memref_slice %arg7[%scan3A_396, %get3A_1071, %get3A_1072] : memref<2x272x128xf32, #tpu.memory_space<vmem>> -> memref<1x272x128xf32, #tpu.memory_space<vmem>>
        %get3A_1074 = tpu.memref_squeeze %get3A_1073 : memref<1x272x128xf32, #tpu.memory_space<vmem>> -> memref<272x128xf32, #tpu.memory_space<vmem>>
        %get3A_1075 = arith.index_cast %add3A_1070 : i32 to index
        %get3A_1076 = arith.constant 112 : index
        %get3A_1077 = tpu.vector_load %get3A_1074[%get3A_1075, %get3A_1076] {strides = array<i32>} : memref<272x128xf32, #tpu.memory_space<vmem>>, vector<16xf32>,
        %mul3A_1078 = arith.mulf %get3A_1077, %get3A_618 : vector<16xf32>
        %add3A_1079 = arith.addf %add3A_1057, %mul3A_1078 : vector<16xf32>
        %add3A_1080 = arith.addf %add3A_1068, %add3A_1079 : vector<16xf32>
        %swap3A_1081 = arith.constant 68 : index
        %swap3A_1082 = tpu.vector_load %arg8[%swap3A_1081] {strides = array<i32>} : memref<272xf32, #tpu.memory_space<vmem>>, vector<16xf32>,
        tpu.vector_store %arg8[%swap3A_1081], %add3A_1080 {strides = array<i32>} : memref<272xf32, #tpu.memory_space<vmem>>, vector<16xf32>,
        %add3A_1083 = arith.constant 6 : i32
        %add3A_1084 = arith.addi %mul3A_563, %add3A_1083 : i32
        %get3A_1085 = arith.constant 0 : i32
        %get3A_1086 = arith.constant 0 : i32
        %get3A_1087 = tpu.memref_slice %arg7[%scan3A_396, %get3A_1085, %get3A_1086] : memref<2x272x128xf32, #tpu.memory_space<vmem>> -> memref<1x272x128xf32, #tpu.memory_space<vmem>>
        %get3A_1088 = tpu.memref_squeeze %get3A_1087 : memref<1x272x128xf32, #tpu.memory_space<vmem>> -> memref<272x128xf32, #tpu.memory_space<vmem>>
        %get3A_1089 = arith.index_cast %add3A_1084 : i32 to index
        %get3A_1090 = arith.constant 0 : index
        %get3A_1091 = tpu.vector_load %get3A_1088[%get3A_1089, %get3A_1090] {strides = array<i32>} : memref<272x128xf32, #tpu.memory_space<vmem>>, vector<16xf32>,
        %mul3A_1092 = arith.mulf %get3A_1091, %get3A_569 : vector<16xf32>
        %add3A_1093 = arith.constant 6 : i32
        %add3A_1094 = arith.addi %mul3A_563, %add3A_1093 : i32
        %get3A_1095 = arith.constant 0 : i32
        %get3A_1096 = arith.constant 0 : i32
        %get3A_1097 = tpu.memref_slice %arg7[%scan3A_396, %get3A_1095, %get3A_1096] : memref<2x272x128xf32, #tpu.memory_space<vmem>> -> memref<1x272x128xf32, #tpu.memory_space<vmem>>
        %get3A_1098 = tpu.memref_squeeze %get3A_1097 : memref<1x272x128xf32, #tpu.memory_space<vmem>> -> memref<272x128xf32, #tpu.memory_space<vmem>>
        %get3A_1099 = arith.index_cast %add3A_1094 : i32 to index
        %get3A_1100 = arith.constant 16 : index
        %get3A_1101 = tpu.vector_load %get3A_1098[%get3A_1099, %get3A_1100] {strides = array<i32>} : memref<272x128xf32, #tpu.memory_space<vmem>>, vector<16xf32>,
        %mul3A_1102 = arith.mulf %get3A_1101, %get3A_576 : vector<16xf32>
        %add3A_1103 = arith.constant 6 : i32
        %add3A_1104 = arith.addi %mul3A_563, %add3A_1103 : i32
        %get3A_1105 = arith.constant 0 : i32
        %get3A_1106 = arith.constant 0 : i32
        %get3A_1107 = tpu.memref_slice %arg7[%scan3A_396, %get3A_1105, %get3A_1106] : memref<2x272x128xf32, #tpu.memory_space<vmem>> -> memref<1x272x128xf32, #tpu.memory_space<vmem>>
        %get3A_1108 = tpu.memref_squeeze %get3A_1107 : memref<1x272x128xf32, #tpu.memory_space<vmem>> -> memref<272x128xf32, #tpu.memory_space<vmem>>
        %get3A_1109 = arith.index_cast %add3A_1104 : i32 to index
        %get3A_1110 = arith.constant 32 : index
        %get3A_1111 = tpu.vector_load %get3A_1108[%get3A_1109, %get3A_1110] {strides = array<i32>} : memref<272x128xf32, #tpu.memory_space<vmem>>, vector<16xf32>,
        %mul3A_1112 = arith.mulf %get3A_1111, %get3A_583 : vector<16xf32>
        %add3A_1113 = arith.addf %mul3A_1092, %mul3A_1112 : vector<16xf32>
        %add3A_1114 = arith.constant 6 : i32
        %add3A_1115 = arith.addi %mul3A_563, %add3A_1114 : i32
        %get3A_1116 = arith.constant 0 : i32
        %get3A_1117 = arith.constant 0 : i32
        %get3A_1118 = tpu.memref_slice %arg7[%scan3A_396, %get3A_1116, %get3A_1117] : memref<2x272x128xf32, #tpu.memory_space<vmem>> -> memref<1x272x128xf32, #tpu.memory_space<vmem>>
        %get3A_1119 = tpu.memref_squeeze %get3A_1118 : memref<1x272x128xf32, #tpu.memory_space<vmem>> -> memref<272x128xf32, #tpu.memory_space<vmem>>
        %get3A_1120 = arith.index_cast %add3A_1115 : i32 to index
        %get3A_1121 = arith.constant 48 : index
        %get3A_1122 = tpu.vector_load %get3A_1119[%get3A_1120, %get3A_1121] {strides = array<i32>} : memref<272x128xf32, #tpu.memory_space<vmem>>, vector<16xf32>,
        %mul3A_1123 = arith.mulf %get3A_1122, %get3A_590 : vector<16xf32>
        %add3A_1124 = arith.addf %mul3A_1102, %mul3A_1123 : vector<16xf32>
        %add3A_1125 = arith.constant 6 : i32
        %add3A_1126 = arith.addi %mul3A_563, %add3A_1125 : i32
        %get3A_1127 = arith.constant 0 : i32
        %get3A_1128 = arith.constant 0 : i32
        %get3A_1129 = tpu.memref_slice %arg7[%scan3A_396, %get3A_1127, %get3A_1128] : memref<2x272x128xf32, #tpu.memory_space<vmem>> -> memref<1x272x128xf32, #tpu.memory_space<vmem>>
        %get3A_1130 = tpu.memref_squeeze %get3A_1129 : memref<1x272x128xf32, #tpu.memory_space<vmem>> -> memref<272x128xf32, #tpu.memory_space<vmem>>
        %get3A_1131 = arith.index_cast %add3A_1126 : i32 to index
        %get3A_1132 = arith.constant 64 : index
        %get3A_1133 = tpu.vector_load %get3A_1130[%get3A_1131, %get3A_1132] {strides = array<i32>} : memref<272x128xf32, #tpu.memory_space<vmem>>, vector<16xf32>,
        %mul3A_1134 = arith.mulf %get3A_1133, %get3A_597 : vector<16xf32>
        %add3A_1135 = arith.addf %add3A_1113, %mul3A_1134 : vector<16xf32>
        %add3A_1136 = arith.constant 6 : i32
        %add3A_1137 = arith.addi %mul3A_563, %add3A_1136 : i32
        %get3A_1138 = arith.constant 0 : i32
        %get3A_1139 = arith.constant 0 : i32
        %get3A_1140 = tpu.memref_slice %arg7[%scan3A_396, %get3A_1138, %get3A_1139] : memref<2x272x128xf32, #tpu.memory_space<vmem>> -> memref<1x272x128xf32, #tpu.memory_space<vmem>>
        %get3A_1141 = tpu.memref_squeeze %get3A_1140 : memref<1x272x128xf32, #tpu.memory_space<vmem>> -> memref<272x128xf32, #tpu.memory_space<vmem>>
        %get3A_1142 = arith.index_cast %add3A_1137 : i32 to index
        %get3A_1143 = arith.constant 80 : index
        %get3A_1144 = tpu.vector_load %get3A_1141[%get3A_1142, %get3A_1143] {strides = array<i32>} : memref<272x128xf32, #tpu.memory_space<vmem>>, vector<16xf32>,
        %mul3A_1145 = arith.mulf %get3A_1144, %get3A_604 : vector<16xf32>
        %add3A_1146 = arith.addf %add3A_1124, %mul3A_1145 : vector<16xf32>
        %add3A_1147 = arith.constant 6 : i32
        %add3A_1148 = arith.addi %mul3A_563, %add3A_1147 : i32
        %get3A_1149 = arith.constant 0 : i32
        %get3A_1150 = arith.constant 0 : i32
        %get3A_1151 = tpu.memref_slice %arg7[%scan3A_396, %get3A_1149, %get3A_1150] : memref<2x272x128xf32, #tpu.memory_space<vmem>> -> memref<1x272x128xf32, #tpu.memory_space<vmem>>
        %get3A_1152 = tpu.memref_squeeze %get3A_1151 : memref<1x272x128xf32, #tpu.memory_space<vmem>> -> memref<272x128xf32, #tpu.memory_space<vmem>>
        %get3A_1153 = arith.index_cast %add3A_1148 : i32 to index
        %get3A_1154 = arith.constant 96 : index
        %get3A_1155 = tpu.vector_load %get3A_1152[%get3A_1153, %get3A_1154] {strides = array<i32>} : memref<272x128xf32, #tpu.memory_space<vmem>>, vector<16xf32>,
        %mul3A_1156 = arith.mulf %get3A_1155, %get3A_611 : vector<16xf32>
        %add3A_1157 = arith.addf %add3A_1135, %mul3A_1156 : vector<16xf32>
        %add3A_1158 = arith.constant 6 : i32
        %add3A_1159 = arith.addi %mul3A_563, %add3A_1158 : i32
        %get3A_1160 = arith.constant 0 : i32
        %get3A_1161 = arith.constant 0 : i32
        %get3A_1162 = tpu.memref_slice %arg7[%scan3A_396, %get3A_1160, %get3A_1161] : memref<2x272x128xf32, #tpu.memory_space<vmem>> -> memref<1x272x128xf32, #tpu.memory_space<vmem>>
        %get3A_1163 = tpu.memref_squeeze %get3A_1162 : memref<1x272x128xf32, #tpu.memory_space<vmem>> -> memref<272x128xf32, #tpu.memory_space<vmem>>
        %get3A_1164 = arith.index_cast %add3A_1159 : i32 to index
        %get3A_1165 = arith.constant 112 : index
        %get3A_1166 = tpu.vector_load %get3A_1163[%get3A_1164, %get3A_1165] {strides = array<i32>} : memref<272x128xf32, #tpu.memory_space<vmem>>, vector<16xf32>,
        %mul3A_1167 = arith.mulf %get3A_1166, %get3A_618 : vector<16xf32>
        %add3A_1168 = arith.addf %add3A_1146, %mul3A_1167 : vector<16xf32>
        %add3A_1169 = arith.addf %add3A_1157, %add3A_1168 : vector<16xf32>
        %swap3A_1170 = arith.constant 85 : index
        %swap3A_1171 = tpu.vector_load %arg8[%swap3A_1170] {strides = array<i32>} : memref<272xf32, #tpu.memory_space<vmem>>, vector<16xf32>,
        tpu.vector_store %arg8[%swap3A_1170], %add3A_1169 {strides = array<i32>} : memref<272xf32, #tpu.memory_space<vmem>>, vector<16xf32>,
        %add3A_1172 = arith.constant 7 : i32
        %add3A_1173 = arith.addi %mul3A_563, %add3A_1172 : i32
        %get3A_1174 = arith.constant 0 : i32
        %get3A_1175 = arith.constant 0 : i32
        %get3A_1176 = tpu.memref_slice %arg7[%scan3A_396, %get3A_1174, %get3A_1175] : memref<2x272x128xf32, #tpu.memory_space<vmem>> -> memref<1x272x128xf32, #tpu.memory_space<vmem>>
        %get3A_1177 = tpu.memref_squeeze %get3A_1176 : memref<1x272x128xf32, #tpu.memory_space<vmem>> -> memref<272x128xf32, #tpu.memory_space<vmem>>
        %get3A_1178 = arith.index_cast %add3A_1173 : i32 to index
        %get3A_1179 = arith.constant 0 : index
        %get3A_1180 = tpu.vector_load %get3A_1177[%get3A_1178, %get3A_1179] {strides = array<i32>} : memref<272x128xf32, #tpu.memory_space<vmem>>, vector<16xf32>,
        %mul3A_1181 = arith.mulf %get3A_1180, %get3A_569 : vector<16xf32>
        %add3A_1182 = arith.constant 7 : i32
        %add3A_1183 = arith.addi %mul3A_563, %add3A_1182 : i32
        %get3A_1184 = arith.constant 0 : i32
        %get3A_1185 = arith.constant 0 : i32
        %get3A_1186 = tpu.memref_slice %arg7[%scan3A_396, %get3A_1184, %get3A_1185] : memref<2x272x128xf32, #tpu.memory_space<vmem>> -> memref<1x272x128xf32, #tpu.memory_space<vmem>>
        %get3A_1187 = tpu.memref_squeeze %get3A_1186 : memref<1x272x128xf32, #tpu.memory_space<vmem>> -> memref<272x128xf32, #tpu.memory_space<vmem>>
        %get3A_1188 = arith.index_cast %add3A_1183 : i32 to index
        %get3A_1189 = arith.constant 16 : index
        %get3A_1190 = tpu.vector_load %get3A_1187[%get3A_1188, %get3A_1189] {strides = array<i32>} : memref<272x128xf32, #tpu.memory_space<vmem>>, vector<16xf32>,
        %mul3A_1191 = arith.mulf %get3A_1190, %get3A_576 : vector<16xf32>
        %add3A_1192 = arith.constant 7 : i32
        %add3A_1193 = arith.addi %mul3A_563, %add3A_1192 : i32
        %get3A_1194 = arith.constant 0 : i32
        %get3A_1195 = arith.constant 0 : i32
        %get3A_1196 = tpu.memref_slice %arg7[%scan3A_396, %get3A_1194, %get3A_1195] : memref<2x272x128xf32, #tpu.memory_space<vmem>> -> memref<1x272x128xf32, #tpu.memory_space<vmem>>
        %get3A_1197 = tpu.memref_squeeze %get3A_1196 : memref<1x272x128xf32, #tpu.memory_space<vmem>> -> memref<272x128xf32, #tpu.memory_space<vmem>>
        %get3A_1198 = arith.index_cast %add3A_1193 : i32 to index
        %get3A_1199 = arith.constant 32 : index
        %get3A_1200 = tpu.vector_load %get3A_1197[%get3A_1198, %get3A_1199] {strides = array<i32>} : memref<272x128xf32, #tpu.memory_space<vmem>>, vector<16xf32>,
        %mul3A_1201 = arith.mulf %get3A_1200, %get3A_583 : vector<16xf32>
        %add3A_1202 = arith.addf %mul3A_1181, %mul3A_1201 : vector<16xf32>
        %add3A_1203 = arith.constant 7 : i32
        %add3A_1204 = arith.addi %mul3A_563, %add3A_1203 : i32
        %get3A_1205 = arith.constant 0 : i32
        %get3A_1206 = arith.constant 0 : i32
        %get3A_1207 = tpu.memref_slice %arg7[%scan3A_396, %get3A_1205, %get3A_1206] : memref<2x272x128xf32, #tpu.memory_space<vmem>> -> memref<1x272x128xf32, #tpu.memory_space<vmem>>
        %get3A_1208 = tpu.memref_squeeze %get3A_1207 : memref<1x272x128xf32, #tpu.memory_space<vmem>> -> memref<272x128xf32, #tpu.memory_space<vmem>>
        %get3A_1209 = arith.index_cast %add3A_1204 : i32 to index
        %get3A_1210 = arith.constant 48 : index
        %get3A_1211 = tpu.vector_load %get3A_1208[%get3A_1209, %get3A_1210] {strides = array<i32>} : memref<272x128xf32, #tpu.memory_space<vmem>>, vector<16xf32>,
        %mul3A_1212 = arith.mulf %get3A_1211, %get3A_590 : vector<16xf32>
        %add3A_1213 = arith.addf %mul3A_1191, %mul3A_1212 : vector<16xf32>
        %add3A_1214 = arith.constant 7 : i32
        %add3A_1215 = arith.addi %mul3A_563, %add3A_1214 : i32
        %get3A_1216 = arith.constant 0 : i32
        %get3A_1217 = arith.constant 0 : i32
        %get3A_1218 = tpu.memref_slice %arg7[%scan3A_396, %get3A_1216, %get3A_1217] : memref<2x272x128xf32, #tpu.memory_space<vmem>> -> memref<1x272x128xf32, #tpu.memory_space<vmem>>
        %get3A_1219 = tpu.memref_squeeze %get3A_1218 : memref<1x272x128xf32, #tpu.memory_space<vmem>> -> memref<272x128xf32, #tpu.memory_space<vmem>>
        %get3A_1220 = arith.index_cast %add3A_1215 : i32 to index
        %get3A_1221 = arith.constant 64 : index
        %get3A_1222 = tpu.vector_load %get3A_1219[%get3A_1220, %get3A_1221] {strides = array<i32>} : memref<272x128xf32, #tpu.memory_space<vmem>>, vector<16xf32>,
        %mul3A_1223 = arith.mulf %get3A_1222, %get3A_597 : vector<16xf32>
        %add3A_1224 = arith.addf %add3A_1202, %mul3A_1223 : vector<16xf32>
        %add3A_1225 = arith.constant 7 : i32
        %add3A_1226 = arith.addi %mul3A_563, %add3A_1225 : i32
        %get3A_1227 = arith.constant 0 : i32
        %get3A_1228 = arith.constant 0 : i32
        %get3A_1229 = tpu.memref_slice %arg7[%scan3A_396, %get3A_1227, %get3A_1228] : memref<2x272x128xf32, #tpu.memory_space<vmem>> -> memref<1x272x128xf32, #tpu.memory_space<vmem>>
        %get3A_1230 = tpu.memref_squeeze %get3A_1229 : memref<1x272x128xf32, #tpu.memory_space<vmem>> -> memref<272x128xf32, #tpu.memory_space<vmem>>
        %get3A_1231 = arith.index_cast %add3A_1226 : i32 to index
        %get3A_1232 = arith.constant 80 : index
        %get3A_1233 = tpu.vector_load %get3A_1230[%get3A_1231, %get3A_1232] {strides = array<i32>} : memref<272x128xf32, #tpu.memory_space<vmem>>, vector<16xf32>,
        %mul3A_1234 = arith.mulf %get3A_1233, %get3A_604 : vector<16xf32>
        %add3A_1235 = arith.addf %add3A_1213, %mul3A_1234 : vector<16xf32>
        %add3A_1236 = arith.constant 7 : i32
        %add3A_1237 = arith.addi %mul3A_563, %add3A_1236 : i32
        %get3A_1238 = arith.constant 0 : i32
        %get3A_1239 = arith.constant 0 : i32
        %get3A_1240 = tpu.memref_slice %arg7[%scan3A_396, %get3A_1238, %get3A_1239] : memref<2x272x128xf32, #tpu.memory_space<vmem>> -> memref<1x272x128xf32, #tpu.memory_space<vmem>>
        %get3A_1241 = tpu.memref_squeeze %get3A_1240 : memref<1x272x128xf32, #tpu.memory_space<vmem>> -> memref<272x128xf32, #tpu.memory_space<vmem>>
        %get3A_1242 = arith.index_cast %add3A_1237 : i32 to index
        %get3A_1243 = arith.constant 96 : index
        %get3A_1244 = tpu.vector_load %get3A_1241[%get3A_1242, %get3A_1243] {strides = array<i32>} : memref<272x128xf32, #tpu.memory_space<vmem>>, vector<16xf32>,
        %mul3A_1245 = arith.mulf %get3A_1244, %get3A_611 : vector<16xf32>
        %add3A_1246 = arith.addf %add3A_1224, %mul3A_1245 : vector<16xf32>
        %add3A_1247 = arith.constant 7 : i32
        %add3A_1248 = arith.addi %mul3A_563, %add3A_1247 : i32
        %get3A_1249 = arith.constant 0 : i32
        %get3A_1250 = arith.constant 0 : i32
        %get3A_1251 = tpu.memref_slice %arg7[%scan3A_396, %get3A_1249, %get3A_1250] : memref<2x272x128xf32, #tpu.memory_space<vmem>> -> memref<1x272x128xf32, #tpu.memory_space<vmem>>
        %get3A_1252 = tpu.memref_squeeze %get3A_1251 : memref<1x272x128xf32, #tpu.memory_space<vmem>> -> memref<272x128xf32, #tpu.memory_space<vmem>>
        %get3A_1253 = arith.index_cast %add3A_1248 : i32 to index
        %get3A_1254 = arith.constant 112 : index
        %get3A_1255 = tpu.vector_load %get3A_1252[%get3A_1253, %get3A_1254] {strides = array<i32>} : memref<272x128xf32, #tpu.memory_space<vmem>>, vector<16xf32>,
        %mul3A_1256 = arith.mulf %get3A_1255, %get3A_618 : vector<16xf32>
        %add3A_1257 = arith.addf %add3A_1235, %mul3A_1256 : vector<16xf32>
        %add3A_1258 = arith.addf %add3A_1246, %add3A_1257 : vector<16xf32>
        %swap3A_1259 = arith.constant 102 : index
        %swap3A_1260 = tpu.vector_load %arg8[%swap3A_1259] {strides = array<i32>} : memref<272xf32, #tpu.memory_space<vmem>>, vector<16xf32>,
        tpu.vector_store %arg8[%swap3A_1259], %add3A_1258 {strides = array<i32>} : memref<272xf32, #tpu.memory_space<vmem>>, vector<16xf32>,
        %add3A_1261 = arith.constant 8 : i32
        %add3A_1262 = arith.addi %mul3A_563, %add3A_1261 : i32
        %get3A_1263 = arith.constant 0 : i32
        %get3A_1264 = arith.constant 0 : i32
        %get3A_1265 = tpu.memref_slice %arg7[%scan3A_396, %get3A_1263, %get3A_1264] : memref<2x272x128xf32, #tpu.memory_space<vmem>> -> memref<1x272x128xf32, #tpu.memory_space<vmem>>
        %get3A_1266 = tpu.memref_squeeze %get3A_1265 : memref<1x272x128xf32, #tpu.memory_space<vmem>> -> memref<272x128xf32, #tpu.memory_space<vmem>>
        %get3A_1267 = arith.index_cast %add3A_1262 : i32 to index
        %get3A_1268 = arith.constant 0 : index
        %get3A_1269 = tpu.vector_load %get3A_1266[%get3A_1267, %get3A_1268] {strides = array<i32>} : memref<272x128xf32, #tpu.memory_space<vmem>>, vector<16xf32>,
        %mul3A_1270 = arith.mulf %get3A_1269, %get3A_569 : vector<16xf32>
        %add3A_1271 = arith.constant 8 : i32
        %add3A_1272 = arith.addi %mul3A_563, %add3A_1271 : i32
        %get3A_1273 = arith.constant 0 : i32
        %get3A_1274 = arith.constant 0 : i32
        %get3A_1275 = tpu.memref_slice %arg7[%scan3A_396, %get3A_1273, %get3A_1274] : memref<2x272x128xf32, #tpu.memory_space<vmem>> -> memref<1x272x128xf32, #tpu.memory_space<vmem>>
        %get3A_1276 = tpu.memref_squeeze %get3A_1275 : memref<1x272x128xf32, #tpu.memory_space<vmem>> -> memref<272x128xf32, #tpu.memory_space<vmem>>
        %get3A_1277 = arith.index_cast %add3A_1272 : i32 to index
        %get3A_1278 = arith.constant 16 : index
        %get3A_1279 = tpu.vector_load %get3A_1276[%get3A_1277, %get3A_1278] {strides = array<i32>} : memref<272x128xf32, #tpu.memory_space<vmem>>, vector<16xf32>,
        %mul3A_1280 = arith.mulf %get3A_1279, %get3A_576 : vector<16xf32>
        %add3A_1281 = arith.constant 8 : i32
        %add3A_1282 = arith.addi %mul3A_563, %add3A_1281 : i32
        %get3A_1283 = arith.constant 0 : i32
        %get3A_1284 = arith.constant 0 : i32
        %get3A_1285 = tpu.memref_slice %arg7[%scan3A_396, %get3A_1283, %get3A_1284] : memref<2x272x128xf32, #tpu.memory_space<vmem>> -> memref<1x272x128xf32, #tpu.memory_space<vmem>>
        %get3A_1286 = tpu.memref_squeeze %get3A_1285 : memref<1x272x128xf32, #tpu.memory_space<vmem>> -> memref<272x128xf32, #tpu.memory_space<vmem>>
        %get3A_1287 = arith.index_cast %add3A_1282 : i32 to index
        %get3A_1288 = arith.constant 32 : index
        %get3A_1289 = tpu.vector_load %get3A_1286[%get3A_1287, %get3A_1288] {strides = array<i32>} : memref<272x128xf32, #tpu.memory_space<vmem>>, vector<16xf32>,
        %mul3A_1290 = arith.mulf %get3A_1289, %get3A_583 : vector<16xf32>
        %add3A_1291 = arith.addf %mul3A_1270, %mul3A_1290 : vector<16xf32>
        %add3A_1292 = arith.constant 8 : i32
        %add3A_1293 = arith.addi %mul3A_563, %add3A_1292 : i32
        %get3A_1294 = arith.constant 0 : i32
        %get3A_1295 = arith.constant 0 : i32
        %get3A_1296 = tpu.memref_slice %arg7[%scan3A_396, %get3A_1294, %get3A_1295] : memref<2x272x128xf32, #tpu.memory_space<vmem>> -> memref<1x272x128xf32, #tpu.memory_space<vmem>>
        %get3A_1297 = tpu.memref_squeeze %get3A_1296 : memref<1x272x128xf32, #tpu.memory_space<vmem>> -> memref<272x128xf32, #tpu.memory_space<vmem>>
        %get3A_1298 = arith.index_cast %add3A_1293 : i32 to index
        %get3A_1299 = arith.constant 48 : index
        %get3A_1300 = tpu.vector_load %get3A_1297[%get3A_1298, %get3A_1299] {strides = array<i32>} : memref<272x128xf32, #tpu.memory_space<vmem>>, vector<16xf32>,
        %mul3A_1301 = arith.mulf %get3A_1300, %get3A_590 : vector<16xf32>
        %add3A_1302 = arith.addf %mul3A_1280, %mul3A_1301 : vector<16xf32>
        %add3A_1303 = arith.constant 8 : i32
        %add3A_1304 = arith.addi %mul3A_563, %add3A_1303 : i32
        %get3A_1305 = arith.constant 0 : i32
        %get3A_1306 = arith.constant 0 : i32
        %get3A_1307 = tpu.memref_slice %arg7[%scan3A_396, %get3A_1305, %get3A_1306] : memref<2x272x128xf32, #tpu.memory_space<vmem>> -> memref<1x272x128xf32, #tpu.memory_space<vmem>>
        %get3A_1308 = tpu.memref_squeeze %get3A_1307 : memref<1x272x128xf32, #tpu.memory_space<vmem>> -> memref<272x128xf32, #tpu.memory_space<vmem>>
        %get3A_1309 = arith.index_cast %add3A_1304 : i32 to index
        %get3A_1310 = arith.constant 64 : index
        %get3A_1311 = tpu.vector_load %get3A_1308[%get3A_1309, %get3A_1310] {strides = array<i32>} : memref<272x128xf32, #tpu.memory_space<vmem>>, vector<16xf32>,
        %mul3A_1312 = arith.mulf %get3A_1311, %get3A_597 : vector<16xf32>
        %add3A_1313 = arith.addf %add3A_1291, %mul3A_1312 : vector<16xf32>
        %add3A_1314 = arith.constant 8 : i32
        %add3A_1315 = arith.addi %mul3A_563, %add3A_1314 : i32
        %get3A_1316 = arith.constant 0 : i32
        %get3A_1317 = arith.constant 0 : i32
        %get3A_1318 = tpu.memref_slice %arg7[%scan3A_396, %get3A_1316, %get3A_1317] : memref<2x272x128xf32, #tpu.memory_space<vmem>> -> memref<1x272x128xf32, #tpu.memory_space<vmem>>
        %get3A_1319 = tpu.memref_squeeze %get3A_1318 : memref<1x272x128xf32, #tpu.memory_space<vmem>> -> memref<272x128xf32, #tpu.memory_space<vmem>>
        %get3A_1320 = arith.index_cast %add3A_1315 : i32 to index
        %get3A_1321 = arith.constant 80 : index
        %get3A_1322 = tpu.vector_load %get3A_1319[%get3A_1320, %get3A_1321] {strides = array<i32>} : memref<272x128xf32, #tpu.memory_space<vmem>>, vector<16xf32>,
        %mul3A_1323 = arith.mulf %get3A_1322, %get3A_604 : vector<16xf32>
        %add3A_1324 = arith.addf %add3A_1302, %mul3A_1323 : vector<16xf32>
        %add3A_1325 = arith.constant 8 : i32
        %add3A_1326 = arith.addi %mul3A_563, %add3A_1325 : i32
        %get3A_1327 = arith.constant 0 : i32
        %get3A_1328 = arith.constant 0 : i32
        %get3A_1329 = tpu.memref_slice %arg7[%scan3A_396, %get3A_1327, %get3A_1328] : memref<2x272x128xf32, #tpu.memory_space<vmem>> -> memref<1x272x128xf32, #tpu.memory_space<vmem>>
        %get3A_1330 = tpu.memref_squeeze %get3A_1329 : memref<1x272x128xf32, #tpu.memory_space<vmem>> -> memref<272x128xf32, #tpu.memory_space<vmem>>
        %get3A_1331 = arith.index_cast %add3A_1326 : i32 to index
        %get3A_1332 = arith.constant 96 : index
        %get3A_1333 = tpu.vector_load %get3A_1330[%get3A_1331, %get3A_1332] {strides = array<i32>} : memref<272x128xf32, #tpu.memory_space<vmem>>, vector<16xf32>,
        %mul3A_1334 = arith.mulf %get3A_1333, %get3A_611 : vector<16xf32>
        %add3A_1335 = arith.addf %add3A_1313, %mul3A_1334 : vector<16xf32>
        %add3A_1336 = arith.constant 8 : i32
        %add3A_1337 = arith.addi %mul3A_563, %add3A_1336 : i32
        %get3A_1338 = arith.constant 0 : i32
        %get3A_1339 = arith.constant 0 : i32
        %get3A_1340 = tpu.memref_slice %arg7[%scan3A_396, %get3A_1338, %get3A_1339] : memref<2x272x128xf32, #tpu.memory_space<vmem>> -> memref<1x272x128xf32, #tpu.memory_space<vmem>>
        %get3A_1341 = tpu.memref_squeeze %get3A_1340 : memref<1x272x128xf32, #tpu.memory_space<vmem>> -> memref<272x128xf32, #tpu.memory_space<vmem>>
        %get3A_1342 = arith.index_cast %add3A_1337 : i32 to index
        %get3A_1343 = arith.constant 112 : index
        %get3A_1344 = tpu.vector_load %get3A_1341[%get3A_1342, %get3A_1343] {strides = array<i32>} : memref<272x128xf32, #tpu.memory_space<vmem>>, vector<16xf32>,
        %mul3A_1345 = arith.mulf %get3A_1344, %get3A_618 : vector<16xf32>
        %add3A_1346 = arith.addf %add3A_1324, %mul3A_1345 : vector<16xf32>
        %add3A_1347 = arith.addf %add3A_1335, %add3A_1346 : vector<16xf32>
        %swap3A_1348 = arith.constant 119 : index
        %swap3A_1349 = tpu.vector_load %arg8[%swap3A_1348] {strides = array<i32>} : memref<272xf32, #tpu.memory_space<vmem>>, vector<16xf32>,
        tpu.vector_store %arg8[%swap3A_1348], %add3A_1347 {strides = array<i32>} : memref<272xf32, #tpu.memory_space<vmem>>, vector<16xf32>,
        %add3A_1350 = arith.constant 9 : i32
        %add3A_1351 = arith.addi %mul3A_563, %add3A_1350 : i32
        %get3A_1352 = arith.constant 0 : i32
        %get3A_1353 = arith.constant 0 : i32
        %get3A_1354 = tpu.memref_slice %arg7[%scan3A_396, %get3A_1352, %get3A_1353] : memref<2x272x128xf32, #tpu.memory_space<vmem>> -> memref<1x272x128xf32, #tpu.memory_space<vmem>>
        %get3A_1355 = tpu.memref_squeeze %get3A_1354 : memref<1x272x128xf32, #tpu.memory_space<vmem>> -> memref<272x128xf32, #tpu.memory_space<vmem>>
        %get3A_1356 = arith.index_cast %add3A_1351 : i32 to index
        %get3A_1357 = arith.constant 0 : index
        %get3A_1358 = tpu.vector_load %get3A_1355[%get3A_1356, %get3A_1357] {strides = array<i32>} : memref<272x128xf32, #tpu.memory_space<vmem>>, vector<16xf32>,
        %mul3A_1359 = arith.mulf %get3A_1358, %get3A_569 : vector<16xf32>
        %add3A_1360 = arith.constant 9 : i32
        %add3A_1361 = arith.addi %mul3A_563, %add3A_1360 : i32
        %get3A_1362 = arith.constant 0 : i32
        %get3A_1363 = arith.constant 0 : i32
        %get3A_1364 = tpu.memref_slice %arg7[%scan3A_396, %get3A_1362, %get3A_1363] : memref<2x272x128xf32, #tpu.memory_space<vmem>> -> memref<1x272x128xf32, #tpu.memory_space<vmem>>
        %get3A_1365 = tpu.memref_squeeze %get3A_1364 : memref<1x272x128xf32, #tpu.memory_space<vmem>> -> memref<272x128xf32, #tpu.memory_space<vmem>>
        %get3A_1366 = arith.index_cast %add3A_1361 : i32 to index
        %get3A_1367 = arith.constant 16 : index
        %get3A_1368 = tpu.vector_load %get3A_1365[%get3A_1366, %get3A_1367] {strides = array<i32>} : memref<272x128xf32, #tpu.memory_space<vmem>>, vector<16xf32>,
        %mul3A_1369 = arith.mulf %get3A_1368, %get3A_576 : vector<16xf32>
        %add3A_1370 = arith.constant 9 : i32
        %add3A_1371 = arith.addi %mul3A_563, %add3A_1370 : i32
        %get3A_1372 = arith.constant 0 : i32
        %get3A_1373 = arith.constant 0 : i32
        %get3A_1374 = tpu.memref_slice %arg7[%scan3A_396, %get3A_1372, %get3A_1373] : memref<2x272x128xf32, #tpu.memory_space<vmem>> -> memref<1x272x128xf32, #tpu.memory_space<vmem>>
        %get3A_1375 = tpu.memref_squeeze %get3A_1374 : memref<1x272x128xf32, #tpu.memory_space<vmem>> -> memref<272x128xf32, #tpu.memory_space<vmem>>
        %get3A_1376 = arith.index_cast %add3A_1371 : i32 to index
        %get3A_1377 = arith.constant 32 : index
        %get3A_1378 = tpu.vector_load %get3A_1375[%get3A_1376, %get3A_1377] {strides = array<i32>} : memref<272x128xf32, #tpu.memory_space<vmem>>, vector<16xf32>,
        %mul3A_1379 = arith.mulf %get3A_1378, %get3A_583 : vector<16xf32>
        %add3A_1380 = arith.addf %mul3A_1359, %mul3A_1379 : vector<16xf32>
        %add3A_1381 = arith.constant 9 : i32
        %add3A_1382 = arith.addi %mul3A_563, %add3A_1381 : i32
        %get3A_1383 = arith.constant 0 : i32
        %get3A_1384 = arith.constant 0 : i32
        %get3A_1385 = tpu.memref_slice %arg7[%scan3A_396, %get3A_1383, %get3A_1384] : memref<2x272x128xf32, #tpu.memory_space<vmem>> -> memref<1x272x128xf32, #tpu.memory_space<vmem>>
        %get3A_1386 = tpu.memref_squeeze %get3A_1385 : memref<1x272x128xf32, #tpu.memory_space<vmem>> -> memref<272x128xf32, #tpu.memory_space<vmem>>
        %get3A_1387 = arith.index_cast %add3A_1382 : i32 to index
        %get3A_1388 = arith.constant 48 : index
        %get3A_1389 = tpu.vector_load %get3A_1386[%get3A_1387, %get3A_1388] {strides = array<i32>} : memref<272x128xf32, #tpu.memory_space<vmem>>, vector<16xf32>,
        %mul3A_1390 = arith.mulf %get3A_1389, %get3A_590 : vector<16xf32>
        %add3A_1391 = arith.addf %mul3A_1369, %mul3A_1390 : vector<16xf32>
        %add3A_1392 = arith.constant 9 : i32
        %add3A_1393 = arith.addi %mul3A_563, %add3A_1392 : i32
        %get3A_1394 = arith.constant 0 : i32
        %get3A_1395 = arith.constant 0 : i32
        %get3A_1396 = tpu.memref_slice %arg7[%scan3A_396, %get3A_1394, %get3A_1395] : memref<2x272x128xf32, #tpu.memory_space<vmem>> -> memref<1x272x128xf32, #tpu.memory_space<vmem>>
        %get3A_1397 = tpu.memref_squeeze %get3A_1396 : memref<1x272x128xf32, #tpu.memory_space<vmem>> -> memref<272x128xf32, #tpu.memory_space<vmem>>
        %get3A_1398 = arith.index_cast %add3A_1393 : i32 to index
        %get3A_1399 = arith.constant 64 : index
        %get3A_1400 = tpu.vector_load %get3A_1397[%get3A_1398, %get3A_1399] {strides = array<i32>} : memref<272x128xf32, #tpu.memory_space<vmem>>, vector<16xf32>,
        %mul3A_1401 = arith.mulf %get3A_1400, %get3A_597 : vector<16xf32>
        %add3A_1402 = arith.addf %add3A_1380, %mul3A_1401 : vector<16xf32>
        %add3A_1403 = arith.constant 9 : i32
        %add3A_1404 = arith.addi %mul3A_563, %add3A_1403 : i32
        %get3A_1405 = arith.constant 0 : i32
        %get3A_1406 = arith.constant 0 : i32
        %get3A_1407 = tpu.memref_slice %arg7[%scan3A_396, %get3A_1405, %get3A_1406] : memref<2x272x128xf32, #tpu.memory_space<vmem>> -> memref<1x272x128xf32, #tpu.memory_space<vmem>>
        %get3A_1408 = tpu.memref_squeeze %get3A_1407 : memref<1x272x128xf32, #tpu.memory_space<vmem>> -> memref<272x128xf32, #tpu.memory_space<vmem>>
        %get3A_1409 = arith.index_cast %add3A_1404 : i32 to index
        %get3A_1410 = arith.constant 80 : index
        %get3A_1411 = tpu.vector_load %get3A_1408[%get3A_1409, %get3A_1410] {strides = array<i32>} : memref<272x128xf32, #tpu.memory_space<vmem>>, vector<16xf32>,
        %mul3A_1412 = arith.mulf %get3A_1411, %get3A_604 : vector<16xf32>
        %add3A_1413 = arith.addf %add3A_1391, %mul3A_1412 : vector<16xf32>
        %add3A_1414 = arith.constant 9 : i32
        %add3A_1415 = arith.addi %mul3A_563, %add3A_1414 : i32
        %get3A_1416 = arith.constant 0 : i32
        %get3A_1417 = arith.constant 0 : i32
        %get3A_1418 = tpu.memref_slice %arg7[%scan3A_396, %get3A_1416, %get3A_1417] : memref<2x272x128xf32, #tpu.memory_space<vmem>> -> memref<1x272x128xf32, #tpu.memory_space<vmem>>
        %get3A_1419 = tpu.memref_squeeze %get3A_1418 : memref<1x272x128xf32, #tpu.memory_space<vmem>> -> memref<272x128xf32, #tpu.memory_space<vmem>>
        %get3A_1420 = arith.index_cast %add3A_1415 : i32 to index
        %get3A_1421 = arith.constant 96 : index
        %get3A_1422 = tpu.vector_load %get3A_1419[%get3A_1420, %get3A_1421] {strides = array<i32>} : memref<272x128xf32, #tpu.memory_space<vmem>>, vector<16xf32>,
        %mul3A_1423 = arith.mulf %get3A_1422, %get3A_611 : vector<16xf32>
        %add3A_1424 = arith.addf %add3A_1402, %mul3A_1423 : vector<16xf32>
        %add3A_1425 = arith.constant 9 : i32
        %add3A_1426 = arith.addi %mul3A_563, %add3A_1425 : i32
        %get3A_1427 = arith.constant 0 : i32
        %get3A_1428 = arith.constant 0 : i32
        %get3A_1429 = tpu.memref_slice %arg7[%scan3A_396, %get3A_1427, %get3A_1428] : memref<2x272x128xf32, #tpu.memory_space<vmem>> -> memref<1x272x128xf32, #tpu.memory_space<vmem>>
        %get3A_1430 = tpu.memref_squeeze %get3A_1429 : memref<1x272x128xf32, #tpu.memory_space<vmem>> -> memref<272x128xf32, #tpu.memory_space<vmem>>
        %get3A_1431 = arith.index_cast %add3A_1426 : i32 to index
        %get3A_1432 = arith.constant 112 : index
        %get3A_1433 = tpu.vector_load %get3A_1430[%get3A_1431, %get3A_1432] {strides = array<i32>} : memref<272x128xf32, #tpu.memory_space<vmem>>, vector<16xf32>,
        %mul3A_1434 = arith.mulf %get3A_1433, %get3A_618 : vector<16xf32>
        %add3A_1435 = arith.addf %add3A_1413, %mul3A_1434 : vector<16xf32>
        %add3A_1436 = arith.addf %add3A_1424, %add3A_1435 : vector<16xf32>
        %swap3A_1437 = arith.constant 136 : index
        %swap3A_1438 = tpu.vector_load %arg8[%swap3A_1437] {strides = array<i32>} : memref<272xf32, #tpu.memory_space<vmem>>, vector<16xf32>,
        tpu.vector_store %arg8[%swap3A_1437], %add3A_1436 {strides = array<i32>} : memref<272xf32, #tpu.memory_space<vmem>>, vector<16xf32>,
        %add3A_1439 = arith.constant 10 : i32
        %add3A_1440 = arith.addi %mul3A_563, %add3A_1439 : i32
        %get3A_1441 = arith.constant 0 : i32
        %get3A_1442 = arith.constant 0 : i32
        %get3A_1443 = tpu.memref_slice %arg7[%scan3A_396, %get3A_1441, %get3A_1442] : memref<2x272x128xf32, #tpu.memory_space<vmem>> -> memref<1x272x128xf32, #tpu.memory_space<vmem>>
        %get3A_1444 = tpu.memref_squeeze %get3A_1443 : memref<1x272x128xf32, #tpu.memory_space<vmem>> -> memref<272x128xf32, #tpu.memory_space<vmem>>
        %get3A_1445 = arith.index_cast %add3A_1440 : i32 to index
        %get3A_1446 = arith.constant 0 : index
        %get3A_1447 = tpu.vector_load %get3A_1444[%get3A_1445, %get3A_1446] {strides = array<i32>} : memref<272x128xf32, #tpu.memory_space<vmem>>, vector<16xf32>,
        %mul3A_1448 = arith.mulf %get3A_1447, %get3A_569 : vector<16xf32>
        %add3A_1449 = arith.constant 10 : i32
        %add3A_1450 = arith.addi %mul3A_563, %add3A_1449 : i32
        %get3A_1451 = arith.constant 0 : i32
        %get3A_1452 = arith.constant 0 : i32
        %get3A_1453 = tpu.memref_slice %arg7[%scan3A_396, %get3A_1451, %get3A_1452] : memref<2x272x128xf32, #tpu.memory_space<vmem>> -> memref<1x272x128xf32, #tpu.memory_space<vmem>>
        %get3A_1454 = tpu.memref_squeeze %get3A_1453 : memref<1x272x128xf32, #tpu.memory_space<vmem>> -> memref<272x128xf32, #tpu.memory_space<vmem>>
        %get3A_1455 = arith.index_cast %add3A_1450 : i32 to index
        %get3A_1456 = arith.constant 16 : index
        %get3A_1457 = tpu.vector_load %get3A_1454[%get3A_1455, %get3A_1456] {strides = array<i32>} : memref<272x128xf32, #tpu.memory_space<vmem>>, vector<16xf32>,
        %mul3A_1458 = arith.mulf %get3A_1457, %get3A_576 : vector<16xf32>
        %add3A_1459 = arith.constant 10 : i32
        %add3A_1460 = arith.addi %mul3A_563, %add3A_1459 : i32
        %get3A_1461 = arith.constant 0 : i32
        %get3A_1462 = arith.constant 0 : i32
        %get3A_1463 = tpu.memref_slice %arg7[%scan3A_396, %get3A_1461, %get3A_1462] : memref<2x272x128xf32, #tpu.memory_space<vmem>> -> memref<1x272x128xf32, #tpu.memory_space<vmem>>
        %get3A_1464 = tpu.memref_squeeze %get3A_1463 : memref<1x272x128xf32, #tpu.memory_space<vmem>> -> memref<272x128xf32, #tpu.memory_space<vmem>>
        %get3A_1465 = arith.index_cast %add3A_1460 : i32 to index
        %get3A_1466 = arith.constant 32 : index
        %get3A_1467 = tpu.vector_load %get3A_1464[%get3A_1465, %get3A_1466] {strides = array<i32>} : memref<272x128xf32, #tpu.memory_space<vmem>>, vector<16xf32>,
        %mul3A_1468 = arith.mulf %get3A_1467, %get3A_583 : vector<16xf32>
        %add3A_1469 = arith.addf %mul3A_1448, %mul3A_1468 : vector<16xf32>
        %add3A_1470 = arith.constant 10 : i32
        %add3A_1471 = arith.addi %mul3A_563, %add3A_1470 : i32
        %get3A_1472 = arith.constant 0 : i32
        %get3A_1473 = arith.constant 0 : i32
        %get3A_1474 = tpu.memref_slice %arg7[%scan3A_396, %get3A_1472, %get3A_1473] : memref<2x272x128xf32, #tpu.memory_space<vmem>> -> memref<1x272x128xf32, #tpu.memory_space<vmem>>
        %get3A_1475 = tpu.memref_squeeze %get3A_1474 : memref<1x272x128xf32, #tpu.memory_space<vmem>> -> memref<272x128xf32, #tpu.memory_space<vmem>>
        %get3A_1476 = arith.index_cast %add3A_1471 : i32 to index
        %get3A_1477 = arith.constant 48 : index
        %get3A_1478 = tpu.vector_load %get3A_1475[%get3A_1476, %get3A_1477] {strides = array<i32>} : memref<272x128xf32, #tpu.memory_space<vmem>>, vector<16xf32>,
        %mul3A_1479 = arith.mulf %get3A_1478, %get3A_590 : vector<16xf32>
        %add3A_1480 = arith.addf %mul3A_1458, %mul3A_1479 : vector<16xf32>
        %add3A_1481 = arith.constant 10 : i32
        %add3A_1482 = arith.addi %mul3A_563, %add3A_1481 : i32
        %get3A_1483 = arith.constant 0 : i32
        %get3A_1484 = arith.constant 0 : i32
        %get3A_1485 = tpu.memref_slice %arg7[%scan3A_396, %get3A_1483, %get3A_1484] : memref<2x272x128xf32, #tpu.memory_space<vmem>> -> memref<1x272x128xf32, #tpu.memory_space<vmem>>
        %get3A_1486 = tpu.memref_squeeze %get3A_1485 : memref<1x272x128xf32, #tpu.memory_space<vmem>> -> memref<272x128xf32, #tpu.memory_space<vmem>>
        %get3A_1487 = arith.index_cast %add3A_1482 : i32 to index
        %get3A_1488 = arith.constant 64 : index
        %get3A_1489 = tpu.vector_load %get3A_1486[%get3A_1487, %get3A_1488] {strides = array<i32>} : memref<272x128xf32, #tpu.memory_space<vmem>>, vector<16xf32>,
        %mul3A_1490 = arith.mulf %get3A_1489, %get3A_597 : vector<16xf32>
        %add3A_1491 = arith.addf %add3A_1469, %mul3A_1490 : vector<16xf32>
        %add3A_1492 = arith.constant 10 : i32
        %add3A_1493 = arith.addi %mul3A_563, %add3A_1492 : i32
        %get3A_1494 = arith.constant 0 : i32
        %get3A_1495 = arith.constant 0 : i32
        %get3A_1496 = tpu.memref_slice %arg7[%scan3A_396, %get3A_1494, %get3A_1495] : memref<2x272x128xf32, #tpu.memory_space<vmem>> -> memref<1x272x128xf32, #tpu.memory_space<vmem>>
        %get3A_1497 = tpu.memref_squeeze %get3A_1496 : memref<1x272x128xf32, #tpu.memory_space<vmem>> -> memref<272x128xf32, #tpu.memory_space<vmem>>
        %get3A_1498 = arith.index_cast %add3A_1493 : i32 to index
        %get3A_1499 = arith.constant 80 : index
        %get3A_1500 = tpu.vector_load %get3A_1497[%get3A_1498, %get3A_1499] {strides = array<i32>} : memref<272x128xf32, #tpu.memory_space<vmem>>, vector<16xf32>,
        %mul3A_1501 = arith.mulf %get3A_1500, %get3A_604 : vector<16xf32>
        %add3A_1502 = arith.addf %add3A_1480, %mul3A_1501 : vector<16xf32>
        %add3A_1503 = arith.constant 10 : i32
        %add3A_1504 = arith.addi %mul3A_563, %add3A_1503 : i32
        %get3A_1505 = arith.constant 0 : i32
        %get3A_1506 = arith.constant 0 : i32
        %get3A_1507 = tpu.memref_slice %arg7[%scan3A_396, %get3A_1505, %get3A_1506] : memref<2x272x128xf32, #tpu.memory_space<vmem>> -> memref<1x272x128xf32, #tpu.memory_space<vmem>>
        %get3A_1508 = tpu.memref_squeeze %get3A_1507 : memref<1x272x128xf32, #tpu.memory_space<vmem>> -> memref<272x128xf32, #tpu.memory_space<vmem>>
        %get3A_1509 = arith.index_cast %add3A_1504 : i32 to index
        %get3A_1510 = arith.constant 96 : index
        %get3A_1511 = tpu.vector_load %get3A_1508[%get3A_1509, %get3A_1510] {strides = array<i32>} : memref<272x128xf32, #tpu.memory_space<vmem>>, vector<16xf32>,
        %mul3A_1512 = arith.mulf %get3A_1511, %get3A_611 : vector<16xf32>
        %add3A_1513 = arith.addf %add3A_1491, %mul3A_1512 : vector<16xf32>
        %add3A_1514 = arith.constant 10 : i32
        %add3A_1515 = arith.addi %mul3A_563, %add3A_1514 : i32
        %get3A_1516 = arith.constant 0 : i32
        %get3A_1517 = arith.constant 0 : i32
        %get3A_1518 = tpu.memref_slice %arg7[%scan3A_396, %get3A_1516, %get3A_1517] : memref<2x272x128xf32, #tpu.memory_space<vmem>> -> memref<1x272x128xf32, #tpu.memory_space<vmem>>
        %get3A_1519 = tpu.memref_squeeze %get3A_1518 : memref<1x272x128xf32, #tpu.memory_space<vmem>> -> memref<272x128xf32, #tpu.memory_space<vmem>>
        %get3A_1520 = arith.index_cast %add3A_1515 : i32 to index
        %get3A_1521 = arith.constant 112 : index
        %get3A_1522 = tpu.vector_load %get3A_1519[%get3A_1520, %get3A_1521] {strides = array<i32>} : memref<272x128xf32, #tpu.memory_space<vmem>>, vector<16xf32>,
        %mul3A_1523 = arith.mulf %get3A_1522, %get3A_618 : vector<16xf32>
        %add3A_1524 = arith.addf %add3A_1502, %mul3A_1523 : vector<16xf32>
        %add3A_1525 = arith.addf %add3A_1513, %add3A_1524 : vector<16xf32>
        %swap3A_1526 = arith.constant 153 : index
        %swap3A_1527 = tpu.vector_load %arg8[%swap3A_1526] {strides = array<i32>} : memref<272xf32, #tpu.memory_space<vmem>>, vector<16xf32>,
        tpu.vector_store %arg8[%swap3A_1526], %add3A_1525 {strides = array<i32>} : memref<272xf32, #tpu.memory_space<vmem>>, vector<16xf32>,
        %add3A_1528 = arith.constant 11 : i32
        %add3A_1529 = arith.addi %mul3A_563, %add3A_1528 : i32
        %get3A_1530 = arith.constant 0 : i32
        %get3A_1531 = arith.constant 0 : i32
        %get3A_1532 = tpu.memref_slice %arg7[%scan3A_396, %get3A_1530, %get3A_1531] : memref<2x272x128xf32, #tpu.memory_space<vmem>> -> memref<1x272x128xf32, #tpu.memory_space<vmem>>
        %get3A_1533 = tpu.memref_squeeze %get3A_1532 : memref<1x272x128xf32, #tpu.memory_space<vmem>> -> memref<272x128xf32, #tpu.memory_space<vmem>>
        %get3A_1534 = arith.index_cast %add3A_1529 : i32 to index
        %get3A_1535 = arith.constant 0 : index
        %get3A_1536 = tpu.vector_load %get3A_1533[%get3A_1534, %get3A_1535] {strides = array<i32>} : memref<272x128xf32, #tpu.memory_space<vmem>>, vector<16xf32>,
        %mul3A_1537 = arith.mulf %get3A_1536, %get3A_569 : vector<16xf32>
        %add3A_1538 = arith.constant 11 : i32
        %add3A_1539 = arith.addi %mul3A_563, %add3A_1538 : i32
        %get3A_1540 = arith.constant 0 : i32
        %get3A_1541 = arith.constant 0 : i32
        %get3A_1542 = tpu.memref_slice %arg7[%scan3A_396, %get3A_1540, %get3A_1541] : memref<2x272x128xf32, #tpu.memory_space<vmem>> -> memref<1x272x128xf32, #tpu.memory_space<vmem>>
        %get3A_1543 = tpu.memref_squeeze %get3A_1542 : memref<1x272x128xf32, #tpu.memory_space<vmem>> -> memref<272x128xf32, #tpu.memory_space<vmem>>
        %get3A_1544 = arith.index_cast %add3A_1539 : i32 to index
        %get3A_1545 = arith.constant 16 : index
        %get3A_1546 = tpu.vector_load %get3A_1543[%get3A_1544, %get3A_1545] {strides = array<i32>} : memref<272x128xf32, #tpu.memory_space<vmem>>, vector<16xf32>,
        %mul3A_1547 = arith.mulf %get3A_1546, %get3A_576 : vector<16xf32>
        %add3A_1548 = arith.constant 11 : i32
        %add3A_1549 = arith.addi %mul3A_563, %add3A_1548 : i32
        %get3A_1550 = arith.constant 0 : i32
        %get3A_1551 = arith.constant 0 : i32
        %get3A_1552 = tpu.memref_slice %arg7[%scan3A_396, %get3A_1550, %get3A_1551] : memref<2x272x128xf32, #tpu.memory_space<vmem>> -> memref<1x272x128xf32, #tpu.memory_space<vmem>>
        %get3A_1553 = tpu.memref_squeeze %get3A_1552 : memref<1x272x128xf32, #tpu.memory_space<vmem>> -> memref<272x128xf32, #tpu.memory_space<vmem>>
        %get3A_1554 = arith.index_cast %add3A_1549 : i32 to index
        %get3A_1555 = arith.constant 32 : index
        %get3A_1556 = tpu.vector_load %get3A_1553[%get3A_1554, %get3A_1555] {strides = array<i32>} : memref<272x128xf32, #tpu.memory_space<vmem>>, vector<16xf32>,
        %mul3A_1557 = arith.mulf %get3A_1556, %get3A_583 : vector<16xf32>
        %add3A_1558 = arith.addf %mul3A_1537, %mul3A_1557 : vector<16xf32>
        %add3A_1559 = arith.constant 11 : i32
        %add3A_1560 = arith.addi %mul3A_563, %add3A_1559 : i32
        %get3A_1561 = arith.constant 0 : i32
        %get3A_1562 = arith.constant 0 : i32
        %get3A_1563 = tpu.memref_slice %arg7[%scan3A_396, %get3A_1561, %get3A_1562] : memref<2x272x128xf32, #tpu.memory_space<vmem>> -> memref<1x272x128xf32, #tpu.memory_space<vmem>>
        %get3A_1564 = tpu.memref_squeeze %get3A_1563 : memref<1x272x128xf32, #tpu.memory_space<vmem>> -> memref<272x128xf32, #tpu.memory_space<vmem>>
        %get3A_1565 = arith.index_cast %add3A_1560 : i32 to index
        %get3A_1566 = arith.constant 48 : index
        %get3A_1567 = tpu.vector_load %get3A_1564[%get3A_1565, %get3A_1566] {strides = array<i32>} : memref<272x128xf32, #tpu.memory_space<vmem>>, vector<16xf32>,
        %mul3A_1568 = arith.mulf %get3A_1567, %get3A_590 : vector<16xf32>
        %add3A_1569 = arith.addf %mul3A_1547, %mul3A_1568 : vector<16xf32>
        %add3A_1570 = arith.constant 11 : i32
        %add3A_1571 = arith.addi %mul3A_563, %add3A_1570 : i32
        %get3A_1572 = arith.constant 0 : i32
        %get3A_1573 = arith.constant 0 : i32
        %get3A_1574 = tpu.memref_slice %arg7[%scan3A_396, %get3A_1572, %get3A_1573] : memref<2x272x128xf32, #tpu.memory_space<vmem>> -> memref<1x272x128xf32, #tpu.memory_space<vmem>>
        %get3A_1575 = tpu.memref_squeeze %get3A_1574 : memref<1x272x128xf32, #tpu.memory_space<vmem>> -> memref<272x128xf32, #tpu.memory_space<vmem>>
        %get3A_1576 = arith.index_cast %add3A_1571 : i32 to index
        %get3A_1577 = arith.constant 64 : index
        %get3A_1578 = tpu.vector_load %get3A_1575[%get3A_1576, %get3A_1577] {strides = array<i32>} : memref<272x128xf32, #tpu.memory_space<vmem>>, vector<16xf32>,
        %mul3A_1579 = arith.mulf %get3A_1578, %get3A_597 : vector<16xf32>
        %add3A_1580 = arith.addf %add3A_1558, %mul3A_1579 : vector<16xf32>
        %add3A_1581 = arith.constant 11 : i32
        %add3A_1582 = arith.addi %mul3A_563, %add3A_1581 : i32
        %get3A_1583 = arith.constant 0 : i32
        %get3A_1584 = arith.constant 0 : i32
        %get3A_1585 = tpu.memref_slice %arg7[%scan3A_396, %get3A_1583, %get3A_1584] : memref<2x272x128xf32, #tpu.memory_space<vmem>> -> memref<1x272x128xf32, #tpu.memory_space<vmem>>
        %get3A_1586 = tpu.memref_squeeze %get3A_1585 : memref<1x272x128xf32, #tpu.memory_space<vmem>> -> memref<272x128xf32, #tpu.memory_space<vmem>>
        %get3A_1587 = arith.index_cast %add3A_1582 : i32 to index
        %get3A_1588 = arith.constant 80 : index
        %get3A_1589 = tpu.vector_load %get3A_1586[%get3A_1587, %get3A_1588] {strides = array<i32>} : memref<272x128xf32, #tpu.memory_space<vmem>>, vector<16xf32>,
        %mul3A_1590 = arith.mulf %get3A_1589, %get3A_604 : vector<16xf32>
        %add3A_1591 = arith.addf %add3A_1569, %mul3A_1590 : vector<16xf32>
        %add3A_1592 = arith.constant 11 : i32
        %add3A_1593 = arith.addi %mul3A_563, %add3A_1592 : i32
        %get3A_1594 = arith.constant 0 : i32
        %get3A_1595 = arith.constant 0 : i32
        %get3A_1596 = tpu.memref_slice %arg7[%scan3A_396, %get3A_1594, %get3A_1595] : memref<2x272x128xf32, #tpu.memory_space<vmem>> -> memref<1x272x128xf32, #tpu.memory_space<vmem>>
        %get3A_1597 = tpu.memref_squeeze %get3A_1596 : memref<1x272x128xf32, #tpu.memory_space<vmem>> -> memref<272x128xf32, #tpu.memory_space<vmem>>
        %get3A_1598 = arith.index_cast %add3A_1593 : i32 to index
        %get3A_1599 = arith.constant 96 : index
        %get3A_1600 = tpu.vector_load %get3A_1597[%get3A_1598, %get3A_1599] {strides = array<i32>} : memref<272x128xf32, #tpu.memory_space<vmem>>, vector<16xf32>,
        %mul3A_1601 = arith.mulf %get3A_1600, %get3A_611 : vector<16xf32>
        %add3A_1602 = arith.addf %add3A_1580, %mul3A_1601 : vector<16xf32>
        %add3A_1603 = arith.constant 11 : i32
        %add3A_1604 = arith.addi %mul3A_563, %add3A_1603 : i32
        %get3A_1605 = arith.constant 0 : i32
        %get3A_1606 = arith.constant 0 : i32
        %get3A_1607 = tpu.memref_slice %arg7[%scan3A_396, %get3A_1605, %get3A_1606] : memref<2x272x128xf32, #tpu.memory_space<vmem>> -> memref<1x272x128xf32, #tpu.memory_space<vmem>>
        %get3A_1608 = tpu.memref_squeeze %get3A_1607 : memref<1x272x128xf32, #tpu.memory_space<vmem>> -> memref<272x128xf32, #tpu.memory_space<vmem>>
        %get3A_1609 = arith.index_cast %add3A_1604 : i32 to index
        %get3A_1610 = arith.constant 112 : index
        %get3A_1611 = tpu.vector_load %get3A_1608[%get3A_1609, %get3A_1610] {strides = array<i32>} : memref<272x128xf32, #tpu.memory_space<vmem>>, vector<16xf32>,
        %mul3A_1612 = arith.mulf %get3A_1611, %get3A_618 : vector<16xf32>
        %add3A_1613 = arith.addf %add3A_1591, %mul3A_1612 : vector<16xf32>
        %add3A_1614 = arith.addf %add3A_1602, %add3A_1613 : vector<16xf32>
        %swap3A_1615 = arith.constant 170 : index
        %swap3A_1616 = tpu.vector_load %arg8[%swap3A_1615] {strides = array<i32>} : memref<272xf32, #tpu.memory_space<vmem>>, vector<16xf32>,
        tpu.vector_store %arg8[%swap3A_1615], %add3A_1614 {strides = array<i32>} : memref<272xf32, #tpu.memory_space<vmem>>, vector<16xf32>,
        %add3A_1617 = arith.constant 12 : i32
        %add3A_1618 = arith.addi %mul3A_563, %add3A_1617 : i32
        %get3A_1619 = arith.constant 0 : i32
        %get3A_1620 = arith.constant 0 : i32
        %get3A_1621 = tpu.memref_slice %arg7[%scan3A_396, %get3A_1619, %get3A_1620] : memref<2x272x128xf32, #tpu.memory_space<vmem>> -> memref<1x272x128xf32, #tpu.memory_space<vmem>>
        %get3A_1622 = tpu.memref_squeeze %get3A_1621 : memref<1x272x128xf32, #tpu.memory_space<vmem>> -> memref<272x128xf32, #tpu.memory_space<vmem>>
        %get3A_1623 = arith.index_cast %add3A_1618 : i32 to index
        %get3A_1624 = arith.constant 0 : index
        %get3A_1625 = tpu.vector_load %get3A_1622[%get3A_1623, %get3A_1624] {strides = array<i32>} : memref<272x128xf32, #tpu.memory_space<vmem>>, vector<16xf32>,
        %mul3A_1626 = arith.mulf %get3A_1625, %get3A_569 : vector<16xf32>
        %add3A_1627 = arith.constant 12 : i32
        %add3A_1628 = arith.addi %mul3A_563, %add3A_1627 : i32
        %get3A_1629 = arith.constant 0 : i32
        %get3A_1630 = arith.constant 0 : i32
        %get3A_1631 = tpu.memref_slice %arg7[%scan3A_396, %get3A_1629, %get3A_1630] : memref<2x272x128xf32, #tpu.memory_space<vmem>> -> memref<1x272x128xf32, #tpu.memory_space<vmem>>
        %get3A_1632 = tpu.memref_squeeze %get3A_1631 : memref<1x272x128xf32, #tpu.memory_space<vmem>> -> memref<272x128xf32, #tpu.memory_space<vmem>>
        %get3A_1633 = arith.index_cast %add3A_1628 : i32 to index
        %get3A_1634 = arith.constant 16 : index
        %get3A_1635 = tpu.vector_load %get3A_1632[%get3A_1633, %get3A_1634] {strides = array<i32>} : memref<272x128xf32, #tpu.memory_space<vmem>>, vector<16xf32>,
        %mul3A_1636 = arith.mulf %get3A_1635, %get3A_576 : vector<16xf32>
        %add3A_1637 = arith.constant 12 : i32
        %add3A_1638 = arith.addi %mul3A_563, %add3A_1637 : i32
        %get3A_1639 = arith.constant 0 : i32
        %get3A_1640 = arith.constant 0 : i32
        %get3A_1641 = tpu.memref_slice %arg7[%scan3A_396, %get3A_1639, %get3A_1640] : memref<2x272x128xf32, #tpu.memory_space<vmem>> -> memref<1x272x128xf32, #tpu.memory_space<vmem>>
        %get3A_1642 = tpu.memref_squeeze %get3A_1641 : memref<1x272x128xf32, #tpu.memory_space<vmem>> -> memref<272x128xf32, #tpu.memory_space<vmem>>
        %get3A_1643 = arith.index_cast %add3A_1638 : i32 to index
        %get3A_1644 = arith.constant 32 : index
        %get3A_1645 = tpu.vector_load %get3A_1642[%get3A_1643, %get3A_1644] {strides = array<i32>} : memref<272x128xf32, #tpu.memory_space<vmem>>, vector<16xf32>,
        %mul3A_1646 = arith.mulf %get3A_1645, %get3A_583 : vector<16xf32>
        %add3A_1647 = arith.addf %mul3A_1626, %mul3A_1646 : vector<16xf32>
        %add3A_1648 = arith.constant 12 : i32
        %add3A_1649 = arith.addi %mul3A_563, %add3A_1648 : i32
        %get3A_1650 = arith.constant 0 : i32
        %get3A_1651 = arith.constant 0 : i32
        %get3A_1652 = tpu.memref_slice %arg7[%scan3A_396, %get3A_1650, %get3A_1651] : memref<2x272x128xf32, #tpu.memory_space<vmem>> -> memref<1x272x128xf32, #tpu.memory_space<vmem>>
        %get3A_1653 = tpu.memref_squeeze %get3A_1652 : memref<1x272x128xf32, #tpu.memory_space<vmem>> -> memref<272x128xf32, #tpu.memory_space<vmem>>
        %get3A_1654 = arith.index_cast %add3A_1649 : i32 to index
        %get3A_1655 = arith.constant 48 : index
        %get3A_1656 = tpu.vector_load %get3A_1653[%get3A_1654, %get3A_1655] {strides = array<i32>} : memref<272x128xf32, #tpu.memory_space<vmem>>, vector<16xf32>,
        %mul3A_1657 = arith.mulf %get3A_1656, %get3A_590 : vector<16xf32>
        %add3A_1658 = arith.addf %mul3A_1636, %mul3A_1657 : vector<16xf32>
        %add3A_1659 = arith.constant 12 : i32
        %add3A_1660 = arith.addi %mul3A_563, %add3A_1659 : i32
        %get3A_1661 = arith.constant 0 : i32
        %get3A_1662 = arith.constant 0 : i32
        %get3A_1663 = tpu.memref_slice %arg7[%scan3A_396, %get3A_1661, %get3A_1662] : memref<2x272x128xf32, #tpu.memory_space<vmem>> -> memref<1x272x128xf32, #tpu.memory_space<vmem>>
        %get3A_1664 = tpu.memref_squeeze %get3A_1663 : memref<1x272x128xf32, #tpu.memory_space<vmem>> -> memref<272x128xf32, #tpu.memory_space<vmem>>
        %get3A_1665 = arith.index_cast %add3A_1660 : i32 to index
        %get3A_1666 = arith.constant 64 : index
        %get3A_1667 = tpu.vector_load %get3A_1664[%get3A_1665, %get3A_1666] {strides = array<i32>} : memref<272x128xf32, #tpu.memory_space<vmem>>, vector<16xf32>,
        %mul3A_1668 = arith.mulf %get3A_1667, %get3A_597 : vector<16xf32>
        %add3A_1669 = arith.addf %add3A_1647, %mul3A_1668 : vector<16xf32>
        %add3A_1670 = arith.constant 12 : i32
        %add3A_1671 = arith.addi %mul3A_563, %add3A_1670 : i32
        %get3A_1672 = arith.constant 0 : i32
        %get3A_1673 = arith.constant 0 : i32
        %get3A_1674 = tpu.memref_slice %arg7[%scan3A_396, %get3A_1672, %get3A_1673] : memref<2x272x128xf32, #tpu.memory_space<vmem>> -> memref<1x272x128xf32, #tpu.memory_space<vmem>>
        %get3A_1675 = tpu.memref_squeeze %get3A_1674 : memref<1x272x128xf32, #tpu.memory_space<vmem>> -> memref<272x128xf32, #tpu.memory_space<vmem>>
        %get3A_1676 = arith.index_cast %add3A_1671 : i32 to index
        %get3A_1677 = arith.constant 80 : index
        %get3A_1678 = tpu.vector_load %get3A_1675[%get3A_1676, %get3A_1677] {strides = array<i32>} : memref<272x128xf32, #tpu.memory_space<vmem>>, vector<16xf32>,
        %mul3A_1679 = arith.mulf %get3A_1678, %get3A_604 : vector<16xf32>
        %add3A_1680 = arith.addf %add3A_1658, %mul3A_1679 : vector<16xf32>
        %add3A_1681 = arith.constant 12 : i32
        %add3A_1682 = arith.addi %mul3A_563, %add3A_1681 : i32
        %get3A_1683 = arith.constant 0 : i32
        %get3A_1684 = arith.constant 0 : i32
        %get3A_1685 = tpu.memref_slice %arg7[%scan3A_396, %get3A_1683, %get3A_1684] : memref<2x272x128xf32, #tpu.memory_space<vmem>> -> memref<1x272x128xf32, #tpu.memory_space<vmem>>
        %get3A_1686 = tpu.memref_squeeze %get3A_1685 : memref<1x272x128xf32, #tpu.memory_space<vmem>> -> memref<272x128xf32, #tpu.memory_space<vmem>>
        %get3A_1687 = arith.index_cast %add3A_1682 : i32 to index
        %get3A_1688 = arith.constant 96 : index
        %get3A_1689 = tpu.vector_load %get3A_1686[%get3A_1687, %get3A_1688] {strides = array<i32>} : memref<272x128xf32, #tpu.memory_space<vmem>>, vector<16xf32>,
        %mul3A_1690 = arith.mulf %get3A_1689, %get3A_611 : vector<16xf32>
        %add3A_1691 = arith.addf %add3A_1669, %mul3A_1690 : vector<16xf32>
        %add3A_1692 = arith.constant 12 : i32
        %add3A_1693 = arith.addi %mul3A_563, %add3A_1692 : i32
        %get3A_1694 = arith.constant 0 : i32
        %get3A_1695 = arith.constant 0 : i32
        %get3A_1696 = tpu.memref_slice %arg7[%scan3A_396, %get3A_1694, %get3A_1695] : memref<2x272x128xf32, #tpu.memory_space<vmem>> -> memref<1x272x128xf32, #tpu.memory_space<vmem>>
        %get3A_1697 = tpu.memref_squeeze %get3A_1696 : memref<1x272x128xf32, #tpu.memory_space<vmem>> -> memref<272x128xf32, #tpu.memory_space<vmem>>
        %get3A_1698 = arith.index_cast %add3A_1693 : i32 to index
        %get3A_1699 = arith.constant 112 : index
        %get3A_1700 = tpu.vector_load %get3A_1697[%get3A_1698, %get3A_1699] {strides = array<i32>} : memref<272x128xf32, #tpu.memory_space<vmem>>, vector<16xf32>,
        %mul3A_1701 = arith.mulf %get3A_1700, %get3A_618 : vector<16xf32>
        %add3A_1702 = arith.addf %add3A_1680, %mul3A_1701 : vector<16xf32>
        %add3A_1703 = arith.addf %add3A_1691, %add3A_1702 : vector<16xf32>
        %swap3A_1704 = arith.constant 187 : index
        %swap3A_1705 = tpu.vector_load %arg8[%swap3A_1704] {strides = array<i32>} : memref<272xf32, #tpu.memory_space<vmem>>, vector<16xf32>,
        tpu.vector_store %arg8[%swap3A_1704], %add3A_1703 {strides = array<i32>} : memref<272xf32, #tpu.memory_space<vmem>>, vector<16xf32>,
        %add3A_1706 = arith.constant 13 : i32
        %add3A_1707 = arith.addi %mul3A_563, %add3A_1706 : i32
        %get3A_1708 = arith.constant 0 : i32
        %get3A_1709 = arith.constant 0 : i32
        %get3A_1710 = tpu.memref_slice %arg7[%scan3A_396, %get3A_1708, %get3A_1709] : memref<2x272x128xf32, #tpu.memory_space<vmem>> -> memref<1x272x128xf32, #tpu.memory_space<vmem>>
        %get3A_1711 = tpu.memref_squeeze %get3A_1710 : memref<1x272x128xf32, #tpu.memory_space<vmem>> -> memref<272x128xf32, #tpu.memory_space<vmem>>
        %get3A_1712 = arith.index_cast %add3A_1707 : i32 to index
        %get3A_1713 = arith.constant 0 : index
        %get3A_1714 = tpu.vector_load %get3A_1711[%get3A_1712, %get3A_1713] {strides = array<i32>} : memref<272x128xf32, #tpu.memory_space<vmem>>, vector<16xf32>,
        %mul3A_1715 = arith.mulf %get3A_1714, %get3A_569 : vector<16xf32>
        %add3A_1716 = arith.constant 13 : i32
        %add3A_1717 = arith.addi %mul3A_563, %add3A_1716 : i32
        %get3A_1718 = arith.constant 0 : i32
        %get3A_1719 = arith.constant 0 : i32
        %get3A_1720 = tpu.memref_slice %arg7[%scan3A_396, %get3A_1718, %get3A_1719] : memref<2x272x128xf32, #tpu.memory_space<vmem>> -> memref<1x272x128xf32, #tpu.memory_space<vmem>>
        %get3A_1721 = tpu.memref_squeeze %get3A_1720 : memref<1x272x128xf32, #tpu.memory_space<vmem>> -> memref<272x128xf32, #tpu.memory_space<vmem>>
        %get3A_1722 = arith.index_cast %add3A_1717 : i32 to index
        %get3A_1723 = arith.constant 16 : index
        %get3A_1724 = tpu.vector_load %get3A_1721[%get3A_1722, %get3A_1723] {strides = array<i32>} : memref<272x128xf32, #tpu.memory_space<vmem>>, vector<16xf32>,
        %mul3A_1725 = arith.mulf %get3A_1724, %get3A_576 : vector<16xf32>
        %add3A_1726 = arith.constant 13 : i32
        %add3A_1727 = arith.addi %mul3A_563, %add3A_1726 : i32
        %get3A_1728 = arith.constant 0 : i32
        %get3A_1729 = arith.constant 0 : i32
        %get3A_1730 = tpu.memref_slice %arg7[%scan3A_396, %get3A_1728, %get3A_1729] : memref<2x272x128xf32, #tpu.memory_space<vmem>> -> memref<1x272x128xf32, #tpu.memory_space<vmem>>
        %get3A_1731 = tpu.memref_squeeze %get3A_1730 : memref<1x272x128xf32, #tpu.memory_space<vmem>> -> memref<272x128xf32, #tpu.memory_space<vmem>>
        %get3A_1732 = arith.index_cast %add3A_1727 : i32 to index
        %get3A_1733 = arith.constant 32 : index
        %get3A_1734 = tpu.vector_load %get3A_1731[%get3A_1732, %get3A_1733] {strides = array<i32>} : memref<272x128xf32, #tpu.memory_space<vmem>>, vector<16xf32>,
        %mul3A_1735 = arith.mulf %get3A_1734, %get3A_583 : vector<16xf32>
        %add3A_1736 = arith.addf %mul3A_1715, %mul3A_1735 : vector<16xf32>
        %add3A_1737 = arith.constant 13 : i32
        %add3A_1738 = arith.addi %mul3A_563, %add3A_1737 : i32
        %get3A_1739 = arith.constant 0 : i32
        %get3A_1740 = arith.constant 0 : i32
        %get3A_1741 = tpu.memref_slice %arg7[%scan3A_396, %get3A_1739, %get3A_1740] : memref<2x272x128xf32, #tpu.memory_space<vmem>> -> memref<1x272x128xf32, #tpu.memory_space<vmem>>
        %get3A_1742 = tpu.memref_squeeze %get3A_1741 : memref<1x272x128xf32, #tpu.memory_space<vmem>> -> memref<272x128xf32, #tpu.memory_space<vmem>>
        %get3A_1743 = arith.index_cast %add3A_1738 : i32 to index
        %get3A_1744 = arith.constant 48 : index
        %get3A_1745 = tpu.vector_load %get3A_1742[%get3A_1743, %get3A_1744] {strides = array<i32>} : memref<272x128xf32, #tpu.memory_space<vmem>>, vector<16xf32>,
        %mul3A_1746 = arith.mulf %get3A_1745, %get3A_590 : vector<16xf32>
        %add3A_1747 = arith.addf %mul3A_1725, %mul3A_1746 : vector<16xf32>
        %add3A_1748 = arith.constant 13 : i32
        %add3A_1749 = arith.addi %mul3A_563, %add3A_1748 : i32
        %get3A_1750 = arith.constant 0 : i32
        %get3A_1751 = arith.constant 0 : i32
        %get3A_1752 = tpu.memref_slice %arg7[%scan3A_396, %get3A_1750, %get3A_1751] : memref<2x272x128xf32, #tpu.memory_space<vmem>> -> memref<1x272x128xf32, #tpu.memory_space<vmem>>
        %get3A_1753 = tpu.memref_squeeze %get3A_1752 : memref<1x272x128xf32, #tpu.memory_space<vmem>> -> memref<272x128xf32, #tpu.memory_space<vmem>>
        %get3A_1754 = arith.index_cast %add3A_1749 : i32 to index
        %get3A_1755 = arith.constant 64 : index
        %get3A_1756 = tpu.vector_load %get3A_1753[%get3A_1754, %get3A_1755] {strides = array<i32>} : memref<272x128xf32, #tpu.memory_space<vmem>>, vector<16xf32>,
        %mul3A_1757 = arith.mulf %get3A_1756, %get3A_597 : vector<16xf32>
        %add3A_1758 = arith.addf %add3A_1736, %mul3A_1757 : vector<16xf32>
        %add3A_1759 = arith.constant 13 : i32
        %add3A_1760 = arith.addi %mul3A_563, %add3A_1759 : i32
        %get3A_1761 = arith.constant 0 : i32
        %get3A_1762 = arith.constant 0 : i32
        %get3A_1763 = tpu.memref_slice %arg7[%scan3A_396, %get3A_1761, %get3A_1762] : memref<2x272x128xf32, #tpu.memory_space<vmem>> -> memref<1x272x128xf32, #tpu.memory_space<vmem>>
        %get3A_1764 = tpu.memref_squeeze %get3A_1763 : memref<1x272x128xf32, #tpu.memory_space<vmem>> -> memref<272x128xf32, #tpu.memory_space<vmem>>
        %get3A_1765 = arith.index_cast %add3A_1760 : i32 to index
        %get3A_1766 = arith.constant 80 : index
        %get3A_1767 = tpu.vector_load %get3A_1764[%get3A_1765, %get3A_1766] {strides = array<i32>} : memref<272x128xf32, #tpu.memory_space<vmem>>, vector<16xf32>,
        %mul3A_1768 = arith.mulf %get3A_1767, %get3A_604 : vector<16xf32>
        %add3A_1769 = arith.addf %add3A_1747, %mul3A_1768 : vector<16xf32>
        %add3A_1770 = arith.constant 13 : i32
        %add3A_1771 = arith.addi %mul3A_563, %add3A_1770 : i32
        %get3A_1772 = arith.constant 0 : i32
        %get3A_1773 = arith.constant 0 : i32
        %get3A_1774 = tpu.memref_slice %arg7[%scan3A_396, %get3A_1772, %get3A_1773] : memref<2x272x128xf32, #tpu.memory_space<vmem>> -> memref<1x272x128xf32, #tpu.memory_space<vmem>>
        %get3A_1775 = tpu.memref_squeeze %get3A_1774 : memref<1x272x128xf32, #tpu.memory_space<vmem>> -> memref<272x128xf32, #tpu.memory_space<vmem>>
        %get3A_1776 = arith.index_cast %add3A_1771 : i32 to index
        %get3A_1777 = arith.constant 96 : index
        %get3A_1778 = tpu.vector_load %get3A_1775[%get3A_1776, %get3A_1777] {strides = array<i32>} : memref<272x128xf32, #tpu.memory_space<vmem>>, vector<16xf32>,
        %mul3A_1779 = arith.mulf %get3A_1778, %get3A_611 : vector<16xf32>
        %add3A_1780 = arith.addf %add3A_1758, %mul3A_1779 : vector<16xf32>
        %add3A_1781 = arith.constant 13 : i32
        %add3A_1782 = arith.addi %mul3A_563, %add3A_1781 : i32
        %get3A_1783 = arith.constant 0 : i32
        %get3A_1784 = arith.constant 0 : i32
        %get3A_1785 = tpu.memref_slice %arg7[%scan3A_396, %get3A_1783, %get3A_1784] : memref<2x272x128xf32, #tpu.memory_space<vmem>> -> memref<1x272x128xf32, #tpu.memory_space<vmem>>
        %get3A_1786 = tpu.memref_squeeze %get3A_1785 : memref<1x272x128xf32, #tpu.memory_space<vmem>> -> memref<272x128xf32, #tpu.memory_space<vmem>>
        %get3A_1787 = arith.index_cast %add3A_1782 : i32 to index
        %get3A_1788 = arith.constant 112 : index
        %get3A_1789 = tpu.vector_load %get3A_1786[%get3A_1787, %get3A_1788] {strides = array<i32>} : memref<272x128xf32, #tpu.memory_space<vmem>>, vector<16xf32>,
        %mul3A_1790 = arith.mulf %get3A_1789, %get3A_618 : vector<16xf32>
        %add3A_1791 = arith.addf %add3A_1769, %mul3A_1790 : vector<16xf32>
        %add3A_1792 = arith.addf %add3A_1780, %add3A_1791 : vector<16xf32>
        %swap3A_1793 = arith.constant 204 : index
        %swap3A_1794 = tpu.vector_load %arg8[%swap3A_1793] {strides = array<i32>} : memref<272xf32, #tpu.memory_space<vmem>>, vector<16xf32>,
        tpu.vector_store %arg8[%swap3A_1793], %add3A_1792 {strides = array<i32>} : memref<272xf32, #tpu.memory_space<vmem>>, vector<16xf32>,
        %add3A_1795 = arith.constant 14 : i32
        %add3A_1796 = arith.addi %mul3A_563, %add3A_1795 : i32
        %get3A_1797 = arith.constant 0 : i32
        %get3A_1798 = arith.constant 0 : i32
        %get3A_1799 = tpu.memref_slice %arg7[%scan3A_396, %get3A_1797, %get3A_1798] : memref<2x272x128xf32, #tpu.memory_space<vmem>> -> memref<1x272x128xf32, #tpu.memory_space<vmem>>
        %get3A_1800 = tpu.memref_squeeze %get3A_1799 : memref<1x272x128xf32, #tpu.memory_space<vmem>> -> memref<272x128xf32, #tpu.memory_space<vmem>>
        %get3A_1801 = arith.index_cast %add3A_1796 : i32 to index
        %get3A_1802 = arith.constant 0 : index
        %get3A_1803 = tpu.vector_load %get3A_1800[%get3A_1801, %get3A_1802] {strides = array<i32>} : memref<272x128xf32, #tpu.memory_space<vmem>>, vector<16xf32>,
        %mul3A_1804 = arith.mulf %get3A_1803, %get3A_569 : vector<16xf32>
        %add3A_1805 = arith.constant 14 : i32
        %add3A_1806 = arith.addi %mul3A_563, %add3A_1805 : i32
        %get3A_1807 = arith.constant 0 : i32
        %get3A_1808 = arith.constant 0 : i32
        %get3A_1809 = tpu.memref_slice %arg7[%scan3A_396, %get3A_1807, %get3A_1808] : memref<2x272x128xf32, #tpu.memory_space<vmem>> -> memref<1x272x128xf32, #tpu.memory_space<vmem>>
        %get3A_1810 = tpu.memref_squeeze %get3A_1809 : memref<1x272x128xf32, #tpu.memory_space<vmem>> -> memref<272x128xf32, #tpu.memory_space<vmem>>
        %get3A_1811 = arith.index_cast %add3A_1806 : i32 to index
        %get3A_1812 = arith.constant 16 : index
        %get3A_1813 = tpu.vector_load %get3A_1810[%get3A_1811, %get3A_1812] {strides = array<i32>} : memref<272x128xf32, #tpu.memory_space<vmem>>, vector<16xf32>,
        %mul3A_1814 = arith.mulf %get3A_1813, %get3A_576 : vector<16xf32>
        %add3A_1815 = arith.constant 14 : i32
        %add3A_1816 = arith.addi %mul3A_563, %add3A_1815 : i32
        %get3A_1817 = arith.constant 0 : i32
        %get3A_1818 = arith.constant 0 : i32
        %get3A_1819 = tpu.memref_slice %arg7[%scan3A_396, %get3A_1817, %get3A_1818] : memref<2x272x128xf32, #tpu.memory_space<vmem>> -> memref<1x272x128xf32, #tpu.memory_space<vmem>>
        %get3A_1820 = tpu.memref_squeeze %get3A_1819 : memref<1x272x128xf32, #tpu.memory_space<vmem>> -> memref<272x128xf32, #tpu.memory_space<vmem>>
        %get3A_1821 = arith.index_cast %add3A_1816 : i32 to index
        %get3A_1822 = arith.constant 32 : index
        %get3A_1823 = tpu.vector_load %get3A_1820[%get3A_1821, %get3A_1822] {strides = array<i32>} : memref<272x128xf32, #tpu.memory_space<vmem>>, vector<16xf32>,
        %mul3A_1824 = arith.mulf %get3A_1823, %get3A_583 : vector<16xf32>
        %add3A_1825 = arith.addf %mul3A_1804, %mul3A_1824 : vector<16xf32>
        %add3A_1826 = arith.constant 14 : i32
        %add3A_1827 = arith.addi %mul3A_563, %add3A_1826 : i32
        %get3A_1828 = arith.constant 0 : i32
        %get3A_1829 = arith.constant 0 : i32
        %get3A_1830 = tpu.memref_slice %arg7[%scan3A_396, %get3A_1828, %get3A_1829] : memref<2x272x128xf32, #tpu.memory_space<vmem>> -> memref<1x272x128xf32, #tpu.memory_space<vmem>>
        %get3A_1831 = tpu.memref_squeeze %get3A_1830 : memref<1x272x128xf32, #tpu.memory_space<vmem>> -> memref<272x128xf32, #tpu.memory_space<vmem>>
        %get3A_1832 = arith.index_cast %add3A_1827 : i32 to index
        %get3A_1833 = arith.constant 48 : index
        %get3A_1834 = tpu.vector_load %get3A_1831[%get3A_1832, %get3A_1833] {strides = array<i32>} : memref<272x128xf32, #tpu.memory_space<vmem>>, vector<16xf32>,
        %mul3A_1835 = arith.mulf %get3A_1834, %get3A_590 : vector<16xf32>
        %add3A_1836 = arith.addf %mul3A_1814, %mul3A_1835 : vector<16xf32>
        %add3A_1837 = arith.constant 14 : i32
        %add3A_1838 = arith.addi %mul3A_563, %add3A_1837 : i32
        %get3A_1839 = arith.constant 0 : i32
        %get3A_1840 = arith.constant 0 : i32
        %get3A_1841 = tpu.memref_slice %arg7[%scan3A_396, %get3A_1839, %get3A_1840] : memref<2x272x128xf32, #tpu.memory_space<vmem>> -> memref<1x272x128xf32, #tpu.memory_space<vmem>>
        %get3A_1842 = tpu.memref_squeeze %get3A_1841 : memref<1x272x128xf32, #tpu.memory_space<vmem>> -> memref<272x128xf32, #tpu.memory_space<vmem>>
        %get3A_1843 = arith.index_cast %add3A_1838 : i32 to index
        %get3A_1844 = arith.constant 64 : index
        %get3A_1845 = tpu.vector_load %get3A_1842[%get3A_1843, %get3A_1844] {strides = array<i32>} : memref<272x128xf32, #tpu.memory_space<vmem>>, vector<16xf32>,
        %mul3A_1846 = arith.mulf %get3A_1845, %get3A_597 : vector<16xf32>
        %add3A_1847 = arith.addf %add3A_1825, %mul3A_1846 : vector<16xf32>
        %add3A_1848 = arith.constant 14 : i32
        %add3A_1849 = arith.addi %mul3A_563, %add3A_1848 : i32
        %get3A_1850 = arith.constant 0 : i32
        %get3A_1851 = arith.constant 0 : i32
        %get3A_1852 = tpu.memref_slice %arg7[%scan3A_396, %get3A_1850, %get3A_1851] : memref<2x272x128xf32, #tpu.memory_space<vmem>> -> memref<1x272x128xf32, #tpu.memory_space<vmem>>
        %get3A_1853 = tpu.memref_squeeze %get3A_1852 : memref<1x272x128xf32, #tpu.memory_space<vmem>> -> memref<272x128xf32, #tpu.memory_space<vmem>>
        %get3A_1854 = arith.index_cast %add3A_1849 : i32 to index
        %get3A_1855 = arith.constant 80 : index
        %get3A_1856 = tpu.vector_load %get3A_1853[%get3A_1854, %get3A_1855] {strides = array<i32>} : memref<272x128xf32, #tpu.memory_space<vmem>>, vector<16xf32>,
        %mul3A_1857 = arith.mulf %get3A_1856, %get3A_604 : vector<16xf32>
        %add3A_1858 = arith.addf %add3A_1836, %mul3A_1857 : vector<16xf32>
        %add3A_1859 = arith.constant 14 : i32
        %add3A_1860 = arith.addi %mul3A_563, %add3A_1859 : i32
        %get3A_1861 = arith.constant 0 : i32
        %get3A_1862 = arith.constant 0 : i32
        %get3A_1863 = tpu.memref_slice %arg7[%scan3A_396, %get3A_1861, %get3A_1862] : memref<2x272x128xf32, #tpu.memory_space<vmem>> -> memref<1x272x128xf32, #tpu.memory_space<vmem>>
        %get3A_1864 = tpu.memref_squeeze %get3A_1863 : memref<1x272x128xf32, #tpu.memory_space<vmem>> -> memref<272x128xf32, #tpu.memory_space<vmem>>
        %get3A_1865 = arith.index_cast %add3A_1860 : i32 to index
        %get3A_1866 = arith.constant 96 : index
        %get3A_1867 = tpu.vector_load %get3A_1864[%get3A_1865, %get3A_1866] {strides = array<i32>} : memref<272x128xf32, #tpu.memory_space<vmem>>, vector<16xf32>,
        %mul3A_1868 = arith.mulf %get3A_1867, %get3A_611 : vector<16xf32>
        %add3A_1869 = arith.addf %add3A_1847, %mul3A_1868 : vector<16xf32>
        %add3A_1870 = arith.constant 14 : i32
        %add3A_1871 = arith.addi %mul3A_563, %add3A_1870 : i32
        %get3A_1872 = arith.constant 0 : i32
        %get3A_1873 = arith.constant 0 : i32
        %get3A_1874 = tpu.memref_slice %arg7[%scan3A_396, %get3A_1872, %get3A_1873] : memref<2x272x128xf32, #tpu.memory_space<vmem>> -> memref<1x272x128xf32, #tpu.memory_space<vmem>>
        %get3A_1875 = tpu.memref_squeeze %get3A_1874 : memref<1x272x128xf32, #tpu.memory_space<vmem>> -> memref<272x128xf32, #tpu.memory_space<vmem>>
        %get3A_1876 = arith.index_cast %add3A_1871 : i32 to index
        %get3A_1877 = arith.constant 112 : index
        %get3A_1878 = tpu.vector_load %get3A_1875[%get3A_1876, %get3A_1877] {strides = array<i32>} : memref<272x128xf32, #tpu.memory_space<vmem>>, vector<16xf32>,
        %mul3A_1879 = arith.mulf %get3A_1878, %get3A_618 : vector<16xf32>
        %add3A_1880 = arith.addf %add3A_1858, %mul3A_1879 : vector<16xf32>
        %add3A_1881 = arith.addf %add3A_1869, %add3A_1880 : vector<16xf32>
        %swap3A_1882 = arith.constant 221 : index
        %swap3A_1883 = tpu.vector_load %arg8[%swap3A_1882] {strides = array<i32>} : memref<272xf32, #tpu.memory_space<vmem>>, vector<16xf32>,
        tpu.vector_store %arg8[%swap3A_1882], %add3A_1881 {strides = array<i32>} : memref<272xf32, #tpu.memory_space<vmem>>, vector<16xf32>,
        %add3A_1884 = arith.constant 15 : i32
        %add3A_1885 = arith.addi %mul3A_563, %add3A_1884 : i32
        %get3A_1886 = arith.constant 0 : i32
        %get3A_1887 = arith.constant 0 : i32
        %get3A_1888 = tpu.memref_slice %arg7[%scan3A_396, %get3A_1886, %get3A_1887] : memref<2x272x128xf32, #tpu.memory_space<vmem>> -> memref<1x272x128xf32, #tpu.memory_space<vmem>>
        %get3A_1889 = tpu.memref_squeeze %get3A_1888 : memref<1x272x128xf32, #tpu.memory_space<vmem>> -> memref<272x128xf32, #tpu.memory_space<vmem>>
        %get3A_1890 = arith.index_cast %add3A_1885 : i32 to index
        %get3A_1891 = arith.constant 0 : index
        %get3A_1892 = tpu.vector_load %get3A_1889[%get3A_1890, %get3A_1891] {strides = array<i32>} : memref<272x128xf32, #tpu.memory_space<vmem>>, vector<16xf32>,
        %mul3A_1893 = arith.mulf %get3A_1892, %get3A_569 : vector<16xf32>
        %add3A_1894 = arith.constant 15 : i32
        %add3A_1895 = arith.addi %mul3A_563, %add3A_1894 : i32
        %get3A_1896 = arith.constant 0 : i32
        %get3A_1897 = arith.constant 0 : i32
        %get3A_1898 = tpu.memref_slice %arg7[%scan3A_396, %get3A_1896, %get3A_1897] : memref<2x272x128xf32, #tpu.memory_space<vmem>> -> memref<1x272x128xf32, #tpu.memory_space<vmem>>
        %get3A_1899 = tpu.memref_squeeze %get3A_1898 : memref<1x272x128xf32, #tpu.memory_space<vmem>> -> memref<272x128xf32, #tpu.memory_space<vmem>>
        %get3A_1900 = arith.index_cast %add3A_1895 : i32 to index
        %get3A_1901 = arith.constant 16 : index
        %get3A_1902 = tpu.vector_load %get3A_1899[%get3A_1900, %get3A_1901] {strides = array<i32>} : memref<272x128xf32, #tpu.memory_space<vmem>>, vector<16xf32>,
        %mul3A_1903 = arith.mulf %get3A_1902, %get3A_576 : vector<16xf32>
        %add3A_1904 = arith.constant 15 : i32
        %add3A_1905 = arith.addi %mul3A_563, %add3A_1904 : i32
        %get3A_1906 = arith.constant 0 : i32
        %get3A_1907 = arith.constant 0 : i32
        %get3A_1908 = tpu.memref_slice %arg7[%scan3A_396, %get3A_1906, %get3A_1907] : memref<2x272x128xf32, #tpu.memory_space<vmem>> -> memref<1x272x128xf32, #tpu.memory_space<vmem>>
        %get3A_1909 = tpu.memref_squeeze %get3A_1908 : memref<1x272x128xf32, #tpu.memory_space<vmem>> -> memref<272x128xf32, #tpu.memory_space<vmem>>
        %get3A_1910 = arith.index_cast %add3A_1905 : i32 to index
        %get3A_1911 = arith.constant 32 : index
        %get3A_1912 = tpu.vector_load %get3A_1909[%get3A_1910, %get3A_1911] {strides = array<i32>} : memref<272x128xf32, #tpu.memory_space<vmem>>, vector<16xf32>,
        %mul3A_1913 = arith.mulf %get3A_1912, %get3A_583 : vector<16xf32>
        %add3A_1914 = arith.addf %mul3A_1893, %mul3A_1913 : vector<16xf32>
        %add3A_1915 = arith.constant 15 : i32
        %add3A_1916 = arith.addi %mul3A_563, %add3A_1915 : i32
        %get3A_1917 = arith.constant 0 : i32
        %get3A_1918 = arith.constant 0 : i32
        %get3A_1919 = tpu.memref_slice %arg7[%scan3A_396, %get3A_1917, %get3A_1918] : memref<2x272x128xf32, #tpu.memory_space<vmem>> -> memref<1x272x128xf32, #tpu.memory_space<vmem>>
        %get3A_1920 = tpu.memref_squeeze %get3A_1919 : memref<1x272x128xf32, #tpu.memory_space<vmem>> -> memref<272x128xf32, #tpu.memory_space<vmem>>
        %get3A_1921 = arith.index_cast %add3A_1916 : i32 to index
        %get3A_1922 = arith.constant 48 : index
        %get3A_1923 = tpu.vector_load %get3A_1920[%get3A_1921, %get3A_1922] {strides = array<i32>} : memref<272x128xf32, #tpu.memory_space<vmem>>, vector<16xf32>,
        %mul3A_1924 = arith.mulf %get3A_1923, %get3A_590 : vector<16xf32>
        %add3A_1925 = arith.addf %mul3A_1903, %mul3A_1924 : vector<16xf32>
        %add3A_1926 = arith.constant 15 : i32
        %add3A_1927 = arith.addi %mul3A_563, %add3A_1926 : i32
        %get3A_1928 = arith.constant 0 : i32
        %get3A_1929 = arith.constant 0 : i32
        %get3A_1930 = tpu.memref_slice %arg7[%scan3A_396, %get3A_1928, %get3A_1929] : memref<2x272x128xf32, #tpu.memory_space<vmem>> -> memref<1x272x128xf32, #tpu.memory_space<vmem>>
        %get3A_1931 = tpu.memref_squeeze %get3A_1930 : memref<1x272x128xf32, #tpu.memory_space<vmem>> -> memref<272x128xf32, #tpu.memory_space<vmem>>
        %get3A_1932 = arith.index_cast %add3A_1927 : i32 to index
        %get3A_1933 = arith.constant 64 : index
        %get3A_1934 = tpu.vector_load %get3A_1931[%get3A_1932, %get3A_1933] {strides = array<i32>} : memref<272x128xf32, #tpu.memory_space<vmem>>, vector<16xf32>,
        %mul3A_1935 = arith.mulf %get3A_1934, %get3A_597 : vector<16xf32>
        %add3A_1936 = arith.addf %add3A_1914, %mul3A_1935 : vector<16xf32>
        %add3A_1937 = arith.constant 15 : i32
        %add3A_1938 = arith.addi %mul3A_563, %add3A_1937 : i32
        %get3A_1939 = arith.constant 0 : i32
        %get3A_1940 = arith.constant 0 : i32
        %get3A_1941 = tpu.memref_slice %arg7[%scan3A_396, %get3A_1939, %get3A_1940] : memref<2x272x128xf32, #tpu.memory_space<vmem>> -> memref<1x272x128xf32, #tpu.memory_space<vmem>>
        %get3A_1942 = tpu.memref_squeeze %get3A_1941 : memref<1x272x128xf32, #tpu.memory_space<vmem>> -> memref<272x128xf32, #tpu.memory_space<vmem>>
        %get3A_1943 = arith.index_cast %add3A_1938 : i32 to index
        %get3A_1944 = arith.constant 80 : index
        %get3A_1945 = tpu.vector_load %get3A_1942[%get3A_1943, %get3A_1944] {strides = array<i32>} : memref<272x128xf32, #tpu.memory_space<vmem>>, vector<16xf32>,
        %mul3A_1946 = arith.mulf %get3A_1945, %get3A_604 : vector<16xf32>
        %add3A_1947 = arith.addf %add3A_1925, %mul3A_1946 : vector<16xf32>
        %add3A_1948 = arith.constant 15 : i32
        %add3A_1949 = arith.addi %mul3A_563, %add3A_1948 : i32
        %get3A_1950 = arith.constant 0 : i32
        %get3A_1951 = arith.constant 0 : i32
        %get3A_1952 = tpu.memref_slice %arg7[%scan3A_396, %get3A_1950, %get3A_1951] : memref<2x272x128xf32, #tpu.memory_space<vmem>> -> memref<1x272x128xf32, #tpu.memory_space<vmem>>
        %get3A_1953 = tpu.memref_squeeze %get3A_1952 : memref<1x272x128xf32, #tpu.memory_space<vmem>> -> memref<272x128xf32, #tpu.memory_space<vmem>>
        %get3A_1954 = arith.index_cast %add3A_1949 : i32 to index
        %get3A_1955 = arith.constant 96 : index
        %get3A_1956 = tpu.vector_load %get3A_1953[%get3A_1954, %get3A_1955] {strides = array<i32>} : memref<272x128xf32, #tpu.memory_space<vmem>>, vector<16xf32>,
        %mul3A_1957 = arith.mulf %get3A_1956, %get3A_611 : vector<16xf32>
        %add3A_1958 = arith.addf %add3A_1936, %mul3A_1957 : vector<16xf32>
        %add3A_1959 = arith.constant 15 : i32
        %add3A_1960 = arith.addi %mul3A_563, %add3A_1959 : i32
        %get3A_1961 = arith.constant 0 : i32
        %get3A_1962 = arith.constant 0 : i32
        %get3A_1963 = tpu.memref_slice %arg7[%scan3A_396, %get3A_1961, %get3A_1962] : memref<2x272x128xf32, #tpu.memory_space<vmem>> -> memref<1x272x128xf32, #tpu.memory_space<vmem>>
        %get3A_1964 = tpu.memref_squeeze %get3A_1963 : memref<1x272x128xf32, #tpu.memory_space<vmem>> -> memref<272x128xf32, #tpu.memory_space<vmem>>
        %get3A_1965 = arith.index_cast %add3A_1960 : i32 to index
        %get3A_1966 = arith.constant 112 : index
        %get3A_1967 = tpu.vector_load %get3A_1964[%get3A_1965, %get3A_1966] {strides = array<i32>} : memref<272x128xf32, #tpu.memory_space<vmem>>, vector<16xf32>,
        %mul3A_1968 = arith.mulf %get3A_1967, %get3A_618 : vector<16xf32>
        %add3A_1969 = arith.addf %add3A_1947, %mul3A_1968 : vector<16xf32>
        %add3A_1970 = arith.addf %add3A_1958, %add3A_1969 : vector<16xf32>
        %swap3A_1971 = arith.constant 238 : index
        %swap3A_1972 = tpu.vector_load %arg8[%swap3A_1971] {strides = array<i32>} : memref<272xf32, #tpu.memory_space<vmem>>, vector<16xf32>,
        tpu.vector_store %arg8[%swap3A_1971], %add3A_1970 {strides = array<i32>} : memref<272xf32, #tpu.memory_space<vmem>>, vector<16xf32>,
        %add3A_1973 = arith.constant 16 : i32
        %add3A_1974 = arith.addi %mul3A_563, %add3A_1973 : i32
        %get3A_1975 = arith.constant 0 : i32
        %get3A_1976 = arith.constant 0 : i32
        %get3A_1977 = tpu.memref_slice %arg7[%scan3A_396, %get3A_1975, %get3A_1976] : memref<2x272x128xf32, #tpu.memory_space<vmem>> -> memref<1x272x128xf32, #tpu.memory_space<vmem>>
        %get3A_1978 = tpu.memref_squeeze %get3A_1977 : memref<1x272x128xf32, #tpu.memory_space<vmem>> -> memref<272x128xf32, #tpu.memory_space<vmem>>
        %get3A_1979 = arith.index_cast %add3A_1974 : i32 to index
        %get3A_1980 = arith.constant 0 : index
        %get3A_1981 = tpu.vector_load %get3A_1978[%get3A_1979, %get3A_1980] {strides = array<i32>} : memref<272x128xf32, #tpu.memory_space<vmem>>, vector<16xf32>,
        %mul3A_1982 = arith.mulf %get3A_1981, %get3A_569 : vector<16xf32>
        %add3A_1983 = arith.constant 16 : i32
        %add3A_1984 = arith.addi %mul3A_563, %add3A_1983 : i32
        %get3A_1985 = arith.constant 0 : i32
        %get3A_1986 = arith.constant 0 : i32
        %get3A_1987 = tpu.memref_slice %arg7[%scan3A_396, %get3A_1985, %get3A_1986] : memref<2x272x128xf32, #tpu.memory_space<vmem>> -> memref<1x272x128xf32, #tpu.memory_space<vmem>>
        %get3A_1988 = tpu.memref_squeeze %get3A_1987 : memref<1x272x128xf32, #tpu.memory_space<vmem>> -> memref<272x128xf32, #tpu.memory_space<vmem>>
        %get3A_1989 = arith.index_cast %add3A_1984 : i32 to index
        %get3A_1990 = arith.constant 16 : index
        %get3A_1991 = tpu.vector_load %get3A_1988[%get3A_1989, %get3A_1990] {strides = array<i32>} : memref<272x128xf32, #tpu.memory_space<vmem>>, vector<16xf32>,
        %mul3A_1992 = arith.mulf %get3A_1991, %get3A_576 : vector<16xf32>
        %add3A_1993 = arith.constant 16 : i32
        %add3A_1994 = arith.addi %mul3A_563, %add3A_1993 : i32
        %get3A_1995 = arith.constant 0 : i32
        %get3A_1996 = arith.constant 0 : i32
        %get3A_1997 = tpu.memref_slice %arg7[%scan3A_396, %get3A_1995, %get3A_1996] : memref<2x272x128xf32, #tpu.memory_space<vmem>> -> memref<1x272x128xf32, #tpu.memory_space<vmem>>
        %get3A_1998 = tpu.memref_squeeze %get3A_1997 : memref<1x272x128xf32, #tpu.memory_space<vmem>> -> memref<272x128xf32, #tpu.memory_space<vmem>>
        %get3A_1999 = arith.index_cast %add3A_1994 : i32 to index
        %get3A_2000 = arith.constant 32 : index
        %get3A_2001 = tpu.vector_load %get3A_1998[%get3A_1999, %get3A_2000] {strides = array<i32>} : memref<272x128xf32, #tpu.memory_space<vmem>>, vector<16xf32>,
        %mul3A_2002 = arith.mulf %get3A_2001, %get3A_583 : vector<16xf32>
        %add3A_2003 = arith.addf %mul3A_1982, %mul3A_2002 : vector<16xf32>
        %add3A_2004 = arith.constant 16 : i32
        %add3A_2005 = arith.addi %mul3A_563, %add3A_2004 : i32
        %get3A_2006 = arith.constant 0 : i32
        %get3A_2007 = arith.constant 0 : i32
        %get3A_2008 = tpu.memref_slice %arg7[%scan3A_396, %get3A_2006, %get3A_2007] : memref<2x272x128xf32, #tpu.memory_space<vmem>> -> memref<1x272x128xf32, #tpu.memory_space<vmem>>
        %get3A_2009 = tpu.memref_squeeze %get3A_2008 : memref<1x272x128xf32, #tpu.memory_space<vmem>> -> memref<272x128xf32, #tpu.memory_space<vmem>>
        %get3A_2010 = arith.index_cast %add3A_2005 : i32 to index
        %get3A_2011 = arith.constant 48 : index
        %get3A_2012 = tpu.vector_load %get3A_2009[%get3A_2010, %get3A_2011] {strides = array<i32>} : memref<272x128xf32, #tpu.memory_space<vmem>>, vector<16xf32>,
        %mul3A_2013 = arith.mulf %get3A_2012, %get3A_590 : vector<16xf32>
        %add3A_2014 = arith.addf %mul3A_1992, %mul3A_2013 : vector<16xf32>
        %add3A_2015 = arith.constant 16 : i32
        %add3A_2016 = arith.addi %mul3A_563, %add3A_2015 : i32
        %get3A_2017 = arith.constant 0 : i32
        %get3A_2018 = arith.constant 0 : i32
        %get3A_2019 = tpu.memref_slice %arg7[%scan3A_396, %get3A_2017, %get3A_2018] : memref<2x272x128xf32, #tpu.memory_space<vmem>> -> memref<1x272x128xf32, #tpu.memory_space<vmem>>
        %get3A_2020 = tpu.memref_squeeze %get3A_2019 : memref<1x272x128xf32, #tpu.memory_space<vmem>> -> memref<272x128xf32, #tpu.memory_space<vmem>>
        %get3A_2021 = arith.index_cast %add3A_2016 : i32 to index
        %get3A_2022 = arith.constant 64 : index
        %get3A_2023 = tpu.vector_load %get3A_2020[%get3A_2021, %get3A_2022] {strides = array<i32>} : memref<272x128xf32, #tpu.memory_space<vmem>>, vector<16xf32>,
        %mul3A_2024 = arith.mulf %get3A_2023, %get3A_597 : vector<16xf32>
        %add3A_2025 = arith.addf %add3A_2003, %mul3A_2024 : vector<16xf32>
        %add3A_2026 = arith.constant 16 : i32
        %add3A_2027 = arith.addi %mul3A_563, %add3A_2026 : i32
        %get3A_2028 = arith.constant 0 : i32
        %get3A_2029 = arith.constant 0 : i32
        %get3A_2030 = tpu.memref_slice %arg7[%scan3A_396, %get3A_2028, %get3A_2029] : memref<2x272x128xf32, #tpu.memory_space<vmem>> -> memref<1x272x128xf32, #tpu.memory_space<vmem>>
        %get3A_2031 = tpu.memref_squeeze %get3A_2030 : memref<1x272x128xf32, #tpu.memory_space<vmem>> -> memref<272x128xf32, #tpu.memory_space<vmem>>
        %get3A_2032 = arith.index_cast %add3A_2027 : i32 to index
        %get3A_2033 = arith.constant 80 : index
        %get3A_2034 = tpu.vector_load %get3A_2031[%get3A_2032, %get3A_2033] {strides = array<i32>} : memref<272x128xf32, #tpu.memory_space<vmem>>, vector<16xf32>,
        %mul3A_2035 = arith.mulf %get3A_2034, %get3A_604 : vector<16xf32>
        %add3A_2036 = arith.addf %add3A_2014, %mul3A_2035 : vector<16xf32>
        %add3A_2037 = arith.constant 16 : i32
        %add3A_2038 = arith.addi %mul3A_563, %add3A_2037 : i32
        %get3A_2039 = arith.constant 0 : i32
        %get3A_2040 = arith.constant 0 : i32
        %get3A_2041 = tpu.memref_slice %arg7[%scan3A_396, %get3A_2039, %get3A_2040] : memref<2x272x128xf32, #tpu.memory_space<vmem>> -> memref<1x272x128xf32, #tpu.memory_space<vmem>>
        %get3A_2042 = tpu.memref_squeeze %get3A_2041 : memref<1x272x128xf32, #tpu.memory_space<vmem>> -> memref<272x128xf32, #tpu.memory_space<vmem>>
        %get3A_2043 = arith.index_cast %add3A_2038 : i32 to index
        %get3A_2044 = arith.constant 96 : index
        %get3A_2045 = tpu.vector_load %get3A_2042[%get3A_2043, %get3A_2044] {strides = array<i32>} : memref<272x128xf32, #tpu.memory_space<vmem>>, vector<16xf32>,
        %mul3A_2046 = arith.mulf %get3A_2045, %get3A_611 : vector<16xf32>
        %add3A_2047 = arith.addf %add3A_2025, %mul3A_2046 : vector<16xf32>
        %add3A_2048 = arith.constant 16 : i32
        %add3A_2049 = arith.addi %mul3A_563, %add3A_2048 : i32
        %get3A_2050 = arith.constant 0 : i32
        %get3A_2051 = arith.constant 0 : i32
        %get3A_2052 = tpu.memref_slice %arg7[%scan3A_396, %get3A_2050, %get3A_2051] : memref<2x272x128xf32, #tpu.memory_space<vmem>> -> memref<1x272x128xf32, #tpu.memory_space<vmem>>
        %get3A_2053 = tpu.memref_squeeze %get3A_2052 : memref<1x272x128xf32, #tpu.memory_space<vmem>> -> memref<272x128xf32, #tpu.memory_space<vmem>>
        %get3A_2054 = arith.index_cast %add3A_2049 : i32 to index
        %get3A_2055 = arith.constant 112 : index
        %get3A_2056 = tpu.vector_load %get3A_2053[%get3A_2054, %get3A_2055] {strides = array<i32>} : memref<272x128xf32, #tpu.memory_space<vmem>>, vector<16xf32>,
        %mul3A_2057 = arith.mulf %get3A_2056, %get3A_618 : vector<16xf32>
        %add3A_2058 = arith.addf %add3A_2036, %mul3A_2057 : vector<16xf32>
        %add3A_2059 = arith.addf %add3A_2047, %add3A_2058 : vector<16xf32>
        %swap3A_2060 = arith.constant 255 : index
        %swap3A_2061 = tpu.vector_load %arg8[%swap3A_2060] {strides = array<i32>} : memref<272xf32, #tpu.memory_space<vmem>>, vector<16xf32>,
        tpu.vector_store %arg8[%swap3A_2060], %add3A_2059 {strides = array<i32>} : memref<272xf32, #tpu.memory_space<vmem>>, vector<16xf32>,
        %gather3A_2062 = tpu.vector_load_idx %arg8[%mul3A_3] : memref<272xf32, #tpu.memory_space<vmem>>[vector<16xi32>], vector<16xf32>,
        %add3A_2063 = arith.constant 1 : i32
        %add3A_2064 = vector.broadcast %add3A_2063 : i32 to vector<16xi32>
        %add3A_2065 = arith.addi %mul3A_3, %add3A_2064 : vector<16xi32>
        %gather3A_2066 = tpu.vector_load_idx %arg8[%add3A_2065] : memref<272xf32, #tpu.memory_space<vmem>>[vector<16xi32>], vector<16xf32>,
        %add3A_2067 = arith.addf %gather3A_2062, %gather3A_2066 : vector<16xf32>
        %add3A_2068 = arith.constant 2 : i32
        %add3A_2069 = vector.broadcast %add3A_2068 : i32 to vector<16xi32>
        %add3A_2070 = arith.addi %mul3A_3, %add3A_2069 : vector<16xi32>
        %gather3A_2071 = tpu.vector_load_idx %arg8[%add3A_2070] : memref<272xf32, #tpu.memory_space<vmem>>[vector<16xi32>], vector<16xf32>,
        %add3A_2072 = arith.addf %add3A_2067, %gather3A_2071 : vector<16xf32>
        %add3A_2073 = arith.constant 3 : i32
        %add3A_2074 = vector.broadcast %add3A_2073 : i32 to vector<16xi32>
        %add3A_2075 = arith.addi %mul3A_3, %add3A_2074 : vector<16xi32>
        %gather3A_2076 = tpu.vector_load_idx %arg8[%add3A_2075] : memref<272xf32, #tpu.memory_space<vmem>>[vector<16xi32>], vector<16xf32>,
        %add3A_2077 = arith.addf %add3A_2072, %gather3A_2076 : vector<16xf32>
        %add3A_2078 = arith.constant 4 : i32
        %add3A_2079 = vector.broadcast %add3A_2078 : i32 to vector<16xi32>
        %add3A_2080 = arith.addi %mul3A_3, %add3A_2079 : vector<16xi32>
        %gather3A_2081 = tpu.vector_load_idx %arg8[%add3A_2080] : memref<272xf32, #tpu.memory_space<vmem>>[vector<16xi32>], vector<16xf32>,
        %add3A_2082 = arith.addf %add3A_2077, %gather3A_2081 : vector<16xf32>
        %add3A_2083 = arith.constant 5 : i32
        %add3A_2084 = vector.broadcast %add3A_2083 : i32 to vector<16xi32>
        %add3A_2085 = arith.addi %mul3A_3, %add3A_2084 : vector<16xi32>
        %gather3A_2086 = tpu.vector_load_idx %arg8[%add3A_2085] : memref<272xf32, #tpu.memory_space<vmem>>[vector<16xi32>], vector<16xf32>,
        %add3A_2087 = arith.addf %add3A_2082, %gather3A_2086 : vector<16xf32>
        %add3A_2088 = arith.constant 6 : i32
        %add3A_2089 = vector.broadcast %add3A_2088 : i32 to vector<16xi32>
        %add3A_2090 = arith.addi %mul3A_3, %add3A_2089 : vector<16xi32>
        %gather3A_2091 = tpu.vector_load_idx %arg8[%add3A_2090] : memref<272xf32, #tpu.memory_space<vmem>>[vector<16xi32>], vector<16xf32>,
        %add3A_2092 = arith.addf %add3A_2087, %gather3A_2091 : vector<16xf32>
        %add3A_2093 = arith.constant 7 : i32
        %add3A_2094 = vector.broadcast %add3A_2093 : i32 to vector<16xi32>
        %add3A_2095 = arith.addi %mul3A_3, %add3A_2094 : vector<16xi32>
        %gather3A_2096 = tpu.vector_load_idx %arg8[%add3A_2095] : memref<272xf32, #tpu.memory_space<vmem>>[vector<16xi32>], vector<16xf32>,
        %add3A_2097 = arith.addf %add3A_2092, %gather3A_2096 : vector<16xf32>
        %add3A_2098 = arith.constant 8 : i32
        %add3A_2099 = vector.broadcast %add3A_2098 : i32 to vector<16xi32>
        %add3A_2100 = arith.addi %mul3A_3, %add3A_2099 : vector<16xi32>
        %gather3A_2101 = tpu.vector_load_idx %arg8[%add3A_2100] : memref<272xf32, #tpu.memory_space<vmem>>[vector<16xi32>], vector<16xf32>,
        %add3A_2102 = arith.addf %add3A_2097, %gather3A_2101 : vector<16xf32>
        %add3A_2103 = arith.constant 9 : i32
        %add3A_2104 = vector.broadcast %add3A_2103 : i32 to vector<16xi32>
        %add3A_2105 = arith.addi %mul3A_3, %add3A_2104 : vector<16xi32>
        %gather3A_2106 = tpu.vector_load_idx %arg8[%add3A_2105] : memref<272xf32, #tpu.memory_space<vmem>>[vector<16xi32>], vector<16xf32>,
        %add3A_2107 = arith.addf %add3A_2102, %gather3A_2106 : vector<16xf32>
        %add3A_2108 = arith.constant 10 : i32
        %add3A_2109 = vector.broadcast %add3A_2108 : i32 to vector<16xi32>
        %add3A_2110 = arith.addi %mul3A_3, %add3A_2109 : vector<16xi32>
        %gather3A_2111 = tpu.vector_load_idx %arg8[%add3A_2110] : memref<272xf32, #tpu.memory_space<vmem>>[vector<16xi32>], vector<16xf32>,
        %add3A_2112 = arith.addf %add3A_2107, %gather3A_2111 : vector<16xf32>
        %add3A_2113 = arith.constant 11 : i32
        %add3A_2114 = vector.broadcast %add3A_2113 : i32 to vector<16xi32>
        %add3A_2115 = arith.addi %mul3A_3, %add3A_2114 : vector<16xi32>
        %gather3A_2116 = tpu.vector_load_idx %arg8[%add3A_2115] : memref<272xf32, #tpu.memory_space<vmem>>[vector<16xi32>], vector<16xf32>,
        %add3A_2117 = arith.addf %add3A_2112, %gather3A_2116 : vector<16xf32>
        %add3A_2118 = arith.constant 12 : i32
        %add3A_2119 = vector.broadcast %add3A_2118 : i32 to vector<16xi32>
        %add3A_2120 = arith.addi %mul3A_3, %add3A_2119 : vector<16xi32>
        %gather3A_2121 = tpu.vector_load_idx %arg8[%add3A_2120] : memref<272xf32, #tpu.memory_space<vmem>>[vector<16xi32>], vector<16xf32>,
        %add3A_2122 = arith.addf %add3A_2117, %gather3A_2121 : vector<16xf32>
        %add3A_2123 = arith.constant 13 : i32
        %add3A_2124 = vector.broadcast %add3A_2123 : i32 to vector<16xi32>
        %add3A_2125 = arith.addi %mul3A_3, %add3A_2124 : vector<16xi32>
        %gather3A_2126 = tpu.vector_load_idx %arg8[%add3A_2125] : memref<272xf32, #tpu.memory_space<vmem>>[vector<16xi32>], vector<16xf32>,
        %add3A_2127 = arith.addf %add3A_2122, %gather3A_2126 : vector<16xf32>
        %add3A_2128 = arith.constant 14 : i32
        %add3A_2129 = vector.broadcast %add3A_2128 : i32 to vector<16xi32>
        %add3A_2130 = arith.addi %mul3A_3, %add3A_2129 : vector<16xi32>
        %gather3A_2131 = tpu.vector_load_idx %arg8[%add3A_2130] : memref<272xf32, #tpu.memory_space<vmem>>[vector<16xi32>], vector<16xf32>,
        %add3A_2132 = arith.addf %add3A_2127, %gather3A_2131 : vector<16xf32>
        %add3A_2133 = arith.constant 15 : i32
        %add3A_2134 = vector.broadcast %add3A_2133 : i32 to vector<16xi32>
        %add3A_2135 = arith.addi %mul3A_3, %add3A_2134 : vector<16xi32>
        %gather3A_2136 = tpu.vector_load_idx %arg8[%add3A_2135] : memref<272xf32, #tpu.memory_space<vmem>>[vector<16xi32>], vector<16xf32>,
        %add3A_2137 = arith.addf %add3A_2132, %gather3A_2136 : vector<16xf32>
        %exp3A_2138 = math.exp %add3A_2137 : vector<16xf32>
        %mul3A_2139 = arith.constant 17 : i32
        %mul3A_2140 = arith.muli %scan3A_560, %mul3A_2139 : i32
        %swap3A_2141 = arith.index_cast %mul3A_2140 : i32 to index
        %swap3A_2142 = tpu.vector_load %arg11[%swap3A_2141] {strides = array<i32>} : memref<272xf32, #tpu.memory_space<vmem>>, vector<16xf32>,
        tpu.vector_store %arg11[%swap3A_2141], %exp3A_2138 {strides = array<i32>} : memref<272xf32, #tpu.memory_space<vmem>>, vector<16xf32>,
        %add3A_2143 = arith.addf %scan3A_561, %add3A_2137 : vector<16xf32>
        scf.yield %add3A_2143 : vector<16xf32>
      }
      %scan3A_402 = arith.constant 16 : i32
      %gather3A_403 = tpu.vector_load_idx %arg10[%mul3A_3] : memref<272xf32, #tpu.memory_space<vmem>>[vector<16xi32>], vector<16xf32>,
      %gather3A_404 = tpu.vector_load_idx %arg11[%mul3A_3] : memref<272xf32, #tpu.memory_space<vmem>>[vector<16xi32>], vector<16xf32>,
      %add3A_405 = arith.constant 1 : i32
      %add3A_406 = vector.broadcast %add3A_405 : i32 to vector<16xi32>
      %add3A_407 = arith.addi %mul3A_3, %add3A_406 : vector<16xi32>
      %gather3A_408 = tpu.vector_load_idx %arg10[%add3A_407] : memref<272xf32, #tpu.memory_space<vmem>>[vector<16xi32>], vector<16xf32>,
      %add3A_409 = arith.addf %gather3A_403, %gather3A_408 : vector<16xf32>
      %add3A_410 = arith.constant 1 : i32
      %add3A_411 = vector.broadcast %add3A_410 : i32 to vector<16xi32>
      %add3A_412 = arith.addi %mul3A_3, %add3A_411 : vector<16xi32>
      %gather3A_413 = tpu.vector_load_idx %arg11[%add3A_412] : memref<272xf32, #tpu.memory_space<vmem>>[vector<16xi32>], vector<16xf32>,
      %add3A_414 = arith.addf %gather3A_404, %gather3A_413 : vector<16xf32>
      %add3A_415 = arith.constant 2 : i32
      %add3A_416 = vector.broadcast %add3A_415 : i32 to vector<16xi32>
      %add3A_417 = arith.addi %mul3A_3, %add3A_416 : vector<16xi32>
      %gather3A_418 = tpu.vector_load_idx %arg10[%add3A_417] : memref<272xf32, #tpu.memory_space<vmem>>[vector<16xi32>], vector<16xf32>,
      %add3A_419 = arith.addf %add3A_409, %gather3A_418 : vector<16xf32>
      %add3A_420 = arith.constant 2 : i32
      %add3A_421 = vector.broadcast %add3A_420 : i32 to vector<16xi32>
      %add3A_422 = arith.addi %mul3A_3, %add3A_421 : vector<16xi32>
      %gather3A_423 = tpu.vector_load_idx %arg11[%add3A_422] : memref<272xf32, #tpu.memory_space<vmem>>[vector<16xi32>], vector<16xf32>,
      %add3A_424 = arith.addf %add3A_414, %gather3A_423 : vector<16xf32>
      %add3A_425 = arith.constant 3 : i32
      %add3A_426 = vector.broadcast %add3A_425 : i32 to vector<16xi32>
      %add3A_427 = arith.addi %mul3A_3, %add3A_426 : vector<16xi32>
      %gather3A_428 = tpu.vector_load_idx %arg10[%add3A_427] : memref<272xf32, #tpu.memory_space<vmem>>[vector<16xi32>], vector<16xf32>,
      %add3A_429 = arith.addf %add3A_419, %gather3A_428 : vector<16xf32>
      %add3A_430 = arith.constant 3 : i32
      %add3A_431 = vector.broadcast %add3A_430 : i32 to vector<16xi32>
      %add3A_432 = arith.addi %mul3A_3, %add3A_431 : vector<16xi32>
      %gather3A_433 = tpu.vector_load_idx %arg11[%add3A_432] : memref<272xf32, #tpu.memory_space<vmem>>[vector<16xi32>], vector<16xf32>,
      %add3A_434 = arith.addf %add3A_424, %gather3A_433 : vector<16xf32>
      %add3A_435 = arith.constant 4 : i32
      %add3A_436 = vector.broadcast %add3A_435 : i32 to vector<16xi32>
      %add3A_437 = arith.addi %mul3A_3, %add3A_436 : vector<16xi32>
      %gather3A_438 = tpu.vector_load_idx %arg10[%add3A_437] : memref<272xf32, #tpu.memory_space<vmem>>[vector<16xi32>], vector<16xf32>,
      %add3A_439 = arith.addf %add3A_429, %gather3A_438 : vector<16xf32>
      %add3A_440 = arith.constant 4 : i32
      %add3A_441 = vector.broadcast %add3A_440 : i32 to vector<16xi32>
      %add3A_442 = arith.addi %mul3A_3, %add3A_441 : vector<16xi32>
      %gather3A_443 = tpu.vector_load_idx %arg11[%add3A_442] : memref<272xf32, #tpu.memory_space<vmem>>[vector<16xi32>], vector<16xf32>,
      %add3A_444 = arith.addf %add3A_434, %gather3A_443 : vector<16xf32>
      %add3A_445 = arith.constant 5 : i32
      %add3A_446 = vector.broadcast %add3A_445 : i32 to vector<16xi32>
      %add3A_447 = arith.addi %mul3A_3, %add3A_446 : vector<16xi32>
      %gather3A_448 = tpu.vector_load_idx %arg10[%add3A_447] : memref<272xf32, #tpu.memory_space<vmem>>[vector<16xi32>], vector<16xf32>,
      %add3A_449 = arith.addf %add3A_439, %gather3A_448 : vector<16xf32>
      %add3A_450 = arith.constant 5 : i32
      %add3A_451 = vector.broadcast %add3A_450 : i32 to vector<16xi32>
      %add3A_452 = arith.addi %mul3A_3, %add3A_451 : vector<16xi32>
      %gather3A_453 = tpu.vector_load_idx %arg11[%add3A_452] : memref<272xf32, #tpu.memory_space<vmem>>[vector<16xi32>], vector<16xf32>,
      %add3A_454 = arith.addf %add3A_444, %gather3A_453 : vector<16xf32>
      %add3A_455 = arith.constant 6 : i32
      %add3A_456 = vector.broadcast %add3A_455 : i32 to vector<16xi32>
      %add3A_457 = arith.addi %mul3A_3, %add3A_456 : vector<16xi32>
      %gather3A_458 = tpu.vector_load_idx %arg10[%add3A_457] : memref<272xf32, #tpu.memory_space<vmem>>[vector<16xi32>], vector<16xf32>,
      %add3A_459 = arith.addf %add3A_449, %gather3A_458 : vector<16xf32>
      %add3A_460 = arith.constant 6 : i32
      %add3A_461 = vector.broadcast %add3A_460 : i32 to vector<16xi32>
      %add3A_462 = arith.addi %mul3A_3, %add3A_461 : vector<16xi32>
      %gather3A_463 = tpu.vector_load_idx %arg11[%add3A_462] : memref<272xf32, #tpu.memory_space<vmem>>[vector<16xi32>], vector<16xf32>,
      %add3A_464 = arith.addf %add3A_454, %gather3A_463 : vector<16xf32>
      %add3A_465 = arith.constant 7 : i32
      %add3A_466 = vector.broadcast %add3A_465 : i32 to vector<16xi32>
      %add3A_467 = arith.addi %mul3A_3, %add3A_466 : vector<16xi32>
      %gather3A_468 = tpu.vector_load_idx %arg10[%add3A_467] : memref<272xf32, #tpu.memory_space<vmem>>[vector<16xi32>], vector<16xf32>,
      %add3A_469 = arith.addf %add3A_459, %gather3A_468 : vector<16xf32>
      %add3A_470 = arith.constant 7 : i32
      %add3A_471 = vector.broadcast %add3A_470 : i32 to vector<16xi32>
      %add3A_472 = arith.addi %mul3A_3, %add3A_471 : vector<16xi32>
      %gather3A_473 = tpu.vector_load_idx %arg11[%add3A_472] : memref<272xf32, #tpu.memory_space<vmem>>[vector<16xi32>], vector<16xf32>,
      %add3A_474 = arith.addf %add3A_464, %gather3A_473 : vector<16xf32>
      %add3A_475 = arith.constant 8 : i32
      %add3A_476 = vector.broadcast %add3A_475 : i32 to vector<16xi32>
      %add3A_477 = arith.addi %mul3A_3, %add3A_476 : vector<16xi32>
      %gather3A_478 = tpu.vector_load_idx %arg10[%add3A_477] : memref<272xf32, #tpu.memory_space<vmem>>[vector<16xi32>], vector<16xf32>,
      %add3A_479 = arith.addf %add3A_469, %gather3A_478 : vector<16xf32>
      %add3A_480 = arith.constant 8 : i32
      %add3A_481 = vector.broadcast %add3A_480 : i32 to vector<16xi32>
      %add3A_482 = arith.addi %mul3A_3, %add3A_481 : vector<16xi32>
      %gather3A_483 = tpu.vector_load_idx %arg11[%add3A_482] : memref<272xf32, #tpu.memory_space<vmem>>[vector<16xi32>], vector<16xf32>,
      %add3A_484 = arith.addf %add3A_474, %gather3A_483 : vector<16xf32>
      %add3A_485 = arith.constant 9 : i32
      %add3A_486 = vector.broadcast %add3A_485 : i32 to vector<16xi32>
      %add3A_487 = arith.addi %mul3A_3, %add3A_486 : vector<16xi32>
      %gather3A_488 = tpu.vector_load_idx %arg10[%add3A_487] : memref<272xf32, #tpu.memory_space<vmem>>[vector<16xi32>], vector<16xf32>,
      %add3A_489 = arith.addf %add3A_479, %gather3A_488 : vector<16xf32>
      %add3A_490 = arith.constant 9 : i32
      %add3A_491 = vector.broadcast %add3A_490 : i32 to vector<16xi32>
      %add3A_492 = arith.addi %mul3A_3, %add3A_491 : vector<16xi32>
      %gather3A_493 = tpu.vector_load_idx %arg11[%add3A_492] : memref<272xf32, #tpu.memory_space<vmem>>[vector<16xi32>], vector<16xf32>,
      %add3A_494 = arith.addf %add3A_484, %gather3A_493 : vector<16xf32>
      %add3A_495 = arith.constant 10 : i32
      %add3A_496 = vector.broadcast %add3A_495 : i32 to vector<16xi32>
      %add3A_497 = arith.addi %mul3A_3, %add3A_496 : vector<16xi32>
      %gather3A_498 = tpu.vector_load_idx %arg10[%add3A_497] : memref<272xf32, #tpu.memory_space<vmem>>[vector<16xi32>], vector<16xf32>,
      %add3A_499 = arith.addf %add3A_489, %gather3A_498 : vector<16xf32>
      %add3A_500 = arith.constant 10 : i32
      %add3A_501 = vector.broadcast %add3A_500 : i32 to vector<16xi32>
      %add3A_502 = arith.addi %mul3A_3, %add3A_501 : vector<16xi32>
      %gather3A_503 = tpu.vector_load_idx %arg11[%add3A_502] : memref<272xf32, #tpu.memory_space<vmem>>[vector<16xi32>], vector<16xf32>,
      %add3A_504 = arith.addf %add3A_494, %gather3A_503 : vector<16xf32>
      %add3A_505 = arith.constant 11 : i32
      %add3A_506 = vector.broadcast %add3A_505 : i32 to vector<16xi32>
      %add3A_507 = arith.addi %mul3A_3, %add3A_506 : vector<16xi32>
      %gather3A_508 = tpu.vector_load_idx %arg10[%add3A_507] : memref<272xf32, #tpu.memory_space<vmem>>[vector<16xi32>], vector<16xf32>,
      %add3A_509 = arith.addf %add3A_499, %gather3A_508 : vector<16xf32>
      %add3A_510 = arith.constant 11 : i32
      %add3A_511 = vector.broadcast %add3A_510 : i32 to vector<16xi32>
      %add3A_512 = arith.addi %mul3A_3, %add3A_511 : vector<16xi32>
      %gather3A_513 = tpu.vector_load_idx %arg11[%add3A_512] : memref<272xf32, #tpu.memory_space<vmem>>[vector<16xi32>], vector<16xf32>,
      %add3A_514 = arith.addf %add3A_504, %gather3A_513 : vector<16xf32>
      %add3A_515 = arith.constant 12 : i32
      %add3A_516 = vector.broadcast %add3A_515 : i32 to vector<16xi32>
      %add3A_517 = arith.addi %mul3A_3, %add3A_516 : vector<16xi32>
      %gather3A_518 = tpu.vector_load_idx %arg10[%add3A_517] : memref<272xf32, #tpu.memory_space<vmem>>[vector<16xi32>], vector<16xf32>,
      %add3A_519 = arith.addf %add3A_509, %gather3A_518 : vector<16xf32>
      %add3A_520 = arith.constant 12 : i32
      %add3A_521 = vector.broadcast %add3A_520 : i32 to vector<16xi32>
      %add3A_522 = arith.addi %mul3A_3, %add3A_521 : vector<16xi32>
      %gather3A_523 = tpu.vector_load_idx %arg11[%add3A_522] : memref<272xf32, #tpu.memory_space<vmem>>[vector<16xi32>], vector<16xf32>,
      %add3A_524 = arith.addf %add3A_514, %gather3A_523 : vector<16xf32>
      %add3A_525 = arith.constant 13 : i32
      %add3A_526 = vector.broadcast %add3A_525 : i32 to vector<16xi32>
      %add3A_527 = arith.addi %mul3A_3, %add3A_526 : vector<16xi32>
      %gather3A_528 = tpu.vector_load_idx %arg10[%add3A_527] : memref<272xf32, #tpu.memory_space<vmem>>[vector<16xi32>], vector<16xf32>,
      %add3A_529 = arith.addf %add3A_519, %gather3A_528 : vector<16xf32>
      %add3A_530 = arith.constant 13 : i32
      %add3A_531 = vector.broadcast %add3A_530 : i32 to vector<16xi32>
      %add3A_532 = arith.addi %mul3A_3, %add3A_531 : vector<16xi32>
      %gather3A_533 = tpu.vector_load_idx %arg11[%add3A_532] : memref<272xf32, #tpu.memory_space<vmem>>[vector<16xi32>], vector<16xf32>,
      %add3A_534 = arith.addf %add3A_524, %gather3A_533 : vector<16xf32>
      %add3A_535 = arith.constant 14 : i32
      %add3A_536 = vector.broadcast %add3A_535 : i32 to vector<16xi32>
      %add3A_537 = arith.addi %mul3A_3, %add3A_536 : vector<16xi32>
      %gather3A_538 = tpu.vector_load_idx %arg10[%add3A_537] : memref<272xf32, #tpu.memory_space<vmem>>[vector<16xi32>], vector<16xf32>,
      %add3A_539 = arith.addf %add3A_529, %gather3A_538 : vector<16xf32>
      %add3A_540 = arith.constant 14 : i32
      %add3A_541 = vector.broadcast %add3A_540 : i32 to vector<16xi32>
      %add3A_542 = arith.addi %mul3A_3, %add3A_541 : vector<16xi32>
      %gather3A_543 = tpu.vector_load_idx %arg11[%add3A_542] : memref<272xf32, #tpu.memory_space<vmem>>[vector<16xi32>], vector<16xf32>,
      %add3A_544 = arith.addf %add3A_534, %gather3A_543 : vector<16xf32>
      %add3A_545 = arith.constant 15 : i32
      %add3A_546 = vector.broadcast %add3A_545 : i32 to vector<16xi32>
      %add3A_547 = arith.addi %mul3A_3, %add3A_546 : vector<16xi32>
      %gather3A_548 = tpu.vector_load_idx %arg10[%add3A_547] : memref<272xf32, #tpu.memory_space<vmem>>[vector<16xi32>], vector<16xf32>,
      %add3A_549 = arith.addf %add3A_539, %gather3A_548 : vector<16xf32>
      %add3A_550 = arith.constant 15 : i32
      %add3A_551 = vector.broadcast %add3A_550 : i32 to vector<16xi32>
      %add3A_552 = arith.addi %mul3A_3, %add3A_551 : vector<16xi32>
      %gather3A_553 = tpu.vector_load_idx %arg11[%add3A_552] : memref<272xf32, #tpu.memory_space<vmem>>[vector<16xi32>], vector<16xf32>,
      %add3A_554 = arith.addf %add3A_544, %gather3A_553 : vector<16xf32>
      %exp3A_555 = math.exp %add3A_549 : vector<16xf32>
      %add3A_556 = arith.addf %add3A_554, %exp3A_555 : vector<16xf32>
      %swap3A_557 = arith.index_cast %add3A_316 : i32 to index
      %swap3A_558 = arith.constant 0 : index
      %swap3A_559 = tpu.vector_load %arg12[%swap3A_557, %swap3A_558] {strides = array<i32>} : memref<8x16xf32, #tpu.memory_space<vmem>>, vector<16xf32>,
      tpu.vector_store %arg12[%swap3A_557, %swap3A_558], %add3A_556 {strides = array<i32>} : memref<8x16xf32, #tpu.memory_space<vmem>>, vector<16xf32>,
      scf.yield %scan3A_401 : vector<16xf32>
    }
    %scan3A_68 = arith.constant 4 : i32
    %swap3A = arith.constant 0 : index
    %swap3A_69 = tpu.vector_load %arg13[%swap3A] {strides = array<i32>} : memref<16xf32, #tpu.memory_space<vmem>>, vector<16xf32>,
    tpu.vector_store %arg13[%swap3A], %scan3A_67 {strides = array<i32>} : memref<16xf32, #tpu.memory_space<vmem>>, vector<16xf32>,
    "tpu.region"() ({
      %run_scoped3A = tpu.sem_alloc : memref<!tpu.dma_semaphore, #tpu.memory_space<semaphore_mem>>
      %dma_start3A_70 = arith.constant 0 : i32
      %dma_start3A_71 = arith.constant 0 : i32
      %dma_start3A_72 = tpu.memref_slice %arg4[%add3A, %dma_start3A_70, %dma_start3A_71] : memref<32x8x16xf32, #tpu.memory_space<hbm>> -> memref<1x8x16xf32, #tpu.memory_space<hbm>>
      %dma_start3A_73 = tpu.memref_squeeze %dma_start3A_72 : memref<1x8x16xf32, #tpu.memory_space<hbm>> -> memref<8x16xf32, #tpu.memory_space<hbm>>
      %dma_start3A_74 = arith.constant 0 : i32
      %dma_start3A_75 = arith.constant 0 : i32
      %dma_start3A_76 = tpu.memref_slice %arg4[%add3A, %dma_start3A_74, %dma_start3A_75] : memref<32x8x16xf32, #tpu.memory_space<hbm>> -> memref<1x8x16xf32, #tpu.memory_space<hbm>>
      %dma_start3A_77 = tpu.memref_squeeze %dma_start3A_76 : memref<1x8x16xf32, #tpu.memory_space<hbm>> -> memref<8x16xf32, #tpu.memory_space<hbm>>
      tpu.enqueue_dma source(%arg12 : memref<8x16xf32, #tpu.memory_space<vmem>>) target(%dma_start3A_77 : memref<8x16xf32, #tpu.memory_space<hbm>>) target_semaphore(%run_scoped3A : memref<!tpu.dma_semaphore, #tpu.memory_space<semaphore_mem>>)
      %dma_wait3A = arith.constant 0 : i32
      %dma_wait3A_78 = arith.constant 0 : i32
      %dma_wait3A_79 = tpu.memref_slice %arg4[%add3A, %dma_wait3A, %dma_wait3A_78] : memref<32x8x16xf32, #tpu.memory_space<hbm>> -> memref<1x8x16xf32, #tpu.memory_space<hbm>>
      %dma_wait3A_80 = tpu.memref_squeeze %dma_wait3A_79 : memref<1x8x16xf32, #tpu.memory_space<hbm>> -> memref<8x16xf32, #tpu.memory_space<hbm>>
      %dma_wait3A_81 = arith.constant 0 : i32
      %dma_wait3A_82 = arith.constant 0 : i32
      %dma_wait3A_83 = tpu.memref_slice %arg4[%add3A, %dma_wait3A_81, %dma_wait3A_82] : memref<32x8x16xf32, #tpu.memory_space<hbm>> -> memref<1x8x16xf32, #tpu.memory_space<hbm>>
      %dma_wait3A_84 = tpu.memref_squeeze %dma_wait3A_83 : memref<1x8x16xf32, #tpu.memory_space<hbm>> -> memref<8x16xf32, #tpu.memory_space<hbm>>
      tpu.wait_dma2 semaphore(%run_scoped3A : memref<!tpu.dma_semaphore, #tpu.memory_space<semaphore_mem>>) src(%arg12 : memref<8x16xf32, #tpu.memory_space<vmem>>) dst(%dma_wait3A_84 : memref<8x16xf32, #tpu.memory_space<hbm>>)
      tpu.yield
    }) : () -> ()
    "tpu.region"() ({
      %run_scoped3A = tpu.sem_alloc : memref<!tpu.dma_semaphore, #tpu.memory_space<semaphore_mem>>
      %dma_start3A_70 = arith.constant 0 : i32
      %dma_start3A_71 = tpu.memref_slice %arg5[%add3A, %dma_start3A_70] : memref<32x16xf32, #tpu.memory_space<hbm>> -> memref<1x16xf32, #tpu.memory_space<hbm>>
      %dma_start3A_72 = tpu.memref_squeeze %dma_start3A_71 : memref<1x16xf32, #tpu.memory_space<hbm>> -> memref<16xf32, #tpu.memory_space<hbm>>
      %dma_start3A_73 = arith.constant 0 : i32
      %dma_start3A_74 = tpu.memref_slice %arg5[%add3A, %dma_start3A_73] : memref<32x16xf32, #tpu.memory_space<hbm>> -> memref<1x16xf32, #tpu.memory_space<hbm>>
      %dma_start3A_75 = tpu.memref_squeeze %dma_start3A_74 : memref<1x16xf32, #tpu.memory_space<hbm>> -> memref<16xf32, #tpu.memory_space<hbm>>
      tpu.enqueue_dma source(%arg13 : memref<16xf32, #tpu.memory_space<vmem>>) target(%dma_start3A_75 : memref<16xf32, #tpu.memory_space<hbm>>) target_semaphore(%run_scoped3A : memref<!tpu.dma_semaphore, #tpu.memory_space<semaphore_mem>>)
      %dma_wait3A = arith.constant 0 : i32
      %dma_wait3A_76 = tpu.memref_slice %arg5[%add3A, %dma_wait3A] : memref<32x16xf32, #tpu.memory_space<hbm>> -> memref<1x16xf32, #tpu.memory_space<hbm>>
      %dma_wait3A_77 = tpu.memref_squeeze %dma_wait3A_76 : memref<1x16xf32, #tpu.memory_space<hbm>> -> memref<16xf32, #tpu.memory_space<hbm>>
      %dma_wait3A_78 = arith.constant 0 : i32
      %dma_wait3A_79 = tpu.memref_slice %arg5[%add3A, %dma_wait3A_78] : memref<32x16xf32, #tpu.memory_space<hbm>> -> memref<1x16xf32, #tpu.memory_space<hbm>>
      %dma_wait3A_80 = tpu.memref_squeeze %dma_wait3A_79 : memref<1x16xf32, #tpu.memory_space<hbm>> -> memref<16xf32, #tpu.memory_space<hbm>>
      tpu.wait_dma2 semaphore(%run_scoped3A : memref<!tpu.dma_semaphore, #tpu.memory_space<semaphore_mem>>) src(%arg13 : memref<16xf32, #tpu.memory_space<vmem>>) dst(%dma_wait3A_80 : memref<16xf32, #tpu.memory_space<hbm>>)
      tpu.yield
    }) : () -> ()
    return
  }
}

</mosaic_0001>

<sc_bundles>
// kernel: _sc_call.3.cloned.1.call-start
scs
__scs_entry_jumppad:
0x0: {  	(pc) =	sbr.rel $0x88, $3  }
0x1: {  	(tag) =	ssettag $0x0;
	lr =	simm.s32 $0x1  }
0x2: {  	[smem:$0x3F9F] =	sst lr;
	_ =	strace $0xD0000000  }
0x3: {  	_ = 	snop  }
0x4: {  	_ = 	snop  }
0x5: {  	_ = 	snop  }
0x6: {  	_ = 	snop  }
0x7: {  	_ = 	snop  }
__scs_overlays_trampoline_lowered:
0x8: {  	[smem:$0x3FAE] =	sst s0  }
0x9: {  	[smem:$0x3FAF] =	sst s1  }
0xa: {  	[smem:$0x3FB0] =	sst s2  }
0xb: {  	[smem:$0x3FB1] =	sst s3  }
0xc: {  	[smem:$0x3FB2] =	sst s4  }
0xd: {  	[smem:$0x3FB3] =	sst s5  }
0xe: {  	[smem:$0x3FB4] =	sst s6  }
0xf: {  	[smem:$0x3FB5] =	sst s7  }
0x10: {  	[smem:$0x3FB6] =	sst s8  }
0x11: {  	[smem:$0x3FB7] =	sst s9;
	s0 =	simm.s32 @!p0 $0x0  }
0x12: {  	s1 =	sld [smem:$0x3F9D];
	s0 =	simm.s32 @p0 $0x1  }
0x13: {  	[smem:$0x3FB8] =	sst s0;
	s0 =	simm.s32 @!p1 $0x0  }
0x14: {  	s2 =	sld [smem:$0x3F9C];
	s0 =	simm.s32 @p1 $0x1  }
0x15: {  	[smem:$0x3FB9] =	sst s0;
	s0 =	simm.s32 @!p2 $0x0  }
0x16: {  	s3 =	sld [smem:$0x3FDB];
	s0 =	simm.s32 @p2 $0x1  }
0x17: {  	s4 =	simm.s32 $0x1BF5;
	[smem:$0x3FBB] =	sst s0  }
0x18: {  	s0 =	sld [smem:$0x3F9E];
	_ =	swait.ge [sflag:s4], $0x0  }
0x19: {  	s7 =	sld [smem:$0x3F9F]  }
0x1a: {  	s8 =	sadd.s32 $0xFFFFE003, lr  }
0x1b: {  	s9 =	sadd.s32 $0xFFFFFEF7, lr;
	s5 =	simm.s32 $0xFFFFFFFF;
	p2 =	slt.u32 s8, $0xFFFFF086  }
0x1c: {  	p1 =	slt.u32 s9, $0xF7A;
	s5 =	simm.s32 @!p2 $0x0  }
0x1d: {  	s5 =	simm.s32 @p1 $0x1;
	p0 =	seq.s32 s7, s2  }
0x1e: {  	s7 =	smul.u32 @!p0 $0xF7A, s2;
	p2 =	seq.s32 @!p0 s5, $0x0  }
0x1f: {  	s9 =	smul.u32 $0xF7A, s1;
	s8 =	simm.s32 @!p0 $0x1BF5;
	p2 =	por !p2, p0  }
0x20: {  	[sflag:s8] =	ssyncset.s32 @!p0 $0xFFFFF086;
	s6 =	sadd.s32 @!p0 s3, s7;
	s7 =	simm.s32 @!p0 $0x108  }
0x21: {  	s3 =	sadd.s32 s3, s9;
	s6 =	sadd.s32 @!p0 $0x88, s6;
	s7 =	simm.s32 @p2 $0x1082  }
0x22: {  	[simem:s7], [sflag:s8] =	dma.local @!p0 [hbm:s6], $0xF7A  }
0x23: {  	s9 =	sor.u32 $0xD0000000, s2;
	s6 =	simm.s32 $0x108;
	_ =	swait.ge @!p0 [sflag:s8], $0x0  }
0x24: {  	s3 =	sadd.s32 $0x88, s3;
	s6 =	simm.s32 @!p1 $0x1082;
	[sflag:s4] =	ssyncset.s32 $0xFFFFF086  }
0x25: {  	[simem:s6], [sflag:s4] =	dma.local [hbm:s3], $0xF7A  }
0x26: {  	[smem:$0x3F9F] =	sst s1;
	(tag) =	ssettag s2;
	_ =	strace s9  }
0x27: {  	s1 =	sld [smem:$0x3FAF]  }
0x28: {  	s2 =	sld [smem:$0x3FB0]  }
0x29: {  	s4 =	sld [smem:$0x3FB2]  }
0x2a: {  	p0 =	seq.s32 s5, $0x0;
	s5 =	sld [smem:$0x3FB3]  }
0x2b: {  	s6 =	sld [smem:$0x3FB4]  }
0x2c: {  	s7 =	sld [smem:$0x3FB5]  }
0x2d: {  	s3 =	simm.s32 $0x108;
	s8 =	sld [smem:$0x3FB6]  }
0x2e: {  	s3 =	simm.s32 @!p0 $0x1082;
	s9 =	sld [smem:$0x3FB7]  }
0x2f: {  	lr =	sadd.s32 s0, s3;
	s0 =	sld [smem:$0x3FAE]  }
0x30: {  	s3 =	sld [smem:$0x3FB1]  }
0x31: {  	[smem:$0x3FBA] =	sst s10  }
0x32: {  	s10 =	sld [smem:$0x3FB8];
	_ =	sdelay $0x3  }
0x33: {  	p0 =	seq.s32 s10, $0x1;
	s10 =	sld [smem:$0x3FBA];
	_ =	sdelay $0x3  }
0x34: {  	[smem:$0x3FBA] =	sst s10  }
0x35: {  	s10 =	sld [smem:$0x3FB9];
	_ =	sdelay $0x3  }
0x36: {  	p1 =	seq.s32 s10, $0x1;
	s10 =	sld [smem:$0x3FBA];
	_ =	sdelay $0x3  }
0x37: {  	[smem:$0x3FBA] =	sst s10  }
0x38: {  	s10 =	sld [smem:$0x3FBB]  }
0x39: {  	_ = 	snop;
	(pc) =	sbr.ind lr, $3  }
0x3a: {  	_ = 	snop  }
0x3b: {  	_ = 	snop  }
0x3c: {  	p2 =	seq.s32 s10, $0x1;
	s10 =	sld [smem:$0x3FBA]  }
0x3d: {  	_ =	shalt  }
0x3e: {  	_ =	shalt  }
0x3f: {  	_ =	shalt  }
0x40: {  	_ =	shalt  }
0x41: {  	_ =	shalt  }
0x42: {  	_ =	shalt  }
0x43: {  	_ =	shalt  }
0x44: {  	_ =	shalt  }
0x45: {  	_ =	shalt  }
0x46: {  	_ =	shalt  }
0x47: {  	_ =	shalt  }
0x48: {  	_ =	shalt  }
0x49: {  	_ =	shalt  }
0x4a: {  	_ =	shalt  }
0x4b: {  	_ =	shalt  }
0x4c: {  	_ =	shalt  }
0x4d: {  	_ =	shalt  }
0x4e: {  	_ =	shalt  }
0x4f: {  	_ =	shalt  }
0x50: {  	_ =	shalt  }
0x51: {  	_ =	shalt  }
0x52: {  	_ =	shalt  }
0x53: {  	_ =	shalt  }
0x54: {  	_ =	shalt  }
0x55: {  	_ =	shalt  }
0x56: {  	_ =	shalt  }
0x57: {  	_ =	shalt  }
0x58: {  	_ =	shalt  }
0x59: {  	_ =	shalt  }
0x5a: {  	_ =	shalt  }
0x5b: {  	_ =	shalt  }
0x5c: {  	_ =	shalt  }
0x5d: {  	_ =	shalt  }
0x5e: {  	_ =	shalt  }
0x5f: {  	_ =	shalt  }
0x60: {  	_ =	shalt  }
0x61: {  	_ =	shalt  }
0x62: {  	_ =	shalt  }
0x63: {  	_ =	shalt  }
0x64: {  	_ =	shalt  }
0x65: {  	_ =	shalt  }
0x66: {  	_ =	shalt  }
0x67: {  	_ =	shalt  }
0x68: {  	_ =	shalt  }
0x69: {  	_ =	shalt  }
0x6a: {  	_ =	shalt  }
0x6b: {  	_ =	shalt  }
0x6c: {  	_ =	shalt  }
0x6d: {  	_ =	shalt  }
0x6e: {  	_ =	shalt  }
0x6f: {  	_ =	shalt  }
0x70: {  	_ =	shalt  }
0x71: {  	_ =	shalt  }
0x72: {  	_ =	shalt  }
0x73: {  	_ =	shalt  }
0x74: {  	_ =	shalt  }
0x75: {  	_ =	shalt  }
0x76: {  	_ =	shalt  }
0x77: {  	_ =	shalt  }
0x78: {  	_ =	shalt  }
0x79: {  	_ =	shalt  }
0x7a: {  	_ =	shalt  }
0x7b: {  	_ =	shalt  }
0x7c: {  	_ =	shalt  }
0x7d: {  	_ =	shalt  }
0x7e: {  	_ =	shalt  }
0x7f: {  	_ =	shalt  }
0x80: {  	_ =	shalt  }
0x81: {  	_ =	shalt  }
0x82: {  	_ =	shalt  }
0x83: {  	_ =	shalt  }
0x84: {  	_ =	shalt  }
0x85: {  	_ =	shalt  }
0x86: {  	_ =	shalt  }
0x87: {  	_ =	shalt  }
.Lfunc_end0:
.L_simem_size_0:
called_computation_lowered:
.L_overlay_start_0:
0x88: {  	s2 =	sld [smem:$0x3FD9]  }
0x89: {  	s3 =	sld [smem:$0x3FFE];
	_ =	sdelay $0x1  }
0x8a: {  	s1 =	srdreg.scid  }
0x8b: {  	s0 =	sand.u32 $0x1, s1  }
0x8c: {  	s17 =	sshll.u32 s0, $0xA;
	s2 =	sadd.s32 s3, s2  }
0x8d: {  	s2 =	sadd.s32 s2, s17  }
0x8e: {  	[smem:$0x3FC6] =	sst s2  }
0x8f: {  	_ = 	snop  }
0x90: {  	s2 =	sld [smem:$0x3FC9]  }
0x91: {  	s18 =	sld [smem:$0x3FC8];
	(tm) =	ssettm $0x1  }
0x92: {  	s4 =	sld [smem:$0x3FFB];
	_ =	sdelay $0x3  }
0x93: {  	_ =	strace s4  }
0x94: {  	s4 =	sld [smem:$0x3FFC];
	_ =	sdelay $0x3  }
0x95: {  	_ =	strace s4  }
0x96: {  	s4 =	sld [smem:$0x3FFD];
	_ =	sdelay $0x3  }
0x97: {  	_ =	strace s4  }
0x98: {  	_ =	strace $0x8FFFFFFF  }
0x99: {  	s19 =	sld [smem:$0x3FDB];
	_ =	sdelay $0x1  }
0x9a: {  	s5 =	simm.s32 $_scs_section_size  }
0x9b: {  	s6 =	simm.s32 $_size__tile_overlayer_lowered;
	s7 =	simm.s32 $_tile_overlayer_lowered  }
0x9c: {  	s22 =	simm.s32 $0x1BFF;
	s21 =	sshll.u32 s7, $0x1;
	s4 =	sadd.s32 s5, s19  }
0x9d: {  	s8 =	simm.s32 $0x0;
	s20 =	sshll.u32 s6, $0x1;
	s6 =	sadd.s32 s21, s4  }
0x9e: {  	[timem:s8], [sflag:s22] =	dma.local [hbm:s6], s20  }
0x9f: {  	_ =	swait.ge [sflag:s22], s20  }
0xa0: {  	s5 =	ssub.s32 $0x0, s20;
	[sflag:s22] =	ssyncset.done $0x0  }
0xa1: {  	[sflag:s22] =	ssyncadd.s32 s5;
	_ =	sdelay $0x1  }
0xa2: {  	s23 =	simm.s32 $0x1B8B  }
0xa3: {  	_ =	swait.ge [sflag:s23], $0x1  }
0xa4: {  	[sflag:s23] =	ssyncset.done $0x0  }
0xa5: {  	s25 =	simm.s32 $0x1B8E;
	s24 =	sld [smem:$0x3FFE];
	[sflag:s23] =	ssyncadd.s32 $0xFFFFFFFF  }
0xa6: {  	s26 =	simm.s32 $execute0_lowered;
	[smem:$0x3FD2] =	sst s25  }
0xa7: {  	s6 =	sshll.u32 s26, $0x1;
	_ =	strace $0x80000046;
	[dreg:$0x1] =	wrdreg $0xFFFFFFFF  }
0xa8: {  	s28 =	simm.s32 $_size_execute0_lowered;
	s4 =	sadd.s32 s4, s6;
	[dreg:$0x0] =	wrdreg $0x0  }
0xa9: {  	s6 =	sshll.u32 s28, $0x1;
	[dreg:$0x2] =	wrdreg s4  }
0xaa: {  	[dreg:$0x3] =	wrdreg s6  }
0xab: {  	[dreg:$0x4] =	wrdreg $0xC0  }
0xac: {  	_ =	task [dreg:s8], $0x5FFFF  }
0xad: {  	[dreg:$0x1] =	wrdreg $0xFFFFFFFF  }
0xae: {  	[dreg:$0x0] =	wrdreg $0x60  }
0xaf: {  	[dreg:$0x2] =	wrdreg s2  }
0xb0: {  	[dreg:$0x3] =	wrdreg s18  }
0xb1: {  	[dreg:$0x4] =	wrdreg s24  }
0xb2: {  	[dreg:$0x5] =	wrdreg $0x9  }
0xb3: {  	_ =	task.clear_ibuf [dreg:s8], $0x6FFFF;
	_ =	strace $0x90000046  }
0xb4: {  	s29 =	simm.s32 $0x9;
	_ =	strace $0x80000048  }
0xb5: {  	_ =	swait.ge [sflag:s29], $0x1  }
0xb6: {  	[sflag:s29] =	ssyncadd.s32 $0xFFFFFFFF  }
0xb7: {  	_ =	strace $0x90000048  }
0xb8: {  	_ =	sfence  }
0xb9: {  	s30 =	sld [smem:$0x0];
	_ =	sdelay $0x2  }
0xba: {  	s31 =	sshll.u32 s1, $0xD;
	s1 =	sshrl.u32 s1, $0x2  }
0xbb: {  	s3 =	sand.u32 $0x4000, s31;
	s1 =	sadd.s32 s1, s30  }
0xbc: {  	s0 =	sor.u32 s3, s0;
	s1 =	sshll.u32 s1, $0x11  }
0xbd: {  	s0 =	sor.u32 s1, s0  }
0xbe: {  	s0 =	sadd.s32 $0x8F2B, s0  }
0xbf: {  	[sflag:s0] =	ssyncadd.remote.s32 $0x1  }
0xc0: {  	_ =	sfence.sel $0xFFFF  }
0xc1: {  	[dreg:$0x0] =	wrdreg $0xFFFFFFFF;
	(pc) =	sbr.abs _section_cstart, $3  }
0xc2: {  	[dreg:$0x1] =	wrdreg $0xFFFFFFFF  }
0xc3: {  	_ =	task.clear_ibuf [dreg:s8], $0x2FFFF;
	_ =	strace $0x9FFFFFFF  }
0xc4: {  	(tm) =	ssettm $0x7FFFFFFF  }
0xc5: {  	_ =	shalt  }
tec
execute0_lowered:
.L_overlay_start_1:
0x0: {  	(tag) =	ssettag $0x1  }
0x1: {  	s1 =	rddreg [dreg:$0x0]  }
0x2: {  	s0 =	rddreg [dreg:$0x1];
	s2 =	srdreg.scid  }
0x3: {  	s3 =	stileid.u32;
	s4 =	rddreg [dreg:$0x2];
	s9 =	simm.s32 $0x44  }
0x4: {  	s12 =	simm.s32 $0x3200;
	s13 =	simm.s32 $0x100;
	s14 =	simm.s32 $0x5400  }
0x5: {  	s15 =	simm.s32 $0x180;
	s16 =	simm.s32 $0x7600;
	s17 =	simm.s32 $0x9800  }
0x6: {  	s18 =	simm.s32 $0xBA00;
	s19 =	simm.s32 $0xDC00;
	s20 =	simm.s32 $0xFE00  }
0x7: {  	s21 =	simm.s32 $0x1;
	s22 =	simm.s32 $0x12000;
	s23 =	simm.s32 $0x12180  }
0x8: {  	v0 =	vlaneseq.u32;
	s24 =	simm.s32 $0x12300;
	s25 =	simm.s32 $0x2;
	s26 =	simm.s32 $0x12480  }
0x9: {  	s28 =	simm.s32 $0x12880;
	s2 =	sand.u32 $0x1, s2;
	s5 =	sshll.u32 s3, $0x1;
	v0 =	vmul.u32 $0x11, v0  }
0xa: {  	s29 =	simm.s32 $0x0;
	s3 =	simm.s32 $0x0;
	s5 =	sor.u32 s2, s5  }
0xb: {  	[smem:$0x7FF] =	sst s3;
	s2 =	ssub.s32 $0x2, s2;
	s6 =	sshll.u32 s5, $0x7;
	v1 =	vadd.s32 $0x1, v0;
	v2 =	vadd.s32 $0x2, v0;
	v3 =	vadd.s32 $0x3, v0  }
0xc: {  	_ =	strace $0x80000047;
	s7 =	sshll.u32 s5, $0x4;
	s8 =	sshrl.u32 s2, $0x1;
	v4 =	vadd.s32 $0x4, v0;
	v5 =	vadd.s32 $0x5, v0;
	v6 =	vadd.s32 $0x6, v0  }
0xd: {  	s5 =	sshll.u32 s5, $0x9;
	v7 =	vadd.s32 $0x7, v0;
	v8 =	vadd.s32 $0x8, v0;
	v9 =	vadd.s32 $0x9, v0;
	s6 =	sadd.s32 s6, s4;
	s7 =	sadd.s32 s7, s4  }
0xe: {  	v10 =	vadd.s32 $0xA, v0;
	v11 =	vadd.s32 $0xB, v0;
	v12 =	vadd.s32 $0xC, v0;
	s2 =	ssub.s32 s2, s8;
	s4 =	sadd.s32 s0, s5;
	s8 =	simm.s32 $0x3  }
0xf: {  	v13 =	vadd.s32 $0xD, v0;
	v14 =	vadd.s32 $0xE, v0;
	v15 =	vadd.s32 $0xF, v0;
	s5 =	sadd.s32 $0x800, s6;
	s6 =	sadd.s32 $0x1800, s7;
	s7 =	smax.u32 s2, $0x1  }
.LBB2_1:
0x10: {  	[tilespmem:s3], [sflag:$0x3] =	stream.linear.gather [hbm4b:s4+s3], $0x1000, $0x38;
	[tilespmem:$0x12900] =	vst v63  }
0x11: {  	_ =	swait.ge [sflag:s8], $0x1000  }
0x12: {  	[sflag:s8] =	ssyncset.done $0x0  }
0x13: {  	s0 =	simm.s32 $0x1000;
	[sflag:s8] =	ssyncadd.s32 $0xFFFFF000  }
0x14: {  	[tilespmem:s0], [sflag:$0x1] =	stream.indirect.gather [hbm4b:s1+s9], $0x80, s3, s9, $0xb8;
	[tilespmem:$0x12900] =	vst v63  }
0x15: {  	s31 =	simm.s32 $0x80  }
0x16: {  	[tilespmem:s12], [sflag:$0x1] =	stream.indirect.gather [hbm4b:s1+s9], $0x80, s31, s9, $0xb8;
	[tilespmem:$0x12900] =	vst v63  }
0x17: {  	_ = 	snop  }
0x18: {  	[tilespmem:s14], [sflag:$0x1] =	stream.indirect.gather [hbm4b:s1+s9], $0x80, s13, s9, $0xb8;
	[tilespmem:$0x12900] =	vst v63  }
0x19: {  	s30 =	simm.s32 $0x0  }
0x1a: {  	v16 =	vimm.f32 $0.0e+00;
	[tilespmem:s16], [sflag:$0x1] =	stream.indirect.gather [hbm4b:s1+s9], $0x80, s15, s9, $0xb8;
	[tilespmem:$0x12900] =	vst v63  }
.LBB2_2:
0x1b: {  	s31 =	sshllo.u32 s30, $0x1  }
0x1c: {  	s0 =	sshll.u32 s31, $0x9  }
0x1d: {  	s0 =	sand.u32 $0x3FFFFE00, s0  }
0x1e: {  	[tilespmem:s17], [sflag:$0x2] =	stream.indirect.gather [hbm4b:s1+s9], $0x80, s0, s9, $0xb8;
	[tilespmem:$0x12900] =	vst v63  }
0x1f: {  	s2 =	sor.u32 $0x80, s0  }
0x20: {  	[tilespmem:s18], [sflag:$0x2] =	stream.indirect.gather [hbm4b:s1+s9], $0x80, s2, s9, $0xb8;
	[tilespmem:$0x12900] =	vst v63  }
0x21: {  	s11 =	sor.u32 $0x100, s0  }
0x22: {  	[tilespmem:s19], [sflag:$0x2] =	stream.indirect.gather [hbm4b:s1+s9], $0x80, s11, s9, $0xb8;
	[tilespmem:$0x12900] =	vst v63  }
0x23: {  	s0 =	sor.u32 $0x180, s0  }
0x24: {  	[tilespmem:s20], [sflag:$0x2] =	stream.indirect.gather [hbm4b:s1+s9], $0x80, s0, s9, $0xb8;
	[tilespmem:$0x12900] =	vst v63  }
0x25: {  	_ =	swait.ge [sflag:s21], $0x2200  }
0x26: {  	[sflag:s21] =	ssyncset.done $0x0  }
0x27: {  	[sflag:s21] =	ssyncadd.s32 $0xFFFFDE00  }
0x28: {  	_ =	swait.ge [sflag:s21], $0x2200  }
0x29: {  	[sflag:s21] =	ssyncset.done $0x0  }
0x2a: {  	[sflag:s21] =	ssyncadd.s32 $0xFFFFDE00  }
0x2b: {  	_ =	swait.ge [sflag:s21], $0x2200  }
0x2c: {  	[sflag:s21] =	ssyncset.done $0x0  }
0x2d: {  	[sflag:s21] =	ssyncadd.s32 $0xFFFFDE00  }
0x2e: {  	_ =	swait.ge [sflag:s21], $0x2200  }
0x2f: {  	[sflag:s21] =	ssyncset.done $0x0  }
0x30: {  	s2 =	simm.s32 $0x1440;
	s0 =	simm.s32 $0x0;
	[sflag:s21] =	ssyncadd.s32 $0xFFFFDE00  }
.LBB2_3:
0x31: {  	v23 =	vld [tilespmem:s2+$0xFFFFFBC0]  }
0x32: {  	v20 =	vld [tilespmem:s2+$0xFFFFFBD0]  }
0x33: {  	v24 =	vld [tilespmem:s2+$0xFFFFFBE0]  }
0x34: {  	v22 =	vld [tilespmem:s2+$0xFFFFFBF0]  }
0x35: {  	v21 =	vld [tilespmem:s2+$0xFFFFFC00]  }
0x36: {  	v19 =	vld [tilespmem:s2+$0xFFFFFC10]  }
0x37: {  	v17 =	vld [tilespmem:s2+$0xFFFFFC20]  }
0x38: {  	v18 =	vld [tilespmem:s2+$0xFFFFFC30];
	v25 =	vmul.f32 v23, v23;
	v26 =	vmul.f32 v24, v24  }
0x39: {  	v27 =	vmul.f32 v20, v20;
	v28 =	vmul.f32 v22, v22  }
0x3a: {  	v33 =	vmul.f32 v21, v21  }
0x3b: {  	v34 =	vmul.f32 v19, v19;
	v25 =	vadd.f32 v26, v25;
	v27 =	vadd.f32 v28, v27  }
0x3c: {  	v36 =	vmul.f32 v17, v17  }
0x3d: {  	v37 =	vmul.f32 v18, v18;
	v25 =	vadd.f32 v33, v25;
	v35 =	vadd.f32 v34, v27;
	_ =	sdelay $0x1  }
0x3e: {  	v25 =	vadd.f32 v36, v25;
	v26 =	vadd.f32 v37, v35;
	_ =	sdelay $0x1  }
0x3f: {  	v25 =	vadd.f32 v26, v25  }
0x40: {  	s10 =	sshra.s32 s0, $0x2  }
0x41: {  	[tilespmem:s10+$0x12180] =	vst v25  }
0x42: {  	v25 =	vld [tilespmem:s2+$0xFFFFFC40]  }
0x43: {  	v38 =	vld [tilespmem:s2+$0xFFFFFC50]  }
0x44: {  	v39 =	vld [tilespmem:s2+$0xFFFFFC60]  }
0x45: {  	v40 =	vld [tilespmem:s2+$0xFFFFFC70]  }
0x46: {  	v29 =	vld [tilespmem:s2+$0xFFFFFC80]  }
0x47: {  	v30 =	vld [tilespmem:s2+$0xFFFFFC90]  }
0x48: {  	v31 =	vld [tilespmem:s2+$0xFFFFFCA0]  }
0x49: {  	v32 =	vld [tilespmem:s2+$0xFFFFFCB0];
	v25 =	vmul.f32 v25, v23;
	v27 =	vmul.f32 v39, v24  }
0x4a: {  	v26 =	vmul.f32 v38, v20;
	v28 =	vmul.f32 v40, v22  }
0x4b: {  	v41 =	vmul.f32 v29, v21  }
0x4c: {  	v42 =	vmul.f32 v30, v19;
	v25 =	vadd.f32 v27, v25;
	v26 =	vadd.f32 v28, v26  }
0x4d: {  	v43 =	vmul.f32 v31, v17  }
0x4e: {  	v44 =	vmul.f32 v32, v18;
	v25 =	vadd.f32 v41, v25;
	v26 =	vadd.f32 v42, v26;
	_ =	sdelay $0x1  }
0x4f: {  	v25 =	vadd.f32 v43, v25;
	v26 =	vadd.f32 v44, v26;
	_ =	sdelay $0x1  }
0x50: {  	v25 =	vadd.f32 v26, v25;
	_ =	sdelay $0x1  }
0x51: {  	[tilespmem:$0x12000] =	vst v25  }
0x52: {  	v25 =	vld [tilespmem:s2+$0xFFFFFCC0]  }
0x53: {  	v45 =	vld [tilespmem:s2+$0xFFFFFCD0]  }
0x54: {  	v46 =	vld [tilespmem:s2+$0xFFFFFCE0]  }
0x55: {  	v47 =	vld [tilespmem:s2+$0xFFFFFCF0]  }
0x56: {  	v48 =	vld [tilespmem:s2+$0xFFFFFD00]  }
0x57: {  	v49 =	vld [tilespmem:s2+$0xFFFFFD10]  }
0x58: {  	v50 =	vld [tilespmem:s2+$0xFFFFFD20]  }
0x59: {  	v51 =	vld [tilespmem:s2+$0xFFFFFD30];
	v25 =	vmul.f32 v25, v23;
	v27 =	vmul.f32 v46, v24  }
0x5a: {  	v26 =	vmul.f32 v45, v20;
	v28 =	vmul.f32 v47, v22  }
0x5b: {  	v52 =	vmul.f32 v48, v21  }
0x5c: {  	v53 =	vmul.f32 v49, v19;
	v25 =	vadd.f32 v27, v25;
	v26 =	vadd.f32 v28, v26  }
0x5d: {  	v54 =	vmul.f32 v50, v17  }
0x5e: {  	v55 =	vmul.f32 v51, v18;
	v25 =	vadd.f32 v52, v25;
	v26 =	vadd.f32 v53, v26;
	_ =	sdelay $0x1  }
0x5f: {  	v25 =	vadd.f32 v54, v25;
	v26 =	vadd.f32 v55, v26;
	_ =	sdelay $0x1  }
0x60: {  	v25 =	vadd.f32 v26, v25;
	_ =	sdelay $0x1  }
0x61: {  	[tilespmem:$0x12011] =	vst v25  }
0x62: {  	v25 =	vld [tilespmem:s2+$0xFFFFFD40]  }
0x63: {  	v56 =	vld [tilespmem:s2+$0xFFFFFD50]  }
0x64: {  	v57 =	vld [tilespmem:s2+$0xFFFFFD60]  }
0x65: {  	v58 =	vld [tilespmem:s2+$0xFFFFFD70]  }
0x66: {  	v59 =	vld [tilespmem:s2+$0xFFFFFD80]  }
0x67: {  	v60 =	vld [tilespmem:s2+$0xFFFFFD90]  }
0x68: {  	v61 =	vld [tilespmem:s2+$0xFFFFFDA0]  }
0x69: {  	v62 =	vld [tilespmem:s2+$0xFFFFFDB0];
	v25 =	vmul.f32 v25, v23;
	v27 =	vmul.f32 v57, v24  }
0x6a: {  	v26 =	vmul.f32 v56, v20;
	v28 =	vmul.f32 v58, v22  }
0x6b: {  	v63 =	vmul.f32 v59, v21  }
0x6c: {  	v33 =	vmul.f32 v60, v19;
	v25 =	vadd.f32 v27, v25;
	v26 =	vadd.f32 v28, v26  }
0x6d: {  	v34 =	vmul.f32 v61, v17  }
0x6e: {  	v35 =	vmul.f32 v62, v18;
	v25 =	vadd.f32 v63, v25;
	v26 =	vadd.f32 v33, v26;
	_ =	sdelay $0x1  }
0x6f: {  	v25 =	vadd.f32 v34, v25;
	v26 =	vadd.f32 v35, v26;
	_ =	sdelay $0x1  }
0x70: {  	v25 =	vadd.f32 v26, v25;
	_ =	sdelay $0x1  }
0x71: {  	[tilespmem:$0x12022] =	vst v25  }
0x72: {  	v25 =	vld [tilespmem:s2+$0xFFFFFDC0]  }
0x73: {  	v36 =	vld [tilespmem:s2+$0xFFFFFDD0]  }
0x74: {  	v37 =	vld [tilespmem:s2+$0xFFFFFDE0]  }
0x75: {  	v38 =	vld [tilespmem:s2+$0xFFFFFDF0]  }
0x76: {  	v39 =	vld [tilespmem:s2+$0xFFFFFE00]  }
0x77: {  	v40 =	vld [tilespmem:s2+$0xFFFFFE10]  }
0x78: {  	v41 =	vld [tilespmem:s2+$0xFFFFFE20]  }
0x79: {  	v42 =	vld [tilespmem:s2+$0xFFFFFE30];
	v25 =	vmul.f32 v25, v23;
	v27 =	vmul.f32 v37, v24  }
0x7a: {  	v26 =	vmul.f32 v36, v20;
	v28 =	vmul.f32 v38, v22  }
0x7b: {  	v43 =	vmul.f32 v39, v21  }
0x7c: {  	v44 =	vmul.f32 v40, v19;
	v25 =	vadd.f32 v27, v25;
	v26 =	vadd.f32 v28, v26  }
0x7d: {  	v45 =	vmul.f32 v41, v17  }
0x7e: {  	v46 =	vmul.f32 v42, v18;
	v25 =	vadd.f32 v43, v25;
	v26 =	vadd.f32 v44, v26;
	_ =	sdelay $0x1  }
0x7f: {  	v25 =	vadd.f32 v45, v25;
	v26 =	vadd.f32 v46, v26;
	_ =	sdelay $0x1  }
0x80: {  	v25 =	vadd.f32 v26, v25;
	_ =	sdelay $0x1  }
0x81: {  	[tilespmem:$0x12033] =	vst v25  }
0x82: {  	v25 =	vld [tilespmem:s2+$0xFFFFFE40]  }
0x83: {  	v47 =	vld [tilespmem:s2+$0xFFFFFE50]  }
0x84: {  	v48 =	vld [tilespmem:s2+$0xFFFFFE60]  }
0x85: {  	v49 =	vld [tilespmem:s2+$0xFFFFFE70]  }
0x86: {  	v50 =	vld [tilespmem:s2+$0xFFFFFE80]  }
0x87: {  	v51 =	vld [tilespmem:s2+$0xFFFFFE90]  }
0x88: {  	v52 =	vld [tilespmem:s2+$0xFFFFFEA0]  }
0x89: {  	v53 =	vld [tilespmem:s2+$0xFFFFFEB0];
	v25 =	vmul.f32 v25, v23;
	v27 =	vmul.f32 v48, v24  }
0x8a: {  	v26 =	vmul.f32 v47, v20;
	v28 =	vmul.f32 v49, v22  }
0x8b: {  	v54 =	vmul.f32 v50, v21  }
0x8c: {  	v55 =	vmul.f32 v51, v19;
	v25 =	vadd.f32 v27, v25;
	v26 =	vadd.f32 v28, v26  }
0x8d: {  	v56 =	vmul.f32 v52, v17  }
0x8e: {  	v57 =	vmul.f32 v53, v18;
	v25 =	vadd.f32 v54, v25;
	v26 =	vadd.f32 v55, v26;
	_ =	sdelay $0x1  }
0x8f: {  	v25 =	vadd.f32 v56, v25;
	v26 =	vadd.f32 v57, v26;
	_ =	sdelay $0x1  }
0x90: {  	v25 =	vadd.f32 v26, v25;
	_ =	sdelay $0x1  }
0x91: {  	[tilespmem:$0x12044] =	vst v25  }
0x92: {  	v25 =	vld [tilespmem:s2+$0xFFFFFEC0]  }
0x93: {  	v58 =	vld [tilespmem:s2+$0xFFFFFED0]  }
0x94: {  	v59 =	vld [tilespmem:s2+$0xFFFFFEE0]  }
0x95: {  	v60 =	vld [tilespmem:s2+$0xFFFFFEF0]  }
0x96: {  	v61 =	vld [tilespmem:s2+$0xFFFFFF00]  }
0x97: {  	v62 =	vld [tilespmem:s2+$0xFFFFFF10]  }
0x98: {  	v63 =	vld [tilespmem:s2+$0xFFFFFF20]  }
0x99: {  	v36 =	vld [tilespmem:s2+$0xFFFFFF30];
	v25 =	vmul.f32 v25, v23;
	v27 =	vmul.f32 v59, v24  }
0x9a: {  	v26 =	vmul.f32 v58, v20;
	v28 =	vmul.f32 v60, v22  }
0x9b: {  	v37 =	vmul.f32 v61, v21  }
0x9c: {  	v38 =	vmul.f32 v62, v19;
	v25 =	vadd.f32 v27, v25;
	v26 =	vadd.f32 v28, v26  }
0x9d: {  	v39 =	vmul.f32 v63, v17  }
0x9e: {  	v40 =	vmul.f32 v36, v18;
	v25 =	vadd.f32 v37, v25;
	v26 =	vadd.f32 v38, v26;
	_ =	sdelay $0x1  }
0x9f: {  	v25 =	vadd.f32 v39, v25;
	v26 =	vadd.f32 v40, v26;
	_ =	sdelay $0x1  }
0xa0: {  	v25 =	vadd.f32 v26, v25;
	_ =	sdelay $0x1  }
0xa1: {  	[tilespmem:$0x12055] =	vst v25  }
0xa2: {  	v25 =	vld [tilespmem:s2+$0xFFFFFF40]  }
0xa3: {  	v41 =	vld [tilespmem:s2+$0xFFFFFF50]  }
0xa4: {  	v42 =	vld [tilespmem:s2+$0xFFFFFF60]  }
0xa5: {  	v43 =	vld [tilespmem:s2+$0xFFFFFF70]  }
0xa6: {  	v44 =	vld [tilespmem:s2+$0xFFFFFF80]  }
0xa7: {  	v45 =	vld [tilespmem:s2+$0xFFFFFF90]  }
0xa8: {  	v46 =	vld [tilespmem:s2+$0xFFFFFFA0]  }
0xa9: {  	v47 =	vld [tilespmem:s2+$0xFFFFFFB0];
	v25 =	vmul.f32 v25, v23;
	v27 =	vmul.f32 v42, v24  }
0xaa: {  	v26 =	vmul.f32 v41, v20;
	v28 =	vmul.f32 v43, v22  }
0xab: {  	v48 =	vmul.f32 v44, v21  }
0xac: {  	v49 =	vmul.f32 v45, v19;
	v25 =	vadd.f32 v27, v25;
	v26 =	vadd.f32 v28, v26  }
0xad: {  	v50 =	vmul.f32 v46, v17  }
0xae: {  	v51 =	vmul.f32 v47, v18;
	v25 =	vadd.f32 v48, v25;
	v26 =	vadd.f32 v49, v26;
	_ =	sdelay $0x1  }
0xaf: {  	v25 =	vadd.f32 v50, v25;
	v26 =	vadd.f32 v51, v26;
	_ =	sdelay $0x1  }
0xb0: {  	v25 =	vadd.f32 v26, v25;
	_ =	sdelay $0x1  }
0xb1: {  	[tilespmem:$0x12066] =	vst v25  }
0xb2: {  	v25 =	vld [tilespmem:s2+$0xFFFFFFC0]  }
0xb3: {  	v52 =	vld [tilespmem:s2+$0xFFFFFFD0]  }
0xb4: {  	v53 =	vld [tilespmem:s2+$0xFFFFFFE0]  }
0xb5: {  	v54 =	vld [tilespmem:s2+$0xFFFFFFF0]  }
0xb6: {  	v55 =	vld [tilespmem:s2+$0x0]  }
0xb7: {  	v56 =	vld [tilespmem:s2+$0x10]  }
0xb8: {  	v57 =	vld [tilespmem:s2+$0x20]  }
0xb9: {  	v58 =	vld [tilespmem:s2+$0x30];
	v25 =	vmul.f32 v25, v23;
	v27 =	vmul.f32 v53, v24  }
0xba: {  	v26 =	vmul.f32 v52, v20;
	v28 =	vmul.f32 v54, v22  }
0xbb: {  	v59 =	vmul.f32 v55, v21  }
0xbc: {  	v60 =	vmul.f32 v56, v19;
	v25 =	vadd.f32 v27, v25;
	v26 =	vadd.f32 v28, v26  }
0xbd: {  	v61 =	vmul.f32 v57, v17  }
0xbe: {  	v62 =	vmul.f32 v58, v18;
	v25 =	vadd.f32 v59, v25;
	v26 =	vadd.f32 v60, v26;
	_ =	sdelay $0x1  }
0xbf: {  	v25 =	vadd.f32 v61, v25;
	v26 =	vadd.f32 v62, v26;
	_ =	sdelay $0x1  }
0xc0: {  	v25 =	vadd.f32 v26, v25;
	_ =	sdelay $0x1  }
0xc1: {  	[tilespmem:$0x12077] =	vst v25  }
0xc2: {  	v25 =	vld [tilespmem:s2+$0x40]  }
0xc3: {  	v63 =	vld [tilespmem:s2+$0x50]  }
0xc4: {  	v35 =	vld [tilespmem:s2+$0x60]  }
0xc5: {  	v36 =	vld [tilespmem:s2+$0x70]  }
0xc6: {  	v37 =	vld [tilespmem:s2+$0x80]  }
0xc7: {  	v38 =	vld [tilespmem:s2+$0x90]  }
0xc8: {  	v39 =	vld [tilespmem:s2+$0xA0]  }
0xc9: {  	v40 =	vld [tilespmem:s2+$0xB0];
	v25 =	vmul.f32 v25, v23;
	v27 =	vmul.f32 v35, v24  }
0xca: {  	v26 =	vmul.f32 v63, v20;
	v28 =	vmul.f32 v36, v22  }
0xcb: {  	v41 =	vmul.f32 v37, v21  }
0xcc: {  	v42 =	vmul.f32 v38, v19;
	v25 =	vadd.f32 v27, v25;
	v26 =	vadd.f32 v28, v26  }
0xcd: {  	v43 =	vmul.f32 v39, v17  }
0xce: {  	v44 =	vmul.f32 v40, v18;
	v25 =	vadd.f32 v41, v25;
	v26 =	vadd.f32 v42, v26;
	_ =	sdelay $0x1  }
0xcf: {  	v25 =	vadd.f32 v43, v25;
	v26 =	vadd.f32 v44, v26;
	_ =	sdelay $0x1  }
0xd0: {  	v25 =	vadd.f32 v26, v25;
	_ =	sdelay $0x1  }
0xd1: {  	[tilespmem:$0x12088] =	vst v25  }
0xd2: {  	v25 =	vld [tilespmem:s2+$0xC0]  }
0xd3: {  	v45 =	vld [tilespmem:s2+$0xD0]  }
0xd4: {  	v46 =	vld [tilespmem:s2+$0xE0]  }
0xd5: {  	v47 =	vld [tilespmem:s2+$0xF0]  }
0xd6: {  	v48 =	vld [tilespmem:s2+$0x100]  }
0xd7: {  	v49 =	vld [tilespmem:s2+$0x110]  }
0xd8: {  	v50 =	vld [tilespmem:s2+$0x120]  }
0xd9: {  	v51 =	vld [tilespmem:s2+$0x130];
	v25 =	vmul.f32 v25, v23;
	v27 =	vmul.f32 v46, v24  }
0xda: {  	v26 =	vmul.f32 v45, v20;
	v28 =	vmul.f32 v47, v22  }
0xdb: {  	v52 =	vmul.f32 v48, v21  }
0xdc: {  	v53 =	vmul.f32 v49, v19;
	v25 =	vadd.f32 v27, v25;
	v26 =	vadd.f32 v28, v26  }
0xdd: {  	v54 =	vmul.f32 v50, v17  }
0xde: {  	v55 =	vmul.f32 v51, v18;
	v25 =	vadd.f32 v52, v25;
	v26 =	vadd.f32 v53, v26;
	_ =	sdelay $0x1  }
0xdf: {  	v25 =	vadd.f32 v54, v25;
	v26 =	vadd.f32 v55, v26;
	_ =	sdelay $0x1  }
0xe0: {  	v25 =	vadd.f32 v26, v25;
	_ =	sdelay $0x1  }
0xe1: {  	[tilespmem:$0x12099] =	vst v25  }
0xe2: {  	v25 =	vld [tilespmem:s2+$0x140]  }
0xe3: {  	v56 =	vld [tilespmem:s2+$0x150]  }
0xe4: {  	v57 =	vld [tilespmem:s2+$0x160]  }
0xe5: {  	v58 =	vld [tilespmem:s2+$0x170]  }
0xe6: {  	v59 =	vld [tilespmem:s2+$0x180]  }
0xe7: {  	v60 =	vld [tilespmem:s2+$0x190]  }
0xe8: {  	v61 =	vld [tilespmem:s2+$0x1A0]  }
0xe9: {  	v62 =	vld [tilespmem:s2+$0x1B0];
	v25 =	vmul.f32 v25, v23;
	v27 =	vmul.f32 v57, v24  }
0xea: {  	v26 =	vmul.f32 v56, v20;
	v28 =	vmul.f32 v58, v22  }
0xeb: {  	v63 =	vmul.f32 v59, v21  }
0xec: {  	v33 =	vmul.f32 v60, v19;
	v25 =	vadd.f32 v27, v25;
	v26 =	vadd.f32 v28, v26  }
0xed: {  	v34 =	vmul.f32 v61, v17  }
0xee: {  	v35 =	vmul.f32 v62, v18;
	v25 =	vadd.f32 v63, v25;
	v26 =	vadd.f32 v33, v26;
	_ =	sdelay $0x1  }
0xef: {  	v25 =	vadd.f32 v34, v25;
	v26 =	vadd.f32 v35, v26;
	_ =	sdelay $0x1  }
0xf0: {  	v25 =	vadd.f32 v26, v25;
	_ =	sdelay $0x1  }
0xf1: {  	[tilespmem:$0x120AA] =	vst v25  }
0xf2: {  	v25 =	vld [tilespmem:s2+$0x1C0]  }
0xf3: {  	v36 =	vld [tilespmem:s2+$0x1D0]  }
0xf4: {  	v37 =	vld [tilespmem:s2+$0x1E0]  }
0xf5: {  	v38 =	vld [tilespmem:s2+$0x1F0]  }
0xf6: {  	v39 =	vld [tilespmem:s2+$0x200]  }
0xf7: {  	v40 =	vld [tilespmem:s2+$0x210]  }
0xf8: {  	v41 =	vld [tilespmem:s2+$0x220]  }
0xf9: {  	v42 =	vld [tilespmem:s2+$0x230];
	v25 =	vmul.f32 v25, v23;
	v27 =	vmul.f32 v37, v24  }
0xfa: {  	v26 =	vmul.f32 v36, v20;
	v28 =	vmul.f32 v38, v22  }
0xfb: {  	v43 =	vmul.f32 v39, v21  }
0xfc: {  	v44 =	vmul.f32 v40, v19;
	v25 =	vadd.f32 v27, v25;
	v26 =	vadd.f32 v28, v26  }
0xfd: {  	v45 =	vmul.f32 v41, v17  }
0xfe: {  	v46 =	vmul.f32 v42, v18;
	v25 =	vadd.f32 v43, v25;
	v26 =	vadd.f32 v44, v26;
	_ =	sdelay $0x1  }
0xff: {  	v25 =	vadd.f32 v45, v25;
	v26 =	vadd.f32 v46, v26;
	_ =	sdelay $0x1  }
0x100: {  	v25 =	vadd.f32 v26, v25;
	_ =	sdelay $0x1  }
0x101: {  	[tilespmem:$0x120BB] =	vst v25  }
0x102: {  	v25 =	vld [tilespmem:s2+$0x240]  }
0x103: {  	v47 =	vld [tilespmem:s2+$0x250]  }
0x104: {  	v48 =	vld [tilespmem:s2+$0x260]  }
0x105: {  	v49 =	vld [tilespmem:s2+$0x270]  }
0x106: {  	v50 =	vld [tilespmem:s2+$0x280]  }
0x107: {  	v51 =	vld [tilespmem:s2+$0x290]  }
0x108: {  	v52 =	vld [tilespmem:s2+$0x2A0]  }
0x109: {  	v53 =	vld [tilespmem:s2+$0x2B0];
	v25 =	vmul.f32 v25, v23;
	v27 =	vmul.f32 v48, v24  }
0x10a: {  	v26 =	vmul.f32 v47, v20;
	v28 =	vmul.f32 v49, v22  }
0x10b: {  	v54 =	vmul.f32 v50, v21  }
0x10c: {  	v55 =	vmul.f32 v51, v19;
	v25 =	vadd.f32 v27, v25;
	v26 =	vadd.f32 v28, v26  }
0x10d: {  	v56 =	vmul.f32 v52, v17  }
0x10e: {  	v57 =	vmul.f32 v53, v18;
	v25 =	vadd.f32 v54, v25;
	v26 =	vadd.f32 v55, v26;
	_ =	sdelay $0x1  }
0x10f: {  	v25 =	vadd.f32 v56, v25;
	v26 =	vadd.f32 v57, v26;
	_ =	sdelay $0x1  }
0x110: {  	v25 =	vadd.f32 v26, v25;
	_ =	sdelay $0x1  }
0x111: {  	[tilespmem:$0x120CC] =	vst v25  }
0x112: {  	v25 =	vld [tilespmem:s2+$0x2C0]  }
0x113: {  	v58 =	vld [tilespmem:s2+$0x2D0]  }
0x114: {  	v59 =	vld [tilespmem:s2+$0x2E0]  }
0x115: {  	v60 =	vld [tilespmem:s2+$0x2F0]  }
0x116: {  	v61 =	vld [tilespmem:s2+$0x300]  }
0x117: {  	v62 =	vld [tilespmem:s2+$0x310]  }
0x118: {  	v63 =	vld [tilespmem:s2+$0x320]  }
0x119: {  	v36 =	vld [tilespmem:s2+$0x330];
	v25 =	vmul.f32 v25, v23;
	v27 =	vmul.f32 v59, v24  }
0x11a: {  	v26 =	vmul.f32 v58, v20;
	v28 =	vmul.f32 v60, v22  }
0x11b: {  	v37 =	vmul.f32 v61, v21  }
0x11c: {  	v38 =	vmul.f32 v62, v19;
	v25 =	vadd.f32 v27, v25;
	v26 =	vadd.f32 v28, v26  }
0x11d: {  	v39 =	vmul.f32 v63, v17  }
0x11e: {  	v40 =	vmul.f32 v36, v18;
	v25 =	vadd.f32 v37, v25;
	v26 =	vadd.f32 v38, v26;
	_ =	sdelay $0x1  }
0x11f: {  	v25 =	vadd.f32 v39, v25;
	v26 =	vadd.f32 v40, v26;
	_ =	sdelay $0x1  }
0x120: {  	v25 =	vadd.f32 v26, v25;
	_ =	sdelay $0x1  }
0x121: {  	[tilespmem:$0x120DD] =	vst v25  }
0x122: {  	v25 =	vld [tilespmem:s2+$0x340]  }
0x123: {  	v41 =	vld [tilespmem:s2+$0x350]  }
0x124: {  	v42 =	vld [tilespmem:s2+$0x360]  }
0x125: {  	v43 =	vld [tilespmem:s2+$0x370]  }
0x126: {  	v44 =	vld [tilespmem:s2+$0x380]  }
0x127: {  	v45 =	vld [tilespmem:s2+$0x390]  }
0x128: {  	v46 =	vld [tilespmem:s2+$0x3A0]  }
0x129: {  	v47 =	vld [tilespmem:s2+$0x3B0];
	v25 =	vmul.f32 v25, v23;
	v27 =	vmul.f32 v42, v24  }
0x12a: {  	v26 =	vmul.f32 v41, v20;
	v28 =	vmul.f32 v43, v22  }
0x12b: {  	v48 =	vmul.f32 v44, v21  }
0x12c: {  	v49 =	vmul.f32 v45, v19;
	v25 =	vadd.f32 v27, v25;
	v26 =	vadd.f32 v28, v26  }
0x12d: {  	v50 =	vmul.f32 v46, v17  }
0x12e: {  	v51 =	vmul.f32 v47, v18;
	v25 =	vadd.f32 v48, v25;
	v26 =	vadd.f32 v49, v26;
	_ =	sdelay $0x1  }
0x12f: {  	v25 =	vadd.f32 v50, v25;
	v26 =	vadd.f32 v51, v26;
	_ =	sdelay $0x1  }
0x130: {  	v25 =	vadd.f32 v26, v25;
	_ =	sdelay $0x1  }
0x131: {  	[tilespmem:$0x120EE] =	vst v25  }
0x132: {  	v25 =	vld [tilespmem:s2+$0x3C0]  }
0x133: {  	v52 =	vld [tilespmem:s2+$0x3D0]  }
0x134: {  	v53 =	vld [tilespmem:s2+$0x3E0]  }
0x135: {  	v54 =	vld [tilespmem:s2+$0x3F0]  }
0x136: {  	v55 =	vld [tilespmem:s2+$0x400]  }
0x137: {  	v56 =	vld [tilespmem:s2+$0x410]  }
0x138: {  	v57 =	vld [tilespmem:s2+$0x420]  }
0x139: {  	v58 =	vld [tilespmem:s2+$0x430];
	v23 =	vmul.f32 v25, v23;
	v24 =	vmul.f32 v53, v24  }
0x13a: {  	v20 =	vmul.f32 v52, v20;
	v22 =	vmul.f32 v54, v22  }
0x13b: {  	v21 =	vmul.f32 v55, v21  }
0x13c: {  	v19 =	vmul.f32 v56, v19;
	v23 =	vadd.f32 v24, v23;
	v20 =	vadd.f32 v22, v20  }
0x13d: {  	v17 =	vmul.f32 v57, v17  }
0x13e: {  	v18 =	vmul.f32 v58, v18;
	v21 =	vadd.f32 v21, v23;
	v19 =	vadd.f32 v19, v20;
	_ =	sdelay $0x1  }
0x13f: {  	v17 =	vadd.f32 v17, v21;
	v18 =	vadd.f32 v18, v19;
	_ =	sdelay $0x1  }
0x140: {  	v17 =	vadd.f32 v18, v17;
	_ =	sdelay $0x1  }
0x141: {  	[tilespmem:$0x120FF] =	vst v17  }
0x142: {  	v17 =	vld.idx.msk [tilespmem:v0+s22+$0x0], $0xffff  }
0x143: {  	v18 =	vld.idx.msk [tilespmem:v1+s22+$0x0], $0xffff;
	_ =	sdelay $0x1  }
0x144: {  	v19 =	vld.idx.msk [tilespmem:v2+s22+$0x0], $0xffff;
	_ =	sdelay $0x1  }
0x145: {  	v59 =	vld.idx.msk [tilespmem:v3+s22+$0x0], $0xffff  }
0x146: {  	v17 =	vadd.f32 v18, v17  }
0x147: {  	v18 =	vld.idx.msk [tilespmem:v4+s22+$0x0], $0xffff  }
0x148: {  	v17 =	vadd.f32 v19, v17  }
0x149: {  	v19 =	vld.idx.msk [tilespmem:v5+s22+$0x0], $0xffff  }
0x14a: {  	v17 =	vadd.f32 v59, v17  }
0x14b: {  	v60 =	vld.idx.msk [tilespmem:v6+s22+$0x0], $0xffff  }
0x14c: {  	v17 =	vadd.f32 v18, v17  }
0x14d: {  	v18 =	vld.idx.msk [tilespmem:v7+s22+$0x0], $0xffff  }
0x14e: {  	v17 =	vadd.f32 v19, v17  }
0x14f: {  	v19 =	vld.idx.msk [tilespmem:v8+s22+$0x0], $0xffff  }
0x150: {  	v17 =	vadd.f32 v60, v17  }
0x151: {  	v61 =	vld.idx.msk [tilespmem:v9+s22+$0x0], $0xffff  }
0x152: {  	v17 =	vadd.f32 v18, v17  }
0x153: {  	v18 =	vld.idx.msk [tilespmem:v10+s22+$0x0], $0xffff  }
0x154: {  	v17 =	vadd.f32 v19, v17  }
0x155: {  	v19 =	vld.idx.msk [tilespmem:v11+s22+$0x0], $0xffff  }
0x156: {  	v17 =	vadd.f32 v61, v17  }
0x157: {  	v62 =	vld.idx.msk [tilespmem:v12+s22+$0x0], $0xffff  }
0x158: {  	v17 =	vadd.f32 v18, v17  }
0x159: {  	v18 =	vld.idx.msk [tilespmem:v13+s22+$0x0], $0xffff  }
0x15a: {  	v17 =	vadd.f32 v19, v17  }
0x15b: {  	v19 =	vld.idx.msk [tilespmem:v14+s22+$0x0], $0xffff  }
0x15c: {  	v17 =	vadd.f32 v62, v17  }
0x15d: {  	v63 =	vld.idx.msk [tilespmem:v15+s22+$0x0], $0xffff  }
0x15e: {  	v17 =	vadd.f32 v18, v17;
	_ =	sdelay $0x1  }
0x15f: {  	v17 =	vadd.f32 v19, v17;
	_ =	sdelay $0x1  }
0x160: {  	v17 =	vadd.f32 v63, v17;
	_ =	sdelay $0x1  }
0x161: {  	v18 =	vmul.f32 $1.442695020e+00, v17;
	_ =	sdelay $0x1  }
0x162: {  	(erf) = vpow2.f32 v18;
	_ =	sdelay $0x4  }
0x163: {  	p0 =	sne.s32 s0, $0x3FC  }
.Ltmp0:
0x164: {  	_ = 	snop;
	(pc) =	sbr.rel @p0 .LBB2_3-.Ltmp0, $3  }
0x165: {  	_ =	sdelay $0x1  }
0x166: {  	v18 =	vpop (erf)  }
0x167: {  	s0 =	sadd.s32 $0x44, s0;
	s2 =	sadd.s32 $0x880, s2;
	v16 =	vadd.f32 v17, v16;
	[tilespmem:s10+$0x12300] =	vst v18  }
0x168: {  	_ =	sdelay $0x3  }
0x169: {  	v17 =	vld.idx.msk [tilespmem:v0+s23+$0x0], $0xffff  }
0x16a: {  	v18 =	vld.idx.msk [tilespmem:v1+s23+$0x0], $0xffff;
	_ =	sdelay $0x1  }
0x16b: {  	v19 =	vld.idx.msk [tilespmem:v2+s23+$0x0], $0xffff;
	_ =	sdelay $0x1  }
0x16c: {  	v20 =	vld.idx.msk [tilespmem:v3+s23+$0x0], $0xffff  }
0x16d: {  	v17 =	vadd.f32 v18, v17  }
0x16e: {  	v18 =	vld.idx.msk [tilespmem:v4+s23+$0x0], $0xffff  }
0x16f: {  	v17 =	vadd.f32 v19, v17  }
0x170: {  	v19 =	vld.idx.msk [tilespmem:v5+s23+$0x0], $0xffff  }
0x171: {  	v21 =	vld.idx.msk [tilespmem:v0+s24+$0x0], $0xffff;
	v17 =	vadd.f32 v20, v17  }
0x172: {  	v52 =	vld.idx.msk [tilespmem:v6+s23+$0x0], $0xffff  }
0x173: {  	v22 =	vld.idx.msk [tilespmem:v1+s24+$0x0], $0xffff;
	v17 =	vadd.f32 v18, v17  }
0x174: {  	v18 =	vld.idx.msk [tilespmem:v7+s23+$0x0], $0xffff  }
0x175: {  	v23 =	vld.idx.msk [tilespmem:v2+s24+$0x0], $0xffff;
	v17 =	vadd.f32 v19, v17  }
0x176: {  	v19 =	vld.idx.msk [tilespmem:v8+s23+$0x0], $0xffff  }
0x177: {  	v24 =	vld.idx.msk [tilespmem:v3+s24+$0x0], $0xffff;
	v17 =	vadd.f32 v52, v17  }
0x178: {  	v53 =	vld.idx.msk [tilespmem:v9+s23+$0x0], $0xffff  }
0x179: {  	v54 =	vld.idx.msk [tilespmem:v4+s24+$0x0], $0xffff;
	v21 =	vadd.f32 v22, v21;
	v17 =	vadd.f32 v18, v17  }
0x17a: {  	v18 =	vld.idx.msk [tilespmem:v10+s23+$0x0], $0xffff  }
0x17b: {  	v55 =	vld.idx.msk [tilespmem:v5+s24+$0x0], $0xffff;
	v21 =	vadd.f32 v23, v21;
	v17 =	vadd.f32 v19, v17  }
0x17c: {  	v19 =	vld.idx.msk [tilespmem:v11+s23+$0x0], $0xffff  }
0x17d: {  	v56 =	vld.idx.msk [tilespmem:v6+s24+$0x0], $0xffff;
	v21 =	vadd.f32 v24, v21;
	v17 =	vadd.f32 v53, v17  }
0x17e: {  	v57 =	vld.idx.msk [tilespmem:v12+s23+$0x0], $0xffff  }
0x17f: {  	v58 =	vld.idx.msk [tilespmem:v7+s24+$0x0], $0xffff;
	v21 =	vadd.f32 v54, v21;
	v17 =	vadd.f32 v18, v17  }
0x180: {  	v18 =	vld.idx.msk [tilespmem:v13+s23+$0x0], $0xffff  }
0x181: {  	v59 =	vld.idx.msk [tilespmem:v8+s24+$0x0], $0xffff;
	v21 =	vadd.f32 v55, v21;
	v17 =	vadd.f32 v19, v17  }
0x182: {  	v19 =	vld.idx.msk [tilespmem:v14+s23+$0x0], $0xffff  }
0x183: {  	v60 =	vld.idx.msk [tilespmem:v9+s24+$0x0], $0xffff;
	v21 =	vadd.f32 v56, v21;
	v17 =	vadd.f32 v57, v17  }
0x184: {  	v61 =	vld.idx.msk [tilespmem:v15+s23+$0x0], $0xffff  }
0x185: {  	v21 =	vadd.f32 v58, v21;
	v17 =	vadd.f32 v18, v17  }
0x186: {  	v18 =	vld.idx.msk [tilespmem:v10+s24+$0x0], $0xffff  }
0x187: {  	v21 =	vadd.f32 v59, v21;
	v17 =	vadd.f32 v19, v17  }
0x188: {  	v19 =	vld.idx.msk [tilespmem:v11+s24+$0x0], $0xffff  }
0x189: {  	v21 =	vadd.f32 v60, v21;
	v17 =	vadd.f32 v61, v17  }
0x18a: {  	v62 =	vld.idx.msk [tilespmem:v12+s24+$0x0], $0xffff  }
0x18b: {  	v18 =	vadd.f32 v18, v21;
	v17 =	vmul.f32 $1.442695020e+00, v17  }
0x18c: {  	v63 =	vld.idx.msk [tilespmem:v13+s24+$0x0], $0xffff  }
0x18d: {  	v18 =	vadd.f32 v19, v18;
	(erf) = vpow2.f32 v17  }
0x18e: {  	v17 =	vld.idx.msk [tilespmem:v14+s24+$0x0], $0xffff  }
0x18f: {  	v18 =	vadd.f32 v62, v18  }
0x190: {  	v19 =	vld.idx.msk [tilespmem:v15+s24+$0x0], $0xffff  }
0x191: {  	v18 =	vadd.f32 v63, v18;
	_ =	sdelay $0x1  }
0x192: {  	v17 =	vadd.f32 v17, v18;
	_ =	sdelay $0x1  }
0x193: {  	v17 =	vadd.f32 v19, v17  }
0x194: {  	p0 =	seq.s32 s30, $0x3;
	v18 =	vpop (erf)  }
0x195: {  	s0 =	sshll.u32 s30, $0x8;
	s2 =	sshll.u32 @!p0 s30, $0xA;
	v17 =	vadd.f32 v18, v17  }
0x196: {  	s0 =	sand.u32 $0x3FFFFF00, s0;
	s2 =	sand.u32 @!p0 $0x3FFFFC00, s2  }
0x197: {  	s10 =	simm.s32 @!p0 $0x44;
	s11 =	simm.s32 @!p0 $0x1000;
	[tilespmem:s0+$0x12480] =	vst v17;
	s0 =	sadd.s32 @!p0 $0x400, s2  }
0x198: {  	[tilespmem:s11], [sflag:$0x1] =	stream.indirect.gather @!p0 [hbm4b:s1+s10], $0x80, s0, s10, $0xb8;
	[tilespmem:$0x12900] =	vst v63  }
0x199: {  	s0 =	sadd.s32 @!p0 $0x480, s2;
	s11 =	simm.s32 @!p0 $0x3200  }
0x19a: {  	[tilespmem:s11], [sflag:$0x1] =	stream.indirect.gather @!p0 [hbm4b:s1+s10], $0x80, s0, s10, $0xb8;
	[tilespmem:$0x12900] =	vst v63  }
0x19b: {  	s0 =	sadd.s32 @!p0 $0x500, s2;
	s11 =	simm.s32 @!p0 $0x5400  }
0x19c: {  	[tilespmem:s11], [sflag:$0x1] =	stream.indirect.gather @!p0 [hbm4b:s1+s10], $0x80, s0, s10, $0xb8;
	[tilespmem:$0x12900] =	vst v63  }
0x19d: {  	s0 =	sadd.s32 @!p0 $0x580, s2;
	s2 =	simm.s32 @!p0 $0x7600  }
0x19e: {  	[tilespmem:s2], [sflag:$0x1] =	stream.indirect.gather @!p0 [hbm4b:s1+s10], $0x80, s0, s10, $0xb8;
	[tilespmem:$0x12900] =	vst v63  }
0x19f: {  	_ =	swait.ge [sflag:s25], $0x2200  }
0x1a0: {  	[sflag:s25] =	ssyncset.done $0x0  }
0x1a1: {  	[sflag:s25] =	ssyncadd.s32 $0xFFFFDE00  }
0x1a2: {  	_ =	swait.ge [sflag:s25], $0x2200  }
0x1a3: {  	[sflag:s25] =	ssyncset.done $0x0  }
0x1a4: {  	[sflag:s25] =	ssyncadd.s32 $0xFFFFDE00  }
0x1a5: {  	_ =	swait.ge [sflag:s25], $0x2200  }
0x1a6: {  	[sflag:s25] =	ssyncset.done $0x0  }
0x1a7: {  	[sflag:s25] =	ssyncadd.s32 $0xFFFFDE00  }
0x1a8: {  	_ =	swait.ge [sflag:s25], $0x2200  }
0x1a9: {  	s2 =	simm.s32 $0x0;
	[sflag:s25] =	ssyncset.done $0x0  }
0x1aa: {  	s0 =	simm.s32 $0x12180;
	s10 =	simm.s32 $0x12300;
	[sflag:s25] =	ssyncadd.s32 $0xFFFFDE00  }
.LBB2_5:
0x1ab: {  	s11 =	sshra.s32 s2, $0x2  }
0x1ac: {  	v23 =	vld [tilespmem:s11+$0x9800]  }
0x1ad: {  	v20 =	vld [tilespmem:s11+$0x9810]  }
0x1ae: {  	v24 =	vld [tilespmem:s11+$0x9820]  }
0x1af: {  	v22 =	vld [tilespmem:s11+$0x9830]  }
0x1b0: {  	v21 =	vld [tilespmem:s11+$0x9840]  }
0x1b1: {  	v19 =	vld [tilespmem:s11+$0x9850]  }
0x1b2: {  	v17 =	vld [tilespmem:s11+$0x9860]  }
0x1b3: {  	v18 =	vld [tilespmem:s11+$0x9870];
	v25 =	vmul.f32 v23, v23;
	v26 =	vmul.f32 v24, v24  }
0x1b4: {  	v27 =	vmul.f32 v20, v20;
	v28 =	vmul.f32 v22, v22  }
0x1b5: {  	v33 =	vmul.f32 v21, v21  }
0x1b6: {  	v34 =	vmul.f32 v19, v19;
	v25 =	vadd.f32 v26, v25;
	v27 =	vadd.f32 v28, v27  }
0x1b7: {  	v36 =	vmul.f32 v17, v17  }
0x1b8: {  	v37 =	vmul.f32 v18, v18;
	v25 =	vadd.f32 v33, v25;
	v35 =	vadd.f32 v34, v27;
	_ =	sdelay $0x1  }
0x1b9: {  	v25 =	vadd.f32 v36, v25;
	v26 =	vadd.f32 v37, v35;
	_ =	sdelay $0x1  }
0x1ba: {  	v25 =	vadd.f32 v26, v25;
	_ =	sdelay $0x1  }
0x1bb: {  	[tilespmem:s0+$0x0] =	vst v25  }
0x1bc: {  	v25 =	vld [tilespmem:s11+$0x9880]  }
0x1bd: {  	v38 =	vld [tilespmem:s11+$0x9890]  }
0x1be: {  	v39 =	vld [tilespmem:s11+$0x98A0]  }
0x1bf: {  	v40 =	vld [tilespmem:s11+$0x98B0]  }
0x1c0: {  	v29 =	vld [tilespmem:s11+$0x98C0]  }
0x1c1: {  	v30 =	vld [tilespmem:s11+$0x98D0]  }
0x1c2: {  	v31 =	vld [tilespmem:s11+$0x98E0]  }
0x1c3: {  	v32 =	vld [tilespmem:s11+$0x98F0];
	v25 =	vmul.f32 v25, v23;
	v27 =	vmul.f32 v39, v24  }
0x1c4: {  	v26 =	vmul.f32 v38, v20;
	v28 =	vmul.f32 v40, v22  }
0x1c5: {  	v41 =	vmul.f32 v29, v21  }
0x1c6: {  	v42 =	vmul.f32 v30, v19;
	v25 =	vadd.f32 v27, v25;
	v26 =	vadd.f32 v28, v26  }
0x1c7: {  	v43 =	vmul.f32 v31, v17  }
0x1c8: {  	v44 =	vmul.f32 v32, v18;
	v25 =	vadd.f32 v41, v25;
	v26 =	vadd.f32 v42, v26;
	_ =	sdelay $0x1  }
0x1c9: {  	v25 =	vadd.f32 v43, v25;
	v26 =	vadd.f32 v44, v26;
	_ =	sdelay $0x1  }
0x1ca: {  	v25 =	vadd.f32 v26, v25;
	_ =	sdelay $0x1  }
0x1cb: {  	[tilespmem:$0x12000] =	vst v25  }
0x1cc: {  	v25 =	vld [tilespmem:s11+$0x9900]  }
0x1cd: {  	v45 =	vld [tilespmem:s11+$0x9910]  }
0x1ce: {  	v46 =	vld [tilespmem:s11+$0x9920]  }
0x1cf: {  	v47 =	vld [tilespmem:s11+$0x9930]  }
0x1d0: {  	v48 =	vld [tilespmem:s11+$0x9940]  }
0x1d1: {  	v49 =	vld [tilespmem:s11+$0x9950]  }
0x1d2: {  	v50 =	vld [tilespmem:s11+$0x9960]  }
0x1d3: {  	v51 =	vld [tilespmem:s11+$0x9970];
	v25 =	vmul.f32 v25, v23;
	v27 =	vmul.f32 v46, v24  }
0x1d4: {  	v26 =	vmul.f32 v45, v20;
	v28 =	vmul.f32 v47, v22  }
0x1d5: {  	v52 =	vmul.f32 v48, v21  }
0x1d6: {  	v53 =	vmul.f32 v49, v19;
	v25 =	vadd.f32 v27, v25;
	v26 =	vadd.f32 v28, v26  }
0x1d7: {  	v54 =	vmul.f32 v50, v17  }
0x1d8: {  	v55 =	vmul.f32 v51, v18;
	v25 =	vadd.f32 v52, v25;
	v26 =	vadd.f32 v53, v26;
	_ =	sdelay $0x1  }
0x1d9: {  	v25 =	vadd.f32 v54, v25;
	v26 =	vadd.f32 v55, v26;
	_ =	sdelay $0x1  }
0x1da: {  	v25 =	vadd.f32 v26, v25;
	_ =	sdelay $0x1  }
0x1db: {  	[tilespmem:$0x12011] =	vst v25  }
0x1dc: {  	v25 =	vld [tilespmem:s11+$0x9980]  }
0x1dd: {  	v56 =	vld [tilespmem:s11+$0x9990]  }
0x1de: {  	v57 =	vld [tilespmem:s11+$0x99A0]  }
0x1df: {  	v58 =	vld [tilespmem:s11+$0x99B0]  }
0x1e0: {  	v59 =	vld [tilespmem:s11+$0x99C0]  }
0x1e1: {  	v60 =	vld [tilespmem:s11+$0x99D0]  }
0x1e2: {  	v61 =	vld [tilespmem:s11+$0x99E0]  }
0x1e3: {  	v62 =	vld [tilespmem:s11+$0x99F0];
	v25 =	vmul.f32 v25, v23;
	v27 =	vmul.f32 v57, v24  }
0x1e4: {  	v26 =	vmul.f32 v56, v20;
	v28 =	vmul.f32 v58, v22  }
0x1e5: {  	v63 =	vmul.f32 v59, v21  }
0x1e6: {  	v33 =	vmul.f32 v60, v19;
	v25 =	vadd.f32 v27, v25;
	v26 =	vadd.f32 v28, v26  }
0x1e7: {  	v34 =	vmul.f32 v61, v17  }
0x1e8: {  	v35 =	vmul.f32 v62, v18;
	v25 =	vadd.f32 v63, v25;
	v26 =	vadd.f32 v33, v26;
	_ =	sdelay $0x1  }
0x1e9: {  	v25 =	vadd.f32 v34, v25;
	v26 =	vadd.f32 v35, v26;
	_ =	sdelay $0x1  }
0x1ea: {  	v25 =	vadd.f32 v26, v25;
	_ =	sdelay $0x1  }
0x1eb: {  	[tilespmem:$0x12022] =	vst v25  }
0x1ec: {  	v25 =	vld [tilespmem:s11+$0x9A00]  }
0x1ed: {  	v36 =	vld [tilespmem:s11+$0x9A10]  }
0x1ee: {  	v37 =	vld [tilespmem:s11+$0x9A20]  }
0x1ef: {  	v38 =	vld [tilespmem:s11+$0x9A30]  }
0x1f0: {  	v39 =	vld [tilespmem:s11+$0x9A40]  }
0x1f1: {  	v40 =	vld [tilespmem:s11+$0x9A50]  }
0x1f2: {  	v41 =	vld [tilespmem:s11+$0x9A60]  }
0x1f3: {  	v42 =	vld [tilespmem:s11+$0x9A70];
	v25 =	vmul.f32 v25, v23;
	v27 =	vmul.f32 v37, v24  }
0x1f4: {  	v26 =	vmul.f32 v36, v20;
	v28 =	vmul.f32 v38, v22  }
0x1f5: {  	v43 =	vmul.f32 v39, v21  }
0x1f6: {  	v44 =	vmul.f32 v40, v19;
	v25 =	vadd.f32 v27, v25;
	v26 =	vadd.f32 v28, v26  }
0x1f7: {  	v45 =	vmul.f32 v41, v17  }
0x1f8: {  	v46 =	vmul.f32 v42, v18;
	v25 =	vadd.f32 v43, v25;
	v26 =	vadd.f32 v44, v26;
	_ =	sdelay $0x1  }
0x1f9: {  	v25 =	vadd.f32 v45, v25;
	v26 =	vadd.f32 v46, v26;
	_ =	sdelay $0x1  }
0x1fa: {  	v25 =	vadd.f32 v26, v25;
	_ =	sdelay $0x1  }
0x1fb: {  	[tilespmem:$0x12033] =	vst v25  }
0x1fc: {  	v25 =	vld [tilespmem:s11+$0x9A80]  }
0x1fd: {  	v47 =	vld [tilespmem:s11+$0x9A90]  }
0x1fe: {  	v48 =	vld [tilespmem:s11+$0x9AA0]  }
0x1ff: {  	v49 =	vld [tilespmem:s11+$0x9AB0]  }
0x200: {  	v50 =	vld [tilespmem:s11+$0x9AC0]  }
0x201: {  	v51 =	vld [tilespmem:s11+$0x9AD0]  }
0x202: {  	v52 =	vld [tilespmem:s11+$0x9AE0]  }
0x203: {  	v53 =	vld [tilespmem:s11+$0x9AF0];
	v25 =	vmul.f32 v25, v23;
	v27 =	vmul.f32 v48, v24  }
0x204: {  	v26 =	vmul.f32 v47, v20;
	v28 =	vmul.f32 v49, v22  }
0x205: {  	v54 =	vmul.f32 v50, v21  }
0x206: {  	v55 =	vmul.f32 v51, v19;
	v25 =	vadd.f32 v27, v25;
	v26 =	vadd.f32 v28, v26  }
0x207: {  	v56 =	vmul.f32 v52, v17  }
0x208: {  	v57 =	vmul.f32 v53, v18;
	v25 =	vadd.f32 v54, v25;
	v26 =	vadd.f32 v55, v26;
	_ =	sdelay $0x1  }
0x209: {  	v25 =	vadd.f32 v56, v25;
	v26 =	vadd.f32 v57, v26;
	_ =	sdelay $0x1  }
0x20a: {  	v25 =	vadd.f32 v26, v25;
	_ =	sdelay $0x1  }
0x20b: {  	[tilespmem:$0x12044] =	vst v25  }
0x20c: {  	v25 =	vld [tilespmem:s11+$0x9B00]  }
0x20d: {  	v58 =	vld [tilespmem:s11+$0x9B10]  }
0x20e: {  	v59 =	vld [tilespmem:s11+$0x9B20]  }
0x20f: {  	v60 =	vld [tilespmem:s11+$0x9B30]  }
0x210: {  	v61 =	vld [tilespmem:s11+$0x9B40]  }
0x211: {  	v62 =	vld [tilespmem:s11+$0x9B50]  }
0x212: {  	v63 =	vld [tilespmem:s11+$0x9B60]  }
0x213: {  	v36 =	vld [tilespmem:s11+$0x9B70];
	v25 =	vmul.f32 v25, v23;
	v27 =	vmul.f32 v59, v24  }
0x214: {  	v26 =	vmul.f32 v58, v20;
	v28 =	vmul.f32 v60, v22  }
0x215: {  	v37 =	vmul.f32 v61, v21  }
0x216: {  	v38 =	vmul.f32 v62, v19;
	v25 =	vadd.f32 v27, v25;
	v26 =	vadd.f32 v28, v26  }
0x217: {  	v39 =	vmul.f32 v63, v17  }
0x218: {  	v40 =	vmul.f32 v36, v18;
	v25 =	vadd.f32 v37, v25;
	v26 =	vadd.f32 v38, v26;
	_ =	sdelay $0x1  }
0x219: {  	v25 =	vadd.f32 v39, v25;
	v26 =	vadd.f32 v40, v26;
	_ =	sdelay $0x1  }
0x21a: {  	v25 =	vadd.f32 v26, v25;
	_ =	sdelay $0x1  }
0x21b: {  	[tilespmem:$0x12055] =	vst v25  }
0x21c: {  	v25 =	vld [tilespmem:s11+$0x9B80]  }
0x21d: {  	v41 =	vld [tilespmem:s11+$0x9B90]  }
0x21e: {  	v42 =	vld [tilespmem:s11+$0x9BA0]  }
0x21f: {  	v43 =	vld [tilespmem:s11+$0x9BB0]  }
0x220: {  	v44 =	vld [tilespmem:s11+$0x9BC0]  }
0x221: {  	v45 =	vld [tilespmem:s11+$0x9BD0]  }
0x222: {  	v46 =	vld [tilespmem:s11+$0x9BE0]  }
0x223: {  	v47 =	vld [tilespmem:s11+$0x9BF0];
	v25 =	vmul.f32 v25, v23;
	v27 =	vmul.f32 v42, v24  }
0x224: {  	v26 =	vmul.f32 v41, v20;
	v28 =	vmul.f32 v43, v22  }
0x225: {  	v48 =	vmul.f32 v44, v21  }
0x226: {  	v49 =	vmul.f32 v45, v19;
	v25 =	vadd.f32 v27, v25;
	v26 =	vadd.f32 v28, v26  }
0x227: {  	v50 =	vmul.f32 v46, v17  }
0x228: {  	v51 =	vmul.f32 v47, v18;
	v25 =	vadd.f32 v48, v25;
	v26 =	vadd.f32 v49, v26;
	_ =	sdelay $0x1  }
0x229: {  	v25 =	vadd.f32 v50, v25;
	v26 =	vadd.f32 v51, v26;
	_ =	sdelay $0x1  }
0x22a: {  	v25 =	vadd.f32 v26, v25;
	_ =	sdelay $0x1  }
0x22b: {  	[tilespmem:$0x12066] =	vst v25  }
0x22c: {  	v25 =	vld [tilespmem:s11+$0x9C00]  }
0x22d: {  	v52 =	vld [tilespmem:s11+$0x9C10]  }
0x22e: {  	v53 =	vld [tilespmem:s11+$0x9C20]  }
0x22f: {  	v54 =	vld [tilespmem:s11+$0x9C30]  }
0x230: {  	v55 =	vld [tilespmem:s11+$0x9C40]  }
0x231: {  	v56 =	vld [tilespmem:s11+$0x9C50]  }
0x232: {  	v57 =	vld [tilespmem:s11+$0x9C60]  }
0x233: {  	v58 =	vld [tilespmem:s11+$0x9C70];
	v25 =	vmul.f32 v25, v23;
	v27 =	vmul.f32 v53, v24  }
0x234: {  	v26 =	vmul.f32 v52, v20;
	v28 =	vmul.f32 v54, v22  }
0x235: {  	v59 =	vmul.f32 v55, v21  }
0x236: {  	v60 =	vmul.f32 v56, v19;
	v25 =	vadd.f32 v27, v25;
	v26 =	vadd.f32 v28, v26  }
0x237: {  	v61 =	vmul.f32 v57, v17  }
0x238: {  	v62 =	vmul.f32 v58, v18;
	v25 =	vadd.f32 v59, v25;
	v26 =	vadd.f32 v60, v26;
	_ =	sdelay $0x1  }
0x239: {  	v25 =	vadd.f32 v61, v25;
	v26 =	vadd.f32 v62, v26;
	_ =	sdelay $0x1  }
0x23a: {  	v25 =	vadd.f32 v26, v25;
	_ =	sdelay $0x1  }
0x23b: {  	[tilespmem:$0x12077] =	vst v25  }
0x23c: {  	v25 =	vld [tilespmem:s11+$0x9C80]  }
0x23d: {  	v63 =	vld [tilespmem:s11+$0x9C90]  }
0x23e: {  	v35 =	vld [tilespmem:s11+$0x9CA0]  }
0x23f: {  	v36 =	vld [tilespmem:s11+$0x9CB0]  }
0x240: {  	v37 =	vld [tilespmem:s11+$0x9CC0]  }
0x241: {  	v38 =	vld [tilespmem:s11+$0x9CD0]  }
0x242: {  	v39 =	vld [tilespmem:s11+$0x9CE0]  }
0x243: {  	v40 =	vld [tilespmem:s11+$0x9CF0];
	v25 =	vmul.f32 v25, v23;
	v27 =	vmul.f32 v35, v24  }
0x244: {  	v26 =	vmul.f32 v63, v20;
	v28 =	vmul.f32 v36, v22  }
0x245: {  	v41 =	vmul.f32 v37, v21  }
0x246: {  	v42 =	vmul.f32 v38, v19;
	v25 =	vadd.f32 v27, v25;
	v26 =	vadd.f32 v28, v26  }
0x247: {  	v43 =	vmul.f32 v39, v17  }
0x248: {  	v44 =	vmul.f32 v40, v18;
	v25 =	vadd.f32 v41, v25;
	v26 =	vadd.f32 v42, v26;
	_ =	sdelay $0x1  }
0x249: {  	v25 =	vadd.f32 v43, v25;
	v26 =	vadd.f32 v44, v26;
	_ =	sdelay $0x1  }
0x24a: {  	v25 =	vadd.f32 v26, v25;
	_ =	sdelay $0x1  }
0x24b: {  	[tilespmem:$0x12088] =	vst v25  }
0x24c: {  	v25 =	vld [tilespmem:s11+$0x9D00]  }
0x24d: {  	v45 =	vld [tilespmem:s11+$0x9D10]  }
0x24e: {  	v46 =	vld [tilespmem:s11+$0x9D20]  }
0x24f: {  	v47 =	vld [tilespmem:s11+$0x9D30]  }
0x250: {  	v48 =	vld [tilespmem:s11+$0x9D40]  }
0x251: {  	v49 =	vld [tilespmem:s11+$0x9D50]  }
0x252: {  	v50 =	vld [tilespmem:s11+$0x9D60]  }
0x253: {  	v51 =	vld [tilespmem:s11+$0x9D70];
	v25 =	vmul.f32 v25, v23;
	v27 =	vmul.f32 v46, v24  }
0x254: {  	v26 =	vmul.f32 v45, v20;
	v28 =	vmul.f32 v47, v22  }
0x255: {  	v52 =	vmul.f32 v48, v21  }
0x256: {  	v53 =	vmul.f32 v49, v19;
	v25 =	vadd.f32 v27, v25;
	v26 =	vadd.f32 v28, v26  }
0x257: {  	v54 =	vmul.f32 v50, v17  }
0x258: {  	v55 =	vmul.f32 v51, v18;
	v25 =	vadd.f32 v52, v25;
	v26 =	vadd.f32 v53, v26;
	_ =	sdelay $0x1  }
0x259: {  	v25 =	vadd.f32 v54, v25;
	v26 =	vadd.f32 v55, v26;
	_ =	sdelay $0x1  }
0x25a: {  	v25 =	vadd.f32 v26, v25;
	_ =	sdelay $0x1  }
0x25b: {  	[tilespmem:$0x12099] =	vst v25  }
0x25c: {  	v25 =	vld [tilespmem:s11+$0x9D80]  }
0x25d: {  	v56 =	vld [tilespmem:s11+$0x9D90]  }
0x25e: {  	v57 =	vld [tilespmem:s11+$0x9DA0]  }
0x25f: {  	v58 =	vld [tilespmem:s11+$0x9DB0]  }
0x260: {  	v59 =	vld [tilespmem:s11+$0x9DC0]  }
0x261: {  	v60 =	vld [tilespmem:s11+$0x9DD0]  }
0x262: {  	v61 =	vld [tilespmem:s11+$0x9DE0]  }
0x263: {  	v62 =	vld [tilespmem:s11+$0x9DF0];
	v25 =	vmul.f32 v25, v23;
	v27 =	vmul.f32 v57, v24  }
0x264: {  	v26 =	vmul.f32 v56, v20;
	v28 =	vmul.f32 v58, v22  }
0x265: {  	v63 =	vmul.f32 v59, v21  }
0x266: {  	v33 =	vmul.f32 v60, v19;
	v25 =	vadd.f32 v27, v25;
	v26 =	vadd.f32 v28, v26  }
0x267: {  	v34 =	vmul.f32 v61, v17  }
0x268: {  	v35 =	vmul.f32 v62, v18;
	v25 =	vadd.f32 v63, v25;
	v26 =	vadd.f32 v33, v26;
	_ =	sdelay $0x1  }
0x269: {  	v25 =	vadd.f32 v34, v25;
	v26 =	vadd.f32 v35, v26;
	_ =	sdelay $0x1  }
0x26a: {  	v25 =	vadd.f32 v26, v25;
	_ =	sdelay $0x1  }
0x26b: {  	[tilespmem:$0x120AA] =	vst v25  }
0x26c: {  	v25 =	vld [tilespmem:s11+$0x9E00]  }
0x26d: {  	v36 =	vld [tilespmem:s11+$0x9E10]  }
0x26e: {  	v37 =	vld [tilespmem:s11+$0x9E20]  }
0x26f: {  	v38 =	vld [tilespmem:s11+$0x9E30]  }
0x270: {  	v39 =	vld [tilespmem:s11+$0x9E40]  }
0x271: {  	v40 =	vld [tilespmem:s11+$0x9E50]  }
0x272: {  	v41 =	vld [tilespmem:s11+$0x9E60]  }
0x273: {  	v42 =	vld [tilespmem:s11+$0x9E70];
	v25 =	vmul.f32 v25, v23;
	v27 =	vmul.f32 v37, v24  }
0x274: {  	v26 =	vmul.f32 v36, v20;
	v28 =	vmul.f32 v38, v22  }
0x275: {  	v43 =	vmul.f32 v39, v21  }
0x276: {  	v44 =	vmul.f32 v40, v19;
	v25 =	vadd.f32 v27, v25;
	v26 =	vadd.f32 v28, v26  }
0x277: {  	v45 =	vmul.f32 v41, v17  }
0x278: {  	v46 =	vmul.f32 v42, v18;
	v25 =	vadd.f32 v43, v25;
	v26 =	vadd.f32 v44, v26;
	_ =	sdelay $0x1  }
0x279: {  	v25 =	vadd.f32 v45, v25;
	v26 =	vadd.f32 v46, v26;
	_ =	sdelay $0x1  }
0x27a: {  	v25 =	vadd.f32 v26, v25;
	_ =	sdelay $0x1  }
0x27b: {  	[tilespmem:$0x120BB] =	vst v25  }
0x27c: {  	v25 =	vld [tilespmem:s11+$0x9E80]  }
0x27d: {  	v47 =	vld [tilespmem:s11+$0x9E90]  }
0x27e: {  	v48 =	vld [tilespmem:s11+$0x9EA0]  }
0x27f: {  	v49 =	vld [tilespmem:s11+$0x9EB0]  }
0x280: {  	v50 =	vld [tilespmem:s11+$0x9EC0]  }
0x281: {  	v51 =	vld [tilespmem:s11+$0x9ED0]  }
0x282: {  	v52 =	vld [tilespmem:s11+$0x9EE0]  }
0x283: {  	v53 =	vld [tilespmem:s11+$0x9EF0];
	v25 =	vmul.f32 v25, v23;
	v27 =	vmul.f32 v48, v24  }
0x284: {  	v26 =	vmul.f32 v47, v20;
	v28 =	vmul.f32 v49, v22  }
0x285: {  	v54 =	vmul.f32 v50, v21  }
0x286: {  	v55 =	vmul.f32 v51, v19;
	v25 =	vadd.f32 v27, v25;
	v26 =	vadd.f32 v28, v26  }
0x287: {  	v56 =	vmul.f32 v52, v17  }
0x288: {  	v57 =	vmul.f32 v53, v18;
	v25 =	vadd.f32 v54, v25;
	v26 =	vadd.f32 v55, v26;
	_ =	sdelay $0x1  }
0x289: {  	v25 =	vadd.f32 v56, v25;
	v26 =	vadd.f32 v57, v26;
	_ =	sdelay $0x1  }
0x28a: {  	v25 =	vadd.f32 v26, v25;
	_ =	sdelay $0x1  }
0x28b: {  	[tilespmem:$0x120CC] =	vst v25  }
0x28c: {  	v25 =	vld [tilespmem:s11+$0x9F00]  }
0x28d: {  	v58 =	vld [tilespmem:s11+$0x9F10]  }
0x28e: {  	v59 =	vld [tilespmem:s11+$0x9F20]  }
0x28f: {  	v60 =	vld [tilespmem:s11+$0x9F30]  }
0x290: {  	v61 =	vld [tilespmem:s11+$0x9F40]  }
0x291: {  	v62 =	vld [tilespmem:s11+$0x9F50]  }
0x292: {  	v63 =	vld [tilespmem:s11+$0x9F60]  }
0x293: {  	v36 =	vld [tilespmem:s11+$0x9F70];
	v25 =	vmul.f32 v25, v23;
	v27 =	vmul.f32 v59, v24  }
0x294: {  	v26 =	vmul.f32 v58, v20;
	v28 =	vmul.f32 v60, v22  }
0x295: {  	v37 =	vmul.f32 v61, v21  }
0x296: {  	v38 =	vmul.f32 v62, v19;
	v25 =	vadd.f32 v27, v25;
	v26 =	vadd.f32 v28, v26  }
0x297: {  	v39 =	vmul.f32 v63, v17  }
0x298: {  	v40 =	vmul.f32 v36, v18;
	v25 =	vadd.f32 v37, v25;
	v26 =	vadd.f32 v38, v26;
	_ =	sdelay $0x1  }
0x299: {  	v25 =	vadd.f32 v39, v25;
	v26 =	vadd.f32 v40, v26;
	_ =	sdelay $0x1  }
0x29a: {  	v25 =	vadd.f32 v26, v25;
	_ =	sdelay $0x1  }
0x29b: {  	[tilespmem:$0x120DD] =	vst v25  }
0x29c: {  	v25 =	vld [tilespmem:s11+$0x9F80]  }
0x29d: {  	v41 =	vld [tilespmem:s11+$0x9F90]  }
0x29e: {  	v42 =	vld [tilespmem:s11+$0x9FA0]  }
0x29f: {  	v43 =	vld [tilespmem:s11+$0x9FB0]  }
0x2a0: {  	v44 =	vld [tilespmem:s11+$0x9FC0]  }
0x2a1: {  	v45 =	vld [tilespmem:s11+$0x9FD0]  }
0x2a2: {  	v46 =	vld [tilespmem:s11+$0x9FE0]  }
0x2a3: {  	v47 =	vld [tilespmem:s11+$0x9FF0];
	v25 =	vmul.f32 v25, v23;
	v27 =	vmul.f32 v42, v24  }
0x2a4: {  	v26 =	vmul.f32 v41, v20;
	v28 =	vmul.f32 v43, v22  }
0x2a5: {  	v48 =	vmul.f32 v44, v21  }
0x2a6: {  	v49 =	vmul.f32 v45, v19;
	v25 =	vadd.f32 v27, v25;
	v26 =	vadd.f32 v28, v26  }
0x2a7: {  	v50 =	vmul.f32 v46, v17  }
0x2a8: {  	v51 =	vmul.f32 v47, v18;
	v25 =	vadd.f32 v48, v25;
	v26 =	vadd.f32 v49, v26;
	_ =	sdelay $0x1  }
0x2a9: {  	v25 =	vadd.f32 v50, v25;
	v26 =	vadd.f32 v51, v26;
	_ =	sdelay $0x1  }
0x2aa: {  	v25 =	vadd.f32 v26, v25;
	_ =	sdelay $0x1  }
0x2ab: {  	[tilespmem:$0x120EE] =	vst v25  }
0x2ac: {  	v25 =	vld [tilespmem:s11+$0xA000]  }
0x2ad: {  	v52 =	vld [tilespmem:s11+$0xA010]  }
0x2ae: {  	v53 =	vld [tilespmem:s11+$0xA020]  }
0x2af: {  	v54 =	vld [tilespmem:s11+$0xA030]  }
0x2b0: {  	v55 =	vld [tilespmem:s11+$0xA040]  }
0x2b1: {  	v56 =	vld [tilespmem:s11+$0xA050]  }
0x2b2: {  	v57 =	vld [tilespmem:s11+$0xA060]  }
0x2b3: {  	v58 =	vld [tilespmem:s11+$0xA070];
	v23 =	vmul.f32 v25, v23;
	v24 =	vmul.f32 v53, v24  }
0x2b4: {  	v20 =	vmul.f32 v52, v20;
	v22 =	vmul.f32 v54, v22  }
0x2b5: {  	v21 =	vmul.f32 v55, v21  }
0x2b6: {  	v19 =	vmul.f32 v56, v19;
	v23 =	vadd.f32 v24, v23;
	v20 =	vadd.f32 v22, v20  }
0x2b7: {  	v17 =	vmul.f32 v57, v17  }
0x2b8: {  	v18 =	vmul.f32 v58, v18;
	v21 =	vadd.f32 v21, v23;
	v19 =	vadd.f32 v19, v20;
	_ =	sdelay $0x1  }
0x2b9: {  	v17 =	vadd.f32 v17, v21;
	v18 =	vadd.f32 v18, v19;
	_ =	sdelay $0x1  }
0x2ba: {  	v17 =	vadd.f32 v18, v17;
	_ =	sdelay $0x1  }
0x2bb: {  	[tilespmem:$0x120FF] =	vst v17  }
0x2bc: {  	v17 =	vld.idx.msk [tilespmem:v0+s22+$0x0], $0xffff  }
0x2bd: {  	v18 =	vld.idx.msk [tilespmem:v1+s22+$0x0], $0xffff;
	_ =	sdelay $0x1  }
0x2be: {  	v19 =	vld.idx.msk [tilespmem:v2+s22+$0x0], $0xffff;
	_ =	sdelay $0x1  }
0x2bf: {  	v59 =	vld.idx.msk [tilespmem:v3+s22+$0x0], $0xffff  }
0x2c0: {  	v17 =	vadd.f32 v18, v17  }
0x2c1: {  	v18 =	vld.idx.msk [tilespmem:v4+s22+$0x0], $0xffff  }
0x2c2: {  	v17 =	vadd.f32 v19, v17  }
0x2c3: {  	v19 =	vld.idx.msk [tilespmem:v5+s22+$0x0], $0xffff  }
0x2c4: {  	v17 =	vadd.f32 v59, v17  }
0x2c5: {  	v60 =	vld.idx.msk [tilespmem:v6+s22+$0x0], $0xffff  }
0x2c6: {  	v17 =	vadd.f32 v18, v17  }
0x2c7: {  	v18 =	vld.idx.msk [tilespmem:v7+s22+$0x0], $0xffff  }
0x2c8: {  	v17 =	vadd.f32 v19, v17  }
0x2c9: {  	v19 =	vld.idx.msk [tilespmem:v8+s22+$0x0], $0xffff  }
0x2ca: {  	v17 =	vadd.f32 v60, v17  }
0x2cb: {  	v61 =	vld.idx.msk [tilespmem:v9+s22+$0x0], $0xffff  }
0x2cc: {  	v17 =	vadd.f32 v18, v17  }
0x2cd: {  	v18 =	vld.idx.msk [tilespmem:v10+s22+$0x0], $0xffff  }
0x2ce: {  	v17 =	vadd.f32 v19, v17  }
0x2cf: {  	v19 =	vld.idx.msk [tilespmem:v11+s22+$0x0], $0xffff  }
0x2d0: {  	v17 =	vadd.f32 v61, v17  }
0x2d1: {  	v62 =	vld.idx.msk [tilespmem:v12+s22+$0x0], $0xffff  }
0x2d2: {  	v17 =	vadd.f32 v18, v17  }
0x2d3: {  	v18 =	vld.idx.msk [tilespmem:v13+s22+$0x0], $0xffff  }
0x2d4: {  	v17 =	vadd.f32 v19, v17  }
0x2d5: {  	v19 =	vld.idx.msk [tilespmem:v14+s22+$0x0], $0xffff  }
0x2d6: {  	v17 =	vadd.f32 v62, v17  }
0x2d7: {  	v63 =	vld.idx.msk [tilespmem:v15+s22+$0x0], $0xffff  }
0x2d8: {  	v17 =	vadd.f32 v18, v17;
	_ =	sdelay $0x1  }
0x2d9: {  	v17 =	vadd.f32 v19, v17;
	_ =	sdelay $0x1  }
0x2da: {  	v17 =	vadd.f32 v63, v17;
	_ =	sdelay $0x1  }
0x2db: {  	v18 =	vmul.f32 $1.442695020e+00, v17;
	_ =	sdelay $0x1  }
0x2dc: {  	(erf) = vpow2.f32 v18;
	_ =	sdelay $0x4  }
0x2dd: {  	p0 =	sne.s32 s2, $0x1FE00  }
.Ltmp1:
0x2de: {  	_ = 	snop;
	(pc) =	sbr.rel @p0 .LBB2_5-.Ltmp1, $3  }
0x2df: {  	_ =	sdelay $0x1  }
0x2e0: {  	v18 =	vpop (erf)  }
0x2e1: {  	s2 =	sadd.s32 $0x2200, s2;
	s0 =	sadd.s32 $0x11, s0;
	v16 =	vadd.f32 v17, v16;
	[tilespmem:s10+$0x0] =	vst v18;
	s10 =	sadd.s32 $0x11, s10  }
0x2e2: {  	_ =	sdelay $0x3  }
0x2e3: {  	v17 =	vld.idx.msk [tilespmem:v0+s23+$0x0], $0xffff  }
0x2e4: {  	v18 =	vld.idx.msk [tilespmem:v1+s23+$0x0], $0xffff;
	_ =	sdelay $0x1  }
0x2e5: {  	v19 =	vld.idx.msk [tilespmem:v2+s23+$0x0], $0xffff;
	_ =	sdelay $0x1  }
0x2e6: {  	v20 =	vld.idx.msk [tilespmem:v3+s23+$0x0], $0xffff  }
0x2e7: {  	v17 =	vadd.f32 v18, v17  }
0x2e8: {  	v18 =	vld.idx.msk [tilespmem:v4+s23+$0x0], $0xffff  }
0x2e9: {  	v17 =	vadd.f32 v19, v17  }
0x2ea: {  	v19 =	vld.idx.msk [tilespmem:v5+s23+$0x0], $0xffff  }
0x2eb: {  	v21 =	vld.idx.msk [tilespmem:v0+s24+$0x0], $0xffff;
	v17 =	vadd.f32 v20, v17  }
0x2ec: {  	v52 =	vld.idx.msk [tilespmem:v6+s23+$0x0], $0xffff  }
0x2ed: {  	v22 =	vld.idx.msk [tilespmem:v1+s24+$0x0], $0xffff;
	v17 =	vadd.f32 v18, v17  }
0x2ee: {  	v18 =	vld.idx.msk [tilespmem:v7+s23+$0x0], $0xffff  }
0x2ef: {  	v23 =	vld.idx.msk [tilespmem:v2+s24+$0x0], $0xffff;
	v17 =	vadd.f32 v19, v17  }
0x2f0: {  	v19 =	vld.idx.msk [tilespmem:v8+s23+$0x0], $0xffff  }
0x2f1: {  	v24 =	vld.idx.msk [tilespmem:v3+s24+$0x0], $0xffff;
	v17 =	vadd.f32 v52, v17  }
0x2f2: {  	v53 =	vld.idx.msk [tilespmem:v9+s23+$0x0], $0xffff  }
0x2f3: {  	v54 =	vld.idx.msk [tilespmem:v4+s24+$0x0], $0xffff;
	v21 =	vadd.f32 v22, v21;
	v17 =	vadd.f32 v18, v17  }
0x2f4: {  	v18 =	vld.idx.msk [tilespmem:v10+s23+$0x0], $0xffff  }
0x2f5: {  	v55 =	vld.idx.msk [tilespmem:v5+s24+$0x0], $0xffff;
	v21 =	vadd.f32 v23, v21;
	v17 =	vadd.f32 v19, v17  }
0x2f6: {  	v19 =	vld.idx.msk [tilespmem:v11+s23+$0x0], $0xffff  }
0x2f7: {  	v56 =	vld.idx.msk [tilespmem:v6+s24+$0x0], $0xffff;
	v21 =	vadd.f32 v24, v21;
	v17 =	vadd.f32 v53, v17  }
0x2f8: {  	v57 =	vld.idx.msk [tilespmem:v12+s23+$0x0], $0xffff  }
0x2f9: {  	v58 =	vld.idx.msk [tilespmem:v7+s24+$0x0], $0xffff;
	v21 =	vadd.f32 v54, v21;
	v17 =	vadd.f32 v18, v17  }
0x2fa: {  	v18 =	vld.idx.msk [tilespmem:v13+s23+$0x0], $0xffff  }
0x2fb: {  	v59 =	vld.idx.msk [tilespmem:v8+s24+$0x0], $0xffff;
	v21 =	vadd.f32 v55, v21;
	v17 =	vadd.f32 v19, v17  }
0x2fc: {  	v19 =	vld.idx.msk [tilespmem:v14+s23+$0x0], $0xffff  }
0x2fd: {  	v60 =	vld.idx.msk [tilespmem:v9+s24+$0x0], $0xffff;
	v21 =	vadd.f32 v56, v21;
	v17 =	vadd.f32 v57, v17  }
0x2fe: {  	v61 =	vld.idx.msk [tilespmem:v15+s23+$0x0], $0xffff  }
0x2ff: {  	v21 =	vadd.f32 v58, v21;
	v17 =	vadd.f32 v18, v17  }
0x300: {  	v18 =	vld.idx.msk [tilespmem:v10+s24+$0x0], $0xffff  }
0x301: {  	v21 =	vadd.f32 v59, v21;
	v17 =	vadd.f32 v19, v17  }
0x302: {  	v19 =	vld.idx.msk [tilespmem:v11+s24+$0x0], $0xffff  }
0x303: {  	v21 =	vadd.f32 v60, v21;
	v17 =	vadd.f32 v61, v17  }
0x304: {  	v62 =	vld.idx.msk [tilespmem:v12+s24+$0x0], $0xffff  }
0x305: {  	v18 =	vadd.f32 v18, v21;
	v17 =	vmul.f32 $1.442695020e+00, v17  }
0x306: {  	v63 =	vld.idx.msk [tilespmem:v13+s24+$0x0], $0xffff  }
0x307: {  	v18 =	vadd.f32 v19, v18;
	(erf) = vpow2.f32 v17  }
0x308: {  	v17 =	vld.idx.msk [tilespmem:v14+s24+$0x0], $0xffff  }
0x309: {  	v18 =	vadd.f32 v62, v18  }
0x30a: {  	v19 =	vld.idx.msk [tilespmem:v15+s24+$0x0], $0xffff  }
0x30b: {  	v18 =	vadd.f32 v63, v18;
	_ =	sdelay $0x1  }
0x30c: {  	s30 =	sadd.s32 $0x1, s30;
	v17 =	vadd.f32 v17, v18  }
0x30d: {  	p0 =	sne.s32 s30, $0x4  }
.Ltmp2:
0x30e: {  	v17 =	vadd.f32 v19, v17;
	(pc) =	sbr.rel @p0 .LBB2_2-.Ltmp2, $4  }
0x30f: {  	v18 =	vpop (erf)  }
0x310: {  	s0 =	sshll.u32 s31, $0x7;
	v17 =	vadd.f32 v18, v17  }
0x311: {  	s0 =	sand.u32 $0x3FFFFF80, s0  }
0x312: {  	[tilespmem:s0+$0x12480] =	vst v17  }
0x313: {  	[tilespmem:$0x12880] =	vst v16  }
0x314: {  	[hbm4b:s5+s3] =	stream.linear.scatter [tilespmem:s26], [sflag:$0x3], $0x400, $0x38;
	[tilespmem:$0x12900] =	vst v63  }
0x315: {  	s29 =	sadd.s32 $0x1, s29;
	_ =	swait.ge [sflag:s8], $0x400  }
0x316: {  	p0 =	sne.s32 s29, s7;
	[sflag:s8] =	ssyncset.done $0x0  }
.Ltmp3:
0x317: {  	[sflag:s8] =	ssyncadd.s32 $0xFFFFFC00;
	(pc) =	sbr.rel @p0 .LBB2_1-.Ltmp3, $4  }
0x318: {  	[hbm4b:s6+s3] =	stream.linear.scatter [tilespmem:s28], [sflag:$0x3], $0x80, $0x38;
	[tilespmem:$0x12900] =	vst v63  }
0x319: {  	_ =	swait.ge [sflag:s8], $0x80  }
0x31a: {  	[sflag:s8] =	ssyncset.done $0x0  }
0x31b: {  	[sflag:s8] =	ssyncadd.s32 $0xFFFFFF80  }
0x31c: {  	_ =	sfence.sel $0x180000  }
0x31d: {  	[bflag:$0x0] =	sbarrier.arrive $0xFFFF  }
0x31e: {  	_ =	strace $0x90000047  }
0x31f: {  	s0 =	stileid.u32;
	[bflag:$0x2] =	sbarrier.arrive $0xFFFF  }
0x320: {  	p0 =	sne.s32 s0, $0x0;
	s0 =	rddreg [dreg:$0x3]  }
0x321: {  	s0 =	sadd.s32 @!p0 $0x100000, s0  }
0x322: {  	[sflag:s0] =	ssyncadd.tile.s32 @!p0 $0x1;
	_ =	shalt  }
.Lfunc_end2:
_tile_overlayer_lowered:
.L_overlay_start_2:
0x323: {  	(tag) =	ssettag $0x2  }
0x324: {  	s0 =	rddreg [dreg:$0x0];
	s2 =	stileid.u32  }
0x325: {  	s1 =	rddreg [dreg:$0x1];
	p0 =	sne.s32 s2, $0x0  }
0x326: {  	s3 =	rddreg [dreg:$0x2];
	[bflag:$0x3] =	sbarrier.arrive $0xFFFF;
	s2 =	simm.s32 @!p0 $0x1C03  }
0x327: {  	[timem:s3], [sflag:s2] =	dma.local @!p0 [hbm:s0], s1  }
0x328: {  	s0 =	simm.s32 @!p0 $0x3  }
0x329: {  	_ =	swait.ge @!p0 [sflag:s0], s1  }
0x32a: {  	s1 =	ssub.s32 @!p0 $0x0, s1;
	[sflag:s0] =	ssyncset.done @!p0 $0x0  }
0x32b: {  	[sflag:s0] =	ssyncadd.s32 @!p0 s1  }
0x32c: {  	[bflag:$0x3] =	sbarrier.arrive $0xFFFF  }
0x32d: {  	_ =	shalt  }

</sc_bundles>
